<compile_context>
chip_gen: v7x
topology: tpu7x:2x2x1
jax: 0.10.2.dev20260603
libtpu: 0.0.44.dev20260713+nightly
codegen_flags: <defaults>
</compile_context>

<pallas_src>
import functools
import math

import jax
import jax.numpy as jnp
from jax import lax
from jax.experimental import pallas as pl
from jax.experimental.pallas import tpu as pltpu
from jax.experimental.pallas import tpu_sc as plsc


def _rup(v, m):
    return (v + m - 1) // m * m


def _pick_bm(m):
    for c in (1024, 512, 256, 128):
        if m % c == 0:
            return c
    return m


def _mm_kernel(a_ref, b_ref, o_ref, acc_ref, *, nk, trans_b, diag_k, bm, bn):
    @pl.when(pl.program_id(2) == 0)
    def _():
        acc_ref[...] = jnp.zeros_like(acc_ref)

    a = a_ref[...]
    b = b_ref[...]
    if a.dtype != b.dtype:
        a = a.astype(jnp.float32)
        b = b.astype(jnp.float32)
    dims = (((1,), (1,)), ((), ())) if trans_b else (((1,), (0,)), ((), ()))
    acc_ref[...] += lax.dot_general(a, b, dims,
                                    preferred_element_type=jnp.float32)

    @pl.when(pl.program_id(2) == nk - 1)
    def _():
        acc = acc_ref[...]
        if diag_k is not None:
            r = lax.broadcasted_iota(jnp.int32, (bm, bn), 0) + pl.program_id(0) * bm
            c = lax.broadcasted_iota(jnp.int32, (bm, bn), 1) + pl.program_id(1) * bn
            acc = jnp.where((r == c) & (r < diag_k), 1.0, acc)
        o_ref[...] = acc.astype(o_ref.dtype)


def _matmul(a, b, *, trans_b=False, out_dtype=jnp.float32, diag_k=None,
            bm=None, bn=None, bk=None):
    m, k = a.shape
    n = b.shape[0] if trans_b else b.shape[1]
    bm = bm or _pick_bm(m)
    bn = bn or min(_pick_bm(n), 512)
    bk = bk or min(2560, k)
    grid = (m // bm, n // bn, k // bk)
    if trans_b:
        b_spec = pl.BlockSpec((bn, bk), lambda i, j, kk: (j, kk))
    else:
        b_spec = pl.BlockSpec((bk, bn), lambda i, j, kk: (kk, j))
    return pl.pallas_call(
        functools.partial(_mm_kernel, nk=grid[2], trans_b=trans_b,
                          diag_k=diag_k, bm=bm, bn=bn),
        grid=grid,
        in_specs=[pl.BlockSpec((bm, bk), lambda i, j, kk: (i, kk)), b_spec],
        out_specs=pl.BlockSpec((bm, bn), lambda i, j, kk: (i, j)),
        out_shape=jax.ShapeDtypeStruct((m, n), out_dtype),
        scratch_shapes=[pltpu.VMEM((bm, bn), jnp.float32)],
    )(a, b)


def _make_edge_gcn(np0, d, e_pad):
    info = plsc.get_sparse_core_info()
    nc, ns = info.num_cores, info.num_subcores
    nw = nc * ns
    K = 128
    assert e_pad % (nw * K) == 0
    epw = e_pad // nw
    iters = epw // K
    rps = np0 // ns

    mesh = plsc.VectorSubcoreMesh(core_axis_name="c", subcore_axis_name="s")

    @functools.partial(
        pl.kernel,
        out_type=jax.ShapeDtypeStruct((nc, np0, d), jnp.float32),
        mesh=mesh,
        scratch_types=[
            pltpu.VMEM((K,), jnp.int32),
            pltpu.VMEM((K,), jnp.int32),
            pltpu.VMEM((K,), jnp.int32),
            pltpu.VMEM((K,), jnp.int32),
            pltpu.VMEM((K, d), jnp.float32),
            pltpu.VMEM((K, d), jnp.float32),
            pltpu.VMEM_SHARED((np0, d), jnp.float32),
            pltpu.SemaphoreType.DMA,
            pltpu.SemaphoreType.DMA,
        ],
    )
    def edge_gcn(y_hbm, src_hbm, dst_hbm, zero_hbm, out_hbm,
                 srcv0, dstv0, srcv1, dstv1, rows0, rows1, zsh, sem0, sem1):
        c = lax.axis_index("c")
        s = lax.axis_index("s")
        w = s * nc + c
        pltpu.sync_copy(zero_hbm.at[pl.ds(s * rps, rps)],
                        zsh.at[pl.ds(s * rps, rps)])
        plsc.subcore_barrier()

        base = w * epw
        pltpu.sync_copy(src_hbm.at[pl.ds(base, K)], srcv0)
        pltpu.sync_copy(dst_hbm.at[pl.ds(base, K)], dstv0)
        pltpu.async_copy(y_hbm.at[srcv0], rows0, sem0)

        def body(t, carry):
            o1 = base + (2 * t + 1) * K
            o2 = jnp.minimum(base + (2 * t + 2) * K, e_pad - K)
            pltpu.sync_copy(src_hbm.at[pl.ds(o1, K)], srcv1)
            pltpu.sync_copy(dst_hbm.at[pl.ds(o1, K)], dstv1)
            pltpu.async_copy(y_hbm.at[srcv1], rows1, sem1)
            pltpu.make_async_copy(y_hbm.at[srcv0], rows0, sem0).wait()
            pltpu.sync_copy(rows0, zsh.at[dstv0], add=True)
            pltpu.sync_copy(src_hbm.at[pl.ds(o2, K)], srcv0)
            pltpu.sync_copy(dst_hbm.at[pl.ds(o2, K)], dstv0)
            pltpu.async_copy(y_hbm.at[srcv0], rows0, sem0)
            pltpu.make_async_copy(y_hbm.at[srcv1], rows1, sem1).wait()
            pltpu.sync_copy(rows1, zsh.at[dstv1], add=True)
            return carry

        lax.fori_loop(0, iters // 2, body, 0)
        pltpu.make_async_copy(y_hbm.at[srcv0], rows0, sem0).wait()
        plsc.subcore_barrier()
        pltpu.sync_copy(zsh.at[pl.ds(s * rps, rps)],
                        out_hbm.at[c, pl.ds(s * rps, rps)])

    return edge_gcn


def _ln(x, g, b):
    m = x.mean(-1, keepdims=True)
    v = ((x - m) ** 2).mean(-1, keepdims=True)
    return (x - m) / jnp.sqrt(v + 1e-5) * g + b


def kernel(x, edge_index, timestep, params):
    f32 = jnp.float32
    bf16 = jnp.bfloat16
    i32 = jnp.int32
    n, _ = x.shape
    d = params['conv_in_W'].shape[1]
    np0 = _rup(n, 2560)
    tdim = params['time_mlp_W'].shape[0]

    half = tdim // 2
    emb = jnp.exp(jnp.arange(half, dtype=f32) * -(math.log(10000.0) / (half - 1)))
    te = timestep[:, None] * emb[None, :]
    te = jnp.concatenate([jnp.sin(te), jnp.cos(te)], axis=-1)
    t = jax.nn.relu(te @ params['time_mlp_W'] + params['time_mlp_b'])

    src = edge_index[0].astype(i32)
    dst = edge_index[1].astype(i32)
    e = src.shape[0]

    ones_e = jnp.ones((e,), f32)
    indeg = jnp.zeros((np0,), f32).at[dst].add(ones_e)
    selfcnt = jnp.zeros((np0,), f32).at[dst].add(
        jnp.where(src == dst, 1.0, 0.0))
    rows0 = jnp.arange(np0)
    deg0 = indeg + jnp.where(selfcnt == 0, 2.0, 0.0)
    dis0 = jnp.where(rows0 < n, lax.rsqrt(deg0), 0.0)
    selfcorr = jnp.where((rows0 < n) & (selfcnt == 0), 2.0, 0.0)

    e_pad = _rup(e, 32 * 128)
    padi = jnp.full((e_pad - e,), np0 - 1, i32)
    srcp = jnp.concatenate([src, padi])
    dstp = jnp.concatenate([dst, padi])
    zero_feat = jnp.zeros((np0, d), f32)
    edge_gcn = _make_edge_gcn(np0, d, e_pad)

    def gcn0(y, W, b):
        yw = _matmul(y, W)
        yp = dis0[:, None] * yw
        zz = edge_gcn(yp, srcp, dstp, zero_feat)
        z = zz[0] + zz[1] + selfcorr[:, None] * yp
        return dis0[:, None] * z + b

    def gcn_mid(MTd, dis, y, W, b):
        yw = _matmul(y, W)
        yp = dis[:, None] * yw
        z = _matmul(MTd, yp) + yp
        return dis[:, None] * z + b

    def blockfn(gcn, h, p):
        h = _ln(jax.nn.relu(gcn(h, p['c1_W'], p['c1_b'])), p['n1_g'], p['n1_b'])
        h = h + jax.nn.relu(t @ p['t_W'] + p['t_b'])
        h = _ln(jax.nn.relu(gcn(h, p['c2_W'], p['c2_b'])), p['n2_g'], p['n2_b'])
        return h

    def topk_pool(x_cur, w_pool, n_real, kp):
        k_real = int(math.ceil(0.5 * n_real))
        npc = x_cur.shape[0]
        s = jnp.tanh((x_cur @ w_pool) / jnp.linalg.norm(w_pool))
        s = jnp.where(jnp.arange(npc) < n_real, s, -jnp.inf)
        thr = jnp.sort(s)[npc - k_real]
        gt = s > thr
        need = k_real - jnp.sum(gt, dtype=i32)
        eq = s == thr
        sel = gt | (eq & (jnp.cumsum(eq.astype(i32)) <= need))
        pos = jnp.cumsum(sel.astype(i32)) - 1
        permp = jnp.zeros((kp,), i32).at[
            jnp.where(sel, pos, kp)].set(jnp.arange(npc, dtype=i32),
                                         mode='drop')
        perm = permp[:k_real]
        valsp = jnp.where(jnp.arange(kp) < k_real, s[permp], 0.0)
        xq = x_cur[permp] * valsp[:, None]
        return xq, perm, permp, k_real

    xp = jnp.pad(x, ((0, np0 - n), (0, 0)))
    x0 = gcn0(xp, params['conv_in_W'], params['conv_in_b'])

    p_d0 = params['down'][0]
    kp1 = _rup(_rup(n, 2) // 2, 2560)
    xq1, perm0, perm0p, kr1 = topk_pool(x0, p_d0['pool_w'], n, kp1)
    big = 2 * kp1
    rank = jnp.full((np0,), big, i32).at[perm0].set(
        jnp.arange(kr1, dtype=i32))
    rank_wide = jnp.broadcast_to(rank[:, None], (np0, 8))
    rd = jnp.take(rank_wide, dstp, axis=0)[:, 0]
    rs = jnp.take(rank_wide, srcp, axis=0)[:, 0]
    not_self = srcp != dstp
    rr = jnp.arange(kp1, dtype=i32)
    okr = rr < kr1
    row_idx = jnp.concatenate([
        jnp.where(not_self, rd, big),
        kp1 + jnp.where(not_self, rs, big),
        jnp.where(okr, rr, big),
        jnp.where(okr, kp1 + rr, big)])
    col_idx = jnp.concatenate([srcp, dstp, perm0p, perm0p])
    RC = jnp.zeros((2 * kp1, np0), f32).at[row_idx, col_idx].add(
        jnp.ones(row_idx.shape, f32), mode='drop').astype(bf16)
    bb = 1024 if kp1 % 1024 == 0 else None
    MT1d = _matmul(RC[:kp1], RC[kp1:], trans_b=True, out_dtype=bf16,
                   diag_k=kr1, bm=bb, bn=bb)
    deg1 = jnp.sum(MT1d, axis=1, dtype=f32) + 1.0
    dis1 = jnp.where(jnp.arange(kp1) < kr1, lax.rsqrt(deg1), 0.0)
    gcn1 = functools.partial(gcn_mid, MT1d, dis1)
    x1 = blockfn(gcn1, xq1, p_d0)

    p_d1 = params['down'][1]
    kp2 = _rup(_rup(kr1, 2) // 2, 2560)
    xq2, perm1, perm1p, kr2 = topk_pool(x1, p_d1['pool_w'], kr1, kp2)
    perm1g = jnp.where(jnp.arange(kp2) < kr2, perm1p, kr1)
    P = jnp.zeros((kp2, kp1), bf16).at[jnp.arange(kp2), perm1g].set(1.0)
    R2 = _matmul(P, MT1d, out_dtype=bf16)
    CT2 = _matmul(P, MT1d, trans_b=True, out_dtype=bf16)
    MT2d = _matmul(R2, CT2, trans_b=True, out_dtype=bf16, diag_k=kr2)
    deg2 = jnp.sum(MT2d, axis=1, dtype=f32) + 1.0
    dis2 = jnp.where(jnp.arange(kp2) < kr2, lax.rsqrt(deg2), 0.0)
    gcn2 = functools.partial(gcn_mid, MT2d, dis2)
    x2 = blockfn(gcn2, xq2, p_d1)

    up = jnp.zeros((kp1, d), f32).at[perm1].set(x2[:kr2])
    h = blockfn(gcn1, x1 + up, params['up'][0])

    up = jnp.zeros((np0, d), f32).at[perm0].set(h[:kr1])
    h = blockfn(gcn0, x0 + up, params['up'][1])

    out = gcn0(h, params['conv_out_W'], params['conv_out_b'])
    return out[:n]

# --- scband reference (transcript-rebuilt; emitter-appended) ---
"""Pipeline reference for scband-graph-unet-472446403330 (READ-ONLY COPY).

The authoritative reference and input builder live on the scoring server;
editing this copy changes nothing except your own understanding.
"""

import math
import jax
import jax.numpy as jnp
import numpy as np

N = 10000
E = 160000
D_IN = 128
HID = 128
D_OUT = 128
DEPTH = 2
TDIM = 32


def _glorot(key, shape):
    lim = math.sqrt(6.0 / (shape[0] + shape[1]))
    return jax.random.uniform(key, shape, minval=-lim, maxval=lim, dtype=jnp.float32)


def setup_inputs():
    ks = jax.random.split(jax.random.key(0), 64)
    ctr = [0]
    def nk():
        k = ks[ctr[0]]
        ctr[0] += 1
        return k
    def block(with_pool):
        p = {
            'c1_W': _glorot(nk(), (HID, HID)), 'c1_b': jnp.zeros((HID,), jnp.float32),
            'n1_g': jnp.ones((HID,), jnp.float32), 'n1_b': jnp.zeros((HID,), jnp.float32),
            'c2_W': _glorot(nk(), (HID, HID)), 'c2_b': jnp.zeros((HID,), jnp.float32),
            'n2_g': jnp.ones((HID,), jnp.float32), 'n2_b': jnp.zeros((HID,), jnp.float32),
            't_W': _glorot(nk(), (TDIM, HID)), 't_b': jnp.zeros((HID,), jnp.float32),
        }
        if with_pool:
            p['pool_w'] = jax.random.normal(nk(), (HID,), jnp.float32) * 0.1
        return p
    params = {
        'conv_in_W': _glorot(nk(), (D_IN, HID)), 'conv_in_b': jnp.zeros((HID,), jnp.float32),
        'time_mlp_W': _glorot(nk(), (TDIM, TDIM)), 'time_mlp_b': jnp.zeros((TDIM,), jnp.float32),
        'conv_out_W': _glorot(nk(), (HID, D_OUT)), 'conv_out_b': jnp.zeros((D_OUT,), jnp.float32),
        'down': [block(True) for _ in range(DEPTH)],
        'up': [block(False) for _ in range(DEPTH)],
    }
    x = jax.random.normal(nk(), (N, D_IN), jnp.float32)
    edge_index = jax.random.randint(nk(), (2, E), 0, N)
    timestep = jax.random.uniform(nk(), (1,), jnp.float32) * 1000.0
    return {'x': x, 'edge_index': edge_index, 'timestep': timestep, 'params': params}


def _ln(x, g, b):
    m = x.mean(-1, keepdims=True)
    v = ((x - m) ** 2).mean(-1, keepdims=True)
    return (x - m) / jnp.sqrt(v + 1e-5) * g + b


def _gcn(x, M, W, b):
    # GCNConv(improved=True): self-loop weight 2.0, symmetric normalization
    n = M.shape[0]
    ii = jnp.arange(n)
    d = jnp.diagonal(M)
    A = M.at[ii, ii].set(jnp.where(d == 0, 2.0, d))
    deg = A.sum(axis=0)
    dis = jnp.where(deg > 0, 1.0 / jnp.sqrt(deg), 0.0)
    Ahat = dis[:, None] * A * dis[None, :]
    return Ahat.T @ (x @ W) + b


def _augment(M):
    # remove_self_loops + add_self_loops(w=1) + adj@adj + remove_self_loops, dense
    n = M.shape[0]
    ii = jnp.arange(n)
    M = M.at[ii, ii].set(1.0)
    M2 = M @ M
    return M2.at[ii, ii].set(0.0)


def _pool(x, M, w):
    # TopKPooling: score = tanh((x@w)/||w||), keep top ceil(0.5*N)
    s = jnp.tanh((x @ w) / jnp.linalg.norm(w))
    k = int(math.ceil(0.5 * x.shape[0]))
    vals, perm = jax.lax.top_k(s, k)
    return x[perm] * vals[:, None], M[perm][:, perm], perm


def _down(x, M, t, p):
    M = _augment(M)
    x, M, perm = _pool(x, M, p['pool_w'])
    x = _ln(jax.nn.relu(_gcn(x, M, p['c1_W'], p['c1_b'])), p['n1_g'], p['n1_b'])
    x = x + jax.nn.relu(t @ p['t_W'] + p['t_b'])
    x = _ln(jax.nn.relu(_gcn(x, M, p['c2_W'], p['c2_b'])), p['n2_g'], p['n2_b'])
    return x, M, perm


def _upblk(x, M, t, p):
    x = _ln(jax.nn.relu(_gcn(x, M, p['c1_W'], p['c1_b'])), p['n1_g'], p['n1_b'])
    x = x + jax.nn.relu(t @ p['t_W'] + p['t_b'])
    x = _ln(jax.nn.relu(_gcn(x, M, p['c2_W'], p['c2_b'])), p['n2_g'], p['n2_b'])
    return x


def _forward(x, edge_index, timestep, params):
    half = TDIM // 2
    emb = jnp.exp(jnp.arange(half, dtype=jnp.float32) * -(math.log(10000.0) / (half - 1)))
    te = timestep[:, None] * emb[None, :]
    te = jnp.concatenate([jnp.sin(te), jnp.cos(te)], axis=-1)
    t = jax.nn.relu(te @ params['time_mlp_W'] + params['time_mlp_b'])
    M = jnp.zeros((N, N), jnp.float32).at[edge_index[0], edge_index[1]].add(1.0)
    x = _gcn(x, M, params['conv_in_W'], params['conv_in_b'])
    xs = [x]
    Ms = [M]
    perms = []
    for i in range(DEPTH):
        x, M, perm = _down(x, M, t, params['down'][i])
        if i + 1 < DEPTH:
            xs.append(x)
            Ms.append(M)
        perms.append(perm)
    for i in range(DEPTH):
        j = DEPTH - 1 - i
        res = xs[j]
        M = Ms[j]
        perm = perms[j]
        up = jnp.zeros_like(res).at[perm].set(x)
        x = res + up
        x = _upblk(x, M, t, params['up'][i])
    return _gcn(x, M, params['conv_out_W'], params['conv_out_b'])


def reference(x, edge_index, timestep, params):
    return _forward(x, edge_index, timestep, params)

if __name__ == "__main__":
    import jax
    _d = setup_inputs()
    print(jax.jit(kernel)(*tuple(_d.values())))

</pallas_src>

<mosaic_0001>
#map = affine_map<(d0, d1) -> (0, 0)>
#map1 = affine_map<(d0, d1) -> (0)>
#map2 = affine_map<(d0, d1) -> (0, 0, 0)>
module attributes {stable_mosaic.version = 14 : i64} {
  func.func @edge_gcn(%arg0: i32, %arg1: i32, %arg2: memref<10240x128xf32, #tpu.memory_space<hbm>>, %arg3: memref<163840xi32, #tpu.memory_space<hbm>>, %arg4: memref<163840xi32, #tpu.memory_space<hbm>>, %arg5: memref<10240x128xf32, #tpu.memory_space<hbm>>, %arg6: memref<2x10240x128xf32, #tpu.memory_space<hbm>>, %arg7: memref<128xi32, #tpu.memory_space<vmem>>, %arg8: memref<128xi32, #tpu.memory_space<vmem>>, %arg9: memref<128xi32, #tpu.memory_space<vmem>>, %arg10: memref<128xi32, #tpu.memory_space<vmem>>, %arg11: memref<128x128xf32, #tpu.memory_space<vmem>>, %arg12: memref<128x128xf32, #tpu.memory_space<vmem>>, %arg13: memref<10240x128xf32, #tpu.memory_space<vmem_shared>>, %arg14: memref<!tpu.dma_semaphore, #tpu.memory_space<semaphore_mem>>, %arg15: memref<!tpu.dma_semaphore, #tpu.memory_space<semaphore_mem>>) attributes {dimension_semantics = [#tpu.dimension_semantics<core_parallel>, #tpu.dimension_semantics<subcore_parallel>], iteration_bounds = array<i64: 2, 16>, scalar_prefetch = 0 : i64, scratch_operands = 9 : i64, tpu.core_type = #tpu.core_type<sc_vector_subcore>, window_params = [{transform_indices = #map}, {transform_indices = #map1}, {transform_indices = #map1}, {transform_indices = #map}, {transform_indices = #map2}]} {
    %mul3A = arith.constant 2 : i32
    %mul3A_0 = arith.muli %arg1, %mul3A : i32
    %add3A = arith.addi %mul3A_0, %arg0 : i32
    %mul3A_1 = arith.constant 640 : i32
    %mul3A_2 = arith.muli %arg1, %mul3A_1 : i32
    %mul3A_3 = arith.constant 640 : i32
    %mul3A_4 = arith.muli %arg1, %mul3A_3 : i32
    "tpu.region"() ({
      %run_scoped3A = tpu.sem_alloc : memref<!tpu.dma_semaphore, #tpu.memory_space<semaphore_mem>>
      %dma_start3A_21 = arith.constant 0 : i32
      %dma_start3A_22 = tpu.memref_slice %arg13[%mul3A_4, %dma_start3A_21] : memref<10240x128xf32, #tpu.memory_space<vmem_shared>> -> memref<640x128xf32, #tpu.memory_space<vmem_shared>>
      %dma_start3A_23 = arith.constant 0 : i32
      %dma_start3A_24 = tpu.memref_slice %arg5[%mul3A_2, %dma_start3A_23] : memref<10240x128xf32, #tpu.memory_space<hbm>> -> memref<640x128xf32, #tpu.memory_space<hbm>>
      tpu.enqueue_dma source(%dma_start3A_24 : memref<640x128xf32, #tpu.memory_space<hbm>>) target(%dma_start3A_22 : memref<640x128xf32, #tpu.memory_space<vmem_shared>>) target_semaphore(%run_scoped3A : memref<!tpu.dma_semaphore, #tpu.memory_space<semaphore_mem>>)
      %dma_wait3A_25 = arith.constant 0 : i32
      %dma_wait3A_26 = tpu.memref_slice %arg13[%mul3A_4, %dma_wait3A_25] : memref<10240x128xf32, #tpu.memory_space<vmem_shared>> -> memref<640x128xf32, #tpu.memory_space<vmem_shared>>
      %dma_wait3A_27 = arith.constant 0 : i32
      %dma_wait3A_28 = tpu.memref_slice %arg5[%mul3A_2, %dma_wait3A_27] : memref<10240x128xf32, #tpu.memory_space<hbm>> -> memref<640x128xf32, #tpu.memory_space<hbm>>
      tpu.wait_dma2 semaphore(%run_scoped3A : memref<!tpu.dma_semaphore, #tpu.memory_space<semaphore_mem>>) src(%dma_wait3A_28 : memref<640x128xf32, #tpu.memory_space<hbm>>) dst(%dma_wait3A_26 : memref<640x128xf32, #tpu.memory_space<vmem_shared>>)
      tpu.yield
    }) : () -> ()
    %barrier3A = arith.constant 0 : index
    tpu.barrier barrier_id(%barrier3A)
    %mul3A_5 = arith.constant 5120 : i32
    %mul3A_6 = arith.muli %add3A, %mul3A_5 : i32
    "tpu.region"() ({
      %run_scoped3A = tpu.sem_alloc : memref<!tpu.dma_semaphore, #tpu.memory_space<semaphore_mem>>
      %dma_start3A_21 = tpu.memref_slice %arg3[%mul3A_6] : memref<163840xi32, #tpu.memory_space<hbm>> -> memref<128xi32, #tpu.memory_space<hbm>>
      %dma_start3A_22 = tpu.memref_slice %arg3[%mul3A_6] : memref<163840xi32, #tpu.memory_space<hbm>> -> memref<128xi32, #tpu.memory_space<hbm>>
      tpu.enqueue_dma source(%dma_start3A_22 : memref<128xi32, #tpu.memory_space<hbm>>) target(%arg7 : memref<128xi32, #tpu.memory_space<vmem>>) target_semaphore(%run_scoped3A : memref<!tpu.dma_semaphore, #tpu.memory_space<semaphore_mem>>)
      %dma_wait3A_23 = tpu.memref_slice %arg3[%mul3A_6] : memref<163840xi32, #tpu.memory_space<hbm>> -> memref<128xi32, #tpu.memory_space<hbm>>
      %dma_wait3A_24 = tpu.memref_slice %arg3[%mul3A_6] : memref<163840xi32, #tpu.memory_space<hbm>> -> memref<128xi32, #tpu.memory_space<hbm>>
      tpu.wait_dma2 semaphore(%run_scoped3A : memref<!tpu.dma_semaphore, #tpu.memory_space<semaphore_mem>>) src(%dma_wait3A_24 : memref<128xi32, #tpu.memory_space<hbm>>) dst(%arg7 : memref<128xi32, #tpu.memory_space<vmem>>)
      tpu.yield
    }) : () -> ()
    "tpu.region"() ({
      %run_scoped3A = tpu.sem_alloc : memref<!tpu.dma_semaphore, #tpu.memory_space<semaphore_mem>>
      %dma_start3A_21 = tpu.memref_slice %arg4[%mul3A_6] : memref<163840xi32, #tpu.memory_space<hbm>> -> memref<128xi32, #tpu.memory_space<hbm>>
      %dma_start3A_22 = tpu.memref_slice %arg4[%mul3A_6] : memref<163840xi32, #tpu.memory_space<hbm>> -> memref<128xi32, #tpu.memory_space<hbm>>
      tpu.enqueue_dma source(%dma_start3A_22 : memref<128xi32, #tpu.memory_space<hbm>>) target(%arg8 : memref<128xi32, #tpu.memory_space<vmem>>) target_semaphore(%run_scoped3A : memref<!tpu.dma_semaphore, #tpu.memory_space<semaphore_mem>>)
      %dma_wait3A_23 = tpu.memref_slice %arg4[%mul3A_6] : memref<163840xi32, #tpu.memory_space<hbm>> -> memref<128xi32, #tpu.memory_space<hbm>>
      %dma_wait3A_24 = tpu.memref_slice %arg4[%mul3A_6] : memref<163840xi32, #tpu.memory_space<hbm>> -> memref<128xi32, #tpu.memory_space<hbm>>
      tpu.wait_dma2 semaphore(%run_scoped3A : memref<!tpu.dma_semaphore, #tpu.memory_space<semaphore_mem>>) src(%dma_wait3A_24 : memref<128xi32, #tpu.memory_space<hbm>>) dst(%arg8 : memref<128xi32, #tpu.memory_space<vmem>>)
      tpu.yield
    }) : () -> ()
    %dma_start3A = arith.constant 0 : i32
    %dma_start3A_7 = arith.constant 0 : i32
    %dma_start3A_8 = tpu.memref_slice %arg2[%dma_start3A, %dma_start3A_7] : memref<10240x128xf32, #tpu.memory_space<hbm>> -> memref<10240x128xf32, #tpu.memory_space<hbm>>
    tpu.enqueue_indirect_dma source(%dma_start3A_8 : memref<10240x128xf32, #tpu.memory_space<hbm>>) target(%arg11 : memref<128x128xf32, #tpu.memory_space<vmem>>) offsets(%arg7 : memref<128xi32, #tpu.memory_space<vmem>>) semaphore(%arg14 : memref<!tpu.dma_semaphore, #tpu.memory_space<semaphore_mem>>)
    %scan3A = arith.constant 0 : i32
    %scan3A_9 = arith.constant 0 : i32
    %scan3A_10 = arith.constant 20 : i32
    %scan3A_11 = arith.addi %scan3A_9, %scan3A_10 : i32
    %scan3A_12 = arith.constant 1 : i32
    scf.for %scan3A_21 = %scan3A_9 to %scan3A_11 step %scan3A_12  : i32 {
      %mul3A_22 = arith.constant 2 : i32
      %mul3A_23 = arith.muli %mul3A_22, %scan3A_21 : i32
      %add3A_24 = arith.constant 1 : i32
      %add3A_25 = arith.addi %mul3A_23, %add3A_24 : i32
      %mul3A_26 = arith.constant 128 : i32
      %mul3A_27 = arith.muli %add3A_25, %mul3A_26 : i32
      %add3A_28 = arith.addi %mul3A_6, %mul3A_27 : i32
      %mul3A_29 = arith.constant 2 : i32
      %mul3A_30 = arith.muli %mul3A_29, %scan3A_21 : i32
      %add3A_31 = arith.constant 2 : i32
      %add3A_32 = arith.addi %mul3A_30, %add3A_31 : i32
      %mul3A_33 = arith.constant 128 : i32
      %mul3A_34 = arith.muli %add3A_32, %mul3A_33 : i32
      %add3A_35 = arith.addi %mul3A_6, %mul3A_34 : i32
      %min3A = arith.constant 163712 : i32
      %min3A_36 = arith.minsi %add3A_35, %min3A : i32
      "tpu.region"() ({
        %run_scoped3A = tpu.sem_alloc : memref<!tpu.dma_semaphore, #tpu.memory_space<semaphore_mem>>
        %dma_start3A_49 = tpu.memref_slice %arg3[%add3A_28] : memref<163840xi32, #tpu.memory_space<hbm>> -> memref<128xi32, #tpu.memory_space<hbm>>
        %dma_start3A_50 = tpu.memref_slice %arg3[%add3A_28] : memref<163840xi32, #tpu.memory_space<hbm>> -> memref<128xi32, #tpu.memory_space<hbm>>
        tpu.enqueue_dma source(%dma_start3A_50 : memref<128xi32, #tpu.memory_space<hbm>>) target(%arg9 : memref<128xi32, #tpu.memory_space<vmem>>) target_semaphore(%run_scoped3A : memref<!tpu.dma_semaphore, #tpu.memory_space<semaphore_mem>>)
        %dma_wait3A_51 = tpu.memref_slice %arg3[%add3A_28] : memref<163840xi32, #tpu.memory_space<hbm>> -> memref<128xi32, #tpu.memory_space<hbm>>
        %dma_wait3A_52 = tpu.memref_slice %arg3[%add3A_28] : memref<163840xi32, #tpu.memory_space<hbm>> -> memref<128xi32, #tpu.memory_space<hbm>>
        tpu.wait_dma2 semaphore(%run_scoped3A : memref<!tpu.dma_semaphore, #tpu.memory_space<semaphore_mem>>) src(%dma_wait3A_52 : memref<128xi32, #tpu.memory_space<hbm>>) dst(%arg9 : memref<128xi32, #tpu.memory_space<vmem>>)
        tpu.yield
      }) : () -> ()
      "tpu.region"() ({
        %run_scoped3A = tpu.sem_alloc : memref<!tpu.dma_semaphore, #tpu.memory_space<semaphore_mem>>
        %dma_start3A_49 = tpu.memref_slice %arg4[%add3A_28] : memref<163840xi32, #tpu.memory_space<hbm>> -> memref<128xi32, #tpu.memory_space<hbm>>
        %dma_start3A_50 = tpu.memref_slice %arg4[%add3A_28] : memref<163840xi32, #tpu.memory_space<hbm>> -> memref<128xi32, #tpu.memory_space<hbm>>
        tpu.enqueue_dma source(%dma_start3A_50 : memref<128xi32, #tpu.memory_space<hbm>>) target(%arg10 : memref<128xi32, #tpu.memory_space<vmem>>) target_semaphore(%run_scoped3A : memref<!tpu.dma_semaphore, #tpu.memory_space<semaphore_mem>>)
        %dma_wait3A_51 = tpu.memref_slice %arg4[%add3A_28] : memref<163840xi32, #tpu.memory_space<hbm>> -> memref<128xi32, #tpu.memory_space<hbm>>
        %dma_wait3A_52 = tpu.memref_slice %arg4[%add3A_28] : memref<163840xi32, #tpu.memory_space<hbm>> -> memref<128xi32, #tpu.memory_space<hbm>>
        tpu.wait_dma2 semaphore(%run_scoped3A : memref<!tpu.dma_semaphore, #tpu.memory_space<semaphore_mem>>) src(%dma_wait3A_52 : memref<128xi32, #tpu.memory_space<hbm>>) dst(%arg10 : memref<128xi32, #tpu.memory_space<vmem>>)
        tpu.yield
      }) : () -> ()
      %dma_start3A_37 = arith.constant 0 : i32
      %dma_start3A_38 = arith.constant 0 : i32
      %dma_start3A_39 = tpu.memref_slice %arg2[%dma_start3A_37, %dma_start3A_38] : memref<10240x128xf32, #tpu.memory_space<hbm>> -> memref<10240x128xf32, #tpu.memory_space<hbm>>
      tpu.enqueue_indirect_dma source(%dma_start3A_39 : memref<10240x128xf32, #tpu.memory_space<hbm>>) target(%arg12 : memref<128x128xf32, #tpu.memory_space<vmem>>) offsets(%arg9 : memref<128xi32, #tpu.memory_space<vmem>>) semaphore(%arg15 : memref<!tpu.dma_semaphore, #tpu.memory_space<semaphore_mem>>)
      %dma_wait3A_40 = arith.constant 0 : i32
      %dma_wait3A_41 = arith.constant 0 : i32
      %dma_wait3A_42 = tpu.memref_slice %arg2[%dma_wait3A_40, %dma_wait3A_41] : memref<10240x128xf32, #tpu.memory_space<hbm>> -> memref<10240x128xf32, #tpu.memory_space<hbm>>
      tpu.wait_indirect_dma semaphore(%arg14 : memref<!tpu.dma_semaphore, #tpu.memory_space<semaphore_mem>>) src(%dma_wait3A_42 : memref<10240x128xf32, #tpu.memory_space<hbm>>) dst(%arg11 : memref<128x128xf32, #tpu.memory_space<vmem>>)
      "tpu.region"() ({
        %run_scoped3A = tpu.sem_alloc : memref<!tpu.dma_semaphore, #tpu.memory_space<semaphore_mem>>
        %dma_start3A_49 = arith.constant 0 : i32
        %dma_start3A_50 = arith.constant 0 : i32
        %dma_start3A_51 = tpu.memref_slice %arg13[%dma_start3A_49, %dma_start3A_50] : memref<10240x128xf32, #tpu.memory_space<vmem_shared>> -> memref<10240x128xf32, #tpu.memory_space<vmem_shared>>
        tpu.enqueue_indirect_dma source(%arg11 : memref<128x128xf32, #tpu.memory_space<vmem>>) target(%dma_start3A_51 : memref<10240x128xf32, #tpu.memory_space<vmem_shared>>) offsets(%arg8 : memref<128xi32, #tpu.memory_space<vmem>>) semaphore(%run_scoped3A : memref<!tpu.dma_semaphore, #tpu.memory_space<semaphore_mem>>) {add = true}
        %dma_wait3A_52 = arith.constant 0 : i32
        %dma_wait3A_53 = arith.constant 0 : i32
        %dma_wait3A_54 = tpu.memref_slice %arg13[%dma_wait3A_52, %dma_wait3A_53] : memref<10240x128xf32, #tpu.memory_space<vmem_shared>> -> memref<10240x128xf32, #tpu.memory_space<vmem_shared>>
        tpu.wait_indirect_dma semaphore(%run_scoped3A : memref<!tpu.dma_semaphore, #tpu.memory_space<semaphore_mem>>) src(%arg11 : memref<128x128xf32, #tpu.memory_space<vmem>>) dst(%dma_wait3A_54 : memref<10240x128xf32, #tpu.memory_space<vmem_shared>>)
        tpu.yield
      }) : () -> ()
      "tpu.region"() ({
        %run_scoped3A = tpu.sem_alloc : memref<!tpu.dma_semaphore, #tpu.memory_space<semaphore_mem>>
        %dma_start3A_49 = tpu.memref_slice %arg3[%min3A_36] : memref<163840xi32, #tpu.memory_space<hbm>> -> memref<128xi32, #tpu.memory_space<hbm>>
        %dma_start3A_50 = tpu.memref_slice %arg3[%min3A_36] : memref<163840xi32, #tpu.memory_space<hbm>> -> memref<128xi32, #tpu.memory_space<hbm>>
        tpu.enqueue_dma source(%dma_start3A_50 : memref<128xi32, #tpu.memory_space<hbm>>) target(%arg7 : memref<128xi32, #tpu.memory_space<vmem>>) target_semaphore(%run_scoped3A : memref<!tpu.dma_semaphore, #tpu.memory_space<semaphore_mem>>)
        %dma_wait3A_51 = tpu.memref_slice %arg3[%min3A_36] : memref<163840xi32, #tpu.memory_space<hbm>> -> memref<128xi32, #tpu.memory_space<hbm>>
        %dma_wait3A_52 = tpu.memref_slice %arg3[%min3A_36] : memref<163840xi32, #tpu.memory_space<hbm>> -> memref<128xi32, #tpu.memory_space<hbm>>
        tpu.wait_dma2 semaphore(%run_scoped3A : memref<!tpu.dma_semaphore, #tpu.memory_space<semaphore_mem>>) src(%dma_wait3A_52 : memref<128xi32, #tpu.memory_space<hbm>>) dst(%arg7 : memref<128xi32, #tpu.memory_space<vmem>>)
        tpu.yield
      }) : () -> ()
      "tpu.region"() ({
        %run_scoped3A = tpu.sem_alloc : memref<!tpu.dma_semaphore, #tpu.memory_space<semaphore_mem>>
        %dma_start3A_49 = tpu.memref_slice %arg4[%min3A_36] : memref<163840xi32, #tpu.memory_space<hbm>> -> memref<128xi32, #tpu.memory_space<hbm>>
        %dma_start3A_50 = tpu.memref_slice %arg4[%min3A_36] : memref<163840xi32, #tpu.memory_space<hbm>> -> memref<128xi32, #tpu.memory_space<hbm>>
        tpu.enqueue_dma source(%dma_start3A_50 : memref<128xi32, #tpu.memory_space<hbm>>) target(%arg8 : memref<128xi32, #tpu.memory_space<vmem>>) target_semaphore(%run_scoped3A : memref<!tpu.dma_semaphore, #tpu.memory_space<semaphore_mem>>)
        %dma_wait3A_51 = tpu.memref_slice %arg4[%min3A_36] : memref<163840xi32, #tpu.memory_space<hbm>> -> memref<128xi32, #tpu.memory_space<hbm>>
        %dma_wait3A_52 = tpu.memref_slice %arg4[%min3A_36] : memref<163840xi32, #tpu.memory_space<hbm>> -> memref<128xi32, #tpu.memory_space<hbm>>
        tpu.wait_dma2 semaphore(%run_scoped3A : memref<!tpu.dma_semaphore, #tpu.memory_space<semaphore_mem>>) src(%dma_wait3A_52 : memref<128xi32, #tpu.memory_space<hbm>>) dst(%arg8 : memref<128xi32, #tpu.memory_space<vmem>>)
        tpu.yield
      }) : () -> ()
      %dma_start3A_43 = arith.constant 0 : i32
      %dma_start3A_44 = arith.constant 0 : i32
      %dma_start3A_45 = tpu.memref_slice %arg2[%dma_start3A_43, %dma_start3A_44] : memref<10240x128xf32, #tpu.memory_space<hbm>> -> memref<10240x128xf32, #tpu.memory_space<hbm>>
      tpu.enqueue_indirect_dma source(%dma_start3A_45 : memref<10240x128xf32, #tpu.memory_space<hbm>>) target(%arg11 : memref<128x128xf32, #tpu.memory_space<vmem>>) offsets(%arg7 : memref<128xi32, #tpu.memory_space<vmem>>) semaphore(%arg14 : memref<!tpu.dma_semaphore, #tpu.memory_space<semaphore_mem>>)
      %dma_wait3A_46 = arith.constant 0 : i32
      %dma_wait3A_47 = arith.constant 0 : i32
      %dma_wait3A_48 = tpu.memref_slice %arg2[%dma_wait3A_46, %dma_wait3A_47] : memref<10240x128xf32, #tpu.memory_space<hbm>> -> memref<10240x128xf32, #tpu.memory_space<hbm>>
      tpu.wait_indirect_dma semaphore(%arg15 : memref<!tpu.dma_semaphore, #tpu.memory_space<semaphore_mem>>) src(%dma_wait3A_48 : memref<10240x128xf32, #tpu.memory_space<hbm>>) dst(%arg12 : memref<128x128xf32, #tpu.memory_space<vmem>>)
      "tpu.region"() ({
        %run_scoped3A = tpu.sem_alloc : memref<!tpu.dma_semaphore, #tpu.memory_space<semaphore_mem>>
        %dma_start3A_49 = arith.constant 0 : i32
        %dma_start3A_50 = arith.constant 0 : i32
        %dma_start3A_51 = tpu.memref_slice %arg13[%dma_start3A_49, %dma_start3A_50] : memref<10240x128xf32, #tpu.memory_space<vmem_shared>> -> memref<10240x128xf32, #tpu.memory_space<vmem_shared>>
        tpu.enqueue_indirect_dma source(%arg12 : memref<128x128xf32, #tpu.memory_space<vmem>>) target(%dma_start3A_51 : memref<10240x128xf32, #tpu.memory_space<vmem_shared>>) offsets(%arg10 : memref<128xi32, #tpu.memory_space<vmem>>) semaphore(%run_scoped3A : memref<!tpu.dma_semaphore, #tpu.memory_space<semaphore_mem>>) {add = true}
        %dma_wait3A_52 = arith.constant 0 : i32
        %dma_wait3A_53 = arith.constant 0 : i32
        %dma_wait3A_54 = tpu.memref_slice %arg13[%dma_wait3A_52, %dma_wait3A_53] : memref<10240x128xf32, #tpu.memory_space<vmem_shared>> -> memref<10240x128xf32, #tpu.memory_space<vmem_shared>>
        tpu.wait_indirect_dma semaphore(%run_scoped3A : memref<!tpu.dma_semaphore, #tpu.memory_space<semaphore_mem>>) src(%arg12 : memref<128x128xf32, #tpu.memory_space<vmem>>) dst(%dma_wait3A_54 : memref<10240x128xf32, #tpu.memory_space<vmem_shared>>)
        tpu.yield
      }) : () -> ()
    }
    %scan3A_13 = arith.constant 20 : i32
    %dma_wait3A = arith.constant 0 : i32
    %dma_wait3A_14 = arith.constant 0 : i32
    %dma_wait3A_15 = tpu.memref_slice %arg2[%dma_wait3A, %dma_wait3A_14] : memref<10240x128xf32, #tpu.memory_space<hbm>> -> memref<10240x128xf32, #tpu.memory_space<hbm>>
    tpu.wait_indirect_dma semaphore(%arg14 : memref<!tpu.dma_semaphore, #tpu.memory_space<semaphore_mem>>) src(%dma_wait3A_15 : memref<10240x128xf32, #tpu.memory_space<hbm>>) dst(%arg11 : memref<128x128xf32, #tpu.memory_space<vmem>>)
    %barrier3A_16 = arith.constant 0 : index
    tpu.barrier barrier_id(%barrier3A_16)
    %mul3A_17 = arith.constant 640 : i32
    %mul3A_18 = arith.muli %arg1, %mul3A_17 : i32
    %mul3A_19 = arith.constant 640 : i32
    %mul3A_20 = arith.muli %arg1, %mul3A_19 : i32
    "tpu.region"() ({
      %run_scoped3A = tpu.sem_alloc : memref<!tpu.dma_semaphore, #tpu.memory_space<semaphore_mem>>
      %dma_start3A_21 = arith.constant 0 : i32
      %dma_start3A_22 = tpu.memref_slice %arg6[%arg0, %mul3A_20, %dma_start3A_21] : memref<2x10240x128xf32, #tpu.memory_space<hbm>> -> memref<1x640x128xf32, #tpu.memory_space<hbm>>
      %dma_start3A_23 = tpu.memref_squeeze %dma_start3A_22 : memref<1x640x128xf32, #tpu.memory_space<hbm>> -> memref<640x128xf32, #tpu.memory_space<hbm>>
      %dma_start3A_24 = arith.constant 0 : i32
      %dma_start3A_25 = tpu.memref_slice %arg13[%mul3A_18, %dma_start3A_24] : memref<10240x128xf32, #tpu.memory_space<vmem_shared>> -> memref<640x128xf32, #tpu.memory_space<vmem_shared>>
      tpu.enqueue_dma source(%dma_start3A_25 : memref<640x128xf32, #tpu.memory_space<vmem_shared>>) target(%dma_start3A_23 : memref<640x128xf32, #tpu.memory_space<hbm>>) target_semaphore(%run_scoped3A : memref<!tpu.dma_semaphore, #tpu.memory_space<semaphore_mem>>)
      %dma_wait3A_26 = arith.constant 0 : i32
      %dma_wait3A_27 = tpu.memref_slice %arg6[%arg0, %mul3A_20, %dma_wait3A_26] : memref<2x10240x128xf32, #tpu.memory_space<hbm>> -> memref<1x640x128xf32, #tpu.memory_space<hbm>>
      %dma_wait3A_28 = tpu.memref_squeeze %dma_wait3A_27 : memref<1x640x128xf32, #tpu.memory_space<hbm>> -> memref<640x128xf32, #tpu.memory_space<hbm>>
      %dma_wait3A_29 = arith.constant 0 : i32
      %dma_wait3A_30 = tpu.memref_slice %arg13[%mul3A_18, %dma_wait3A_29] : memref<10240x128xf32, #tpu.memory_space<vmem_shared>> -> memref<640x128xf32, #tpu.memory_space<vmem_shared>>
      tpu.wait_dma2 semaphore(%run_scoped3A : memref<!tpu.dma_semaphore, #tpu.memory_space<semaphore_mem>>) src(%dma_wait3A_30 : memref<640x128xf32, #tpu.memory_space<vmem_shared>>) dst(%dma_wait3A_28 : memref<640x128xf32, #tpu.memory_space<hbm>>)
      tpu.yield
    }) : () -> ()
    return
  }
}

#map = affine_map<(d0, d1) -> (0, 0)>
#map1 = affine_map<(d0, d1) -> (0)>
#map2 = affine_map<(d0, d1) -> (0, 0, 0)>
module attributes {stable_mosaic.version = 14 : i64} {
  func.func @edge_gcn(%arg0: i32, %arg1: i32, %arg2: memref<10240x128xf32, #tpu.memory_space<hbm>>, %arg3: memref<163840xi32, #tpu.memory_space<hbm>>, %arg4: memref<163840xi32, #tpu.memory_space<hbm>>, %arg5: memref<10240x128xf32, #tpu.memory_space<hbm>>, %arg6: memref<2x10240x128xf32, #tpu.memory_space<hbm>>, %arg7: memref<128xi32, #tpu.memory_space<vmem>>, %arg8: memref<128xi32, #tpu.memory_space<vmem>>, %arg9: memref<128xi32, #tpu.memory_space<vmem>>, %arg10: memref<128xi32, #tpu.memory_space<vmem>>, %arg11: memref<128x128xf32, #tpu.memory_space<vmem>>, %arg12: memref<128x128xf32, #tpu.memory_space<vmem>>, %arg13: memref<10240x128xf32, #tpu.memory_space<vmem_shared>>, %arg14: memref<!tpu.dma_semaphore, #tpu.memory_space<semaphore_mem>>, %arg15: memref<!tpu.dma_semaphore, #tpu.memory_space<semaphore_mem>>) attributes {dimension_semantics = [#tpu.dimension_semantics<core_parallel>, #tpu.dimension_semantics<subcore_parallel>], iteration_bounds = array<i64: 2, 16>, scalar_prefetch = 0 : i64, scratch_operands = 9 : i64, tpu.core_type = #tpu.core_type<sc_vector_subcore>, window_params = [{transform_indices = #map}, {transform_indices = #map1}, {transform_indices = #map1}, {transform_indices = #map}, {transform_indices = #map2}]} {
    %mul3A = arith.constant 2 : i32
    %mul3A_0 = arith.muli %arg1, %mul3A : i32
    %add3A = arith.addi %mul3A_0, %arg0 : i32
    %mul3A_1 = arith.constant 640 : i32
    %mul3A_2 = arith.muli %arg1, %mul3A_1 : i32
    %mul3A_3 = arith.constant 640 : i32
    %mul3A_4 = arith.muli %arg1, %mul3A_3 : i32
    "tpu.region"() ({
      %run_scoped3A = tpu.sem_alloc : memref<!tpu.dma_semaphore, #tpu.memory_space<semaphore_mem>>
      %dma_start3A_21 = arith.constant 0 : i32
      %dma_start3A_22 = tpu.memref_slice %arg13[%mul3A_4, %dma_start3A_21] : memref<10240x128xf32, #tpu.memory_space<vmem_shared>> -> memref<640x128xf32, #tpu.memory_space<vmem_shared>>
      %dma_start3A_23 = arith.constant 0 : i32
      %dma_start3A_24 = tpu.memref_slice %arg5[%mul3A_2, %dma_start3A_23] : memref<10240x128xf32, #tpu.memory_space<hbm>> -> memref<640x128xf32, #tpu.memory_space<hbm>>
      tpu.enqueue_dma source(%dma_start3A_24 : memref<640x128xf32, #tpu.memory_space<hbm>>) target(%dma_start3A_22 : memref<640x128xf32, #tpu.memory_space<vmem_shared>>) target_semaphore(%run_scoped3A : memref<!tpu.dma_semaphore, #tpu.memory_space<semaphore_mem>>)
      %dma_wait3A_25 = arith.constant 0 : i32
      %dma_wait3A_26 = tpu.memref_slice %arg13[%mul3A_4, %dma_wait3A_25] : memref<10240x128xf32, #tpu.memory_space<vmem_shared>> -> memref<640x128xf32, #tpu.memory_space<vmem_shared>>
      %dma_wait3A_27 = arith.constant 0 : i32
      %dma_wait3A_28 = tpu.memref_slice %arg5[%mul3A_2, %dma_wait3A_27] : memref<10240x128xf32, #tpu.memory_space<hbm>> -> memref<640x128xf32, #tpu.memory_space<hbm>>
      tpu.wait_dma2 semaphore(%run_scoped3A : memref<!tpu.dma_semaphore, #tpu.memory_space<semaphore_mem>>) src(%dma_wait3A_28 : memref<640x128xf32, #tpu.memory_space<hbm>>) dst(%dma_wait3A_26 : memref<640x128xf32, #tpu.memory_space<vmem_shared>>)
      tpu.yield
    }) : () -> ()
    %barrier3A = arith.constant 0 : index
    tpu.barrier barrier_id(%barrier3A)
    %mul3A_5 = arith.constant 5120 : i32
    %mul3A_6 = arith.muli %add3A, %mul3A_5 : i32
    "tpu.region"() ({
      %run_scoped3A = tpu.sem_alloc : memref<!tpu.dma_semaphore, #tpu.memory_space<semaphore_mem>>
      %dma_start3A_21 = tpu.memref_slice %arg3[%mul3A_6] : memref<163840xi32, #tpu.memory_space<hbm>> -> memref<128xi32, #tpu.memory_space<hbm>>
      %dma_start3A_22 = tpu.memref_slice %arg3[%mul3A_6] : memref<163840xi32, #tpu.memory_space<hbm>> -> memref<128xi32, #tpu.memory_space<hbm>>
      tpu.enqueue_dma source(%dma_start3A_22 : memref<128xi32, #tpu.memory_space<hbm>>) target(%arg7 : memref<128xi32, #tpu.memory_space<vmem>>) target_semaphore(%run_scoped3A : memref<!tpu.dma_semaphore, #tpu.memory_space<semaphore_mem>>)
      %dma_wait3A_23 = tpu.memref_slice %arg3[%mul3A_6] : memref<163840xi32, #tpu.memory_space<hbm>> -> memref<128xi32, #tpu.memory_space<hbm>>
      %dma_wait3A_24 = tpu.memref_slice %arg3[%mul3A_6] : memref<163840xi32, #tpu.memory_space<hbm>> -> memref<128xi32, #tpu.memory_space<hbm>>
      tpu.wait_dma2 semaphore(%run_scoped3A : memref<!tpu.dma_semaphore, #tpu.memory_space<semaphore_mem>>) src(%dma_wait3A_24 : memref<128xi32, #tpu.memory_space<hbm>>) dst(%arg7 : memref<128xi32, #tpu.memory_space<vmem>>)
      tpu.yield
    }) : () -> ()
    "tpu.region"() ({
      %run_scoped3A = tpu.sem_alloc : memref<!tpu.dma_semaphore, #tpu.memory_space<semaphore_mem>>
      %dma_start3A_21 = tpu.memref_slice %arg4[%mul3A_6] : memref<163840xi32, #tpu.memory_space<hbm>> -> memref<128xi32, #tpu.memory_space<hbm>>
      %dma_start3A_22 = tpu.memref_slice %arg4[%mul3A_6] : memref<163840xi32, #tpu.memory_space<hbm>> -> memref<128xi32, #tpu.memory_space<hbm>>
      tpu.enqueue_dma source(%dma_start3A_22 : memref<128xi32, #tpu.memory_space<hbm>>) target(%arg8 : memref<128xi32, #tpu.memory_space<vmem>>) target_semaphore(%run_scoped3A : memref<!tpu.dma_semaphore, #tpu.memory_space<semaphore_mem>>)
      %dma_wait3A_23 = tpu.memref_slice %arg4[%mul3A_6] : memref<163840xi32, #tpu.memory_space<hbm>> -> memref<128xi32, #tpu.memory_space<hbm>>
      %dma_wait3A_24 = tpu.memref_slice %arg4[%mul3A_6] : memref<163840xi32, #tpu.memory_space<hbm>> -> memref<128xi32, #tpu.memory_space<hbm>>
      tpu.wait_dma2 semaphore(%run_scoped3A : memref<!tpu.dma_semaphore, #tpu.memory_space<semaphore_mem>>) src(%dma_wait3A_24 : memref<128xi32, #tpu.memory_space<hbm>>) dst(%arg8 : memref<128xi32, #tpu.memory_space<vmem>>)
      tpu.yield
    }) : () -> ()
    %dma_start3A = arith.constant 0 : i32
    %dma_start3A_7 = arith.constant 0 : i32
    %dma_start3A_8 = tpu.memref_slice %arg2[%dma_start3A, %dma_start3A_7] : memref<10240x128xf32, #tpu.memory_space<hbm>> -> memref<10240x128xf32, #tpu.memory_space<hbm>>
    tpu.enqueue_indirect_dma source(%dma_start3A_8 : memref<10240x128xf32, #tpu.memory_space<hbm>>) target(%arg11 : memref<128x128xf32, #tpu.memory_space<vmem>>) offsets(%arg7 : memref<128xi32, #tpu.memory_space<vmem>>) semaphore(%arg14 : memref<!tpu.dma_semaphore, #tpu.memory_space<semaphore_mem>>)
    %scan3A = arith.constant 0 : i32
    %scan3A_9 = arith.constant 0 : i32
    %scan3A_10 = arith.constant 20 : i32
    %scan3A_11 = arith.addi %scan3A_9, %scan3A_10 : i32
    %scan3A_12 = arith.constant 1 : i32
    scf.for %scan3A_21 = %scan3A_9 to %scan3A_11 step %scan3A_12  : i32 {
      %mul3A_22 = arith.constant 2 : i32
      %mul3A_23 = arith.muli %mul3A_22, %scan3A_21 : i32
      %add3A_24 = arith.constant 1 : i32
      %add3A_25 = arith.addi %mul3A_23, %add3A_24 : i32
      %mul3A_26 = arith.constant 128 : i32
      %mul3A_27 = arith.muli %add3A_25, %mul3A_26 : i32
      %add3A_28 = arith.addi %mul3A_6, %mul3A_27 : i32
      %mul3A_29 = arith.constant 2 : i32
      %mul3A_30 = arith.muli %mul3A_29, %scan3A_21 : i32
      %add3A_31 = arith.constant 2 : i32
      %add3A_32 = arith.addi %mul3A_30, %add3A_31 : i32
      %mul3A_33 = arith.constant 128 : i32
      %mul3A_34 = arith.muli %add3A_32, %mul3A_33 : i32
      %add3A_35 = arith.addi %mul3A_6, %mul3A_34 : i32
      %min3A = arith.constant 163712 : i32
      %min3A_36 = arith.minsi %add3A_35, %min3A : i32
      "tpu.region"() ({
        %run_scoped3A = tpu.sem_alloc : memref<!tpu.dma_semaphore, #tpu.memory_space<semaphore_mem>>
        %dma_start3A_49 = tpu.memref_slice %arg3[%add3A_28] : memref<163840xi32, #tpu.memory_space<hbm>> -> memref<128xi32, #tpu.memory_space<hbm>>
        %dma_start3A_50 = tpu.memref_slice %arg3[%add3A_28] : memref<163840xi32, #tpu.memory_space<hbm>> -> memref<128xi32, #tpu.memory_space<hbm>>
        tpu.enqueue_dma source(%dma_start3A_50 : memref<128xi32, #tpu.memory_space<hbm>>) target(%arg9 : memref<128xi32, #tpu.memory_space<vmem>>) target_semaphore(%run_scoped3A : memref<!tpu.dma_semaphore, #tpu.memory_space<semaphore_mem>>)
        %dma_wait3A_51 = tpu.memref_slice %arg3[%add3A_28] : memref<163840xi32, #tpu.memory_space<hbm>> -> memref<128xi32, #tpu.memory_space<hbm>>
        %dma_wait3A_52 = tpu.memref_slice %arg3[%add3A_28] : memref<163840xi32, #tpu.memory_space<hbm>> -> memref<128xi32, #tpu.memory_space<hbm>>
        tpu.wait_dma2 semaphore(%run_scoped3A : memref<!tpu.dma_semaphore, #tpu.memory_space<semaphore_mem>>) src(%dma_wait3A_52 : memref<128xi32, #tpu.memory_space<hbm>>) dst(%arg9 : memref<128xi32, #tpu.memory_space<vmem>>)
        tpu.yield
      }) : () -> ()
      "tpu.region"() ({
        %run_scoped3A = tpu.sem_alloc : memref<!tpu.dma_semaphore, #tpu.memory_space<semaphore_mem>>
        %dma_start3A_49 = tpu.memref_slice %arg4[%add3A_28] : memref<163840xi32, #tpu.memory_space<hbm>> -> memref<128xi32, #tpu.memory_space<hbm>>
        %dma_start3A_50 = tpu.memref_slice %arg4[%add3A_28] : memref<163840xi32, #tpu.memory_space<hbm>> -> memref<128xi32, #tpu.memory_space<hbm>>
        tpu.enqueue_dma source(%dma_start3A_50 : memref<128xi32, #tpu.memory_space<hbm>>) target(%arg10 : memref<128xi32, #tpu.memory_space<vmem>>) target_semaphore(%run_scoped3A : memref<!tpu.dma_semaphore, #tpu.memory_space<semaphore_mem>>)
        %dma_wait3A_51 = tpu.memref_slice %arg4[%add3A_28] : memref<163840xi32, #tpu.memory_space<hbm>> -> memref<128xi32, #tpu.memory_space<hbm>>
        %dma_wait3A_52 = tpu.memref_slice %arg4[%add3A_28] : memref<163840xi32, #tpu.memory_space<hbm>> -> memref<128xi32, #tpu.memory_space<hbm>>
        tpu.wait_dma2 semaphore(%run_scoped3A : memref<!tpu.dma_semaphore, #tpu.memory_space<semaphore_mem>>) src(%dma_wait3A_52 : memref<128xi32, #tpu.memory_space<hbm>>) dst(%arg10 : memref<128xi32, #tpu.memory_space<vmem>>)
        tpu.yield
      }) : () -> ()
      %dma_start3A_37 = arith.constant 0 : i32
      %dma_start3A_38 = arith.constant 0 : i32
      %dma_start3A_39 = tpu.memref_slice %arg2[%dma_start3A_37, %dma_start3A_38] : memref<10240x128xf32, #tpu.memory_space<hbm>> -> memref<10240x128xf32, #tpu.memory_space<hbm>>
      tpu.enqueue_indirect_dma source(%dma_start3A_39 : memref<10240x128xf32, #tpu.memory_space<hbm>>) target(%arg12 : memref<128x128xf32, #tpu.memory_space<vmem>>) offsets(%arg9 : memref<128xi32, #tpu.memory_space<vmem>>) semaphore(%arg15 : memref<!tpu.dma_semaphore, #tpu.memory_space<semaphore_mem>>)
      %dma_wait3A_40 = arith.constant 0 : i32
      %dma_wait3A_41 = arith.constant 0 : i32
      %dma_wait3A_42 = tpu.memref_slice %arg2[%dma_wait3A_40, %dma_wait3A_41] : memref<10240x128xf32, #tpu.memory_space<hbm>> -> memref<10240x128xf32, #tpu.memory_space<hbm>>
      tpu.wait_indirect_dma semaphore(%arg14 : memref<!tpu.dma_semaphore, #tpu.memory_space<semaphore_mem>>) src(%dma_wait3A_42 : memref<10240x128xf32, #tpu.memory_space<hbm>>) dst(%arg11 : memref<128x128xf32, #tpu.memory_space<vmem>>)
      "tpu.region"() ({
        %run_scoped3A = tpu.sem_alloc : memref<!tpu.dma_semaphore, #tpu.memory_space<semaphore_mem>>
        %dma_start3A_49 = arith.constant 0 : i32
        %dma_start3A_50 = arith.constant 0 : i32
        %dma_start3A_51 = tpu.memref_slice %arg13[%dma_start3A_49, %dma_start3A_50] : memref<10240x128xf32, #tpu.memory_space<vmem_shared>> -> memref<10240x128xf32, #tpu.memory_space<vmem_shared>>
        tpu.enqueue_indirect_dma source(%arg11 : memref<128x128xf32, #tpu.memory_space<vmem>>) target(%dma_start3A_51 : memref<10240x128xf32, #tpu.memory_space<vmem_shared>>) offsets(%arg8 : memref<128xi32, #tpu.memory_space<vmem>>) semaphore(%run_scoped3A : memref<!tpu.dma_semaphore, #tpu.memory_space<semaphore_mem>>) {add = true}
        %dma_wait3A_52 = arith.constant 0 : i32
        %dma_wait3A_53 = arith.constant 0 : i32
        %dma_wait3A_54 = tpu.memref_slice %arg13[%dma_wait3A_52, %dma_wait3A_53] : memref<10240x128xf32, #tpu.memory_space<vmem_shared>> -> memref<10240x128xf32, #tpu.memory_space<vmem_shared>>
        tpu.wait_indirect_dma semaphore(%run_scoped3A : memref<!tpu.dma_semaphore, #tpu.memory_space<semaphore_mem>>) src(%arg11 : memref<128x128xf32, #tpu.memory_space<vmem>>) dst(%dma_wait3A_54 : memref<10240x128xf32, #tpu.memory_space<vmem_shared>>)
        tpu.yield
      }) : () -> ()
      "tpu.region"() ({
        %run_scoped3A = tpu.sem_alloc : memref<!tpu.dma_semaphore, #tpu.memory_space<semaphore_mem>>
        %dma_start3A_49 = tpu.memref_slice %arg3[%min3A_36] : memref<163840xi32, #tpu.memory_space<hbm>> -> memref<128xi32, #tpu.memory_space<hbm>>
        %dma_start3A_50 = tpu.memref_slice %arg3[%min3A_36] : memref<163840xi32, #tpu.memory_space<hbm>> -> memref<128xi32, #tpu.memory_space<hbm>>
        tpu.enqueue_dma source(%dma_start3A_50 : memref<128xi32, #tpu.memory_space<hbm>>) target(%arg7 : memref<128xi32, #tpu.memory_space<vmem>>) target_semaphore(%run_scoped3A : memref<!tpu.dma_semaphore, #tpu.memory_space<semaphore_mem>>)
        %dma_wait3A_51 = tpu.memref_slice %arg3[%min3A_36] : memref<163840xi32, #tpu.memory_space<hbm>> -> memref<128xi32, #tpu.memory_space<hbm>>
        %dma_wait3A_52 = tpu.memref_slice %arg3[%min3A_36] : memref<163840xi32, #tpu.memory_space<hbm>> -> memref<128xi32, #tpu.memory_space<hbm>>
        tpu.wait_dma2 semaphore(%run_scoped3A : memref<!tpu.dma_semaphore, #tpu.memory_space<semaphore_mem>>) src(%dma_wait3A_52 : memref<128xi32, #tpu.memory_space<hbm>>) dst(%arg7 : memref<128xi32, #tpu.memory_space<vmem>>)
        tpu.yield
      }) : () -> ()
      "tpu.region"() ({
        %run_scoped3A = tpu.sem_alloc : memref<!tpu.dma_semaphore, #tpu.memory_space<semaphore_mem>>
        %dma_start3A_49 = tpu.memref_slice %arg4[%min3A_36] : memref<163840xi32, #tpu.memory_space<hbm>> -> memref<128xi32, #tpu.memory_space<hbm>>
        %dma_start3A_50 = tpu.memref_slice %arg4[%min3A_36] : memref<163840xi32, #tpu.memory_space<hbm>> -> memref<128xi32, #tpu.memory_space<hbm>>
        tpu.enqueue_dma source(%dma_start3A_50 : memref<128xi32, #tpu.memory_space<hbm>>) target(%arg8 : memref<128xi32, #tpu.memory_space<vmem>>) target_semaphore(%run_scoped3A : memref<!tpu.dma_semaphore, #tpu.memory_space<semaphore_mem>>)
        %dma_wait3A_51 = tpu.memref_slice %arg4[%min3A_36] : memref<163840xi32, #tpu.memory_space<hbm>> -> memref<128xi32, #tpu.memory_space<hbm>>
        %dma_wait3A_52 = tpu.memref_slice %arg4[%min3A_36] : memref<163840xi32, #tpu.memory_space<hbm>> -> memref<128xi32, #tpu.memory_space<hbm>>
        tpu.wait_dma2 semaphore(%run_scoped3A : memref<!tpu.dma_semaphore, #tpu.memory_space<semaphore_mem>>) src(%dma_wait3A_52 : memref<128xi32, #tpu.memory_space<hbm>>) dst(%arg8 : memref<128xi32, #tpu.memory_space<vmem>>)
        tpu.yield
      }) : () -> ()
      %dma_start3A_43 = arith.constant 0 : i32
      %dma_start3A_44 = arith.constant 0 : i32
      %dma_start3A_45 = tpu.memref_slice %arg2[%dma_start3A_43, %dma_start3A_44] : memref<10240x128xf32, #tpu.memory_space<hbm>> -> memref<10240x128xf32, #tpu.memory_space<hbm>>
      tpu.enqueue_indirect_dma source(%dma_start3A_45 : memref<10240x128xf32, #tpu.memory_space<hbm>>) target(%arg11 : memref<128x128xf32, #tpu.memory_space<vmem>>) offsets(%arg7 : memref<128xi32, #tpu.memory_space<vmem>>) semaphore(%arg14 : memref<!tpu.dma_semaphore, #tpu.memory_space<semaphore_mem>>)
      %dma_wait3A_46 = arith.constant 0 : i32
      %dma_wait3A_47 = arith.constant 0 : i32
      %dma_wait3A_48 = tpu.memref_slice %arg2[%dma_wait3A_46, %dma_wait3A_47] : memref<10240x128xf32, #tpu.memory_space<hbm>> -> memref<10240x128xf32, #tpu.memory_space<hbm>>
      tpu.wait_indirect_dma semaphore(%arg15 : memref<!tpu.dma_semaphore, #tpu.memory_space<semaphore_mem>>) src(%dma_wait3A_48 : memref<10240x128xf32, #tpu.memory_space<hbm>>) dst(%arg12 : memref<128x128xf32, #tpu.memory_space<vmem>>)
      "tpu.region"() ({
        %run_scoped3A = tpu.sem_alloc : memref<!tpu.dma_semaphore, #tpu.memory_space<semaphore_mem>>
        %dma_start3A_49 = arith.constant 0 : i32
        %dma_start3A_50 = arith.constant 0 : i32
        %dma_start3A_51 = tpu.memref_slice %arg13[%dma_start3A_49, %dma_start3A_50] : memref<10240x128xf32, #tpu.memory_space<vmem_shared>> -> memref<10240x128xf32, #tpu.memory_space<vmem_shared>>
        tpu.enqueue_indirect_dma source(%arg12 : memref<128x128xf32, #tpu.memory_space<vmem>>) target(%dma_start3A_51 : memref<10240x128xf32, #tpu.memory_space<vmem_shared>>) offsets(%arg10 : memref<128xi32, #tpu.memory_space<vmem>>) semaphore(%run_scoped3A : memref<!tpu.dma_semaphore, #tpu.memory_space<semaphore_mem>>) {add = true}
        %dma_wait3A_52 = arith.constant 0 : i32
        %dma_wait3A_53 = arith.constant 0 : i32
        %dma_wait3A_54 = tpu.memref_slice %arg13[%dma_wait3A_52, %dma_wait3A_53] : memref<10240x128xf32, #tpu.memory_space<vmem_shared>> -> memref<10240x128xf32, #tpu.memory_space<vmem_shared>>
        tpu.wait_indirect_dma semaphore(%run_scoped3A : memref<!tpu.dma_semaphore, #tpu.memory_space<semaphore_mem>>) src(%arg12 : memref<128x128xf32, #tpu.memory_space<vmem>>) dst(%dma_wait3A_54 : memref<10240x128xf32, #tpu.memory_space<vmem_shared>>)
        tpu.yield
      }) : () -> ()
    }
    %scan3A_13 = arith.constant 20 : i32
    %dma_wait3A = arith.constant 0 : i32
    %dma_wait3A_14 = arith.constant 0 : i32
    %dma_wait3A_15 = tpu.memref_slice %arg2[%dma_wait3A, %dma_wait3A_14] : memref<10240x128xf32, #tpu.memory_space<hbm>> -> memref<10240x128xf32, #tpu.memory_space<hbm>>
    tpu.wait_indirect_dma semaphore(%arg14 : memref<!tpu.dma_semaphore, #tpu.memory_space<semaphore_mem>>) src(%dma_wait3A_15 : memref<10240x128xf32, #tpu.memory_space<hbm>>) dst(%arg11 : memref<128x128xf32, #tpu.memory_space<vmem>>)
    %barrier3A_16 = arith.constant 0 : index
    tpu.barrier barrier_id(%barrier3A_16)
    %mul3A_17 = arith.constant 640 : i32
    %mul3A_18 = arith.muli %arg1, %mul3A_17 : i32
    %mul3A_19 = arith.constant 640 : i32
    %mul3A_20 = arith.muli %arg1, %mul3A_19 : i32
    "tpu.region"() ({
      %run_scoped3A = tpu.sem_alloc : memref<!tpu.dma_semaphore, #tpu.memory_space<semaphore_mem>>
      %dma_start3A_21 = arith.constant 0 : i32
      %dma_start3A_22 = tpu.memref_slice %arg6[%arg0, %mul3A_20, %dma_start3A_21] : memref<2x10240x128xf32, #tpu.memory_space<hbm>> -> memref<1x640x128xf32, #tpu.memory_space<hbm>>
      %dma_start3A_23 = tpu.memref_squeeze %dma_start3A_22 : memref<1x640x128xf32, #tpu.memory_space<hbm>> -> memref<640x128xf32, #tpu.memory_space<hbm>>
      %dma_start3A_24 = arith.constant 0 : i32
      %dma_start3A_25 = tpu.memref_slice %arg13[%mul3A_18, %dma_start3A_24] : memref<10240x128xf32, #tpu.memory_space<vmem_shared>> -> memref<640x128xf32, #tpu.memory_space<vmem_shared>>
      tpu.enqueue_dma source(%dma_start3A_25 : memref<640x128xf32, #tpu.memory_space<vmem_shared>>) target(%dma_start3A_23 : memref<640x128xf32, #tpu.memory_space<hbm>>) target_semaphore(%run_scoped3A : memref<!tpu.dma_semaphore, #tpu.memory_space<semaphore_mem>>)
      %dma_wait3A_26 = arith.constant 0 : i32
      %dma_wait3A_27 = tpu.memref_slice %arg6[%arg0, %mul3A_20, %dma_wait3A_26] : memref<2x10240x128xf32, #tpu.memory_space<hbm>> -> memref<1x640x128xf32, #tpu.memory_space<hbm>>
      %dma_wait3A_28 = tpu.memref_squeeze %dma_wait3A_27 : memref<1x640x128xf32, #tpu.memory_space<hbm>> -> memref<640x128xf32, #tpu.memory_space<hbm>>
      %dma_wait3A_29 = arith.constant 0 : i32
      %dma_wait3A_30 = tpu.memref_slice %arg13[%mul3A_18, %dma_wait3A_29] : memref<10240x128xf32, #tpu.memory_space<vmem_shared>> -> memref<640x128xf32, #tpu.memory_space<vmem_shared>>
      tpu.wait_dma2 semaphore(%run_scoped3A : memref<!tpu.dma_semaphore, #tpu.memory_space<semaphore_mem>>) src(%dma_wait3A_30 : memref<640x128xf32, #tpu.memory_space<vmem_shared>>) dst(%dma_wait3A_28 : memref<640x128xf32, #tpu.memory_space<hbm>>)
      tpu.yield
    }) : () -> ()
    return
  }
}

#map = affine_map<(d0, d1) -> (0, 0)>
#map1 = affine_map<(d0, d1) -> (0)>
#map2 = affine_map<(d0, d1) -> (0, 0, 0)>
module attributes {stable_mosaic.version = 14 : i64} {
  func.func @edge_gcn(%arg0: i32, %arg1: i32, %arg2: memref<10240x128xf32, #tpu.memory_space<hbm>>, %arg3: memref<163840xi32, #tpu.memory_space<hbm>>, %arg4: memref<163840xi32, #tpu.memory_space<hbm>>, %arg5: memref<10240x128xf32, #tpu.memory_space<hbm>>, %arg6: memref<2x10240x128xf32, #tpu.memory_space<hbm>>, %arg7: memref<128xi32, #tpu.memory_space<vmem>>, %arg8: memref<128xi32, #tpu.memory_space<vmem>>, %arg9: memref<128xi32, #tpu.memory_space<vmem>>, %arg10: memref<128xi32, #tpu.memory_space<vmem>>, %arg11: memref<128x128xf32, #tpu.memory_space<vmem>>, %arg12: memref<128x128xf32, #tpu.memory_space<vmem>>, %arg13: memref<10240x128xf32, #tpu.memory_space<vmem_shared>>, %arg14: memref<!tpu.dma_semaphore, #tpu.memory_space<semaphore_mem>>, %arg15: memref<!tpu.dma_semaphore, #tpu.memory_space<semaphore_mem>>) attributes {dimension_semantics = [#tpu.dimension_semantics<core_parallel>, #tpu.dimension_semantics<subcore_parallel>], iteration_bounds = array<i64: 2, 16>, scalar_prefetch = 0 : i64, scratch_operands = 9 : i64, tpu.core_type = #tpu.core_type<sc_vector_subcore>, window_params = [{transform_indices = #map}, {transform_indices = #map1}, {transform_indices = #map1}, {transform_indices = #map}, {transform_indices = #map2}]} {
    %mul3A = arith.constant 2 : i32
    %mul3A_0 = arith.muli %arg1, %mul3A : i32
    %add3A = arith.addi %mul3A_0, %arg0 : i32
    %mul3A_1 = arith.constant 640 : i32
    %mul3A_2 = arith.muli %arg1, %mul3A_1 : i32
    %mul3A_3 = arith.constant 640 : i32
    %mul3A_4 = arith.muli %arg1, %mul3A_3 : i32
    "tpu.region"() ({
      %run_scoped3A = tpu.sem_alloc : memref<!tpu.dma_semaphore, #tpu.memory_space<semaphore_mem>>
      %dma_start3A_21 = arith.constant 0 : i32
      %dma_start3A_22 = tpu.memref_slice %arg13[%mul3A_4, %dma_start3A_21] : memref<10240x128xf32, #tpu.memory_space<vmem_shared>> -> memref<640x128xf32, #tpu.memory_space<vmem_shared>>
      %dma_start3A_23 = arith.constant 0 : i32
      %dma_start3A_24 = tpu.memref_slice %arg5[%mul3A_2, %dma_start3A_23] : memref<10240x128xf32, #tpu.memory_space<hbm>> -> memref<640x128xf32, #tpu.memory_space<hbm>>
      tpu.enqueue_dma source(%dma_start3A_24 : memref<640x128xf32, #tpu.memory_space<hbm>>) target(%dma_start3A_22 : memref<640x128xf32, #tpu.memory_space<vmem_shared>>) target_semaphore(%run_scoped3A : memref<!tpu.dma_semaphore, #tpu.memory_space<semaphore_mem>>)
      %dma_wait3A_25 = arith.constant 0 : i32
      %dma_wait3A_26 = tpu.memref_slice %arg13[%mul3A_4, %dma_wait3A_25] : memref<10240x128xf32, #tpu.memory_space<vmem_shared>> -> memref<640x128xf32, #tpu.memory_space<vmem_shared>>
      %dma_wait3A_27 = arith.constant 0 : i32
      %dma_wait3A_28 = tpu.memref_slice %arg5[%mul3A_2, %dma_wait3A_27] : memref<10240x128xf32, #tpu.memory_space<hbm>> -> memref<640x128xf32, #tpu.memory_space<hbm>>
      tpu.wait_dma2 semaphore(%run_scoped3A : memref<!tpu.dma_semaphore, #tpu.memory_space<semaphore_mem>>) src(%dma_wait3A_28 : memref<640x128xf32, #tpu.memory_space<hbm>>) dst(%dma_wait3A_26 : memref<640x128xf32, #tpu.memory_space<vmem_shared>>)
      tpu.yield
    }) : () -> ()
    %barrier3A = arith.constant 0 : index
    tpu.barrier barrier_id(%barrier3A)
    %mul3A_5 = arith.constant 5120 : i32
    %mul3A_6 = arith.muli %add3A, %mul3A_5 : i32
    "tpu.region"() ({
      %run_scoped3A = tpu.sem_alloc : memref<!tpu.dma_semaphore, #tpu.memory_space<semaphore_mem>>
      %dma_start3A_21 = tpu.memref_slice %arg3[%mul3A_6] : memref<163840xi32, #tpu.memory_space<hbm>> -> memref<128xi32, #tpu.memory_space<hbm>>
      %dma_start3A_22 = tpu.memref_slice %arg3[%mul3A_6] : memref<163840xi32, #tpu.memory_space<hbm>> -> memref<128xi32, #tpu.memory_space<hbm>>
      tpu.enqueue_dma source(%dma_start3A_22 : memref<128xi32, #tpu.memory_space<hbm>>) target(%arg7 : memref<128xi32, #tpu.memory_space<vmem>>) target_semaphore(%run_scoped3A : memref<!tpu.dma_semaphore, #tpu.memory_space<semaphore_mem>>)
      %dma_wait3A_23 = tpu.memref_slice %arg3[%mul3A_6] : memref<163840xi32, #tpu.memory_space<hbm>> -> memref<128xi32, #tpu.memory_space<hbm>>
      %dma_wait3A_24 = tpu.memref_slice %arg3[%mul3A_6] : memref<163840xi32, #tpu.memory_space<hbm>> -> memref<128xi32, #tpu.memory_space<hbm>>
      tpu.wait_dma2 semaphore(%run_scoped3A : memref<!tpu.dma_semaphore, #tpu.memory_space<semaphore_mem>>) src(%dma_wait3A_24 : memref<128xi32, #tpu.memory_space<hbm>>) dst(%arg7 : memref<128xi32, #tpu.memory_space<vmem>>)
      tpu.yield
    }) : () -> ()
    "tpu.region"() ({
      %run_scoped3A = tpu.sem_alloc : memref<!tpu.dma_semaphore, #tpu.memory_space<semaphore_mem>>
      %dma_start3A_21 = tpu.memref_slice %arg4[%mul3A_6] : memref<163840xi32, #tpu.memory_space<hbm>> -> memref<128xi32, #tpu.memory_space<hbm>>
      %dma_start3A_22 = tpu.memref_slice %arg4[%mul3A_6] : memref<163840xi32, #tpu.memory_space<hbm>> -> memref<128xi32, #tpu.memory_space<hbm>>
      tpu.enqueue_dma source(%dma_start3A_22 : memref<128xi32, #tpu.memory_space<hbm>>) target(%arg8 : memref<128xi32, #tpu.memory_space<vmem>>) target_semaphore(%run_scoped3A : memref<!tpu.dma_semaphore, #tpu.memory_space<semaphore_mem>>)
      %dma_wait3A_23 = tpu.memref_slice %arg4[%mul3A_6] : memref<163840xi32, #tpu.memory_space<hbm>> -> memref<128xi32, #tpu.memory_space<hbm>>
      %dma_wait3A_24 = tpu.memref_slice %arg4[%mul3A_6] : memref<163840xi32, #tpu.memory_space<hbm>> -> memref<128xi32, #tpu.memory_space<hbm>>
      tpu.wait_dma2 semaphore(%run_scoped3A : memref<!tpu.dma_semaphore, #tpu.memory_space<semaphore_mem>>) src(%dma_wait3A_24 : memref<128xi32, #tpu.memory_space<hbm>>) dst(%arg8 : memref<128xi32, #tpu.memory_space<vmem>>)
      tpu.yield
    }) : () -> ()
    %dma_start3A = arith.constant 0 : i32
    %dma_start3A_7 = arith.constant 0 : i32
    %dma_start3A_8 = tpu.memref_slice %arg2[%dma_start3A, %dma_start3A_7] : memref<10240x128xf32, #tpu.memory_space<hbm>> -> memref<10240x128xf32, #tpu.memory_space<hbm>>
    tpu.enqueue_indirect_dma source(%dma_start3A_8 : memref<10240x128xf32, #tpu.memory_space<hbm>>) target(%arg11 : memref<128x128xf32, #tpu.memory_space<vmem>>) offsets(%arg7 : memref<128xi32, #tpu.memory_space<vmem>>) semaphore(%arg14 : memref<!tpu.dma_semaphore, #tpu.memory_space<semaphore_mem>>)
    %scan3A = arith.constant 0 : i32
    %scan3A_9 = arith.constant 0 : i32
    %scan3A_10 = arith.constant 20 : i32
    %scan3A_11 = arith.addi %scan3A_9, %scan3A_10 : i32
    %scan3A_12 = arith.constant 1 : i32
    scf.for %scan3A_21 = %scan3A_9 to %scan3A_11 step %scan3A_12  : i32 {
      %mul3A_22 = arith.constant 2 : i32
      %mul3A_23 = arith.muli %mul3A_22, %scan3A_21 : i32
      %add3A_24 = arith.constant 1 : i32
      %add3A_25 = arith.addi %mul3A_23, %add3A_24 : i32
      %mul3A_26 = arith.constant 128 : i32
      %mul3A_27 = arith.muli %add3A_25, %mul3A_26 : i32
      %add3A_28 = arith.addi %mul3A_6, %mul3A_27 : i32
      %mul3A_29 = arith.constant 2 : i32
      %mul3A_30 = arith.muli %mul3A_29, %scan3A_21 : i32
      %add3A_31 = arith.constant 2 : i32
      %add3A_32 = arith.addi %mul3A_30, %add3A_31 : i32
      %mul3A_33 = arith.constant 128 : i32
      %mul3A_34 = arith.muli %add3A_32, %mul3A_33 : i32
      %add3A_35 = arith.addi %mul3A_6, %mul3A_34 : i32
      %min3A = arith.constant 163712 : i32
      %min3A_36 = arith.minsi %add3A_35, %min3A : i32
      "tpu.region"() ({
        %run_scoped3A = tpu.sem_alloc : memref<!tpu.dma_semaphore, #tpu.memory_space<semaphore_mem>>
        %dma_start3A_49 = tpu.memref_slice %arg3[%add3A_28] : memref<163840xi32, #tpu.memory_space<hbm>> -> memref<128xi32, #tpu.memory_space<hbm>>
        %dma_start3A_50 = tpu.memref_slice %arg3[%add3A_28] : memref<163840xi32, #tpu.memory_space<hbm>> -> memref<128xi32, #tpu.memory_space<hbm>>
        tpu.enqueue_dma source(%dma_start3A_50 : memref<128xi32, #tpu.memory_space<hbm>>) target(%arg9 : memref<128xi32, #tpu.memory_space<vmem>>) target_semaphore(%run_scoped3A : memref<!tpu.dma_semaphore, #tpu.memory_space<semaphore_mem>>)
        %dma_wait3A_51 = tpu.memref_slice %arg3[%add3A_28] : memref<163840xi32, #tpu.memory_space<hbm>> -> memref<128xi32, #tpu.memory_space<hbm>>
        %dma_wait3A_52 = tpu.memref_slice %arg3[%add3A_28] : memref<163840xi32, #tpu.memory_space<hbm>> -> memref<128xi32, #tpu.memory_space<hbm>>
        tpu.wait_dma2 semaphore(%run_scoped3A : memref<!tpu.dma_semaphore, #tpu.memory_space<semaphore_mem>>) src(%dma_wait3A_52 : memref<128xi32, #tpu.memory_space<hbm>>) dst(%arg9 : memref<128xi32, #tpu.memory_space<vmem>>)
        tpu.yield
      }) : () -> ()
      "tpu.region"() ({
        %run_scoped3A = tpu.sem_alloc : memref<!tpu.dma_semaphore, #tpu.memory_space<semaphore_mem>>
        %dma_start3A_49 = tpu.memref_slice %arg4[%add3A_28] : memref<163840xi32, #tpu.memory_space<hbm>> -> memref<128xi32, #tpu.memory_space<hbm>>
        %dma_start3A_50 = tpu.memref_slice %arg4[%add3A_28] : memref<163840xi32, #tpu.memory_space<hbm>> -> memref<128xi32, #tpu.memory_space<hbm>>
        tpu.enqueue_dma source(%dma_start3A_50 : memref<128xi32, #tpu.memory_space<hbm>>) target(%arg10 : memref<128xi32, #tpu.memory_space<vmem>>) target_semaphore(%run_scoped3A : memref<!tpu.dma_semaphore, #tpu.memory_space<semaphore_mem>>)
        %dma_wait3A_51 = tpu.memref_slice %arg4[%add3A_28] : memref<163840xi32, #tpu.memory_space<hbm>> -> memref<128xi32, #tpu.memory_space<hbm>>
        %dma_wait3A_52 = tpu.memref_slice %arg4[%add3A_28] : memref<163840xi32, #tpu.memory_space<hbm>> -> memref<128xi32, #tpu.memory_space<hbm>>
        tpu.wait_dma2 semaphore(%run_scoped3A : memref<!tpu.dma_semaphore, #tpu.memory_space<semaphore_mem>>) src(%dma_wait3A_52 : memref<128xi32, #tpu.memory_space<hbm>>) dst(%arg10 : memref<128xi32, #tpu.memory_space<vmem>>)
        tpu.yield
      }) : () -> ()
      %dma_start3A_37 = arith.constant 0 : i32
      %dma_start3A_38 = arith.constant 0 : i32
      %dma_start3A_39 = tpu.memref_slice %arg2[%dma_start3A_37, %dma_start3A_38] : memref<10240x128xf32, #tpu.memory_space<hbm>> -> memref<10240x128xf32, #tpu.memory_space<hbm>>
      tpu.enqueue_indirect_dma source(%dma_start3A_39 : memref<10240x128xf32, #tpu.memory_space<hbm>>) target(%arg12 : memref<128x128xf32, #tpu.memory_space<vmem>>) offsets(%arg9 : memref<128xi32, #tpu.memory_space<vmem>>) semaphore(%arg15 : memref<!tpu.dma_semaphore, #tpu.memory_space<semaphore_mem>>)
      %dma_wait3A_40 = arith.constant 0 : i32
      %dma_wait3A_41 = arith.constant 0 : i32
      %dma_wait3A_42 = tpu.memref_slice %arg2[%dma_wait3A_40, %dma_wait3A_41] : memref<10240x128xf32, #tpu.memory_space<hbm>> -> memref<10240x128xf32, #tpu.memory_space<hbm>>
      tpu.wait_indirect_dma semaphore(%arg14 : memref<!tpu.dma_semaphore, #tpu.memory_space<semaphore_mem>>) src(%dma_wait3A_42 : memref<10240x128xf32, #tpu.memory_space<hbm>>) dst(%arg11 : memref<128x128xf32, #tpu.memory_space<vmem>>)
      "tpu.region"() ({
        %run_scoped3A = tpu.sem_alloc : memref<!tpu.dma_semaphore, #tpu.memory_space<semaphore_mem>>
        %dma_start3A_49 = arith.constant 0 : i32
        %dma_start3A_50 = arith.constant 0 : i32
        %dma_start3A_51 = tpu.memref_slice %arg13[%dma_start3A_49, %dma_start3A_50] : memref<10240x128xf32, #tpu.memory_space<vmem_shared>> -> memref<10240x128xf32, #tpu.memory_space<vmem_shared>>
        tpu.enqueue_indirect_dma source(%arg11 : memref<128x128xf32, #tpu.memory_space<vmem>>) target(%dma_start3A_51 : memref<10240x128xf32, #tpu.memory_space<vmem_shared>>) offsets(%arg8 : memref<128xi32, #tpu.memory_space<vmem>>) semaphore(%run_scoped3A : memref<!tpu.dma_semaphore, #tpu.memory_space<semaphore_mem>>) {add = true}
        %dma_wait3A_52 = arith.constant 0 : i32
        %dma_wait3A_53 = arith.constant 0 : i32
        %dma_wait3A_54 = tpu.memref_slice %arg13[%dma_wait3A_52, %dma_wait3A_53] : memref<10240x128xf32, #tpu.memory_space<vmem_shared>> -> memref<10240x128xf32, #tpu.memory_space<vmem_shared>>
        tpu.wait_indirect_dma semaphore(%run_scoped3A : memref<!tpu.dma_semaphore, #tpu.memory_space<semaphore_mem>>) src(%arg11 : memref<128x128xf32, #tpu.memory_space<vmem>>) dst(%dma_wait3A_54 : memref<10240x128xf32, #tpu.memory_space<vmem_shared>>)
        tpu.yield
      }) : () -> ()
      "tpu.region"() ({
        %run_scoped3A = tpu.sem_alloc : memref<!tpu.dma_semaphore, #tpu.memory_space<semaphore_mem>>
        %dma_start3A_49 = tpu.memref_slice %arg3[%min3A_36] : memref<163840xi32, #tpu.memory_space<hbm>> -> memref<128xi32, #tpu.memory_space<hbm>>
        %dma_start3A_50 = tpu.memref_slice %arg3[%min3A_36] : memref<163840xi32, #tpu.memory_space<hbm>> -> memref<128xi32, #tpu.memory_space<hbm>>
        tpu.enqueue_dma source(%dma_start3A_50 : memref<128xi32, #tpu.memory_space<hbm>>) target(%arg7 : memref<128xi32, #tpu.memory_space<vmem>>) target_semaphore(%run_scoped3A : memref<!tpu.dma_semaphore, #tpu.memory_space<semaphore_mem>>)
        %dma_wait3A_51 = tpu.memref_slice %arg3[%min3A_36] : memref<163840xi32, #tpu.memory_space<hbm>> -> memref<128xi32, #tpu.memory_space<hbm>>
        %dma_wait3A_52 = tpu.memref_slice %arg3[%min3A_36] : memref<163840xi32, #tpu.memory_space<hbm>> -> memref<128xi32, #tpu.memory_space<hbm>>
        tpu.wait_dma2 semaphore(%run_scoped3A : memref<!tpu.dma_semaphore, #tpu.memory_space<semaphore_mem>>) src(%dma_wait3A_52 : memref<128xi32, #tpu.memory_space<hbm>>) dst(%arg7 : memref<128xi32, #tpu.memory_space<vmem>>)
        tpu.yield
      }) : () -> ()
      "tpu.region"() ({
        %run_scoped3A = tpu.sem_alloc : memref<!tpu.dma_semaphore, #tpu.memory_space<semaphore_mem>>
        %dma_start3A_49 = tpu.memref_slice %arg4[%min3A_36] : memref<163840xi32, #tpu.memory_space<hbm>> -> memref<128xi32, #tpu.memory_space<hbm>>
        %dma_start3A_50 = tpu.memref_slice %arg4[%min3A_36] : memref<163840xi32, #tpu.memory_space<hbm>> -> memref<128xi32, #tpu.memory_space<hbm>>
        tpu.enqueue_dma source(%dma_start3A_50 : memref<128xi32, #tpu.memory_space<hbm>>) target(%arg8 : memref<128xi32, #tpu.memory_space<vmem>>) target_semaphore(%run_scoped3A : memref<!tpu.dma_semaphore, #tpu.memory_space<semaphore_mem>>)
        %dma_wait3A_51 = tpu.memref_slice %arg4[%min3A_36] : memref<163840xi32, #tpu.memory_space<hbm>> -> memref<128xi32, #tpu.memory_space<hbm>>
        %dma_wait3A_52 = tpu.memref_slice %arg4[%min3A_36] : memref<163840xi32, #tpu.memory_space<hbm>> -> memref<128xi32, #tpu.memory_space<hbm>>
        tpu.wait_dma2 semaphore(%run_scoped3A : memref<!tpu.dma_semaphore, #tpu.memory_space<semaphore_mem>>) src(%dma_wait3A_52 : memref<128xi32, #tpu.memory_space<hbm>>) dst(%arg8 : memref<128xi32, #tpu.memory_space<vmem>>)
        tpu.yield
      }) : () -> ()
      %dma_start3A_43 = arith.constant 0 : i32
      %dma_start3A_44 = arith.constant 0 : i32
      %dma_start3A_45 = tpu.memref_slice %arg2[%dma_start3A_43, %dma_start3A_44] : memref<10240x128xf32, #tpu.memory_space<hbm>> -> memref<10240x128xf32, #tpu.memory_space<hbm>>
      tpu.enqueue_indirect_dma source(%dma_start3A_45 : memref<10240x128xf32, #tpu.memory_space<hbm>>) target(%arg11 : memref<128x128xf32, #tpu.memory_space<vmem>>) offsets(%arg7 : memref<128xi32, #tpu.memory_space<vmem>>) semaphore(%arg14 : memref<!tpu.dma_semaphore, #tpu.memory_space<semaphore_mem>>)
      %dma_wait3A_46 = arith.constant 0 : i32
      %dma_wait3A_47 = arith.constant 0 : i32
      %dma_wait3A_48 = tpu.memref_slice %arg2[%dma_wait3A_46, %dma_wait3A_47] : memref<10240x128xf32, #tpu.memory_space<hbm>> -> memref<10240x128xf32, #tpu.memory_space<hbm>>
      tpu.wait_indirect_dma semaphore(%arg15 : memref<!tpu.dma_semaphore, #tpu.memory_space<semaphore_mem>>) src(%dma_wait3A_48 : memref<10240x128xf32, #tpu.memory_space<hbm>>) dst(%arg12 : memref<128x128xf32, #tpu.memory_space<vmem>>)
      "tpu.region"() ({
        %run_scoped3A = tpu.sem_alloc : memref<!tpu.dma_semaphore, #tpu.memory_space<semaphore_mem>>
        %dma_start3A_49 = arith.constant 0 : i32
        %dma_start3A_50 = arith.constant 0 : i32
        %dma_start3A_51 = tpu.memref_slice %arg13[%dma_start3A_49, %dma_start3A_50] : memref<10240x128xf32, #tpu.memory_space<vmem_shared>> -> memref<10240x128xf32, #tpu.memory_space<vmem_shared>>
        tpu.enqueue_indirect_dma source(%arg12 : memref<128x128xf32, #tpu.memory_space<vmem>>) target(%dma_start3A_51 : memref<10240x128xf32, #tpu.memory_space<vmem_shared>>) offsets(%arg10 : memref<128xi32, #tpu.memory_space<vmem>>) semaphore(%run_scoped3A : memref<!tpu.dma_semaphore, #tpu.memory_space<semaphore_mem>>) {add = true}
        %dma_wait3A_52 = arith.constant 0 : i32
        %dma_wait3A_53 = arith.constant 0 : i32
        %dma_wait3A_54 = tpu.memref_slice %arg13[%dma_wait3A_52, %dma_wait3A_53] : memref<10240x128xf32, #tpu.memory_space<vmem_shared>> -> memref<10240x128xf32, #tpu.memory_space<vmem_shared>>
        tpu.wait_indirect_dma semaphore(%run_scoped3A : memref<!tpu.dma_semaphore, #tpu.memory_space<semaphore_mem>>) src(%arg12 : memref<128x128xf32, #tpu.memory_space<vmem>>) dst(%dma_wait3A_54 : memref<10240x128xf32, #tpu.memory_space<vmem_shared>>)
        tpu.yield
      }) : () -> ()
    }
    %scan3A_13 = arith.constant 20 : i32
    %dma_wait3A = arith.constant 0 : i32
    %dma_wait3A_14 = arith.constant 0 : i32
    %dma_wait3A_15 = tpu.memref_slice %arg2[%dma_wait3A, %dma_wait3A_14] : memref<10240x128xf32, #tpu.memory_space<hbm>> -> memref<10240x128xf32, #tpu.memory_space<hbm>>
    tpu.wait_indirect_dma semaphore(%arg14 : memref<!tpu.dma_semaphore, #tpu.memory_space<semaphore_mem>>) src(%dma_wait3A_15 : memref<10240x128xf32, #tpu.memory_space<hbm>>) dst(%arg11 : memref<128x128xf32, #tpu.memory_space<vmem>>)
    %barrier3A_16 = arith.constant 0 : index
    tpu.barrier barrier_id(%barrier3A_16)
    %mul3A_17 = arith.constant 640 : i32
    %mul3A_18 = arith.muli %arg1, %mul3A_17 : i32
    %mul3A_19 = arith.constant 640 : i32
    %mul3A_20 = arith.muli %arg1, %mul3A_19 : i32
    "tpu.region"() ({
      %run_scoped3A = tpu.sem_alloc : memref<!tpu.dma_semaphore, #tpu.memory_space<semaphore_mem>>
      %dma_start3A_21 = arith.constant 0 : i32
      %dma_start3A_22 = tpu.memref_slice %arg6[%arg0, %mul3A_20, %dma_start3A_21] : memref<2x10240x128xf32, #tpu.memory_space<hbm>> -> memref<1x640x128xf32, #tpu.memory_space<hbm>>
      %dma_start3A_23 = tpu.memref_squeeze %dma_start3A_22 : memref<1x640x128xf32, #tpu.memory_space<hbm>> -> memref<640x128xf32, #tpu.memory_space<hbm>>
      %dma_start3A_24 = arith.constant 0 : i32
      %dma_start3A_25 = tpu.memref_slice %arg13[%mul3A_18, %dma_start3A_24] : memref<10240x128xf32, #tpu.memory_space<vmem_shared>> -> memref<640x128xf32, #tpu.memory_space<vmem_shared>>
      tpu.enqueue_dma source(%dma_start3A_25 : memref<640x128xf32, #tpu.memory_space<vmem_shared>>) target(%dma_start3A_23 : memref<640x128xf32, #tpu.memory_space<hbm>>) target_semaphore(%run_scoped3A : memref<!tpu.dma_semaphore, #tpu.memory_space<semaphore_mem>>)
      %dma_wait3A_26 = arith.constant 0 : i32
      %dma_wait3A_27 = tpu.memref_slice %arg6[%arg0, %mul3A_20, %dma_wait3A_26] : memref<2x10240x128xf32, #tpu.memory_space<hbm>> -> memref<1x640x128xf32, #tpu.memory_space<hbm>>
      %dma_wait3A_28 = tpu.memref_squeeze %dma_wait3A_27 : memref<1x640x128xf32, #tpu.memory_space<hbm>> -> memref<640x128xf32, #tpu.memory_space<hbm>>
      %dma_wait3A_29 = arith.constant 0 : i32
      %dma_wait3A_30 = tpu.memref_slice %arg13[%mul3A_18, %dma_wait3A_29] : memref<10240x128xf32, #tpu.memory_space<vmem_shared>> -> memref<640x128xf32, #tpu.memory_space<vmem_shared>>
      tpu.wait_dma2 semaphore(%run_scoped3A : memref<!tpu.dma_semaphore, #tpu.memory_space<semaphore_mem>>) src(%dma_wait3A_30 : memref<640x128xf32, #tpu.memory_space<vmem_shared>>) dst(%dma_wait3A_28 : memref<640x128xf32, #tpu.memory_space<hbm>>)
      tpu.yield
    }) : () -> ()
    return
  }
}

#map = affine_map<(d0, d1) -> (0, 0)>
#map1 = affine_map<(d0, d1) -> (0)>
#map2 = affine_map<(d0, d1) -> (0, 0, 0)>
module attributes {stable_mosaic.version = 14 : i64} {
  func.func @edge_gcn(%arg0: i32, %arg1: i32, %arg2: memref<10240x128xf32, #tpu.memory_space<hbm>>, %arg3: memref<163840xi32, #tpu.memory_space<hbm>>, %arg4: memref<163840xi32, #tpu.memory_space<hbm>>, %arg5: memref<10240x128xf32, #tpu.memory_space<hbm>>, %arg6: memref<2x10240x128xf32, #tpu.memory_space<hbm>>, %arg7: memref<128xi32, #tpu.memory_space<vmem>>, %arg8: memref<128xi32, #tpu.memory_space<vmem>>, %arg9: memref<128xi32, #tpu.memory_space<vmem>>, %arg10: memref<128xi32, #tpu.memory_space<vmem>>, %arg11: memref<128x128xf32, #tpu.memory_space<vmem>>, %arg12: memref<128x128xf32, #tpu.memory_space<vmem>>, %arg13: memref<10240x128xf32, #tpu.memory_space<vmem_shared>>, %arg14: memref<!tpu.dma_semaphore, #tpu.memory_space<semaphore_mem>>, %arg15: memref<!tpu.dma_semaphore, #tpu.memory_space<semaphore_mem>>) attributes {dimension_semantics = [#tpu.dimension_semantics<core_parallel>, #tpu.dimension_semantics<subcore_parallel>], iteration_bounds = array<i64: 2, 16>, scalar_prefetch = 0 : i64, scratch_operands = 9 : i64, tpu.core_type = #tpu.core_type<sc_vector_subcore>, window_params = [{transform_indices = #map}, {transform_indices = #map1}, {transform_indices = #map1}, {transform_indices = #map}, {transform_indices = #map2}]} {
    %mul3A = arith.constant 2 : i32
    %mul3A_0 = arith.muli %arg1, %mul3A : i32
    %add3A = arith.addi %mul3A_0, %arg0 : i32
    %mul3A_1 = arith.constant 640 : i32
    %mul3A_2 = arith.muli %arg1, %mul3A_1 : i32
    %mul3A_3 = arith.constant 640 : i32
    %mul3A_4 = arith.muli %arg1, %mul3A_3 : i32
    "tpu.region"() ({
      %run_scoped3A = tpu.sem_alloc : memref<!tpu.dma_semaphore, #tpu.memory_space<semaphore_mem>>
      %dma_start3A_21 = arith.constant 0 : i32
      %dma_start3A_22 = tpu.memref_slice %arg13[%mul3A_4, %dma_start3A_21] : memref<10240x128xf32, #tpu.memory_space<vmem_shared>> -> memref<640x128xf32, #tpu.memory_space<vmem_shared>>
      %dma_start3A_23 = arith.constant 0 : i32
      %dma_start3A_24 = tpu.memref_slice %arg5[%mul3A_2, %dma_start3A_23] : memref<10240x128xf32, #tpu.memory_space<hbm>> -> memref<640x128xf32, #tpu.memory_space<hbm>>
      tpu.enqueue_dma source(%dma_start3A_24 : memref<640x128xf32, #tpu.memory_space<hbm>>) target(%dma_start3A_22 : memref<640x128xf32, #tpu.memory_space<vmem_shared>>) target_semaphore(%run_scoped3A : memref<!tpu.dma_semaphore, #tpu.memory_space<semaphore_mem>>)
      %dma_wait3A_25 = arith.constant 0 : i32
      %dma_wait3A_26 = tpu.memref_slice %arg13[%mul3A_4, %dma_wait3A_25] : memref<10240x128xf32, #tpu.memory_space<vmem_shared>> -> memref<640x128xf32, #tpu.memory_space<vmem_shared>>
      %dma_wait3A_27 = arith.constant 0 : i32
      %dma_wait3A_28 = tpu.memref_slice %arg5[%mul3A_2, %dma_wait3A_27] : memref<10240x128xf32, #tpu.memory_space<hbm>> -> memref<640x128xf32, #tpu.memory_space<hbm>>
      tpu.wait_dma2 semaphore(%run_scoped3A : memref<!tpu.dma_semaphore, #tpu.memory_space<semaphore_mem>>) src(%dma_wait3A_28 : memref<640x128xf32, #tpu.memory_space<hbm>>) dst(%dma_wait3A_26 : memref<640x128xf32, #tpu.memory_space<vmem_shared>>)
      tpu.yield
    }) : () -> ()
    %barrier3A = arith.constant 0 : index
    tpu.barrier barrier_id(%barrier3A)
    %mul3A_5 = arith.constant 5120 : i32
    %mul3A_6 = arith.muli %add3A, %mul3A_5 : i32
    "tpu.region"() ({
      %run_scoped3A = tpu.sem_alloc : memref<!tpu.dma_semaphore, #tpu.memory_space<semaphore_mem>>
      %dma_start3A_21 = tpu.memref_slice %arg3[%mul3A_6] : memref<163840xi32, #tpu.memory_space<hbm>> -> memref<128xi32, #tpu.memory_space<hbm>>
      %dma_start3A_22 = tpu.memref_slice %arg3[%mul3A_6] : memref<163840xi32, #tpu.memory_space<hbm>> -> memref<128xi32, #tpu.memory_space<hbm>>
      tpu.enqueue_dma source(%dma_start3A_22 : memref<128xi32, #tpu.memory_space<hbm>>) target(%arg7 : memref<128xi32, #tpu.memory_space<vmem>>) target_semaphore(%run_scoped3A : memref<!tpu.dma_semaphore, #tpu.memory_space<semaphore_mem>>)
      %dma_wait3A_23 = tpu.memref_slice %arg3[%mul3A_6] : memref<163840xi32, #tpu.memory_space<hbm>> -> memref<128xi32, #tpu.memory_space<hbm>>
      %dma_wait3A_24 = tpu.memref_slice %arg3[%mul3A_6] : memref<163840xi32, #tpu.memory_space<hbm>> -> memref<128xi32, #tpu.memory_space<hbm>>
      tpu.wait_dma2 semaphore(%run_scoped3A : memref<!tpu.dma_semaphore, #tpu.memory_space<semaphore_mem>>) src(%dma_wait3A_24 : memref<128xi32, #tpu.memory_space<hbm>>) dst(%arg7 : memref<128xi32, #tpu.memory_space<vmem>>)
      tpu.yield
    }) : () -> ()
    "tpu.region"() ({
      %run_scoped3A = tpu.sem_alloc : memref<!tpu.dma_semaphore, #tpu.memory_space<semaphore_mem>>
      %dma_start3A_21 = tpu.memref_slice %arg4[%mul3A_6] : memref<163840xi32, #tpu.memory_space<hbm>> -> memref<128xi32, #tpu.memory_space<hbm>>
      %dma_start3A_22 = tpu.memref_slice %arg4[%mul3A_6] : memref<163840xi32, #tpu.memory_space<hbm>> -> memref<128xi32, #tpu.memory_space<hbm>>
      tpu.enqueue_dma source(%dma_start3A_22 : memref<128xi32, #tpu.memory_space<hbm>>) target(%arg8 : memref<128xi32, #tpu.memory_space<vmem>>) target_semaphore(%run_scoped3A : memref<!tpu.dma_semaphore, #tpu.memory_space<semaphore_mem>>)
      %dma_wait3A_23 = tpu.memref_slice %arg4[%mul3A_6] : memref<163840xi32, #tpu.memory_space<hbm>> -> memref<128xi32, #tpu.memory_space<hbm>>
      %dma_wait3A_24 = tpu.memref_slice %arg4[%mul3A_6] : memref<163840xi32, #tpu.memory_space<hbm>> -> memref<128xi32, #tpu.memory_space<hbm>>
      tpu.wait_dma2 semaphore(%run_scoped3A : memref<!tpu.dma_semaphore, #tpu.memory_space<semaphore_mem>>) src(%dma_wait3A_24 : memref<128xi32, #tpu.memory_space<hbm>>) dst(%arg8 : memref<128xi32, #tpu.memory_space<vmem>>)
      tpu.yield
    }) : () -> ()
    %dma_start3A = arith.constant 0 : i32
    %dma_start3A_7 = arith.constant 0 : i32
    %dma_start3A_8 = tpu.memref_slice %arg2[%dma_start3A, %dma_start3A_7] : memref<10240x128xf32, #tpu.memory_space<hbm>> -> memref<10240x128xf32, #tpu.memory_space<hbm>>
    tpu.enqueue_indirect_dma source(%dma_start3A_8 : memref<10240x128xf32, #tpu.memory_space<hbm>>) target(%arg11 : memref<128x128xf32, #tpu.memory_space<vmem>>) offsets(%arg7 : memref<128xi32, #tpu.memory_space<vmem>>) semaphore(%arg14 : memref<!tpu.dma_semaphore, #tpu.memory_space<semaphore_mem>>)
    %scan3A = arith.constant 0 : i32
    %scan3A_9 = arith.constant 0 : i32
    %scan3A_10 = arith.constant 20 : i32
    %scan3A_11 = arith.addi %scan3A_9, %scan3A_10 : i32
    %scan3A_12 = arith.constant 1 : i32
    scf.for %scan3A_21 = %scan3A_9 to %scan3A_11 step %scan3A_12  : i32 {
      %mul3A_22 = arith.constant 2 : i32
      %mul3A_23 = arith.muli %mul3A_22, %scan3A_21 : i32
      %add3A_24 = arith.constant 1 : i32
      %add3A_25 = arith.addi %mul3A_23, %add3A_24 : i32
      %mul3A_26 = arith.constant 128 : i32
      %mul3A_27 = arith.muli %add3A_25, %mul3A_26 : i32
      %add3A_28 = arith.addi %mul3A_6, %mul3A_27 : i32
      %mul3A_29 = arith.constant 2 : i32
      %mul3A_30 = arith.muli %mul3A_29, %scan3A_21 : i32
      %add3A_31 = arith.constant 2 : i32
      %add3A_32 = arith.addi %mul3A_30, %add3A_31 : i32
      %mul3A_33 = arith.constant 128 : i32
      %mul3A_34 = arith.muli %add3A_32, %mul3A_33 : i32
      %add3A_35 = arith.addi %mul3A_6, %mul3A_34 : i32
      %min3A = arith.constant 163712 : i32
      %min3A_36 = arith.minsi %add3A_35, %min3A : i32
      "tpu.region"() ({
        %run_scoped3A = tpu.sem_alloc : memref<!tpu.dma_semaphore, #tpu.memory_space<semaphore_mem>>
        %dma_start3A_49 = tpu.memref_slice %arg3[%add3A_28] : memref<163840xi32, #tpu.memory_space<hbm>> -> memref<128xi32, #tpu.memory_space<hbm>>
        %dma_start3A_50 = tpu.memref_slice %arg3[%add3A_28] : memref<163840xi32, #tpu.memory_space<hbm>> -> memref<128xi32, #tpu.memory_space<hbm>>
        tpu.enqueue_dma source(%dma_start3A_50 : memref<128xi32, #tpu.memory_space<hbm>>) target(%arg9 : memref<128xi32, #tpu.memory_space<vmem>>) target_semaphore(%run_scoped3A : memref<!tpu.dma_semaphore, #tpu.memory_space<semaphore_mem>>)
        %dma_wait3A_51 = tpu.memref_slice %arg3[%add3A_28] : memref<163840xi32, #tpu.memory_space<hbm>> -> memref<128xi32, #tpu.memory_space<hbm>>
        %dma_wait3A_52 = tpu.memref_slice %arg3[%add3A_28] : memref<163840xi32, #tpu.memory_space<hbm>> -> memref<128xi32, #tpu.memory_space<hbm>>
        tpu.wait_dma2 semaphore(%run_scoped3A : memref<!tpu.dma_semaphore, #tpu.memory_space<semaphore_mem>>) src(%dma_wait3A_52 : memref<128xi32, #tpu.memory_space<hbm>>) dst(%arg9 : memref<128xi32, #tpu.memory_space<vmem>>)
        tpu.yield
      }) : () -> ()
      "tpu.region"() ({
        %run_scoped3A = tpu.sem_alloc : memref<!tpu.dma_semaphore, #tpu.memory_space<semaphore_mem>>
        %dma_start3A_49 = tpu.memref_slice %arg4[%add3A_28] : memref<163840xi32, #tpu.memory_space<hbm>> -> memref<128xi32, #tpu.memory_space<hbm>>
        %dma_start3A_50 = tpu.memref_slice %arg4[%add3A_28] : memref<163840xi32, #tpu.memory_space<hbm>> -> memref<128xi32, #tpu.memory_space<hbm>>
        tpu.enqueue_dma source(%dma_start3A_50 : memref<128xi32, #tpu.memory_space<hbm>>) target(%arg10 : memref<128xi32, #tpu.memory_space<vmem>>) target_semaphore(%run_scoped3A : memref<!tpu.dma_semaphore, #tpu.memory_space<semaphore_mem>>)
        %dma_wait3A_51 = tpu.memref_slice %arg4[%add3A_28] : memref<163840xi32, #tpu.memory_space<hbm>> -> memref<128xi32, #tpu.memory_space<hbm>>
        %dma_wait3A_52 = tpu.memref_slice %arg4[%add3A_28] : memref<163840xi32, #tpu.memory_space<hbm>> -> memref<128xi32, #tpu.memory_space<hbm>>
        tpu.wait_dma2 semaphore(%run_scoped3A : memref<!tpu.dma_semaphore, #tpu.memory_space<semaphore_mem>>) src(%dma_wait3A_52 : memref<128xi32, #tpu.memory_space<hbm>>) dst(%arg10 : memref<128xi32, #tpu.memory_space<vmem>>)
        tpu.yield
      }) : () -> ()
      %dma_start3A_37 = arith.constant 0 : i32
      %dma_start3A_38 = arith.constant 0 : i32
      %dma_start3A_39 = tpu.memref_slice %arg2[%dma_start3A_37, %dma_start3A_38] : memref<10240x128xf32, #tpu.memory_space<hbm>> -> memref<10240x128xf32, #tpu.memory_space<hbm>>
      tpu.enqueue_indirect_dma source(%dma_start3A_39 : memref<10240x128xf32, #tpu.memory_space<hbm>>) target(%arg12 : memref<128x128xf32, #tpu.memory_space<vmem>>) offsets(%arg9 : memref<128xi32, #tpu.memory_space<vmem>>) semaphore(%arg15 : memref<!tpu.dma_semaphore, #tpu.memory_space<semaphore_mem>>)
      %dma_wait3A_40 = arith.constant 0 : i32
      %dma_wait3A_41 = arith.constant 0 : i32
      %dma_wait3A_42 = tpu.memref_slice %arg2[%dma_wait3A_40, %dma_wait3A_41] : memref<10240x128xf32, #tpu.memory_space<hbm>> -> memref<10240x128xf32, #tpu.memory_space<hbm>>
      tpu.wait_indirect_dma semaphore(%arg14 : memref<!tpu.dma_semaphore, #tpu.memory_space<semaphore_mem>>) src(%dma_wait3A_42 : memref<10240x128xf32, #tpu.memory_space<hbm>>) dst(%arg11 : memref<128x128xf32, #tpu.memory_space<vmem>>)
      "tpu.region"() ({
        %run_scoped3A = tpu.sem_alloc : memref<!tpu.dma_semaphore, #tpu.memory_space<semaphore_mem>>
        %dma_start3A_49 = arith.constant 0 : i32
        %dma_start3A_50 = arith.constant 0 : i32
        %dma_start3A_51 = tpu.memref_slice %arg13[%dma_start3A_49, %dma_start3A_50] : memref<10240x128xf32, #tpu.memory_space<vmem_shared>> -> memref<10240x128xf32, #tpu.memory_space<vmem_shared>>
        tpu.enqueue_indirect_dma source(%arg11 : memref<128x128xf32, #tpu.memory_space<vmem>>) target(%dma_start3A_51 : memref<10240x128xf32, #tpu.memory_space<vmem_shared>>) offsets(%arg8 : memref<128xi32, #tpu.memory_space<vmem>>) semaphore(%run_scoped3A : memref<!tpu.dma_semaphore, #tpu.memory_space<semaphore_mem>>) {add = true}
        %dma_wait3A_52 = arith.constant 0 : i32
        %dma_wait3A_53 = arith.constant 0 : i32
        %dma_wait3A_54 = tpu.memref_slice %arg13[%dma_wait3A_52, %dma_wait3A_53] : memref<10240x128xf32, #tpu.memory_space<vmem_shared>> -> memref<10240x128xf32, #tpu.memory_space<vmem_shared>>
        tpu.wait_indirect_dma semaphore(%run_scoped3A : memref<!tpu.dma_semaphore, #tpu.memory_space<semaphore_mem>>) src(%arg11 : memref<128x128xf32, #tpu.memory_space<vmem>>) dst(%dma_wait3A_54 : memref<10240x128xf32, #tpu.memory_space<vmem_shared>>)
        tpu.yield
      }) : () -> ()
      "tpu.region"() ({
        %run_scoped3A = tpu.sem_alloc : memref<!tpu.dma_semaphore, #tpu.memory_space<semaphore_mem>>
        %dma_start3A_49 = tpu.memref_slice %arg3[%min3A_36] : memref<163840xi32, #tpu.memory_space<hbm>> -> memref<128xi32, #tpu.memory_space<hbm>>
        %dma_start3A_50 = tpu.memref_slice %arg3[%min3A_36] : memref<163840xi32, #tpu.memory_space<hbm>> -> memref<128xi32, #tpu.memory_space<hbm>>
        tpu.enqueue_dma source(%dma_start3A_50 : memref<128xi32, #tpu.memory_space<hbm>>) target(%arg7 : memref<128xi32, #tpu.memory_space<vmem>>) target_semaphore(%run_scoped3A : memref<!tpu.dma_semaphore, #tpu.memory_space<semaphore_mem>>)
        %dma_wait3A_51 = tpu.memref_slice %arg3[%min3A_36] : memref<163840xi32, #tpu.memory_space<hbm>> -> memref<128xi32, #tpu.memory_space<hbm>>
        %dma_wait3A_52 = tpu.memref_slice %arg3[%min3A_36] : memref<163840xi32, #tpu.memory_space<hbm>> -> memref<128xi32, #tpu.memory_space<hbm>>
        tpu.wait_dma2 semaphore(%run_scoped3A : memref<!tpu.dma_semaphore, #tpu.memory_space<semaphore_mem>>) src(%dma_wait3A_52 : memref<128xi32, #tpu.memory_space<hbm>>) dst(%arg7 : memref<128xi32, #tpu.memory_space<vmem>>)
        tpu.yield
      }) : () -> ()
      "tpu.region"() ({
        %run_scoped3A = tpu.sem_alloc : memref<!tpu.dma_semaphore, #tpu.memory_space<semaphore_mem>>
        %dma_start3A_49 = tpu.memref_slice %arg4[%min3A_36] : memref<163840xi32, #tpu.memory_space<hbm>> -> memref<128xi32, #tpu.memory_space<hbm>>
        %dma_start3A_50 = tpu.memref_slice %arg4[%min3A_36] : memref<163840xi32, #tpu.memory_space<hbm>> -> memref<128xi32, #tpu.memory_space<hbm>>
        tpu.enqueue_dma source(%dma_start3A_50 : memref<128xi32, #tpu.memory_space<hbm>>) target(%arg8 : memref<128xi32, #tpu.memory_space<vmem>>) target_semaphore(%run_scoped3A : memref<!tpu.dma_semaphore, #tpu.memory_space<semaphore_mem>>)
        %dma_wait3A_51 = tpu.memref_slice %arg4[%min3A_36] : memref<163840xi32, #tpu.memory_space<hbm>> -> memref<128xi32, #tpu.memory_space<hbm>>
        %dma_wait3A_52 = tpu.memref_slice %arg4[%min3A_36] : memref<163840xi32, #tpu.memory_space<hbm>> -> memref<128xi32, #tpu.memory_space<hbm>>
        tpu.wait_dma2 semaphore(%run_scoped3A : memref<!tpu.dma_semaphore, #tpu.memory_space<semaphore_mem>>) src(%dma_wait3A_52 : memref<128xi32, #tpu.memory_space<hbm>>) dst(%arg8 : memref<128xi32, #tpu.memory_space<vmem>>)
        tpu.yield
      }) : () -> ()
      %dma_start3A_43 = arith.constant 0 : i32
      %dma_start3A_44 = arith.constant 0 : i32
      %dma_start3A_45 = tpu.memref_slice %arg2[%dma_start3A_43, %dma_start3A_44] : memref<10240x128xf32, #tpu.memory_space<hbm>> -> memref<10240x128xf32, #tpu.memory_space<hbm>>
      tpu.enqueue_indirect_dma source(%dma_start3A_45 : memref<10240x128xf32, #tpu.memory_space<hbm>>) target(%arg11 : memref<128x128xf32, #tpu.memory_space<vmem>>) offsets(%arg7 : memref<128xi32, #tpu.memory_space<vmem>>) semaphore(%arg14 : memref<!tpu.dma_semaphore, #tpu.memory_space<semaphore_mem>>)
      %dma_wait3A_46 = arith.constant 0 : i32
      %dma_wait3A_47 = arith.constant 0 : i32
      %dma_wait3A_48 = tpu.memref_slice %arg2[%dma_wait3A_46, %dma_wait3A_47] : memref<10240x128xf32, #tpu.memory_space<hbm>> -> memref<10240x128xf32, #tpu.memory_space<hbm>>
      tpu.wait_indirect_dma semaphore(%arg15 : memref<!tpu.dma_semaphore, #tpu.memory_space<semaphore_mem>>) src(%dma_wait3A_48 : memref<10240x128xf32, #tpu.memory_space<hbm>>) dst(%arg12 : memref<128x128xf32, #tpu.memory_space<vmem>>)
      "tpu.region"() ({
        %run_scoped3A = tpu.sem_alloc : memref<!tpu.dma_semaphore, #tpu.memory_space<semaphore_mem>>
        %dma_start3A_49 = arith.constant 0 : i32
        %dma_start3A_50 = arith.constant 0 : i32
        %dma_start3A_51 = tpu.memref_slice %arg13[%dma_start3A_49, %dma_start3A_50] : memref<10240x128xf32, #tpu.memory_space<vmem_shared>> -> memref<10240x128xf32, #tpu.memory_space<vmem_shared>>
        tpu.enqueue_indirect_dma source(%arg12 : memref<128x128xf32, #tpu.memory_space<vmem>>) target(%dma_start3A_51 : memref<10240x128xf32, #tpu.memory_space<vmem_shared>>) offsets(%arg10 : memref<128xi32, #tpu.memory_space<vmem>>) semaphore(%run_scoped3A : memref<!tpu.dma_semaphore, #tpu.memory_space<semaphore_mem>>) {add = true}
        %dma_wait3A_52 = arith.constant 0 : i32
        %dma_wait3A_53 = arith.constant 0 : i32
        %dma_wait3A_54 = tpu.memref_slice %arg13[%dma_wait3A_52, %dma_wait3A_53] : memref<10240x128xf32, #tpu.memory_space<vmem_shared>> -> memref<10240x128xf32, #tpu.memory_space<vmem_shared>>
        tpu.wait_indirect_dma semaphore(%run_scoped3A : memref<!tpu.dma_semaphore, #tpu.memory_space<semaphore_mem>>) src(%arg12 : memref<128x128xf32, #tpu.memory_space<vmem>>) dst(%dma_wait3A_54 : memref<10240x128xf32, #tpu.memory_space<vmem_shared>>)
        tpu.yield
      }) : () -> ()
    }
    %scan3A_13 = arith.constant 20 : i32
    %dma_wait3A = arith.constant 0 : i32
    %dma_wait3A_14 = arith.constant 0 : i32
    %dma_wait3A_15 = tpu.memref_slice %arg2[%dma_wait3A, %dma_wait3A_14] : memref<10240x128xf32, #tpu.memory_space<hbm>> -> memref<10240x128xf32, #tpu.memory_space<hbm>>
    tpu.wait_indirect_dma semaphore(%arg14 : memref<!tpu.dma_semaphore, #tpu.memory_space<semaphore_mem>>) src(%dma_wait3A_15 : memref<10240x128xf32, #tpu.memory_space<hbm>>) dst(%arg11 : memref<128x128xf32, #tpu.memory_space<vmem>>)
    %barrier3A_16 = arith.constant 0 : index
    tpu.barrier barrier_id(%barrier3A_16)
    %mul3A_17 = arith.constant 640 : i32
    %mul3A_18 = arith.muli %arg1, %mul3A_17 : i32
    %mul3A_19 = arith.constant 640 : i32
    %mul3A_20 = arith.muli %arg1, %mul3A_19 : i32
    "tpu.region"() ({
      %run_scoped3A = tpu.sem_alloc : memref<!tpu.dma_semaphore, #tpu.memory_space<semaphore_mem>>
      %dma_start3A_21 = arith.constant 0 : i32
      %dma_start3A_22 = tpu.memref_slice %arg6[%arg0, %mul3A_20, %dma_start3A_21] : memref<2x10240x128xf32, #tpu.memory_space<hbm>> -> memref<1x640x128xf32, #tpu.memory_space<hbm>>
      %dma_start3A_23 = tpu.memref_squeeze %dma_start3A_22 : memref<1x640x128xf32, #tpu.memory_space<hbm>> -> memref<640x128xf32, #tpu.memory_space<hbm>>
      %dma_start3A_24 = arith.constant 0 : i32
      %dma_start3A_25 = tpu.memref_slice %arg13[%mul3A_18, %dma_start3A_24] : memref<10240x128xf32, #tpu.memory_space<vmem_shared>> -> memref<640x128xf32, #tpu.memory_space<vmem_shared>>
      tpu.enqueue_dma source(%dma_start3A_25 : memref<640x128xf32, #tpu.memory_space<vmem_shared>>) target(%dma_start3A_23 : memref<640x128xf32, #tpu.memory_space<hbm>>) target_semaphore(%run_scoped3A : memref<!tpu.dma_semaphore, #tpu.memory_space<semaphore_mem>>)
      %dma_wait3A_26 = arith.constant 0 : i32
      %dma_wait3A_27 = tpu.memref_slice %arg6[%arg0, %mul3A_20, %dma_wait3A_26] : memref<2x10240x128xf32, #tpu.memory_space<hbm>> -> memref<1x640x128xf32, #tpu.memory_space<hbm>>
      %dma_wait3A_28 = tpu.memref_squeeze %dma_wait3A_27 : memref<1x640x128xf32, #tpu.memory_space<hbm>> -> memref<640x128xf32, #tpu.memory_space<hbm>>
      %dma_wait3A_29 = arith.constant 0 : i32
      %dma_wait3A_30 = tpu.memref_slice %arg13[%mul3A_18, %dma_wait3A_29] : memref<10240x128xf32, #tpu.memory_space<vmem_shared>> -> memref<640x128xf32, #tpu.memory_space<vmem_shared>>
      tpu.wait_dma2 semaphore(%run_scoped3A : memref<!tpu.dma_semaphore, #tpu.memory_space<semaphore_mem>>) src(%dma_wait3A_30 : memref<640x128xf32, #tpu.memory_space<vmem_shared>>) dst(%dma_wait3A_28 : memref<640x128xf32, #tpu.memory_space<hbm>>)
      tpu.yield
    }) : () -> ()
    return
  }
}

module attributes {stable_mosaic.version = 14 : i64} {
  func.func @_mm_kernel(%arg0: i32, %arg1: i32, %arg2: i32, %arg3: memref<1024x128xf32, #tpu.memory_space<vmem>>, %arg4: memref<128x128xf32, #tpu.memory_space<vmem>>, %arg5: memref<1024x128xf32, #tpu.memory_space<vmem>>, %arg6: memref<1024x128xf32, #tpu.memory_space<vmem>>) attributes {dimension_semantics = [#tpu.dimension_semantics<arbitrary>, #tpu.dimension_semantics<arbitrary>, #tpu.dimension_semantics<arbitrary>], iteration_bounds = array<i64: 10, 1, 1>, scalar_prefetch = 0 : i64, scratch_operands = 1 : i64, tpu.core_type = #tpu.core_type<tc>, window_params = [{transform_indices = @transform_0, window_bounds = array<i64: 1024, 128>}, {transform_indices = @transform_1, window_bounds = array<i64: 128, 128>}, {transform_indices = @transform_2, window_bounds = array<i64: 1024, 128>}]} {
    %eq3A = arith.constant 0 : i32
    %eq3A_0 = arith.cmpi eq, %arg2, %eq3A : i32
    %convert_element_type3A = arith.extui %eq3A_0 : i1 to i32
    %cond3A = arith.constant 0 : i32
    %cond3A_1 = arith.cmpi ne, %convert_element_type3A, %cond3A : i32
    scf.if %cond3A_1 {
      %broadcast_in_dim3A = arith.constant 0.000000e+00 : f32
      %broadcast_in_dim3A_18 = vector.broadcast %broadcast_in_dim3A : f32 to vector<1024x128xf32>
      %swap3A_19 = arith.constant 0 : index
      %swap3A_20 = arith.constant 0 : index
      %swap3A_21 = vector.load %arg6[%swap3A_19, %swap3A_20] : memref<1024x128xf32, #tpu.memory_space<vmem>>, vector<1024x128xf32>
      tpu.vector_store %arg6[%swap3A_19, %swap3A_20], %broadcast_in_dim3A_18 {strides = array<i32>} : memref<1024x128xf32, #tpu.memory_space<vmem>>, vector<1024x128xf32>,
    } else {
    }
    %get3A = arith.constant 0 : index
    %get3A_2 = arith.constant 0 : index
    %get3A_3 = vector.load %arg3[%get3A, %get3A_2] : memref<1024x128xf32, #tpu.memory_space<vmem>>, vector<1024x128xf32>
    %get3A_4 = arith.constant 0 : index
    %get3A_5 = arith.constant 0 : index
    %get3A_6 = vector.load %arg4[%get3A_4, %get3A_5] : memref<128x128xf32, #tpu.memory_space<vmem>>, vector<128x128xf32>
    %get3A_7 = arith.constant 0 : index
    %get3A_8 = arith.constant 0 : index
    %get3A_9 = vector.load %arg6[%get3A_7, %get3A_8] : memref<1024x128xf32, #tpu.memory_space<vmem>>, vector<1024x128xf32>
    %dot_general3A = arith.constant dense<0.000000e+00> : vector<1024x128xf32>
    %dot_general3A_10 = tpu.matmul %get3A_3, %get3A_6, %dot_general3A {dimension_numbers = #tpu.dot_dimension_numbers<[1], [0], [0], [1], [0, 0, 1, 1], [], []>, transpose_lhs_hint = false} : vector<1024x128xf32>, vector<128x128xf32>, vector<1024x128xf32> -> vector<1024x128xf32>
    %add3A = arith.addf %get3A_9, %dot_general3A_10 : vector<1024x128xf32>
    %swap3A = arith.constant 0 : index
    %swap3A_11 = arith.constant 0 : index
    %swap3A_12 = vector.load %arg6[%swap3A, %swap3A_11] : memref<1024x128xf32, #tpu.memory_space<vmem>>, vector<1024x128xf32>
    tpu.vector_store %arg6[%swap3A, %swap3A_11], %add3A {strides = array<i32>} : memref<1024x128xf32, #tpu.memory_space<vmem>>, vector<1024x128xf32>,
    %eq3A_13 = arith.constant 0 : i32
    %eq3A_14 = arith.cmpi eq, %arg2, %eq3A_13 : i32
    %convert_element_type3A_15 = arith.extui %eq3A_14 : i1 to i32
    %cond3A_16 = arith.constant 0 : i32
    %cond3A_17 = arith.cmpi ne, %convert_element_type3A_15, %cond3A_16 : i32
    scf.if %cond3A_17 {
      %get3A_18 = arith.constant 0 : index
      %get3A_19 = arith.constant 0 : index
      %get3A_20 = vector.load %arg6[%get3A_18, %get3A_19] : memref<1024x128xf32, #tpu.memory_space<vmem>>, vector<1024x128xf32>
      %swap3A_21 = arith.constant 0 : index
      %swap3A_22 = arith.constant 0 : index
      %swap3A_23 = vector.load %arg5[%swap3A_21, %swap3A_22] : memref<1024x128xf32, #tpu.memory_space<vmem>>, vector<1024x128xf32>
      tpu.vector_store %arg5[%swap3A_21, %swap3A_22], %get3A_20 {strides = array<i32>} : memref<1024x128xf32, #tpu.memory_space<vmem>>, vector<1024x128xf32>,
    } else {
    }
    return
  }
  func.func @transform_0(%arg0: i32, %arg1: i32, %arg2: i32) -> (i32, i32) {
    %c0_i32 = arith.constant 0 : i32
    return %arg0, %arg2 : i32, i32
  }
  func.func @transform_1(%arg0: i32, %arg1: i32, %arg2: i32) -> (i32, i32) {
    %c0_i32 = arith.constant 0 : i32
    return %arg2, %arg1 : i32, i32
  }
  func.func @transform_2(%arg0: i32, %arg1: i32, %arg2: i32) -> (i32, i32) {
    %c0_i32 = arith.constant 0 : i32
    return %arg0, %arg1 : i32, i32
  }
}

module attributes {stable_mosaic.version = 14 : i64} {
  func.func @_mm_kernel(%arg0: i32, %arg1: i32, %arg2: i32, %arg3: memref<1024x2560xbf16, #tpu.memory_space<vmem>>, %arg4: memref<1024x2560xbf16, #tpu.memory_space<vmem>>, %arg5: memref<1024x1024xbf16, #tpu.memory_space<vmem>>, %arg6: memref<1024x1024xf32, #tpu.memory_space<vmem>>) attributes {dimension_semantics = [#tpu.dimension_semantics<arbitrary>, #tpu.dimension_semantics<arbitrary>, #tpu.dimension_semantics<arbitrary>], iteration_bounds = array<i64: 5, 5, 4>, scalar_prefetch = 0 : i64, scratch_operands = 1 : i64, tpu.core_type = #tpu.core_type<tc>, window_params = [{transform_indices = @transform_0, window_bounds = array<i64: 1024, 2560>}, {transform_indices = @transform_1, window_bounds = array<i64: 1024, 2560>}, {transform_indices = @transform_2, window_bounds = array<i64: 1024, 1024>}]} {
    %eq3A = arith.constant 0 : i32
    %eq3A_0 = arith.cmpi eq, %arg2, %eq3A : i32
    %convert_element_type3A = arith.extui %eq3A_0 : i1 to i32
    %cond3A = arith.constant 0 : i32
    %cond3A_1 = arith.cmpi ne, %convert_element_type3A, %cond3A : i32
    scf.if %cond3A_1 {
      %broadcast_in_dim3A = arith.constant 0.000000e+00 : f32
      %broadcast_in_dim3A_18 = vector.broadcast %broadcast_in_dim3A : f32 to vector<1024x1024xf32>
      %swap3A_19 = arith.constant 0 : index
      %swap3A_20 = arith.constant 0 : index
      %swap3A_21 = vector.load %arg6[%swap3A_19, %swap3A_20] : memref<1024x1024xf32, #tpu.memory_space<vmem>>, vector<1024x1024xf32>
      tpu.vector_store %arg6[%swap3A_19, %swap3A_20], %broadcast_in_dim3A_18 {strides = array<i32>} : memref<1024x1024xf32, #tpu.memory_space<vmem>>, vector<1024x1024xf32>,
    } else {
    }
    %get3A = arith.constant 0 : index
    %get3A_2 = arith.constant 0 : index
    %get3A_3 = vector.load %arg3[%get3A, %get3A_2] : memref<1024x2560xbf16, #tpu.memory_space<vmem>>, vector<1024x2560xbf16>
    %get3A_4 = arith.constant 0 : index
    %get3A_5 = arith.constant 0 : index
    %get3A_6 = vector.load %arg4[%get3A_4, %get3A_5] : memref<1024x2560xbf16, #tpu.memory_space<vmem>>, vector<1024x2560xbf16>
    %get3A_7 = arith.constant 0 : index
    %get3A_8 = arith.constant 0 : index
    %get3A_9 = vector.load %arg6[%get3A_7, %get3A_8] : memref<1024x1024xf32, #tpu.memory_space<vmem>>, vector<1024x1024xf32>
    %dot_general3A = arith.constant dense<0.000000e+00> : vector<1024x1024xf32>
    %dot_general3A_10 = tpu.matmul %get3A_3, %get3A_6, %dot_general3A {dimension_numbers = #tpu.dot_dimension_numbers<[1], [1], [0], [0], [0, 0, 1, 0], [], []>, transpose_lhs_hint = false} : vector<1024x2560xbf16>, vector<1024x2560xbf16>, vector<1024x1024xf32> -> vector<1024x1024xf32>
    %add3A = arith.addf %get3A_9, %dot_general3A_10 : vector<1024x1024xf32>
    %swap3A = arith.constant 0 : index
    %swap3A_11 = arith.constant 0 : index
    %swap3A_12 = vector.load %arg6[%swap3A, %swap3A_11] : memref<1024x1024xf32, #tpu.memory_space<vmem>>, vector<1024x1024xf32>
    tpu.vector_store %arg6[%swap3A, %swap3A_11], %add3A {strides = array<i32>} : memref<1024x1024xf32, #tpu.memory_space<vmem>>, vector<1024x1024xf32>,
    %eq3A_13 = arith.constant 3 : i32
    %eq3A_14 = arith.cmpi eq, %arg2, %eq3A_13 : i32
    %convert_element_type3A_15 = arith.extui %eq3A_14 : i1 to i32
    %cond3A_16 = arith.constant 0 : i32
    %cond3A_17 = arith.cmpi ne, %convert_element_type3A_15, %cond3A_16 : i32
    scf.if %cond3A_17 {
      %get3A_18 = arith.constant 0 : index
      %get3A_19 = arith.constant 0 : index
      %get3A_20 = vector.load %arg6[%get3A_18, %get3A_19] : memref<1024x1024xf32, #tpu.memory_space<vmem>>, vector<1024x1024xf32>
      %iota3A = tpu.iota {dimensions = array<i32: 0>} : vector<1024x1024xi32>
      %mul3A = arith.constant 1024 : i32
      %mul3A_21 = arith.muli %arg0, %mul3A : i32
      %add3A_22 = vector.broadcast %mul3A_21 : i32 to vector<1024x1024xi32>
      %add3A_23 = arith.addi %iota3A, %add3A_22 : vector<1024x1024xi32>
      %iota3A_24 = tpu.iota {dimensions = array<i32: 1>} : vector<1024x1024xi32>
      %mul3A_25 = arith.constant 1024 : i32
      %mul3A_26 = arith.muli %arg1, %mul3A_25 : i32
      %add3A_27 = vector.broadcast %mul3A_26 : i32 to vector<1024x1024xi32>
      %add3A_28 = arith.addi %iota3A_24, %add3A_27 : vector<1024x1024xi32>
      %eq3A_29 = arith.cmpi eq, %add3A_23, %add3A_28 : vector<1024x1024xi32>
      %lt3A = arith.constant 5000 : i32
      %lt3A_30 = vector.broadcast %lt3A : i32 to vector<1024x1024xi32>
      %lt3A_31 = arith.cmpi slt, %add3A_23, %lt3A_30 : vector<1024x1024xi32>
      %and3A = arith.andi %eq3A_29, %lt3A_31 : vector<1024x1024xi1>
      %jit3A = arith.constant 1.000000e+00 : f32
      %broadcast_in_dim3A = vector.broadcast %jit3A : f32 to vector<1024x1024xf32>
      %select_n3A = arith.select %and3A, %broadcast_in_dim3A, %get3A_20 : vector<1024x1024xi1>, vector<1024x1024xf32>
      %convert_element_type3A_32 = arith.truncf %select_n3A : vector<1024x1024xf32> to vector<1024x1024xbf16>
      %swap3A_33 = arith.constant 0 : index
      %swap3A_34 = arith.constant 0 : index
      %swap3A_35 = vector.load %arg5[%swap3A_33, %swap3A_34] : memref<1024x1024xbf16, #tpu.memory_space<vmem>>, vector<1024x1024xbf16>
      tpu.vector_store %arg5[%swap3A_33, %swap3A_34], %convert_element_type3A_32 {strides = array<i32>} : memref<1024x1024xbf16, #tpu.memory_space<vmem>>, vector<1024x1024xbf16>,
    } else {
    }
    return
  }
  func.func @transform_0(%arg0: i32, %arg1: i32, %arg2: i32) -> (i32, i32) {
    %c0_i32 = arith.constant 0 : i32
    return %arg0, %arg2 : i32, i32
  }
  func.func @transform_1(%arg0: i32, %arg1: i32, %arg2: i32) -> (i32, i32) {
    %c0_i32 = arith.constant 0 : i32
    return %arg1, %arg2 : i32, i32
  }
  func.func @transform_2(%arg0: i32, %arg1: i32, %arg2: i32) -> (i32, i32) {
    %c0_i32 = arith.constant 0 : i32
    return %arg0, %arg1 : i32, i32
  }
}

module attributes {stable_mosaic.version = 14 : i64} {
  func.func @_mm_kernel(%arg0: i32, %arg1: i32, %arg2: i32, %arg3: memref<1024x128xf32, #tpu.memory_space<vmem>>, %arg4: memref<128x128xf32, #tpu.memory_space<vmem>>, %arg5: memref<1024x128xf32, #tpu.memory_space<vmem>>, %arg6: memref<1024x128xf32, #tpu.memory_space<vmem>>) attributes {dimension_semantics = [#tpu.dimension_semantics<arbitrary>, #tpu.dimension_semantics<arbitrary>, #tpu.dimension_semantics<arbitrary>], iteration_bounds = array<i64: 5, 1, 1>, scalar_prefetch = 0 : i64, scratch_operands = 1 : i64, tpu.core_type = #tpu.core_type<tc>, window_params = [{transform_indices = @transform_0, window_bounds = array<i64: 1024, 128>}, {transform_indices = @transform_1, window_bounds = array<i64: 128, 128>}, {transform_indices = @transform_2, window_bounds = array<i64: 1024, 128>}]} {
    %eq3A = arith.constant 0 : i32
    %eq3A_0 = arith.cmpi eq, %arg2, %eq3A : i32
    %convert_element_type3A = arith.extui %eq3A_0 : i1 to i32
    %cond3A = arith.constant 0 : i32
    %cond3A_1 = arith.cmpi ne, %convert_element_type3A, %cond3A : i32
    scf.if %cond3A_1 {
      %broadcast_in_dim3A = arith.constant 0.000000e+00 : f32
      %broadcast_in_dim3A_18 = vector.broadcast %broadcast_in_dim3A : f32 to vector<1024x128xf32>
      %swap3A_19 = arith.constant 0 : index
      %swap3A_20 = arith.constant 0 : index
      %swap3A_21 = vector.load %arg6[%swap3A_19, %swap3A_20] : memref<1024x128xf32, #tpu.memory_space<vmem>>, vector<1024x128xf32>
      tpu.vector_store %arg6[%swap3A_19, %swap3A_20], %broadcast_in_dim3A_18 {strides = array<i32>} : memref<1024x128xf32, #tpu.memory_space<vmem>>, vector<1024x128xf32>,
    } else {
    }
    %get3A = arith.constant 0 : index
    %get3A_2 = arith.constant 0 : index
    %get3A_3 = vector.load %arg3[%get3A, %get3A_2] : memref<1024x128xf32, #tpu.memory_space<vmem>>, vector<1024x128xf32>
    %get3A_4 = arith.constant 0 : index
    %get3A_5 = arith.constant 0 : index
    %get3A_6 = vector.load %arg4[%get3A_4, %get3A_5] : memref<128x128xf32, #tpu.memory_space<vmem>>, vector<128x128xf32>
    %get3A_7 = arith.constant 0 : index
    %get3A_8 = arith.constant 0 : index
    %get3A_9 = vector.load %arg6[%get3A_7, %get3A_8] : memref<1024x128xf32, #tpu.memory_space<vmem>>, vector<1024x128xf32>
    %dot_general3A = arith.constant dense<0.000000e+00> : vector<1024x128xf32>
    %dot_general3A_10 = tpu.matmul %get3A_3, %get3A_6, %dot_general3A {dimension_numbers = #tpu.dot_dimension_numbers<[1], [0], [0], [1], [0, 0, 1, 1], [], []>, transpose_lhs_hint = false} : vector<1024x128xf32>, vector<128x128xf32>, vector<1024x128xf32> -> vector<1024x128xf32>
    %add3A = arith.addf %get3A_9, %dot_general3A_10 : vector<1024x128xf32>
    %swap3A = arith.constant 0 : index
    %swap3A_11 = arith.constant 0 : index
    %swap3A_12 = vector.load %arg6[%swap3A, %swap3A_11] : memref<1024x128xf32, #tpu.memory_space<vmem>>, vector<1024x128xf32>
    tpu.vector_store %arg6[%swap3A, %swap3A_11], %add3A {strides = array<i32>} : memref<1024x128xf32, #tpu.memory_space<vmem>>, vector<1024x128xf32>,
    %eq3A_13 = arith.constant 0 : i32
    %eq3A_14 = arith.cmpi eq, %arg2, %eq3A_13 : i32
    %convert_element_type3A_15 = arith.extui %eq3A_14 : i1 to i32
    %cond3A_16 = arith.constant 0 : i32
    %cond3A_17 = arith.cmpi ne, %convert_element_type3A_15, %cond3A_16 : i32
    scf.if %cond3A_17 {
      %get3A_18 = arith.constant 0 : index
      %get3A_19 = arith.constant 0 : index
      %get3A_20 = vector.load %arg6[%get3A_18, %get3A_19] : memref<1024x128xf32, #tpu.memory_space<vmem>>, vector<1024x128xf32>
      %swap3A_21 = arith.constant 0 : index
      %swap3A_22 = arith.constant 0 : index
      %swap3A_23 = vector.load %arg5[%swap3A_21, %swap3A_22] : memref<1024x128xf32, #tpu.memory_space<vmem>>, vector<1024x128xf32>
      tpu.vector_store %arg5[%swap3A_21, %swap3A_22], %get3A_20 {strides = array<i32>} : memref<1024x128xf32, #tpu.memory_space<vmem>>, vector<1024x128xf32>,
    } else {
    }
    return
  }
  func.func @transform_0(%arg0: i32, %arg1: i32, %arg2: i32) -> (i32, i32) {
    %c0_i32 = arith.constant 0 : i32
    return %arg0, %arg2 : i32, i32
  }
  func.func @transform_1(%arg0: i32, %arg1: i32, %arg2: i32) -> (i32, i32) {
    %c0_i32 = arith.constant 0 : i32
    return %arg2, %arg1 : i32, i32
  }
  func.func @transform_2(%arg0: i32, %arg1: i32, %arg2: i32) -> (i32, i32) {
    %c0_i32 = arith.constant 0 : i32
    return %arg0, %arg1 : i32, i32
  }
}

module attributes {stable_mosaic.version = 14 : i64} {
  func.func @_mm_kernel(%arg0: i32, %arg1: i32, %arg2: i32, %arg3: memref<1024x2560xbf16, #tpu.memory_space<vmem>>, %arg4: memref<2560x128xf32, #tpu.memory_space<vmem>>, %arg5: memref<1024x128xf32, #tpu.memory_space<vmem>>, %arg6: memref<1024x128xf32, #tpu.memory_space<vmem>>) attributes {dimension_semantics = [#tpu.dimension_semantics<arbitrary>, #tpu.dimension_semantics<arbitrary>, #tpu.dimension_semantics<arbitrary>], iteration_bounds = array<i64: 5, 1, 2>, scalar_prefetch = 0 : i64, scratch_operands = 1 : i64, tpu.core_type = #tpu.core_type<tc>, window_params = [{transform_indices = @transform_0, window_bounds = array<i64: 1024, 2560>}, {transform_indices = @transform_1, window_bounds = array<i64: 2560, 128>}, {transform_indices = @transform_2, window_bounds = array<i64: 1024, 128>}]} {
    %eq3A = arith.constant 0 : i32
    %eq3A_0 = arith.cmpi eq, %arg2, %eq3A : i32
    %convert_element_type3A = arith.extui %eq3A_0 : i1 to i32
    %cond3A = arith.constant 0 : i32
    %cond3A_1 = arith.cmpi ne, %convert_element_type3A, %cond3A : i32
    scf.if %cond3A_1 {
      %broadcast_in_dim3A = arith.constant 0.000000e+00 : f32
      %broadcast_in_dim3A_19 = vector.broadcast %broadcast_in_dim3A : f32 to vector<1024x128xf32>
      %swap3A_20 = arith.constant 0 : index
      %swap3A_21 = arith.constant 0 : index
      %swap3A_22 = vector.load %arg6[%swap3A_20, %swap3A_21] : memref<1024x128xf32, #tpu.memory_space<vmem>>, vector<1024x128xf32>
      tpu.vector_store %arg6[%swap3A_20, %swap3A_21], %broadcast_in_dim3A_19 {strides = array<i32>} : memref<1024x128xf32, #tpu.memory_space<vmem>>, vector<1024x128xf32>,
    } else {
    }
    %get3A = arith.constant 0 : index
    %get3A_2 = arith.constant 0 : index
    %get3A_3 = vector.load %arg3[%get3A, %get3A_2] : memref<1024x2560xbf16, #tpu.memory_space<vmem>>, vector<1024x2560xbf16>
    %get3A_4 = arith.constant 0 : index
    %get3A_5 = arith.constant 0 : index
    %get3A_6 = vector.load %arg4[%get3A_4, %get3A_5] : memref<2560x128xf32, #tpu.memory_space<vmem>>, vector<2560x128xf32>
    %convert_element_type3A_7 = arith.extf %get3A_3 : vector<1024x2560xbf16> to vector<1024x2560xf32>
    %get3A_8 = arith.constant 0 : index
    %get3A_9 = arith.constant 0 : index
    %get3A_10 = vector.load %arg6[%get3A_8, %get3A_9] : memref<1024x128xf32, #tpu.memory_space<vmem>>, vector<1024x128xf32>
    %dot_general3A = arith.constant dense<0.000000e+00> : vector<1024x128xf32>
    %dot_general3A_11 = tpu.matmul %convert_element_type3A_7, %get3A_6, %dot_general3A {dimension_numbers = #tpu.dot_dimension_numbers<[1], [0], [0], [1], [0, 0, 1, 1], [], []>, transpose_lhs_hint = false} : vector<1024x2560xf32>, vector<2560x128xf32>, vector<1024x128xf32> -> vector<1024x128xf32>
    %add3A = arith.addf %get3A_10, %dot_general3A_11 : vector<1024x128xf32>
    %swap3A = arith.constant 0 : index
    %swap3A_12 = arith.constant 0 : index
    %swap3A_13 = vector.load %arg6[%swap3A, %swap3A_12] : memref<1024x128xf32, #tpu.memory_space<vmem>>, vector<1024x128xf32>
    tpu.vector_store %arg6[%swap3A, %swap3A_12], %add3A {strides = array<i32>} : memref<1024x128xf32, #tpu.memory_space<vmem>>, vector<1024x128xf32>,
    %eq3A_14 = arith.constant 1 : i32
    %eq3A_15 = arith.cmpi eq, %arg2, %eq3A_14 : i32
    %convert_element_type3A_16 = arith.extui %eq3A_15 : i1 to i32
    %cond3A_17 = arith.constant 0 : i32
    %cond3A_18 = arith.cmpi ne, %convert_element_type3A_16, %cond3A_17 : i32
    scf.if %cond3A_18 {
      %get3A_19 = arith.constant 0 : index
      %get3A_20 = arith.constant 0 : index
      %get3A_21 = vector.load %arg6[%get3A_19, %get3A_20] : memref<1024x128xf32, #tpu.memory_space<vmem>>, vector<1024x128xf32>
      %swap3A_22 = arith.constant 0 : index
      %swap3A_23 = arith.constant 0 : index
      %swap3A_24 = vector.load %arg5[%swap3A_22, %swap3A_23] : memref<1024x128xf32, #tpu.memory_space<vmem>>, vector<1024x128xf32>
      tpu.vector_store %arg5[%swap3A_22, %swap3A_23], %get3A_21 {strides = array<i32>} : memref<1024x128xf32, #tpu.memory_space<vmem>>, vector<1024x128xf32>,
    } else {
    }
    return
  }
  func.func @transform_0(%arg0: i32, %arg1: i32, %arg2: i32) -> (i32, i32) {
    %c0_i32 = arith.constant 0 : i32
    return %arg0, %arg2 : i32, i32
  }
  func.func @transform_1(%arg0: i32, %arg1: i32, %arg2: i32) -> (i32, i32) {
    %c0_i32 = arith.constant 0 : i32
    return %arg2, %arg1 : i32, i32
  }
  func.func @transform_2(%arg0: i32, %arg1: i32, %arg2: i32) -> (i32, i32) {
    %c0_i32 = arith.constant 0 : i32
    return %arg0, %arg1 : i32, i32
  }
}

module attributes {stable_mosaic.version = 14 : i64} {
  func.func @_mm_kernel(%arg0: i32, %arg1: i32, %arg2: i32, %arg3: memref<512x2560xbf16, #tpu.memory_space<vmem>>, %arg4: memref<512x2560xbf16, #tpu.memory_space<vmem>>, %arg5: memref<512x512xbf16, #tpu.memory_space<vmem>>, %arg6: memref<512x512xf32, #tpu.memory_space<vmem>>) attributes {dimension_semantics = [#tpu.dimension_semantics<arbitrary>, #tpu.dimension_semantics<arbitrary>, #tpu.dimension_semantics<arbitrary>], iteration_bounds = array<i64: 5, 10, 2>, scalar_prefetch = 0 : i64, scratch_operands = 1 : i64, tpu.core_type = #tpu.core_type<tc>, window_params = [{transform_indices = @transform_0, window_bounds = array<i64: 512, 2560>}, {transform_indices = @transform_1, window_bounds = array<i64: 512, 2560>}, {transform_indices = @transform_2, window_bounds = array<i64: 512, 512>}]} {
    %eq3A = arith.constant 0 : i32
    %eq3A_0 = arith.cmpi eq, %arg2, %eq3A : i32
    %convert_element_type3A = arith.extui %eq3A_0 : i1 to i32
    %cond3A = arith.constant 0 : i32
    %cond3A_1 = arith.cmpi ne, %convert_element_type3A, %cond3A : i32
    scf.if %cond3A_1 {
      %broadcast_in_dim3A = arith.constant 0.000000e+00 : f32
      %broadcast_in_dim3A_18 = vector.broadcast %broadcast_in_dim3A : f32 to vector<512x512xf32>
      %swap3A_19 = arith.constant 0 : index
      %swap3A_20 = arith.constant 0 : index
      %swap3A_21 = vector.load %arg6[%swap3A_19, %swap3A_20] : memref<512x512xf32, #tpu.memory_space<vmem>>, vector<512x512xf32>
      tpu.vector_store %arg6[%swap3A_19, %swap3A_20], %broadcast_in_dim3A_18 {strides = array<i32>} : memref<512x512xf32, #tpu.memory_space<vmem>>, vector<512x512xf32>,
    } else {
    }
    %get3A = arith.constant 0 : index
    %get3A_2 = arith.constant 0 : index
    %get3A_3 = vector.load %arg3[%get3A, %get3A_2] : memref<512x2560xbf16, #tpu.memory_space<vmem>>, vector<512x2560xbf16>
    %get3A_4 = arith.constant 0 : index
    %get3A_5 = arith.constant 0 : index
    %get3A_6 = vector.load %arg4[%get3A_4, %get3A_5] : memref<512x2560xbf16, #tpu.memory_space<vmem>>, vector<512x2560xbf16>
    %get3A_7 = arith.constant 0 : index
    %get3A_8 = arith.constant 0 : index
    %get3A_9 = vector.load %arg6[%get3A_7, %get3A_8] : memref<512x512xf32, #tpu.memory_space<vmem>>, vector<512x512xf32>
    %dot_general3A = arith.constant dense<0.000000e+00> : vector<512x512xf32>
    %dot_general3A_10 = tpu.matmul %get3A_3, %get3A_6, %dot_general3A {dimension_numbers = #tpu.dot_dimension_numbers<[1], [1], [0], [0], [0, 0, 1, 0], [], []>, transpose_lhs_hint = false} : vector<512x2560xbf16>, vector<512x2560xbf16>, vector<512x512xf32> -> vector<512x512xf32>
    %add3A = arith.addf %get3A_9, %dot_general3A_10 : vector<512x512xf32>
    %swap3A = arith.constant 0 : index
    %swap3A_11 = arith.constant 0 : index
    %swap3A_12 = vector.load %arg6[%swap3A, %swap3A_11] : memref<512x512xf32, #tpu.memory_space<vmem>>, vector<512x512xf32>
    tpu.vector_store %arg6[%swap3A, %swap3A_11], %add3A {strides = array<i32>} : memref<512x512xf32, #tpu.memory_space<vmem>>, vector<512x512xf32>,
    %eq3A_13 = arith.constant 1 : i32
    %eq3A_14 = arith.cmpi eq, %arg2, %eq3A_13 : i32
    %convert_element_type3A_15 = arith.extui %eq3A_14 : i1 to i32
    %cond3A_16 = arith.constant 0 : i32
    %cond3A_17 = arith.cmpi ne, %convert_element_type3A_15, %cond3A_16 : i32
    scf.if %cond3A_17 {
      %get3A_18 = arith.constant 0 : index
      %get3A_19 = arith.constant 0 : index
      %get3A_20 = vector.load %arg6[%get3A_18, %get3A_19] : memref<512x512xf32, #tpu.memory_space<vmem>>, vector<512x512xf32>
      %convert_element_type3A_21 = arith.truncf %get3A_20 : vector<512x512xf32> to vector<512x512xbf16>
      %swap3A_22 = arith.constant 0 : index
      %swap3A_23 = arith.constant 0 : index
      %swap3A_24 = vector.load %arg5[%swap3A_22, %swap3A_23] : memref<512x512xbf16, #tpu.memory_space<vmem>>, vector<512x512xbf16>
      tpu.vector_store %arg5[%swap3A_22, %swap3A_23], %convert_element_type3A_21 {strides = array<i32>} : memref<512x512xbf16, #tpu.memory_space<vmem>>, vector<512x512xbf16>,
    } else {
    }
    return
  }
  func.func @transform_0(%arg0: i32, %arg1: i32, %arg2: i32) -> (i32, i32) {
    %c0_i32 = arith.constant 0 : i32
    return %arg0, %arg2 : i32, i32
  }
  func.func @transform_1(%arg0: i32, %arg1: i32, %arg2: i32) -> (i32, i32) {
    %c0_i32 = arith.constant 0 : i32
    return %arg1, %arg2 : i32, i32
  }
  func.func @transform_2(%arg0: i32, %arg1: i32, %arg2: i32) -> (i32, i32) {
    %c0_i32 = arith.constant 0 : i32
    return %arg0, %arg1 : i32, i32
  }
}

module attributes {stable_mosaic.version = 14 : i64} {
  func.func @_mm_kernel(%arg0: i32, %arg1: i32, %arg2: i32, %arg3: memref<512x2560xbf16, #tpu.memory_space<vmem>>, %arg4: memref<2560x512xbf16, #tpu.memory_space<vmem>>, %arg5: memref<512x512xbf16, #tpu.memory_space<vmem>>, %arg6: memref<512x512xf32, #tpu.memory_space<vmem>>) attributes {dimension_semantics = [#tpu.dimension_semantics<arbitrary>, #tpu.dimension_semantics<arbitrary>, #tpu.dimension_semantics<arbitrary>], iteration_bounds = array<i64: 5, 10, 2>, scalar_prefetch = 0 : i64, scratch_operands = 1 : i64, tpu.core_type = #tpu.core_type<tc>, window_params = [{transform_indices = @transform_0, window_bounds = array<i64: 512, 2560>}, {transform_indices = @transform_1, window_bounds = array<i64: 2560, 512>}, {transform_indices = @transform_2, window_bounds = array<i64: 512, 512>}]} {
    %eq3A = arith.constant 0 : i32
    %eq3A_0 = arith.cmpi eq, %arg2, %eq3A : i32
    %convert_element_type3A = arith.extui %eq3A_0 : i1 to i32
    %cond3A = arith.constant 0 : i32
    %cond3A_1 = arith.cmpi ne, %convert_element_type3A, %cond3A : i32
    scf.if %cond3A_1 {
      %broadcast_in_dim3A = arith.constant 0.000000e+00 : f32
      %broadcast_in_dim3A_18 = vector.broadcast %broadcast_in_dim3A : f32 to vector<512x512xf32>
      %swap3A_19 = arith.constant 0 : index
      %swap3A_20 = arith.constant 0 : index
      %swap3A_21 = vector.load %arg6[%swap3A_19, %swap3A_20] : memref<512x512xf32, #tpu.memory_space<vmem>>, vector<512x512xf32>
      tpu.vector_store %arg6[%swap3A_19, %swap3A_20], %broadcast_in_dim3A_18 {strides = array<i32>} : memref<512x512xf32, #tpu.memory_space<vmem>>, vector<512x512xf32>,
    } else {
    }
    %get3A = arith.constant 0 : index
    %get3A_2 = arith.constant 0 : index
    %get3A_3 = vector.load %arg3[%get3A, %get3A_2] : memref<512x2560xbf16, #tpu.memory_space<vmem>>, vector<512x2560xbf16>
    %get3A_4 = arith.constant 0 : index
    %get3A_5 = arith.constant 0 : index
    %get3A_6 = vector.load %arg4[%get3A_4, %get3A_5] : memref<2560x512xbf16, #tpu.memory_space<vmem>>, vector<2560x512xbf16>
    %get3A_7 = arith.constant 0 : index
    %get3A_8 = arith.constant 0 : index
    %get3A_9 = vector.load %arg6[%get3A_7, %get3A_8] : memref<512x512xf32, #tpu.memory_space<vmem>>, vector<512x512xf32>
    %dot_general3A = arith.constant dense<0.000000e+00> : vector<512x512xf32>
    %dot_general3A_10 = tpu.matmul %get3A_3, %get3A_6, %dot_general3A {dimension_numbers = #tpu.dot_dimension_numbers<[1], [0], [0], [1], [0, 0, 1, 1], [], []>, transpose_lhs_hint = false} : vector<512x2560xbf16>, vector<2560x512xbf16>, vector<512x512xf32> -> vector<512x512xf32>
    %add3A = arith.addf %get3A_9, %dot_general3A_10 : vector<512x512xf32>
    %swap3A = arith.constant 0 : index
    %swap3A_11 = arith.constant 0 : index
    %swap3A_12 = vector.load %arg6[%swap3A, %swap3A_11] : memref<512x512xf32, #tpu.memory_space<vmem>>, vector<512x512xf32>
    tpu.vector_store %arg6[%swap3A, %swap3A_11], %add3A {strides = array<i32>} : memref<512x512xf32, #tpu.memory_space<vmem>>, vector<512x512xf32>,
    %eq3A_13 = arith.constant 1 : i32
    %eq3A_14 = arith.cmpi eq, %arg2, %eq3A_13 : i32
    %convert_element_type3A_15 = arith.extui %eq3A_14 : i1 to i32
    %cond3A_16 = arith.constant 0 : i32
    %cond3A_17 = arith.cmpi ne, %convert_element_type3A_15, %cond3A_16 : i32
    scf.if %cond3A_17 {
      %get3A_18 = arith.constant 0 : index
      %get3A_19 = arith.constant 0 : index
      %get3A_20 = vector.load %arg6[%get3A_18, %get3A_19] : memref<512x512xf32, #tpu.memory_space<vmem>>, vector<512x512xf32>
      %convert_element_type3A_21 = arith.truncf %get3A_20 : vector<512x512xf32> to vector<512x512xbf16>
      %swap3A_22 = arith.constant 0 : index
      %swap3A_23 = arith.constant 0 : index
      %swap3A_24 = vector.load %arg5[%swap3A_22, %swap3A_23] : memref<512x512xbf16, #tpu.memory_space<vmem>>, vector<512x512xbf16>
      tpu.vector_store %arg5[%swap3A_22, %swap3A_23], %convert_element_type3A_21 {strides = array<i32>} : memref<512x512xbf16, #tpu.memory_space<vmem>>, vector<512x512xbf16>,
    } else {
    }
    return
  }
  func.func @transform_0(%arg0: i32, %arg1: i32, %arg2: i32) -> (i32, i32) {
    %c0_i32 = arith.constant 0 : i32
    return %arg0, %arg2 : i32, i32
  }
  func.func @transform_1(%arg0: i32, %arg1: i32, %arg2: i32) -> (i32, i32) {
    %c0_i32 = arith.constant 0 : i32
    return %arg2, %arg1 : i32, i32
  }
  func.func @transform_2(%arg0: i32, %arg1: i32, %arg2: i32) -> (i32, i32) {
    %c0_i32 = arith.constant 0 : i32
    return %arg0, %arg1 : i32, i32
  }
}

module attributes {stable_mosaic.version = 14 : i64} {
  func.func @_mm_kernel(%arg0: i32, %arg1: i32, %arg2: i32, %arg3: memref<512x2560xbf16, #tpu.memory_space<vmem>>, %arg4: memref<512x2560xbf16, #tpu.memory_space<vmem>>, %arg5: memref<512x512xbf16, #tpu.memory_space<vmem>>, %arg6: memref<512x512xf32, #tpu.memory_space<vmem>>) attributes {dimension_semantics = [#tpu.dimension_semantics<arbitrary>, #tpu.dimension_semantics<arbitrary>, #tpu.dimension_semantics<arbitrary>], iteration_bounds = array<i64: 5, 5, 2>, scalar_prefetch = 0 : i64, scratch_operands = 1 : i64, tpu.core_type = #tpu.core_type<tc>, window_params = [{transform_indices = @transform_0, window_bounds = array<i64: 512, 2560>}, {transform_indices = @transform_1, window_bounds = array<i64: 512, 2560>}, {transform_indices = @transform_2, window_bounds = array<i64: 512, 512>}]} {
    %eq3A = arith.constant 0 : i32
    %eq3A_0 = arith.cmpi eq, %arg2, %eq3A : i32
    %convert_element_type3A = arith.extui %eq3A_0 : i1 to i32
    %cond3A = arith.constant 0 : i32
    %cond3A_1 = arith.cmpi ne, %convert_element_type3A, %cond3A : i32
    scf.if %cond3A_1 {
      %broadcast_in_dim3A = arith.constant 0.000000e+00 : f32
      %broadcast_in_dim3A_18 = vector.broadcast %broadcast_in_dim3A : f32 to vector<512x512xf32>
      %swap3A_19 = arith.constant 0 : index
      %swap3A_20 = arith.constant 0 : index
      %swap3A_21 = vector.load %arg6[%swap3A_19, %swap3A_20] : memref<512x512xf32, #tpu.memory_space<vmem>>, vector<512x512xf32>
      tpu.vector_store %arg6[%swap3A_19, %swap3A_20], %broadcast_in_dim3A_18 {strides = array<i32>} : memref<512x512xf32, #tpu.memory_space<vmem>>, vector<512x512xf32>,
    } else {
    }
    %get3A = arith.constant 0 : index
    %get3A_2 = arith.constant 0 : index
    %get3A_3 = vector.load %arg3[%get3A, %get3A_2] : memref<512x2560xbf16, #tpu.memory_space<vmem>>, vector<512x2560xbf16>
    %get3A_4 = arith.constant 0 : index
    %get3A_5 = arith.constant 0 : index
    %get3A_6 = vector.load %arg4[%get3A_4, %get3A_5] : memref<512x2560xbf16, #tpu.memory_space<vmem>>, vector<512x2560xbf16>
    %get3A_7 = arith.constant 0 : index
    %get3A_8 = arith.constant 0 : index
    %get3A_9 = vector.load %arg6[%get3A_7, %get3A_8] : memref<512x512xf32, #tpu.memory_space<vmem>>, vector<512x512xf32>
    %dot_general3A = arith.constant dense<0.000000e+00> : vector<512x512xf32>
    %dot_general3A_10 = tpu.matmul %get3A_3, %get3A_6, %dot_general3A {dimension_numbers = #tpu.dot_dimension_numbers<[1], [1], [0], [0], [0, 0, 1, 0], [], []>, transpose_lhs_hint = false} : vector<512x2560xbf16>, vector<512x2560xbf16>, vector<512x512xf32> -> vector<512x512xf32>
    %add3A = arith.addf %get3A_9, %dot_general3A_10 : vector<512x512xf32>
    %swap3A = arith.constant 0 : index
    %swap3A_11 = arith.constant 0 : index
    %swap3A_12 = vector.load %arg6[%swap3A, %swap3A_11] : memref<512x512xf32, #tpu.memory_space<vmem>>, vector<512x512xf32>
    tpu.vector_store %arg6[%swap3A, %swap3A_11], %add3A {strides = array<i32>} : memref<512x512xf32, #tpu.memory_space<vmem>>, vector<512x512xf32>,
    %eq3A_13 = arith.constant 1 : i32
    %eq3A_14 = arith.cmpi eq, %arg2, %eq3A_13 : i32
    %convert_element_type3A_15 = arith.extui %eq3A_14 : i1 to i32
    %cond3A_16 = arith.constant 0 : i32
    %cond3A_17 = arith.cmpi ne, %convert_element_type3A_15, %cond3A_16 : i32
    scf.if %cond3A_17 {
      %get3A_18 = arith.constant 0 : index
      %get3A_19 = arith.constant 0 : index
      %get3A_20 = vector.load %arg6[%get3A_18, %get3A_19] : memref<512x512xf32, #tpu.memory_space<vmem>>, vector<512x512xf32>
      %iota3A = tpu.iota {dimensions = array<i32: 0>} : vector<512x512xi32>
      %mul3A = arith.constant 512 : i32
      %mul3A_21 = arith.muli %arg0, %mul3A : i32
      %add3A_22 = vector.broadcast %mul3A_21 : i32 to vector<512x512xi32>
      %add3A_23 = arith.addi %iota3A, %add3A_22 : vector<512x512xi32>
      %iota3A_24 = tpu.iota {dimensions = array<i32: 1>} : vector<512x512xi32>
      %mul3A_25 = arith.constant 512 : i32
      %mul3A_26 = arith.muli %arg1, %mul3A_25 : i32
      %add3A_27 = vector.broadcast %mul3A_26 : i32 to vector<512x512xi32>
      %add3A_28 = arith.addi %iota3A_24, %add3A_27 : vector<512x512xi32>
      %eq3A_29 = arith.cmpi eq, %add3A_23, %add3A_28 : vector<512x512xi32>
      %lt3A = arith.constant 2500 : i32
      %lt3A_30 = vector.broadcast %lt3A : i32 to vector<512x512xi32>
      %lt3A_31 = arith.cmpi slt, %add3A_23, %lt3A_30 : vector<512x512xi32>
      %and3A = arith.andi %eq3A_29, %lt3A_31 : vector<512x512xi1>
      %jit3A = arith.constant 1.000000e+00 : f32
      %broadcast_in_dim3A = vector.broadcast %jit3A : f32 to vector<512x512xf32>
      %select_n3A = arith.select %and3A, %broadcast_in_dim3A, %get3A_20 : vector<512x512xi1>, vector<512x512xf32>
      %convert_element_type3A_32 = arith.truncf %select_n3A : vector<512x512xf32> to vector<512x512xbf16>
      %swap3A_33 = arith.constant 0 : index
      %swap3A_34 = arith.constant 0 : index
      %swap3A_35 = vector.load %arg5[%swap3A_33, %swap3A_34] : memref<512x512xbf16, #tpu.memory_space<vmem>>, vector<512x512xbf16>
      tpu.vector_store %arg5[%swap3A_33, %swap3A_34], %convert_element_type3A_32 {strides = array<i32>} : memref<512x512xbf16, #tpu.memory_space<vmem>>, vector<512x512xbf16>,
    } else {
    }
    return
  }
  func.func @transform_0(%arg0: i32, %arg1: i32, %arg2: i32) -> (i32, i32) {
    %c0_i32 = arith.constant 0 : i32
    return %arg0, %arg2 : i32, i32
  }
  func.func @transform_1(%arg0: i32, %arg1: i32, %arg2: i32) -> (i32, i32) {
    %c0_i32 = arith.constant 0 : i32
    return %arg1, %arg2 : i32, i32
  }
  func.func @transform_2(%arg0: i32, %arg1: i32, %arg2: i32) -> (i32, i32) {
    %c0_i32 = arith.constant 0 : i32
    return %arg0, %arg1 : i32, i32
  }
}

module attributes {stable_mosaic.version = 14 : i64} {
  func.func @_mm_kernel(%arg0: i32, %arg1: i32, %arg2: i32, %arg3: memref<512x128xf32, #tpu.memory_space<vmem>>, %arg4: memref<128x128xf32, #tpu.memory_space<vmem>>, %arg5: memref<512x128xf32, #tpu.memory_space<vmem>>, %arg6: memref<512x128xf32, #tpu.memory_space<vmem>>) attributes {dimension_semantics = [#tpu.dimension_semantics<arbitrary>, #tpu.dimension_semantics<arbitrary>, #tpu.dimension_semantics<arbitrary>], iteration_bounds = array<i64: 5, 1, 1>, scalar_prefetch = 0 : i64, scratch_operands = 1 : i64, tpu.core_type = #tpu.core_type<tc>, window_params = [{transform_indices = @transform_0, window_bounds = array<i64: 512, 128>}, {transform_indices = @transform_1, window_bounds = array<i64: 128, 128>}, {transform_indices = @transform_2, window_bounds = array<i64: 512, 128>}]} {
    %eq3A = arith.constant 0 : i32
    %eq3A_0 = arith.cmpi eq, %arg2, %eq3A : i32
    %convert_element_type3A = arith.extui %eq3A_0 : i1 to i32
    %cond3A = arith.constant 0 : i32
    %cond3A_1 = arith.cmpi ne, %convert_element_type3A, %cond3A : i32
    scf.if %cond3A_1 {
      %broadcast_in_dim3A = arith.constant 0.000000e+00 : f32
      %broadcast_in_dim3A_18 = vector.broadcast %broadcast_in_dim3A : f32 to vector<512x128xf32>
      %swap3A_19 = arith.constant 0 : index
      %swap3A_20 = arith.constant 0 : index
      %swap3A_21 = vector.load %arg6[%swap3A_19, %swap3A_20] : memref<512x128xf32, #tpu.memory_space<vmem>>, vector<512x128xf32>
      tpu.vector_store %arg6[%swap3A_19, %swap3A_20], %broadcast_in_dim3A_18 {strides = array<i32>} : memref<512x128xf32, #tpu.memory_space<vmem>>, vector<512x128xf32>,
    } else {
    }
    %get3A = arith.constant 0 : index
    %get3A_2 = arith.constant 0 : index
    %get3A_3 = vector.load %arg3[%get3A, %get3A_2] : memref<512x128xf32, #tpu.memory_space<vmem>>, vector<512x128xf32>
    %get3A_4 = arith.constant 0 : index
    %get3A_5 = arith.constant 0 : index
    %get3A_6 = vector.load %arg4[%get3A_4, %get3A_5] : memref<128x128xf32, #tpu.memory_space<vmem>>, vector<128x128xf32>
    %get3A_7 = arith.constant 0 : index
    %get3A_8 = arith.constant 0 : index
    %get3A_9 = vector.load %arg6[%get3A_7, %get3A_8] : memref<512x128xf32, #tpu.memory_space<vmem>>, vector<512x128xf32>
    %dot_general3A = arith.constant dense<0.000000e+00> : vector<512x128xf32>
    %dot_general3A_10 = tpu.matmul %get3A_3, %get3A_6, %dot_general3A {dimension_numbers = #tpu.dot_dimension_numbers<[1], [0], [0], [1], [0, 0, 1, 1], [], []>, transpose_lhs_hint = false} : vector<512x128xf32>, vector<128x128xf32>, vector<512x128xf32> -> vector<512x128xf32>
    %add3A = arith.addf %get3A_9, %dot_general3A_10 : vector<512x128xf32>
    %swap3A = arith.constant 0 : index
    %swap3A_11 = arith.constant 0 : index
    %swap3A_12 = vector.load %arg6[%swap3A, %swap3A_11] : memref<512x128xf32, #tpu.memory_space<vmem>>, vector<512x128xf32>
    tpu.vector_store %arg6[%swap3A, %swap3A_11], %add3A {strides = array<i32>} : memref<512x128xf32, #tpu.memory_space<vmem>>, vector<512x128xf32>,
    %eq3A_13 = arith.constant 0 : i32
    %eq3A_14 = arith.cmpi eq, %arg2, %eq3A_13 : i32
    %convert_element_type3A_15 = arith.extui %eq3A_14 : i1 to i32
    %cond3A_16 = arith.constant 0 : i32
    %cond3A_17 = arith.cmpi ne, %convert_element_type3A_15, %cond3A_16 : i32
    scf.if %cond3A_17 {
      %get3A_18 = arith.constant 0 : index
      %get3A_19 = arith.constant 0 : index
      %get3A_20 = vector.load %arg6[%get3A_18, %get3A_19] : memref<512x128xf32, #tpu.memory_space<vmem>>, vector<512x128xf32>
      %swap3A_21 = arith.constant 0 : index
      %swap3A_22 = arith.constant 0 : index
      %swap3A_23 = vector.load %arg5[%swap3A_21, %swap3A_22] : memref<512x128xf32, #tpu.memory_space<vmem>>, vector<512x128xf32>
      tpu.vector_store %arg5[%swap3A_21, %swap3A_22], %get3A_20 {strides = array<i32>} : memref<512x128xf32, #tpu.memory_space<vmem>>, vector<512x128xf32>,
    } else {
    }
    return
  }
  func.func @transform_0(%arg0: i32, %arg1: i32, %arg2: i32) -> (i32, i32) {
    %c0_i32 = arith.constant 0 : i32
    return %arg0, %arg2 : i32, i32
  }
  func.func @transform_1(%arg0: i32, %arg1: i32, %arg2: i32) -> (i32, i32) {
    %c0_i32 = arith.constant 0 : i32
    return %arg2, %arg1 : i32, i32
  }
  func.func @transform_2(%arg0: i32, %arg1: i32, %arg2: i32) -> (i32, i32) {
    %c0_i32 = arith.constant 0 : i32
    return %arg0, %arg1 : i32, i32
  }
}

module attributes {stable_mosaic.version = 14 : i64} {
  func.func @_mm_kernel(%arg0: i32, %arg1: i32, %arg2: i32, %arg3: memref<512x2560xbf16, #tpu.memory_space<vmem>>, %arg4: memref<2560x128xf32, #tpu.memory_space<vmem>>, %arg5: memref<512x128xf32, #tpu.memory_space<vmem>>, %arg6: memref<512x128xf32, #tpu.memory_space<vmem>>) attributes {dimension_semantics = [#tpu.dimension_semantics<arbitrary>, #tpu.dimension_semantics<arbitrary>, #tpu.dimension_semantics<arbitrary>], iteration_bounds = array<i64: 5, 1, 1>, scalar_prefetch = 0 : i64, scratch_operands = 1 : i64, tpu.core_type = #tpu.core_type<tc>, window_params = [{transform_indices = @transform_0, window_bounds = array<i64: 512, 2560>}, {transform_indices = @transform_1, window_bounds = array<i64: 2560, 128>}, {transform_indices = @transform_2, window_bounds = array<i64: 512, 128>}]} {
    %eq3A = arith.constant 0 : i32
    %eq3A_0 = arith.cmpi eq, %arg2, %eq3A : i32
    %convert_element_type3A = arith.extui %eq3A_0 : i1 to i32
    %cond3A = arith.constant 0 : i32
    %cond3A_1 = arith.cmpi ne, %convert_element_type3A, %cond3A : i32
    scf.if %cond3A_1 {
      %broadcast_in_dim3A = arith.constant 0.000000e+00 : f32
      %broadcast_in_dim3A_19 = vector.broadcast %broadcast_in_dim3A : f32 to vector<512x128xf32>
      %swap3A_20 = arith.constant 0 : index
      %swap3A_21 = arith.constant 0 : index
      %swap3A_22 = vector.load %arg6[%swap3A_20, %swap3A_21] : memref<512x128xf32, #tpu.memory_space<vmem>>, vector<512x128xf32>
      tpu.vector_store %arg6[%swap3A_20, %swap3A_21], %broadcast_in_dim3A_19 {strides = array<i32>} : memref<512x128xf32, #tpu.memory_space<vmem>>, vector<512x128xf32>,
    } else {
    }
    %get3A = arith.constant 0 : index
    %get3A_2 = arith.constant 0 : index
    %get3A_3 = vector.load %arg3[%get3A, %get3A_2] : memref<512x2560xbf16, #tpu.memory_space<vmem>>, vector<512x2560xbf16>
    %get3A_4 = arith.constant 0 : index
    %get3A_5 = arith.constant 0 : index
    %get3A_6 = vector.load %arg4[%get3A_4, %get3A_5] : memref<2560x128xf32, #tpu.memory_space<vmem>>, vector<2560x128xf32>
    %convert_element_type3A_7 = arith.extf %get3A_3 : vector<512x2560xbf16> to vector<512x2560xf32>
    %get3A_8 = arith.constant 0 : index
    %get3A_9 = arith.constant 0 : index
    %get3A_10 = vector.load %arg6[%get3A_8, %get3A_9] : memref<512x128xf32, #tpu.memory_space<vmem>>, vector<512x128xf32>
    %dot_general3A = arith.constant dense<0.000000e+00> : vector<512x128xf32>
    %dot_general3A_11 = tpu.matmul %convert_element_type3A_7, %get3A_6, %dot_general3A {dimension_numbers = #tpu.dot_dimension_numbers<[1], [0], [0], [1], [0, 0, 1, 1], [], []>, transpose_lhs_hint = false} : vector<512x2560xf32>, vector<2560x128xf32>, vector<512x128xf32> -> vector<512x128xf32>
    %add3A = arith.addf %get3A_10, %dot_general3A_11 : vector<512x128xf32>
    %swap3A = arith.constant 0 : index
    %swap3A_12 = arith.constant 0 : index
    %swap3A_13 = vector.load %arg6[%swap3A, %swap3A_12] : memref<512x128xf32, #tpu.memory_space<vmem>>, vector<512x128xf32>
    tpu.vector_store %arg6[%swap3A, %swap3A_12], %add3A {strides = array<i32>} : memref<512x128xf32, #tpu.memory_space<vmem>>, vector<512x128xf32>,
    %eq3A_14 = arith.constant 0 : i32
    %eq3A_15 = arith.cmpi eq, %arg2, %eq3A_14 : i32
    %convert_element_type3A_16 = arith.extui %eq3A_15 : i1 to i32
    %cond3A_17 = arith.constant 0 : i32
    %cond3A_18 = arith.cmpi ne, %convert_element_type3A_16, %cond3A_17 : i32
    scf.if %cond3A_18 {
      %get3A_19 = arith.constant 0 : index
      %get3A_20 = arith.constant 0 : index
      %get3A_21 = vector.load %arg6[%get3A_19, %get3A_20] : memref<512x128xf32, #tpu.memory_space<vmem>>, vector<512x128xf32>
      %swap3A_22 = arith.constant 0 : index
      %swap3A_23 = arith.constant 0 : index
      %swap3A_24 = vector.load %arg5[%swap3A_22, %swap3A_23] : memref<512x128xf32, #tpu.memory_space<vmem>>, vector<512x128xf32>
      tpu.vector_store %arg5[%swap3A_22, %swap3A_23], %get3A_21 {strides = array<i32>} : memref<512x128xf32, #tpu.memory_space<vmem>>, vector<512x128xf32>,
    } else {
    }
    return
  }
  func.func @transform_0(%arg0: i32, %arg1: i32, %arg2: i32) -> (i32, i32) {
    %c0_i32 = arith.constant 0 : i32
    return %arg0, %arg2 : i32, i32
  }
  func.func @transform_1(%arg0: i32, %arg1: i32, %arg2: i32) -> (i32, i32) {
    %c0_i32 = arith.constant 0 : i32
    return %arg2, %arg1 : i32, i32
  }
  func.func @transform_2(%arg0: i32, %arg1: i32, %arg2: i32) -> (i32, i32) {
    %c0_i32 = arith.constant 0 : i32
    return %arg0, %arg1 : i32, i32
  }
}

</mosaic_0001>

<sc_bundles>
// kernel: gather_offload_async_start.1
scs
__scs_entry_jumppad:
0x0: {  	(pc) =	sbr.rel $0x88, $3  }
0x1: {  	(tag) =	ssettag $0x0;
	lr =	simm.s32 $0x1  }
0x2: {  	[smem:$0x3F6E] =	sst lr;
	_ =	strace $0xD0000000  }
0x3: {  	_ = 	snop  }
0x4: {  	_ = 	snop  }
0x5: {  	_ = 	snop  }
0x6: {  	_ = 	snop  }
0x7: {  	_ = 	snop  }
__scs_overlays_trampoline_lowered:
0x8: {  	[smem:$0x3F7D] =	sst s0  }
0x9: {  	[smem:$0x3F7E] =	sst s1  }
0xa: {  	[smem:$0x3F7F] =	sst s2  }
0xb: {  	[smem:$0x3F80] =	sst s3  }
0xc: {  	[smem:$0x3F81] =	sst s4  }
0xd: {  	[smem:$0x3F82] =	sst s5  }
0xe: {  	[smem:$0x3F83] =	sst s6  }
0xf: {  	[smem:$0x3F84] =	sst s7  }
0x10: {  	[smem:$0x3F85] =	sst s8  }
0x11: {  	[smem:$0x3F86] =	sst s9;
	s0 =	simm.s32 @!p0 $0x0  }
0x12: {  	s1 =	sld [smem:$0x3F6C];
	s0 =	simm.s32 @p0 $0x1  }
0x13: {  	[smem:$0x3F87] =	sst s0;
	s0 =	simm.s32 @!p1 $0x0  }
0x14: {  	s2 =	sld [smem:$0x3F6B];
	s0 =	simm.s32 @p1 $0x1  }
0x15: {  	[smem:$0x3F88] =	sst s0;
	s0 =	simm.s32 @!p2 $0x0  }
0x16: {  	s3 =	sld [smem:$0x3FDB];
	s0 =	simm.s32 @p2 $0x1  }
0x17: {  	s4 =	simm.s32 $0x1BF5;
	[smem:$0x3F8A] =	sst s0  }
0x18: {  	s0 =	sld [smem:$0x3F6D];
	_ =	swait.ge [sflag:s4], $0x0  }
0x19: {  	s7 =	sld [smem:$0x3F6E]  }
0x1a: {  	s8 =	sadd.s32 $0xFFFFE003, lr  }
0x1b: {  	s9 =	sadd.s32 $0xFFFFFEF7, lr;
	s5 =	simm.s32 $0xFFFFFFFF;
	p2 =	slt.u32 s8, $0xFFFFF086  }
0x1c: {  	p1 =	slt.u32 s9, $0xF7A;
	s5 =	simm.s32 @!p2 $0x0  }
0x1d: {  	s5 =	simm.s32 @p1 $0x1;
	p0 =	seq.s32 s7, s2  }
0x1e: {  	s7 =	smul.u32 @!p0 $0xF7A, s2;
	p2 =	seq.s32 @!p0 s5, $0x0  }
0x1f: {  	s9 =	smul.u32 $0xF7A, s1;
	s8 =	simm.s32 @!p0 $0x1BF5;
	p2 =	por !p2, p0  }
0x20: {  	[sflag:s8] =	ssyncset.s32 @!p0 $0xFFFFF086;
	s6 =	sadd.s32 @!p0 s3, s7;
	s7 =	simm.s32 @!p0 $0x108  }
0x21: {  	s3 =	sadd.s32 s3, s9;
	s6 =	sadd.s32 @!p0 $0x88, s6;
	s7 =	simm.s32 @p2 $0x1082  }
0x22: {  	[simem:s7], [sflag:s8] =	dma.local @!p0 [hbm:s6], $0xF7A  }
0x23: {  	s9 =	sor.u32 $0xD0000000, s2;
	s6 =	simm.s32 $0x108;
	_ =	swait.ge @!p0 [sflag:s8], $0x0  }
0x24: {  	s3 =	sadd.s32 $0x88, s3;
	s6 =	simm.s32 @!p1 $0x1082;
	[sflag:s4] =	ssyncset.s32 $0xFFFFF086  }
0x25: {  	[simem:s6], [sflag:s4] =	dma.local [hbm:s3], $0xF7A  }
0x26: {  	[smem:$0x3F6E] =	sst s1;
	(tag) =	ssettag s2;
	_ =	strace s9  }
0x27: {  	s1 =	sld [smem:$0x3F7E]  }
0x28: {  	s2 =	sld [smem:$0x3F7F]  }
0x29: {  	s4 =	sld [smem:$0x3F81]  }
0x2a: {  	p0 =	seq.s32 s5, $0x0;
	s5 =	sld [smem:$0x3F82]  }
0x2b: {  	s6 =	sld [smem:$0x3F83]  }
0x2c: {  	s7 =	sld [smem:$0x3F84]  }
0x2d: {  	s3 =	simm.s32 $0x108;
	s8 =	sld [smem:$0x3F85]  }
0x2e: {  	s3 =	simm.s32 @!p0 $0x1082;
	s9 =	sld [smem:$0x3F86]  }
0x2f: {  	lr =	sadd.s32 s0, s3;
	s0 =	sld [smem:$0x3F7D]  }
0x30: {  	s3 =	sld [smem:$0x3F80]  }
0x31: {  	[smem:$0x3F89] =	sst s10  }
0x32: {  	s10 =	sld [smem:$0x3F87];
	_ =	sdelay $0x3  }
0x33: {  	p0 =	seq.s32 s10, $0x1;
	s10 =	sld [smem:$0x3F89];
	_ =	sdelay $0x3  }
0x34: {  	[smem:$0x3F89] =	sst s10  }
0x35: {  	s10 =	sld [smem:$0x3F88];
	_ =	sdelay $0x3  }
0x36: {  	p1 =	seq.s32 s10, $0x1;
	s10 =	sld [smem:$0x3F89];
	_ =	sdelay $0x3  }
0x37: {  	[smem:$0x3F89] =	sst s10  }
0x38: {  	s10 =	sld [smem:$0x3F8A]  }
0x39: {  	_ = 	snop;
	(pc) =	sbr.ind lr, $3  }
0x3a: {  	_ = 	snop  }
0x3b: {  	_ = 	snop  }
0x3c: {  	p2 =	seq.s32 s10, $0x1;
	s10 =	sld [smem:$0x3F89]  }
0x3d: {  	_ =	shalt  }
0x3e: {  	_ =	shalt  }
0x3f: {  	_ =	shalt  }
0x40: {  	_ =	shalt  }
0x41: {  	_ =	shalt  }
0x42: {  	_ =	shalt  }
0x43: {  	_ =	shalt  }
0x44: {  	_ =	shalt  }
0x45: {  	_ =	shalt  }
0x46: {  	_ =	shalt  }
0x47: {  	_ =	shalt  }
0x48: {  	_ =	shalt  }
0x49: {  	_ =	shalt  }
0x4a: {  	_ =	shalt  }
0x4b: {  	_ =	shalt  }
0x4c: {  	_ =	shalt  }
0x4d: {  	_ =	shalt  }
0x4e: {  	_ =	shalt  }
0x4f: {  	_ =	shalt  }
0x50: {  	_ =	shalt  }
0x51: {  	_ =	shalt  }
0x52: {  	_ =	shalt  }
0x53: {  	_ =	shalt  }
0x54: {  	_ =	shalt  }
0x55: {  	_ =	shalt  }
0x56: {  	_ =	shalt  }
0x57: {  	_ =	shalt  }
0x58: {  	_ =	shalt  }
0x59: {  	_ =	shalt  }
0x5a: {  	_ =	shalt  }
0x5b: {  	_ =	shalt  }
0x5c: {  	_ =	shalt  }
0x5d: {  	_ =	shalt  }
0x5e: {  	_ =	shalt  }
0x5f: {  	_ =	shalt  }
0x60: {  	_ =	shalt  }
0x61: {  	_ =	shalt  }
0x62: {  	_ =	shalt  }
0x63: {  	_ =	shalt  }
0x64: {  	_ =	shalt  }
0x65: {  	_ =	shalt  }
0x66: {  	_ =	shalt  }
0x67: {  	_ =	shalt  }
0x68: {  	_ =	shalt  }
0x69: {  	_ =	shalt  }
0x6a: {  	_ =	shalt  }
0x6b: {  	_ =	shalt  }
0x6c: {  	_ =	shalt  }
0x6d: {  	_ =	shalt  }
0x6e: {  	_ =	shalt  }
0x6f: {  	_ =	shalt  }
0x70: {  	_ =	shalt  }
0x71: {  	_ =	shalt  }
0x72: {  	_ =	shalt  }
0x73: {  	_ =	shalt  }
0x74: {  	_ =	shalt  }
0x75: {  	_ =	shalt  }
0x76: {  	_ =	shalt  }
0x77: {  	_ =	shalt  }
0x78: {  	_ =	shalt  }
0x79: {  	_ =	shalt  }
0x7a: {  	_ =	shalt  }
0x7b: {  	_ =	shalt  }
0x7c: {  	_ =	shalt  }
0x7d: {  	_ =	shalt  }
0x7e: {  	_ =	shalt  }
0x7f: {  	_ =	shalt  }
0x80: {  	_ =	shalt  }
0x81: {  	_ =	shalt  }
0x82: {  	_ =	shalt  }
0x83: {  	_ =	shalt  }
0x84: {  	_ =	shalt  }
0x85: {  	_ =	shalt  }
0x86: {  	_ =	shalt  }
0x87: {  	_ =	shalt  }
.Lfunc_end0:
.L_simem_size_0:
called_computation.4_lowered:
.L_overlay_start_0:
0x88: {  	s2 =	sld [smem:$0x3FD9]  }
0x89: {  	s3 =	sld [smem:$0x3FFE];
	_ =	sdelay $0x1  }
0x8a: {  	s1 =	srdreg.scid  }
0x8b: {  	s0 =	sand.u32 $0x1, s1  }
0x8c: {  	s17 =	sshll.u32 s0, $0xA;
	s2 =	sadd.s32 s3, s2  }
0x8d: {  	s2 =	sadd.s32 s2, s17  }
0x8e: {  	[smem:$0x3F95] =	sst s2  }
0x8f: {  	_ = 	snop  }
0x90: {  	s18 =	sld [smem:$0x3FD0];
	(tm) =	ssettm $0x1  }
0x91: {  	s19 =	sld [smem:$0x3FFB];
	_ =	sdelay $0x3  }
0x92: {  	_ =	strace s19  }
0x93: {  	s2 =	sld [smem:$0x3FFC];
	_ =	sdelay $0x3  }
0x94: {  	_ =	strace s2  }
0x95: {  	s2 =	sld [smem:$0x3FFD];
	_ =	sdelay $0x3  }
0x96: {  	_ =	strace s2  }
0x97: {  	_ =	strace $0x8FFFFFFF  }
0x98: {  	s20 =	sld [smem:$0x3FDB];
	_ =	sdelay $0x1  }
0x99: {  	s4 =	simm.s32 $_scs_section_size  }
0x9a: {  	s5 =	simm.s32 $_size__tile_overlayer_lowered;
	s6 =	simm.s32 $_tile_overlayer_lowered  }
0x9b: {  	s7 =	simm.s32 $0x1BFF;
	s21 =	sshll.u32 s6, $0x1;
	s4 =	sadd.s32 s4, s20  }
0x9c: {  	s22 =	simm.s32 $0x0;
	s5 =	sshll.u32 s5, $0x1;
	s6 =	sadd.s32 s21, s4  }
0x9d: {  	[timem:s22], [sflag:s7] =	dma.local [hbm:s6], s5  }
0x9e: {  	_ =	swait.ge [sflag:s7], s5  }
0x9f: {  	s5 =	ssub.s32 $0x0, s5;
	[sflag:s7] =	ssyncset.done $0x0  }
0xa0: {  	[sflag:s7] =	ssyncadd.s32 s5;
	_ =	sdelay $0x1  }
0xa1: {  	s23 =	simm.s32 $0x1B8B  }
0xa2: {  	_ =	swait.ge [sflag:s23], $0x1  }
0xa3: {  	[sflag:s23] =	ssyncset.done $0x0  }
0xa4: {  	[sflag:s23] =	ssyncadd.s32 $0xFFFFFFFF  }
0xa5: {  	s5 =	sld [smem:$0x0]  }
0xa6: {  	s6 =	sand.u32 $0xFFFFFFFE, s1  }
0xa7: {  	p0 =	sne.s32 s1, s6  }
0xa8: {  	s6 =	sshll.u32 @p0 s6, $0xE  }
0xa9: {  	s6 =	sadd.s32 @p0 $0x11B8D, s6;
	s7 =	sshll.u32 @p0 s5, $0x11  }
0xaa: {  	s6 =	sor.u32 @p0 s7, s6  }
0xab: {  	[sflag:s6] =	ssyncadd.remote.s32 @p0 $0x1;
	_ =	sdelay $0x1  }
0xac: {  	s6 =	simm.s32 @p0 $0x1B8D  }
0xad: {  	_ =	swait.eq @p0 [sflag:s6], $0x1  }
0xae: {  	[sflag:s6] =	ssyncadd.s32 @p0 $0xFFFFFFFF  }
0xaf: {  	s7 =	sshll.u32 @!p0 s1, $0xE  }
0xb0: {  	s7 =	sor.u32 @!p0 $0x4000, s7;
	s6 =	simm.s32 @!p0 $0x1B8D  }
0xb1: {  	s5 =	sshll.u32 @!p0 s5, $0x11;
	s7 =	sadd.s32 @!p0 $0x11B8D, s7;
	_ =	swait.eq @!p0 [sflag:s6], $0x1  }
0xb2: {  	s5 =	sor.u32 @!p0 s5, s7;
	[sflag:s6] =	ssyncadd.s32 @!p0 $0xFFFFFFFF  }
0xb3: {  	s25 =	simm.s32 $0x1B8E;
	s24 =	sld [smem:$0x3FFE];
	[sflag:s5] =	ssyncadd.remote.s32 @!p0 $0x1  }
0xb4: {  	s26 =	simm.s32 $execute0_lowered;
	[smem:$0x3FD2] =	sst s25  }
0xb5: {  	s6 =	sshll.u32 s26, $0x1;
	_ =	strace $0x80000055;
	[dreg:$0x1] =	wrdreg $0xFFFFFFFF  }
0xb6: {  	s28 =	simm.s32 $_size_execute0_lowered;
	s4 =	sadd.s32 s4, s6;
	[dreg:$0x0] =	wrdreg $0x0  }
0xb7: {  	s6 =	sshll.u32 s28, $0x1;
	[dreg:$0x2] =	wrdreg s4  }
0xb8: {  	[dreg:$0x3] =	wrdreg s6  }
0xb9: {  	[dreg:$0x4] =	wrdreg $0xC0  }
0xba: {  	_ =	task [dreg:s22], $0x5FFFF  }
0xbb: {  	[dreg:$0x1] =	wrdreg $0xFFFFFFFF  }
0xbc: {  	[dreg:$0x0] =	wrdreg $0x60  }
0xbd: {  	[dreg:$0x2] =	wrdreg s24  }
0xbe: {  	[dreg:$0x3] =	wrdreg s18  }
0xbf: {  	[dreg:$0x4] =	wrdreg $0xA  }
0xc0: {  	_ =	task.clear_ibuf [dreg:s22], $0x5FFFF;
	_ =	strace $0x90000055  }
0xc1: {  	s29 =	simm.s32 $0xA;
	_ =	strace $0x80000057  }
0xc2: {  	_ =	swait.ge [sflag:s29], $0x1  }
0xc3: {  	[sflag:s29] =	ssyncadd.s32 $0xFFFFFFFF  }
0xc4: {  	_ =	strace $0x90000057  }
0xc5: {  	_ =	sfence  }
0xc6: {  	s30 =	sld [smem:$0x0];
	_ =	sdelay $0x2  }
0xc7: {  	s31 =	sshll.u32 s1, $0xD;
	s1 =	sshrl.u32 s1, $0x2  }
0xc8: {  	s4 =	sand.u32 $0x4000, s31;
	s1 =	sadd.s32 s1, s30  }
0xc9: {  	s0 =	sor.u32 s4, s0;
	s1 =	sshll.u32 s1, $0x11  }
0xca: {  	s0 =	sor.u32 s1, s0  }
0xcb: {  	s0 =	sadd.s32 $0x8F2B, s0  }
0xcc: {  	[sflag:s0] =	ssyncadd.remote.s32 $0x1  }
0xcd: {  	_ =	sfence.sel $0xFFFF  }
0xce: {  	[dreg:$0x0] =	wrdreg $0xFFFFFFFF;
	(pc) =	sbr.abs _section_cstart, $3  }
0xcf: {  	[dreg:$0x1] =	wrdreg $0xFFFFFFFF  }
0xd0: {  	_ =	task.clear_ibuf [dreg:s22], $0x2FFFF;
	_ =	strace $0x9FFFFFFF  }
0xd1: {  	(tm) =	ssettm $0x7FFFFFFF  }
tec
execute0_lowered:
.L_overlay_start_1:
0x0: {  	(tag) =	ssettag $0x1  }
0x1: {  	s0 =	srdreg.scid  }
0x2: {  	s1 =	sshll.u32 s0, $0x4  }
0x3: {  	s0 =	stileid.u32;
	s1 =	sand.u32 $0x10, s1  }
0x4: {  	s9 =	rddreg [dreg:$0x0];
	s1 =	sor.u32 s0, s1  }
0x5: {  	s3 =	rddreg [dreg:$0x1];
	s2 =	smin.u32 s1, $0x8  }
0x6: {  	p0 =	slt.u32 s1, $0x8;
	s2 =	sadd.s32 s1, s2;
	s1 =	simm.s32 $0x100  }
0x7: {  	s6 =	simm.s32 $0x1;
	s2 =	sshll.u32 s2, $0x7;
	s1 =	simm.s32 @!p0 $0x80  }
0x8: {  	s7 =	simm.s32 $0x2;
	s10 =	simm.s32 $0x3;
	s4 =	sadd.s32 s1, s2  }
0x9: {  	s13 =	simm.s32 $0x0;
	s12 =	simm.s32 $0x0;
	s4 =	smin.u32 s4, $0x1400  }
.Ltmp0:
0xa: {  	s5 =	sadd.s32 $0x2D000, s9;
	s8 =	ssub.s32 s4, s2;
	(pc) =	sbr.rel .LBB2_1-.Ltmp0, $4  }
0xb: {  	s1 =	rddreg [dreg:$0x2];
	_ =	strace $0x80000056;
	p0 =	sgt.s32 s8, $0x0  }
0xc: {  	s9 =	sadd.s32 $0x19200, s9;
	[sflag:s6] =	ssyncpa.u1 $0x0;
	s8 =	simm.s32 @!p0 $0x0  }
0xd: {  	s11 =	smov.u32 s2;
	[sflag:s7] =	ssyncpa.u1 $0x0;
	s8 =	sshrl.u32 s8, $0x7  }
0xe: {  	vm0 =	vmmov $0xff;
	vm1 =	vcmask $0x3F20;
	[sflag:s10] =	ssyncpa.u1 $0x0;
	p0 =	por $0x0, $0x0;
	s10 =	sadd.s32 $0x1, s8  }
.LBB2_6:
0xf: {  	[hbm:s17] =	stream.linear.scatter [tilespmem:s14], [sflag:$0x3], $0x400, $0x38;
	[tilespmem:$0x8100] =	vst v63  }
.LBB2_7:
0x10: {  	s13 =	sadd.s32 $0x80, s11  }
0x11: {  	s15 =	smov.u32 s2;
	p2 =	slt.s32 s13, s4  }
0x12: {  	s15 =	smov.u32 @p2 s13;
	p2 =	sne.s32 s12, s10  }
.Ltmp1:
0x13: {  	p1 =	slt.u32 s12, $0x2;
	(pc) =	sbr.rel @!p2 .LBB2_8-.Ltmp1, $4  }
0x14: {  	s14 =	simm.s32 @!p1 $0x3  }
0x15: {  	s16 =	sadd.s32 $0x1, s12;
	_ =	swait.ge @!p1 [sflag:s14], $0x4000  }
0x16: {  	p0 =	por !p0, !p0;
	s13 =	smov.u32 s11;
	[sflag:s14] =	ssyncset.done @!p1 $0x0  }
0x17: {  	s12 =	smov.u32 s16;
	s11 =	smov.u32 s15;
	[sflag:s14] =	ssyncadd.s32 @!p1 $0xFFFFC000  }
.LBB2_1:
0x18: {  	p1 =	sge.u32 s12, s8  }
0x19: {  	s14 =	sxor.u32 @!p1 $0xFFFFFFFF, s12  }
0x1a: {  	s31 =	sadd.s32 $0xFFFFFFFF, s12;
	s15 =	sshrl.u32 @!p1 s11, $0x3;
	s14 =	sshll.u32 @!p1 s14, $0x7  }
0x1b: {  	s16 =	sand.u32 @!p1 $0x7, s11;
	s15 =	sadd.s32 @!p1 s9, s15;
	s14 =	sand.u32 @!p1 $0x80, s14  }
0x1c: {  	[tilespmem:s14], [sflag:$0x2] =	stream.linear.gather @!p1 [hbm4b:s15+s16], $0x80, $0x38;
	[tilespmem:$0x8100] =	vst v63  }
0x1d: {  	p1 =	sge.u32 s31, s8  }
.Ltmp2:
0x1e: {  	_ = 	snop;
	(pc) =	sbr.rel @p1 .LBB2_7-.Ltmp2, $1  }
0x1f: {  	_ =	sdelay $0x3  }
0x20: {  	s14 =	simm.s32 $0x1  }
0x21: {  	_ =	swait.ge [sflag:s7], $0x80;
	s14 =	simm.s32 @!p0 $0x0  }
0x22: {  	[sflag:s7] =	ssyncset.done $0x0;
	s16 =	sshll.u32 s14, $0x7  }
0x23: {  	[sflag:s7] =	ssyncadd.s32 $0xFFFFFF80;
	s15 =	sadd.s32 $0x0, s16  }
0x24: {  	v0 =	vld.msk [tilespmem:s15+$0x0 ss:$0x1], $0xffff;
	_ =	sdelay $0x4  }
0x25: {  	vm2 =	vgt.s32 v0, $0x0  }
0x26: {  	v0 =	vnsel vm2, $0x0, v0  }
0x27: {  	v0 =	vmin.u32 v0, $0x27FF  }
0x28: {  	v0 =	vshll.u32 v0, $0x4;
	_ =	sdelay $0x2  }
0x29: {  	s14 =	sshll.u32 s14, $0xE  }
0x2a: {  	s14 =	sor.u32 $0x100, s14  }
0x2b: {  	[tilespmem:s14], [sflag:$0x1] =	stream.indirect_vreg.gather [hbm:s5], $0x80, v0, vm0, $0x38;
	[tilespmem:$0x8100] =	vst v63  }
0x2c: {  	s17 =	sadd.s32 $0x10, s16;
	s15 =	sadd.s32 $0x400, s14  }
0x2d: {  	[tilespmem:s15], [sflag:$0x1] =	stream.indirect_vreg.gather [hbm:s5], $0x80, v0, vm1, $0x38;
	[tilespmem:$0x8100] =	vst v63  }
0x2e: {  	s18 =	simm.s32 $0x80;
	v0 =	vld.msk [tilespmem:s17+$0x0 ss:$0x1], $0xffff;
	s17 =	smov.u32 s14  }
.LBB2_3:
0x2f: {  	p1 =	sne.s32 s18, $0x1C0;
	_ =	sdelay $0x4  }
0x30: {  	vm2 =	vgt.s32 v0, $0x0  }
0x31: {  	v0 =	vnsel vm2, $0x0, v0  }
0x32: {  	v0 =	vmin.u32 v0, $0x27FF  }
0x33: {  	v0 =	vshll.u32 v0, $0x4;
	_ =	sdelay $0x3  }
.Ltmp3:
0x34: {  	s19 =	sshra.s32 s18, $0x2;
	s17 =	sadd.s32 $0x800, s17;
	(pc) =	sbr.rel @p1 .LBB2_3-.Ltmp3, $4  }
0x35: {  	[tilespmem:s17], [sflag:$0x1] =	stream.indirect_vreg.gather [hbm:s5], $0x80, v0, vm0, $0x38;
	[tilespmem:$0x8100] =	vst v63  }
0x36: {  	s19 =	sadd.s32 s19, s16;
	s20 =	sadd.s32 $0x400, s17  }
0x37: {  	[tilespmem:s20], [sflag:$0x1] =	stream.indirect_vreg.gather [hbm:s5], $0x80, v0, vm1, $0x38;
	[tilespmem:$0x8100] =	vst v63  }
0x38: {  	s18 =	sadd.s32 $0x40, s18;
	v0 =	vld.msk [tilespmem:s19+$0x0 ss:$0x1], $0xffff  }
0x39: {  	_ =	sdelay $0x3  }
0x3a: {  	vm2 =	vgt.s32 v0, $0x0  }
0x3b: {  	v0 =	vnsel vm2, $0x0, v0  }
0x3c: {  	v0 =	vmin.u32 v0, $0x27FF  }
0x3d: {  	v0 =	vshll.u32 v0, $0x4;
	_ =	sdelay $0x3  }
0x3e: {  	s16 =	sadd.s32 $0x800, s17  }
0x3f: {  	[tilespmem:s16], [sflag:$0x1] =	stream.indirect_vreg.gather [hbm:s5], $0x80, v0, vm0, $0x38;
	[tilespmem:$0x8100] =	vst v63  }
0x40: {  	s16 =	sadd.s32 $0x400, s16  }
0x41: {  	[tilespmem:s16], [sflag:$0x1] =	stream.indirect_vreg.gather [hbm:s5], $0x80, v0, vm1, $0x38;
	[tilespmem:$0x8100] =	vst v63  }
0x42: {  	s13 =	sshll.u32 s13, $0x4;
	_ =	swait.ge [sflag:s6], $0x4000  }
0x43: {  	s13 =	sadd.s32 s13, s3;
	[sflag:s6] =	ssyncset.done $0x0  }
0x44: {  	s17 =	sadd.s32 $0x0, s13;
	s16 =	simm.s32 $0x80;
	[sflag:s6] =	ssyncadd.s32 $0xFFFFC000  }
.LBB2_5:
0x45: {  	[hbm:s17] =	stream.linear.scatter [tilespmem:s14], [sflag:$0x3], $0x400, $0x38;
	[tilespmem:$0x8100] =	vst v63  }
0x46: {  	s17 =	smov.u32 s16;
	s14 =	smov.u32 s15;
	p1 =	sne.s32 s16, $0x780  }
.Ltmp4:
0x47: {  	s16 =	sadd.s32 $0x80, s16;
	(pc) =	sbr.rel @p1 .LBB2_5-.Ltmp4, $2  }
0x48: {  	_ =	sdelay $0x2  }
0x49: {  	s15 =	sadd.s32 $0x400, s15;
	s17 =	sadd.s32 s17, s13  }
.Ltmp5:
0x4a: {  	_ = 	snop;
	(pc) =	sbr.rel .LBB2_6-.Ltmp5, $1  }
0x4b: {  	_ =	sdelay $0x3  }
.LBB2_8:
0x4c: {  	_ =	sfence.sel $0x180000  }
0x4d: {  	s2 =	simm.s32 $0x2;
	[bflag:$0x0] =	sbarrier.arrive $0xFFFF  }
0x4e: {  	s30 =	simm.s32 $0x3;
	[sflag:s2] =	ssyncpa.u1 $0x1  }
0x4f: {  	s31 =	simm.s32 $0x1;
	[sflag:s30] =	ssyncpa.u1 $0x1  }
0x50: {  	[sflag:s31] =	ssyncpa.u1 $0x1  }
0x51: {  	p0 =	sne.s32 s0, $0x0;
	_ =	strace $0x90000056  }
0x52: {  	s0 =	sadd.s32 @!p0 $0x100000, s1;
	[bflag:$0x2] =	sbarrier.arrive $0xFFFF  }
0x53: {  	[sflag:s0] =	ssyncadd.tile.s32 @!p0 $0x1;
	_ =	shalt  }
.Lfunc_end2:
_tile_overlayer_lowered:
.L_overlay_start_2:
0x54: {  	(tag) =	ssettag $0x2  }
0x55: {  	s0 =	rddreg [dreg:$0x0];
	s2 =	stileid.u32  }
0x56: {  	s1 =	rddreg [dreg:$0x1];
	p0 =	sne.s32 s2, $0x0  }
0x57: {  	s3 =	rddreg [dreg:$0x2];
	[bflag:$0x3] =	sbarrier.arrive $0xFFFF;
	s2 =	simm.s32 @!p0 $0x1C01  }
0x58: {  	[timem:s3], [sflag:s2] =	dma.local @!p0 [hbm:s0], s1  }
0x59: {  	s0 =	simm.s32 @!p0 $0x1  }
0x5a: {  	_ =	swait.ge @!p0 [sflag:s0], s1  }
0x5b: {  	s1 =	ssub.s32 @!p0 $0x0, s1;
	[sflag:s0] =	ssyncset.done @!p0 $0x0  }
0x5c: {  	[sflag:s0] =	ssyncadd.s32 @!p0 s1  }
0x5d: {  	[bflag:$0x3] =	sbarrier.arrive $0xFFFF  }
0x5e: {  	_ =	shalt  }

// kernel: gather_offload_async_start.2
scs
__scs_entry_jumppad:
0x0: {  	(pc) =	sbr.rel $0x88, $3  }
0x1: {  	(tag) =	ssettag $0x0;
	lr =	simm.s32 $0x1  }
0x2: {  	[smem:$0x3F6E] =	sst lr;
	_ =	strace $0xD0000000  }
0x3: {  	_ = 	snop  }
0x4: {  	_ = 	snop  }
0x5: {  	_ = 	snop  }
0x6: {  	_ = 	snop  }
0x7: {  	_ = 	snop  }
__scs_overlays_trampoline_lowered:
0x8: {  	[smem:$0x3F7D] =	sst s0  }
0x9: {  	[smem:$0x3F7E] =	sst s1  }
0xa: {  	[smem:$0x3F7F] =	sst s2  }
0xb: {  	[smem:$0x3F80] =	sst s3  }
0xc: {  	[smem:$0x3F81] =	sst s4  }
0xd: {  	[smem:$0x3F82] =	sst s5  }
0xe: {  	[smem:$0x3F83] =	sst s6  }
0xf: {  	[smem:$0x3F84] =	sst s7  }
0x10: {  	[smem:$0x3F85] =	sst s8  }
0x11: {  	[smem:$0x3F86] =	sst s9;
	s0 =	simm.s32 @!p0 $0x0  }
0x12: {  	s1 =	sld [smem:$0x3F6C];
	s0 =	simm.s32 @p0 $0x1  }
0x13: {  	[smem:$0x3F87] =	sst s0;
	s0 =	simm.s32 @!p1 $0x0  }
0x14: {  	s2 =	sld [smem:$0x3F6B];
	s0 =	simm.s32 @p1 $0x1  }
0x15: {  	[smem:$0x3F88] =	sst s0;
	s0 =	simm.s32 @!p2 $0x0  }
0x16: {  	s3 =	sld [smem:$0x3FDB];
	s0 =	simm.s32 @p2 $0x1  }
0x17: {  	s4 =	simm.s32 $0x1BF5;
	[smem:$0x3F8A] =	sst s0  }
0x18: {  	s0 =	sld [smem:$0x3F6D];
	_ =	swait.ge [sflag:s4], $0x0  }
0x19: {  	s7 =	sld [smem:$0x3F6E]  }
0x1a: {  	s8 =	sadd.s32 $0xFFFFE003, lr  }
0x1b: {  	s9 =	sadd.s32 $0xFFFFFEF7, lr;
	s5 =	simm.s32 $0xFFFFFFFF;
	p2 =	slt.u32 s8, $0xFFFFF086  }
0x1c: {  	p1 =	slt.u32 s9, $0xF7A;
	s5 =	simm.s32 @!p2 $0x0  }
0x1d: {  	s5 =	simm.s32 @p1 $0x1;
	p0 =	seq.s32 s7, s2  }
0x1e: {  	s7 =	smul.u32 @!p0 $0xF7A, s2;
	p2 =	seq.s32 @!p0 s5, $0x0  }
0x1f: {  	s9 =	smul.u32 $0xF7A, s1;
	s8 =	simm.s32 @!p0 $0x1BF5;
	p2 =	por !p2, p0  }
0x20: {  	[sflag:s8] =	ssyncset.s32 @!p0 $0xFFFFF086;
	s6 =	sadd.s32 @!p0 s3, s7;
	s7 =	simm.s32 @!p0 $0x108  }
0x21: {  	s3 =	sadd.s32 s3, s9;
	s6 =	sadd.s32 @!p0 $0x88, s6;
	s7 =	simm.s32 @p2 $0x1082  }
0x22: {  	[simem:s7], [sflag:s8] =	dma.local @!p0 [hbm:s6], $0xF7A  }
0x23: {  	s9 =	sor.u32 $0xD0000000, s2;
	s6 =	simm.s32 $0x108;
	_ =	swait.ge @!p0 [sflag:s8], $0x0  }
0x24: {  	s3 =	sadd.s32 $0x88, s3;
	s6 =	simm.s32 @!p1 $0x1082;
	[sflag:s4] =	ssyncset.s32 $0xFFFFF086  }
0x25: {  	[simem:s6], [sflag:s4] =	dma.local [hbm:s3], $0xF7A  }
0x26: {  	[smem:$0x3F6E] =	sst s1;
	(tag) =	ssettag s2;
	_ =	strace s9  }
0x27: {  	s1 =	sld [smem:$0x3F7E]  }
0x28: {  	s2 =	sld [smem:$0x3F7F]  }
0x29: {  	s4 =	sld [smem:$0x3F81]  }
0x2a: {  	p0 =	seq.s32 s5, $0x0;
	s5 =	sld [smem:$0x3F82]  }
0x2b: {  	s6 =	sld [smem:$0x3F83]  }
0x2c: {  	s7 =	sld [smem:$0x3F84]  }
0x2d: {  	s3 =	simm.s32 $0x108;
	s8 =	sld [smem:$0x3F85]  }
0x2e: {  	s3 =	simm.s32 @!p0 $0x1082;
	s9 =	sld [smem:$0x3F86]  }
0x2f: {  	lr =	sadd.s32 s0, s3;
	s0 =	sld [smem:$0x3F7D]  }
0x30: {  	s3 =	sld [smem:$0x3F80]  }
0x31: {  	[smem:$0x3F89] =	sst s10  }
0x32: {  	s10 =	sld [smem:$0x3F87];
	_ =	sdelay $0x3  }
0x33: {  	p0 =	seq.s32 s10, $0x1;
	s10 =	sld [smem:$0x3F89];
	_ =	sdelay $0x3  }
0x34: {  	[smem:$0x3F89] =	sst s10  }
0x35: {  	s10 =	sld [smem:$0x3F88];
	_ =	sdelay $0x3  }
0x36: {  	p1 =	seq.s32 s10, $0x1;
	s10 =	sld [smem:$0x3F89];
	_ =	sdelay $0x3  }
0x37: {  	[smem:$0x3F89] =	sst s10  }
0x38: {  	s10 =	sld [smem:$0x3F8A]  }
0x39: {  	_ = 	snop;
	(pc) =	sbr.ind lr, $3  }
0x3a: {  	_ = 	snop  }
0x3b: {  	_ = 	snop  }
0x3c: {  	p2 =	seq.s32 s10, $0x1;
	s10 =	sld [smem:$0x3F89]  }
0x3d: {  	_ =	shalt  }
0x3e: {  	_ =	shalt  }
0x3f: {  	_ =	shalt  }
0x40: {  	_ =	shalt  }
0x41: {  	_ =	shalt  }
0x42: {  	_ =	shalt  }
0x43: {  	_ =	shalt  }
0x44: {  	_ =	shalt  }
0x45: {  	_ =	shalt  }
0x46: {  	_ =	shalt  }
0x47: {  	_ =	shalt  }
0x48: {  	_ =	shalt  }
0x49: {  	_ =	shalt  }
0x4a: {  	_ =	shalt  }
0x4b: {  	_ =	shalt  }
0x4c: {  	_ =	shalt  }
0x4d: {  	_ =	shalt  }
0x4e: {  	_ =	shalt  }
0x4f: {  	_ =	shalt  }
0x50: {  	_ =	shalt  }
0x51: {  	_ =	shalt  }
0x52: {  	_ =	shalt  }
0x53: {  	_ =	shalt  }
0x54: {  	_ =	shalt  }
0x55: {  	_ =	shalt  }
0x56: {  	_ =	shalt  }
0x57: {  	_ =	shalt  }
0x58: {  	_ =	shalt  }
0x59: {  	_ =	shalt  }
0x5a: {  	_ =	shalt  }
0x5b: {  	_ =	shalt  }
0x5c: {  	_ =	shalt  }
0x5d: {  	_ =	shalt  }
0x5e: {  	_ =	shalt  }
0x5f: {  	_ =	shalt  }
0x60: {  	_ =	shalt  }
0x61: {  	_ =	shalt  }
0x62: {  	_ =	shalt  }
0x63: {  	_ =	shalt  }
0x64: {  	_ =	shalt  }
0x65: {  	_ =	shalt  }
0x66: {  	_ =	shalt  }
0x67: {  	_ =	shalt  }
0x68: {  	_ =	shalt  }
0x69: {  	_ =	shalt  }
0x6a: {  	_ =	shalt  }
0x6b: {  	_ =	shalt  }
0x6c: {  	_ =	shalt  }
0x6d: {  	_ =	shalt  }
0x6e: {  	_ =	shalt  }
0x6f: {  	_ =	shalt  }
0x70: {  	_ =	shalt  }
0x71: {  	_ =	shalt  }
0x72: {  	_ =	shalt  }
0x73: {  	_ =	shalt  }
0x74: {  	_ =	shalt  }
0x75: {  	_ =	shalt  }
0x76: {  	_ =	shalt  }
0x77: {  	_ =	shalt  }
0x78: {  	_ =	shalt  }
0x79: {  	_ =	shalt  }
0x7a: {  	_ =	shalt  }
0x7b: {  	_ =	shalt  }
0x7c: {  	_ =	shalt  }
0x7d: {  	_ =	shalt  }
0x7e: {  	_ =	shalt  }
0x7f: {  	_ =	shalt  }
0x80: {  	_ =	shalt  }
0x81: {  	_ =	shalt  }
0x82: {  	_ =	shalt  }
0x83: {  	_ =	shalt  }
0x84: {  	_ =	shalt  }
0x85: {  	_ =	shalt  }
0x86: {  	_ =	shalt  }
0x87: {  	_ =	shalt  }
.Lfunc_end0:
.L_simem_size_0:
called_computation.5_lowered:
.L_overlay_start_0:
0x88: {  	s2 =	sld [smem:$0x3FD9]  }
0x89: {  	s3 =	sld [smem:$0x3FFE];
	_ =	sdelay $0x1  }
0x8a: {  	s1 =	srdreg.scid  }
0x8b: {  	s0 =	sand.u32 $0x1, s1  }
0x8c: {  	s16 =	sshll.u32 s0, $0xA;
	s2 =	sadd.s32 s3, s2  }
0x8d: {  	s2 =	sadd.s32 s2, s16  }
0x8e: {  	[smem:$0x3F95] =	sst s2  }
0x8f: {  	_ = 	snop  }
0x90: {  	(tm) =	ssettm $0x1  }
0x91: {  	s17 =	sld [smem:$0x3FFB];
	_ =	sdelay $0x3  }
0x92: {  	_ =	strace s17  }
0x93: {  	s2 =	sld [smem:$0x3FFC];
	_ =	sdelay $0x3  }
0x94: {  	_ =	strace s2  }
0x95: {  	s2 =	sld [smem:$0x3FFD];
	_ =	sdelay $0x3  }
0x96: {  	_ =	strace s2  }
0x97: {  	_ =	strace $0x8FFFFFFF  }
0x98: {  	s18 =	sld [smem:$0x3FDB];
	_ =	sdelay $0x1  }
0x99: {  	s19 =	simm.s32 $_scs_section_size  }
0x9a: {  	s4 =	simm.s32 $_size__tile_overlayer_lowered;
	s5 =	simm.s32 $_tile_overlayer_lowered  }
0x9b: {  	s22 =	simm.s32 $0x1BFF;
	s21 =	sshll.u32 s5, $0x1;
	s2 =	sadd.s32 s19, s18  }
0x9c: {  	s6 =	simm.s32 $0x0;
	s20 =	sshll.u32 s4, $0x1;
	s4 =	sadd.s32 s21, s2  }
0x9d: {  	[timem:s6], [sflag:s22] =	dma.local [hbm:s4], s20  }
0x9e: {  	_ =	swait.ge [sflag:s22], s20  }
0x9f: {  	s3 =	ssub.s32 $0x0, s20;
	[sflag:s22] =	ssyncset.done $0x0  }
0xa0: {  	[sflag:s22] =	ssyncadd.s32 s3;
	_ =	sdelay $0x1  }
0xa1: {  	s23 =	simm.s32 $0x1B8B  }
0xa2: {  	_ =	swait.ge [sflag:s23], $0x1  }
0xa3: {  	[sflag:s23] =	ssyncset.done $0x0  }
0xa4: {  	s25 =	simm.s32 $0x1B8E;
	s24 =	sld [smem:$0x3FFE];
	[sflag:s23] =	ssyncadd.s32 $0xFFFFFFFF  }
0xa5: {  	s26 =	simm.s32 $execute0_lowered;
	[smem:$0x3FD2] =	sst s25  }
0xa6: {  	s4 =	sshll.u32 s26, $0x1;
	_ =	strace $0x80000058;
	[dreg:$0x1] =	wrdreg $0xFFFFFFFF  }
0xa7: {  	s28 =	simm.s32 $_size_execute0_lowered;
	s2 =	sadd.s32 s2, s4;
	[dreg:$0x0] =	wrdreg $0x0  }
0xa8: {  	s4 =	sshll.u32 s28, $0x1;
	[dreg:$0x2] =	wrdreg s2  }
0xa9: {  	[dreg:$0x3] =	wrdreg s4  }
0xaa: {  	[dreg:$0x4] =	wrdreg $0xC0  }
0xab: {  	_ =	task [dreg:s6], $0x5FFFF  }
0xac: {  	[dreg:$0x1] =	wrdreg $0xFFFFFFFF  }
0xad: {  	[dreg:$0x0] =	wrdreg $0x60  }
0xae: {  	[dreg:$0x2] =	wrdreg s24  }
0xaf: {  	[dreg:$0x3] =	wrdreg $0x9  }
0xb0: {  	_ =	task.clear_ibuf [dreg:s6], $0x4FFFF;
	_ =	strace $0x90000058  }
0xb1: {  	s29 =	simm.s32 $0x9;
	_ =	strace $0x8000005A  }
0xb2: {  	_ =	swait.ge [sflag:s29], $0x1  }
0xb3: {  	[sflag:s29] =	ssyncadd.s32 $0xFFFFFFFF  }
0xb4: {  	_ =	strace $0x9000005A  }
0xb5: {  	_ =	sfence  }
0xb6: {  	s30 =	sld [smem:$0x0];
	_ =	sdelay $0x2  }
0xb7: {  	s31 =	sshll.u32 s1, $0xD;
	s1 =	sshrl.u32 s1, $0x2  }
0xb8: {  	s3 =	sand.u32 $0x4000, s31;
	s1 =	sadd.s32 s1, s30  }
0xb9: {  	s0 =	sor.u32 s3, s0;
	s1 =	sshll.u32 s1, $0x11  }
0xba: {  	s0 =	sor.u32 s1, s0  }
0xbb: {  	s0 =	sadd.s32 $0x8F2B, s0  }
0xbc: {  	[sflag:s0] =	ssyncadd.remote.s32 $0x1  }
0xbd: {  	_ =	sfence.sel $0xFFFF  }
0xbe: {  	[dreg:$0x0] =	wrdreg $0xFFFFFFFF;
	(pc) =	sbr.abs _section_cstart, $3  }
0xbf: {  	[dreg:$0x1] =	wrdreg $0xFFFFFFFF  }
0xc0: {  	_ =	task.clear_ibuf [dreg:s6], $0x2FFFF;
	_ =	strace $0x9FFFFFFF  }
0xc1: {  	(tm) =	ssettm $0x7FFFFFFF  }
tec
execute0_lowered:
.L_overlay_start_1:
0x0: {  	(tag) =	ssettag $0x1  }
0x1: {  	s0 =	srdreg.scid;
	s5 =	rddreg [dreg:$0x0]  }
0x2: {  	s1 =	stileid.u32;
	s6 =	simm.s32 $0x1;
	s9 =	simm.s32 $0x1  }
0x3: {  	s10 =	simm.s32 $0x3;
	s13 =	simm.s32 $0x0;
	s2 =	sshll.u32 s0, $0x6  }
0x4: {  	s12 =	simm.s32 $0x0;
	s3 =	sshll.u32 s1, $0x7;
	s2 =	sand.u32 $0x40, s2  }
0x5: {  	s0 =	rddreg [dreg:$0x1];
	_ =	strace $0x80000059;
	s2 =	sor.u32 s3, s2  }
0x6: {  	s4 =	sadd.s32 $0x15C00, s5;
	[sflag:s6] =	ssyncpa.u1 $0x0;
	s8 =	ssub.s32 $0xA00, s2  }
.Ltmp0:
0x7: {  	s3 =	sadd.s32 $0x15000, s5;
	s7 =	sand.u32 $0x7C0, s8;
	(pc) =	sbr.rel .LBB2_1-.Ltmp0, $4  }
0x8: {  	s5 =	sadd.s32 $0x15E00, s5;
	s11 =	smov.u32 s2;
	p0 =	sne.s32 s7, $0x0  }
0x9: {  	s8 =	sshrl.u32 s8, $0xB;
	s7 =	simm.s32 $0x2;
	s9 =	simm.s32 @!p0 $0x0  }
0xa: {  	[sflag:s7] =	ssyncpa.u1 $0x0;
	p0 =	por $0x0, $0x0;
	s8 =	sadd.s32 s9, s8  }
0xb: {  	vm0 =	vmmov $0xffff;
	[sflag:s10] =	ssyncpa.u1 $0x0;
	s10 =	simm.s32 $0x0;
	s9 =	sadd.s32 $0x1, s8  }
.LBB2_4:
0xc: {  	v2 =	vnsel vm1, $0x0, v2  }
0xd: {  	vm1 =	vgt.s32 v0, $0x0;
	v2 =	vmin.u32 v2, $0x13FF  }
0xe: {  	v0 =	vnsel vm1, $0x0, v0  }
0xf: {  	v0 =	vmin.u32 v0, $0x13FF  }
0x10: {  	[tilespmem:s15], [sflag:$0x1] =	stream.indirect_vreg.gather [hbm4b:s3+s10], $0x1, v1, vm0, $0x4038;
	[tilespmem:$0x100] =	vst v63  }
0x11: {  	(ifvalue) =	ssetifvalue $0x7FFFFFFF  }
0x12: {  	[tilespmem:s16], [sflag:$0x1] =	stream.indirect_vreg.gather [hbm4b:s3+s10], $0x1, v2, vm0, $0x4038;
	[tilespmem:$0x100] =	vst v63  }
0x13: {  	s29 =	sadd.s32 $0x10, s16;
	(ifvalue) =	ssetifvalue $0x7FFFFFFF  }
0x14: {  	[tilespmem:s29], [sflag:$0x1] =	stream.indirect_vreg.gather [hbm4b:s3+s10], $0x1, v0, vm0, $0x4038;
	[tilespmem:$0x100] =	vst v63  }
0x15: {  	_ =	swait.ge [sflag:s6], $0x40  }
0x16: {  	s30 =	sshrl.u32 s13, $0x3;
	[sflag:s6] =	ssyncset.done $0x0  }
0x17: {  	s31 =	sand.u32 $0x7, s13;
	s15 =	sadd.s32 s5, s30;
	[sflag:s6] =	ssyncadd.s32 $0xFFFFFFC0  }
0x18: {  	[hbm4b:s15+s31] =	stream.linear.scatter [tilespmem:s14], [sflag:$0x3], $0x40, $0x38;
	[tilespmem:$0x100] =	vst v63  }
.LBB2_5:
0x19: {  	s15 =	sadd.s32 $0x800, s11  }
0x1a: {  	p2 =	sgt.s32 s15, $0x9FF  }
0x1b: {  	s15 =	smov.u32 @p2 s2;
	p2 =	sne.s32 s12, s9  }
.Ltmp1:
0x1c: {  	p1 =	slt.u32 s12, $0x2;
	(pc) =	sbr.rel @!p2 .LBB2_6-.Ltmp1, $4  }
0x1d: {  	s14 =	simm.s32 @!p1 $0x3  }
0x1e: {  	s16 =	sadd.s32 $0x1, s12;
	_ =	swait.ge @!p1 [sflag:s14], $0x40  }
0x1f: {  	s13 =	smov.u32 s11;
	p0 =	por !p0, !p0;
	[sflag:s14] =	ssyncset.done @!p1 $0x0  }
0x20: {  	s12 =	smov.u32 s16;
	s11 =	smov.u32 s15;
	[sflag:s14] =	ssyncadd.s32 @!p1 $0xFFFFFFC0  }
.LBB2_1:
0x21: {  	p1 =	sge.u32 s12, s8  }
0x22: {  	s14 =	sxor.u32 @!p1 $0xFFFFFFFF, s12  }
0x23: {  	s31 =	sadd.s32 $0xFFFFFFFF, s12;
	s15 =	sshrl.u32 @!p1 s11, $0x3;
	s14 =	sshll.u32 @!p1 s14, $0x6  }
0x24: {  	s16 =	sand.u32 @!p1 $0x7, s11;
	s15 =	sadd.s32 @!p1 s4, s15;
	s14 =	sand.u32 @!p1 $0x40, s14  }
0x25: {  	[tilespmem:s14], [sflag:$0x2] =	stream.linear.gather @!p1 [hbm4b:s15+s16], $0x40, $0x38;
	[tilespmem:$0x100] =	vst v63  }
0x26: {  	p1 =	sge.u32 s31, s8  }
.Ltmp2:
0x27: {  	_ = 	snop;
	(pc) =	sbr.rel @p1 .LBB2_5-.Ltmp2, $1  }
0x28: {  	_ =	sdelay $0x3  }
0x29: {  	s14 =	simm.s32 $0x1  }
0x2a: {  	_ =	swait.ge [sflag:s7], $0x40;
	s14 =	simm.s32 @!p0 $0x0  }
0x2b: {  	[sflag:s7] =	ssyncset.done $0x0;
	s14 =	sshll.u32 s14, $0x6  }
0x2c: {  	[sflag:s7] =	ssyncadd.s32 $0xFFFFFFC0;
	(ifvalue) =	ssetifvalue $0x7FFFFFFF;
	v0 =	vld.msk [tilespmem:s14+$0x0 ss:$0x1], $0xffff;
	_ =	sdelay $0x4  }
0x2d: {  	s15 =	sadd.s32 $0x10, s14;
	vm1 =	vgt.s32 v0, $0x0  }
0x2e: {  	v2 =	vld.msk [tilespmem:s15+$0x0 ss:$0x1], $0xffff;
	v1 =	vnsel vm1, $0x0, v0  }
0x2f: {  	v1 =	vmin.u32 v1, $0x13FF;
	_ =	sdelay $0x1  }
0x30: {  	s16 =	sshll.u32 s12, $0x6;
	s18 =	simm.s32 $0x20  }
0x31: {  	s16 =	sand.u32 $0x40, s16;
	s17 =	sadd.s32 $0x10, s15;
	s15 =	sor.u32 $0x80, s14  }
0x32: {  	s14 =	sor.u32 $0x80, s16;
	s16 =	sadd.s32 $0x10, s15;
	v0 =	vld.msk [tilespmem:s17+$0x0 ss:$0x1], $0xffff;
	vm1 =	vgt.s32 v2, $0x0;
	(ifvalue) =	ssetifvalue $0x7FFFFFFF  }
.LBB2_3:
0x33: {  	[tilespmem:s15], [sflag:$0x1] =	stream.indirect_vreg.gather [hbm4b:s3+s10], $0x1, v1, vm0, $0x4038;
	[tilespmem:$0x100] =	vst v63  }
0x34: {  	s18 =	sadd.s32 $0x10, s18  }
0x35: {  	v2 =	vnsel vm1, $0x0, v2;
	p1 =	slt.u32 s18, $0x30  }
.Ltmp3:
0x36: {  	s15 =	smov.u32 s16;
	v1 =	vmin.u32 v2, $0x13FF;
	(pc) =	sbr.rel @p1 .LBB2_3-.Ltmp3, $3  }
0x37: {  	_ =	sdelay $0x1  }
0x38: {  	s17 =	sadd.s32 $0x10, s17  }
0x39: {  	vm1 =	vgt.s32 v0, $0x0;
	s16 =	sadd.s32 $0x10, s16;
	v2 =	vmov v0;
	(ifvalue) =	ssetifvalue $0x7FFFFFFF;
	v0 =	vld.msk [tilespmem:s17+$0x0 ss:$0x1], $0xffff  }
.Ltmp4:
0x3a: {  	_ = 	snop;
	(pc) =	sbr.rel .LBB2_4-.Ltmp4, $1  }
0x3b: {  	_ =	sdelay $0x3  }
.LBB2_6:
0x3c: {  	_ =	sfence.sel $0x180000  }
0x3d: {  	s2 =	simm.s32 $0x2;
	[bflag:$0x0] =	sbarrier.arrive $0xFFFF  }
0x3e: {  	s30 =	simm.s32 $0x3;
	[sflag:s2] =	ssyncpa.u1 $0x1  }
0x3f: {  	s31 =	simm.s32 $0x1;
	[sflag:s30] =	ssyncpa.u1 $0x1  }
0x40: {  	[sflag:s31] =	ssyncpa.u1 $0x1  }
0x41: {  	p0 =	sne.s32 s1, $0x0;
	_ =	strace $0x90000059  }
0x42: {  	s0 =	sadd.s32 @!p0 $0x100000, s0;
	[bflag:$0x2] =	sbarrier.arrive $0xFFFF  }
0x43: {  	[sflag:s0] =	ssyncadd.tile.s32 @!p0 $0x1;
	_ =	shalt  }
.Lfunc_end2:
_tile_overlayer_lowered:
.L_overlay_start_2:
0x44: {  	(tag) =	ssettag $0x2  }
0x45: {  	s0 =	rddreg [dreg:$0x0];
	s2 =	stileid.u32  }
0x46: {  	s1 =	rddreg [dreg:$0x1];
	p0 =	sne.s32 s2, $0x0  }
0x47: {  	s3 =	rddreg [dreg:$0x2];
	[bflag:$0x3] =	sbarrier.arrive $0xFFFF;
	s2 =	simm.s32 @!p0 $0x1C01  }
0x48: {  	[timem:s3], [sflag:s2] =	dma.local @!p0 [hbm:s0], s1  }
0x49: {  	s0 =	simm.s32 @!p0 $0x1  }
0x4a: {  	_ =	swait.ge @!p0 [sflag:s0], s1  }
0x4b: {  	s1 =	ssub.s32 @!p0 $0x0, s1;
	[sflag:s0] =	ssyncset.done @!p0 $0x0  }
0x4c: {  	[sflag:s0] =	ssyncadd.s32 @!p0 s1  }
0x4d: {  	[bflag:$0x3] =	sbarrier.arrive $0xFFFF  }
0x4e: {  	_ =	shalt  }

// kernel: gather_offload_async_start.3
scs
__scs_entry_jumppad:
0x0: {  	(pc) =	sbr.rel $0x88, $3  }
0x1: {  	(tag) =	ssettag $0x0;
	lr =	simm.s32 $0x1  }
0x2: {  	[smem:$0x3F6E] =	sst lr;
	_ =	strace $0xD0000000  }
0x3: {  	_ = 	snop  }
0x4: {  	_ = 	snop  }
0x5: {  	_ = 	snop  }
0x6: {  	_ = 	snop  }
0x7: {  	_ = 	snop  }
__scs_overlays_trampoline_lowered:
0x8: {  	[smem:$0x3F7D] =	sst s0  }
0x9: {  	[smem:$0x3F7E] =	sst s1  }
0xa: {  	[smem:$0x3F7F] =	sst s2  }
0xb: {  	[smem:$0x3F80] =	sst s3  }
0xc: {  	[smem:$0x3F81] =	sst s4  }
0xd: {  	[smem:$0x3F82] =	sst s5  }
0xe: {  	[smem:$0x3F83] =	sst s6  }
0xf: {  	[smem:$0x3F84] =	sst s7  }
0x10: {  	[smem:$0x3F85] =	sst s8  }
0x11: {  	[smem:$0x3F86] =	sst s9;
	s0 =	simm.s32 @!p0 $0x0  }
0x12: {  	s1 =	sld [smem:$0x3F6C];
	s0 =	simm.s32 @p0 $0x1  }
0x13: {  	[smem:$0x3F87] =	sst s0;
	s0 =	simm.s32 @!p1 $0x0  }
0x14: {  	s2 =	sld [smem:$0x3F6B];
	s0 =	simm.s32 @p1 $0x1  }
0x15: {  	[smem:$0x3F88] =	sst s0;
	s0 =	simm.s32 @!p2 $0x0  }
0x16: {  	s3 =	sld [smem:$0x3FDB];
	s0 =	simm.s32 @p2 $0x1  }
0x17: {  	s4 =	simm.s32 $0x1BF5;
	[smem:$0x3F8A] =	sst s0  }
0x18: {  	s0 =	sld [smem:$0x3F6D];
	_ =	swait.ge [sflag:s4], $0x0  }
0x19: {  	s7 =	sld [smem:$0x3F6E]  }
0x1a: {  	s8 =	sadd.s32 $0xFFFFE003, lr  }
0x1b: {  	s9 =	sadd.s32 $0xFFFFFEF7, lr;
	s5 =	simm.s32 $0xFFFFFFFF;
	p2 =	slt.u32 s8, $0xFFFFF086  }
0x1c: {  	p1 =	slt.u32 s9, $0xF7A;
	s5 =	simm.s32 @!p2 $0x0  }
0x1d: {  	s5 =	simm.s32 @p1 $0x1;
	p0 =	seq.s32 s7, s2  }
0x1e: {  	s7 =	smul.u32 @!p0 $0xF7A, s2;
	p2 =	seq.s32 @!p0 s5, $0x0  }
0x1f: {  	s9 =	smul.u32 $0xF7A, s1;
	s8 =	simm.s32 @!p0 $0x1BF5;
	p2 =	por !p2, p0  }
0x20: {  	[sflag:s8] =	ssyncset.s32 @!p0 $0xFFFFF086;
	s6 =	sadd.s32 @!p0 s3, s7;
	s7 =	simm.s32 @!p0 $0x108  }
0x21: {  	s3 =	sadd.s32 s3, s9;
	s6 =	sadd.s32 @!p0 $0x88, s6;
	s7 =	simm.s32 @p2 $0x1082  }
0x22: {  	[simem:s7], [sflag:s8] =	dma.local @!p0 [hbm:s6], $0xF7A  }
0x23: {  	s9 =	sor.u32 $0xD0000000, s2;
	s6 =	simm.s32 $0x108;
	_ =	swait.ge @!p0 [sflag:s8], $0x0  }
0x24: {  	s3 =	sadd.s32 $0x88, s3;
	s6 =	simm.s32 @!p1 $0x1082;
	[sflag:s4] =	ssyncset.s32 $0xFFFFF086  }
0x25: {  	[simem:s6], [sflag:s4] =	dma.local [hbm:s3], $0xF7A  }
0x26: {  	[smem:$0x3F6E] =	sst s1;
	(tag) =	ssettag s2;
	_ =	strace s9  }
0x27: {  	s1 =	sld [smem:$0x3F7E]  }
0x28: {  	s2 =	sld [smem:$0x3F7F]  }
0x29: {  	s4 =	sld [smem:$0x3F81]  }
0x2a: {  	p0 =	seq.s32 s5, $0x0;
	s5 =	sld [smem:$0x3F82]  }
0x2b: {  	s6 =	sld [smem:$0x3F83]  }
0x2c: {  	s7 =	sld [smem:$0x3F84]  }
0x2d: {  	s3 =	simm.s32 $0x108;
	s8 =	sld [smem:$0x3F85]  }
0x2e: {  	s3 =	simm.s32 @!p0 $0x1082;
	s9 =	sld [smem:$0x3F86]  }
0x2f: {  	lr =	sadd.s32 s0, s3;
	s0 =	sld [smem:$0x3F7D]  }
0x30: {  	s3 =	sld [smem:$0x3F80]  }
0x31: {  	[smem:$0x3F89] =	sst s10  }
0x32: {  	s10 =	sld [smem:$0x3F87];
	_ =	sdelay $0x3  }
0x33: {  	p0 =	seq.s32 s10, $0x1;
	s10 =	sld [smem:$0x3F89];
	_ =	sdelay $0x3  }
0x34: {  	[smem:$0x3F89] =	sst s10  }
0x35: {  	s10 =	sld [smem:$0x3F88];
	_ =	sdelay $0x3  }
0x36: {  	p1 =	seq.s32 s10, $0x1;
	s10 =	sld [smem:$0x3F89];
	_ =	sdelay $0x3  }
0x37: {  	[smem:$0x3F89] =	sst s10  }
0x38: {  	s10 =	sld [smem:$0x3F8A]  }
0x39: {  	_ = 	snop;
	(pc) =	sbr.ind lr, $3  }
0x3a: {  	_ = 	snop  }
0x3b: {  	_ = 	snop  }
0x3c: {  	p2 =	seq.s32 s10, $0x1;
	s10 =	sld [smem:$0x3F89]  }
0x3d: {  	_ =	shalt  }
0x3e: {  	_ =	shalt  }
0x3f: {  	_ =	shalt  }
0x40: {  	_ =	shalt  }
0x41: {  	_ =	shalt  }
0x42: {  	_ =	shalt  }
0x43: {  	_ =	shalt  }
0x44: {  	_ =	shalt  }
0x45: {  	_ =	shalt  }
0x46: {  	_ =	shalt  }
0x47: {  	_ =	shalt  }
0x48: {  	_ =	shalt  }
0x49: {  	_ =	shalt  }
0x4a: {  	_ =	shalt  }
0x4b: {  	_ =	shalt  }
0x4c: {  	_ =	shalt  }
0x4d: {  	_ =	shalt  }
0x4e: {  	_ =	shalt  }
0x4f: {  	_ =	shalt  }
0x50: {  	_ =	shalt  }
0x51: {  	_ =	shalt  }
0x52: {  	_ =	shalt  }
0x53: {  	_ =	shalt  }
0x54: {  	_ =	shalt  }
0x55: {  	_ =	shalt  }
0x56: {  	_ =	shalt  }
0x57: {  	_ =	shalt  }
0x58: {  	_ =	shalt  }
0x59: {  	_ =	shalt  }
0x5a: {  	_ =	shalt  }
0x5b: {  	_ =	shalt  }
0x5c: {  	_ =	shalt  }
0x5d: {  	_ =	shalt  }
0x5e: {  	_ =	shalt  }
0x5f: {  	_ =	shalt  }
0x60: {  	_ =	shalt  }
0x61: {  	_ =	shalt  }
0x62: {  	_ =	shalt  }
0x63: {  	_ =	shalt  }
0x64: {  	_ =	shalt  }
0x65: {  	_ =	shalt  }
0x66: {  	_ =	shalt  }
0x67: {  	_ =	shalt  }
0x68: {  	_ =	shalt  }
0x69: {  	_ =	shalt  }
0x6a: {  	_ =	shalt  }
0x6b: {  	_ =	shalt  }
0x6c: {  	_ =	shalt  }
0x6d: {  	_ =	shalt  }
0x6e: {  	_ =	shalt  }
0x6f: {  	_ =	shalt  }
0x70: {  	_ =	shalt  }
0x71: {  	_ =	shalt  }
0x72: {  	_ =	shalt  }
0x73: {  	_ =	shalt  }
0x74: {  	_ =	shalt  }
0x75: {  	_ =	shalt  }
0x76: {  	_ =	shalt  }
0x77: {  	_ =	shalt  }
0x78: {  	_ =	shalt  }
0x79: {  	_ =	shalt  }
0x7a: {  	_ =	shalt  }
0x7b: {  	_ =	shalt  }
0x7c: {  	_ =	shalt  }
0x7d: {  	_ =	shalt  }
0x7e: {  	_ =	shalt  }
0x7f: {  	_ =	shalt  }
0x80: {  	_ =	shalt  }
0x81: {  	_ =	shalt  }
0x82: {  	_ =	shalt  }
0x83: {  	_ =	shalt  }
0x84: {  	_ =	shalt  }
0x85: {  	_ =	shalt  }
0x86: {  	_ =	shalt  }
0x87: {  	_ =	shalt  }
.Lfunc_end0:
.L_simem_size_0:
called_computation.6_lowered:
.L_overlay_start_0:
0x88: {  	s2 =	sld [smem:$0x3FD9]  }
0x89: {  	s3 =	sld [smem:$0x3FFE];
	_ =	sdelay $0x1  }
0x8a: {  	s1 =	srdreg.scid  }
0x8b: {  	s0 =	sand.u32 $0x1, s1  }
0x8c: {  	s17 =	sshll.u32 s0, $0xA;
	s2 =	sadd.s32 s3, s2  }
0x8d: {  	s2 =	sadd.s32 s2, s17  }
0x8e: {  	[smem:$0x3F95] =	sst s2  }
0x8f: {  	_ = 	snop  }
0x90: {  	s18 =	sld [smem:$0x3FD0];
	(tm) =	ssettm $0x1  }
0x91: {  	s19 =	sld [smem:$0x3FFB];
	_ =	sdelay $0x3  }
0x92: {  	_ =	strace s19  }
0x93: {  	s2 =	sld [smem:$0x3FFC];
	_ =	sdelay $0x3  }
0x94: {  	_ =	strace s2  }
0x95: {  	s2 =	sld [smem:$0x3FFD];
	_ =	sdelay $0x3  }
0x96: {  	_ =	strace s2  }
0x97: {  	_ =	strace $0x8FFFFFFF  }
0x98: {  	s20 =	sld [smem:$0x3FDB];
	_ =	sdelay $0x1  }
0x99: {  	s4 =	simm.s32 $_scs_section_size  }
0x9a: {  	s5 =	simm.s32 $_size__tile_overlayer_lowered;
	s6 =	simm.s32 $_tile_overlayer_lowered  }
0x9b: {  	s7 =	simm.s32 $0x1BFF;
	s21 =	sshll.u32 s6, $0x1;
	s4 =	sadd.s32 s4, s20  }
0x9c: {  	s22 =	simm.s32 $0x0;
	s5 =	sshll.u32 s5, $0x1;
	s6 =	sadd.s32 s21, s4  }
0x9d: {  	[timem:s22], [sflag:s7] =	dma.local [hbm:s6], s5  }
0x9e: {  	_ =	swait.ge [sflag:s7], s5  }
0x9f: {  	s5 =	ssub.s32 $0x0, s5;
	[sflag:s7] =	ssyncset.done $0x0  }
0xa0: {  	[sflag:s7] =	ssyncadd.s32 s5;
	_ =	sdelay $0x1  }
0xa1: {  	s23 =	simm.s32 $0x1B8B  }
0xa2: {  	_ =	swait.ge [sflag:s23], $0x1  }
0xa3: {  	[sflag:s23] =	ssyncset.done $0x0  }
0xa4: {  	[sflag:s23] =	ssyncadd.s32 $0xFFFFFFFF  }
0xa5: {  	s5 =	sld [smem:$0x0]  }
0xa6: {  	s6 =	sand.u32 $0xFFFFFFFE, s1  }
0xa7: {  	p0 =	sne.s32 s1, s6  }
0xa8: {  	s6 =	sshll.u32 @p0 s6, $0xE  }
0xa9: {  	s6 =	sadd.s32 @p0 $0x11B8D, s6;
	s7 =	sshll.u32 @p0 s5, $0x11  }
0xaa: {  	s6 =	sor.u32 @p0 s7, s6  }
0xab: {  	[sflag:s6] =	ssyncadd.remote.s32 @p0 $0x1;
	_ =	sdelay $0x1  }
0xac: {  	s6 =	simm.s32 @p0 $0x1B8D  }
0xad: {  	_ =	swait.eq @p0 [sflag:s6], $0x1  }
0xae: {  	[sflag:s6] =	ssyncadd.s32 @p0 $0xFFFFFFFF  }
0xaf: {  	s7 =	sshll.u32 @!p0 s1, $0xE  }
0xb0: {  	s7 =	sor.u32 @!p0 $0x4000, s7;
	s6 =	simm.s32 @!p0 $0x1B8D  }
0xb1: {  	s5 =	sshll.u32 @!p0 s5, $0x11;
	s7 =	sadd.s32 @!p0 $0x11B8D, s7;
	_ =	swait.eq @!p0 [sflag:s6], $0x1  }
0xb2: {  	s5 =	sor.u32 @!p0 s5, s7;
	[sflag:s6] =	ssyncadd.s32 @!p0 $0xFFFFFFFF  }
0xb3: {  	s25 =	simm.s32 $0x1B8E;
	s24 =	sld [smem:$0x3FFE];
	[sflag:s5] =	ssyncadd.remote.s32 @!p0 $0x1  }
0xb4: {  	s26 =	simm.s32 $execute0_lowered;
	[smem:$0x3FD2] =	sst s25  }
0xb5: {  	s6 =	sshll.u32 s26, $0x1;
	_ =	strace $0x8000005B;
	[dreg:$0x1] =	wrdreg $0xFFFFFFFF  }
0xb6: {  	s28 =	simm.s32 $_size_execute0_lowered;
	s4 =	sadd.s32 s4, s6;
	[dreg:$0x0] =	wrdreg $0x0  }
0xb7: {  	s6 =	sshll.u32 s28, $0x1;
	[dreg:$0x2] =	wrdreg s4  }
0xb8: {  	[dreg:$0x3] =	wrdreg s6  }
0xb9: {  	[dreg:$0x4] =	wrdreg $0xC0  }
0xba: {  	_ =	task [dreg:s22], $0x5FFFF  }
0xbb: {  	[dreg:$0x1] =	wrdreg $0xFFFFFFFF  }
0xbc: {  	[dreg:$0x0] =	wrdreg $0x60  }
0xbd: {  	[dreg:$0x2] =	wrdreg s18  }
0xbe: {  	[dreg:$0x3] =	wrdreg s24  }
0xbf: {  	[dreg:$0x4] =	wrdreg $0xA  }
0xc0: {  	_ =	task.clear_ibuf [dreg:s22], $0x5FFFF;
	_ =	strace $0x9000005B  }
0xc1: {  	s29 =	simm.s32 $0xA;
	_ =	strace $0x8000005D  }
0xc2: {  	_ =	swait.ge [sflag:s29], $0x1  }
0xc3: {  	[sflag:s29] =	ssyncadd.s32 $0xFFFFFFFF  }
0xc4: {  	_ =	strace $0x9000005D  }
0xc5: {  	_ =	sfence  }
0xc6: {  	s30 =	sld [smem:$0x0];
	_ =	sdelay $0x2  }
0xc7: {  	s31 =	sshll.u32 s1, $0xD;
	s1 =	sshrl.u32 s1, $0x2  }
0xc8: {  	s4 =	sand.u32 $0x4000, s31;
	s1 =	sadd.s32 s1, s30  }
0xc9: {  	s0 =	sor.u32 s4, s0;
	s1 =	sshll.u32 s1, $0x11  }
0xca: {  	s0 =	sor.u32 s1, s0  }
0xcb: {  	s0 =	sadd.s32 $0x8F2B, s0  }
0xcc: {  	[sflag:s0] =	ssyncadd.remote.s32 $0x1  }
0xcd: {  	_ =	sfence.sel $0xFFFF  }
0xce: {  	[dreg:$0x0] =	wrdreg $0xFFFFFFFF;
	(pc) =	sbr.abs _section_cstart, $3  }
0xcf: {  	[dreg:$0x1] =	wrdreg $0xFFFFFFFF  }
0xd0: {  	_ =	task.clear_ibuf [dreg:s22], $0x2FFFF;
	_ =	strace $0x9FFFFFFF  }
0xd1: {  	(tm) =	ssettm $0x7FFFFFFF  }
tec
execute0_lowered:
.L_overlay_start_1:
0x0: {  	(tag) =	ssettag $0x1  }
0x1: {  	s0 =	srdreg.scid  }
0x2: {  	s1 =	sshll.u32 s0, $0x4  }
0x3: {  	s0 =	stileid.u32;
	s1 =	sand.u32 $0x10, s1  }
0x4: {  	s1 =	sor.u32 s0, s1  }
0x5: {  	s9 =	rddreg [dreg:$0x1];
	s6 =	simm.s32 $0x1;
	s2 =	smin.u32 s1, $0x8  }
0x6: {  	p0 =	slt.u32 s1, $0x8;
	s3 =	sadd.s32 s1, s2;
	s1 =	simm.s32 $0x80  }
0x7: {  	s7 =	simm.s32 $0x2;
	s3 =	sshll.u32 s3, $0x6;
	s1 =	simm.s32 @!p0 $0x40  }
0x8: {  	s10 =	simm.s32 $0x3;
	s13 =	simm.s32 $0x0;
	s4 =	sadd.s32 s1, s3  }
0x9: {  	s12 =	simm.s32 $0x0;
	s5 =	sadd.s32 $0x15C00, s9;
	s4 =	smin.u32 s4, $0xA00  }
.Ltmp0:
0xa: {  	s2 =	rddreg [dreg:$0x0];
	s8 =	ssub.s32 s4, s3;
	(pc) =	sbr.rel .LBB2_1-.Ltmp0, $4  }
0xb: {  	s1 =	rddreg [dreg:$0x2];
	_ =	strace $0x8000005C;
	p0 =	sgt.s32 s8, $0x0  }
0xc: {  	s9 =	sadd.s32 $0x19200, s9;
	[sflag:s6] =	ssyncpa.u1 $0x0;
	s8 =	simm.s32 @!p0 $0x0  }
0xd: {  	s11 =	smov.u32 s3;
	[sflag:s7] =	ssyncpa.u1 $0x0;
	s8 =	sshrl.u32 s8, $0x6  }
0xe: {  	vm0 =	vmmov $0xff;
	vm1 =	vcmask $0x3F20;
	[sflag:s10] =	ssyncpa.u1 $0x0;
	p0 =	por $0x0, $0x0;
	s10 =	sadd.s32 $0x1, s8  }
.LBB2_6:
0xf: {  	[hbm:s17] =	stream.linear.scatter [tilespmem:s14], [sflag:$0x3], $0x400, $0x38;
	[tilespmem:$0x4080] =	vst v63  }
.LBB2_7:
0x10: {  	s13 =	sadd.s32 $0x40, s11  }
0x11: {  	s15 =	smov.u32 s3;
	p2 =	slt.s32 s13, s4  }
0x12: {  	s15 =	smov.u32 @p2 s13;
	p2 =	sne.s32 s12, s10  }
.Ltmp1:
0x13: {  	p1 =	slt.u32 s12, $0x2;
	(pc) =	sbr.rel @!p2 .LBB2_8-.Ltmp1, $4  }
0x14: {  	s14 =	simm.s32 @!p1 $0x3  }
0x15: {  	s16 =	sadd.s32 $0x1, s12;
	_ =	swait.ge @!p1 [sflag:s14], $0x2000  }
0x16: {  	p0 =	por !p0, !p0;
	s13 =	smov.u32 s11;
	[sflag:s14] =	ssyncset.done @!p1 $0x0  }
0x17: {  	s12 =	smov.u32 s16;
	s11 =	smov.u32 s15;
	[sflag:s14] =	ssyncadd.s32 @!p1 $0xFFFFE000  }
.LBB2_1:
0x18: {  	p1 =	sge.u32 s12, s8  }
0x19: {  	s14 =	sxor.u32 @!p1 $0xFFFFFFFF, s12  }
0x1a: {  	s31 =	sadd.s32 $0xFFFFFFFF, s12;
	s15 =	sshrl.u32 @!p1 s11, $0x3;
	s14 =	sshll.u32 @!p1 s14, $0x6  }
0x1b: {  	s16 =	sand.u32 @!p1 $0x7, s11;
	s15 =	sadd.s32 @!p1 s5, s15;
	s14 =	sand.u32 @!p1 $0x40, s14  }
0x1c: {  	[tilespmem:s14], [sflag:$0x2] =	stream.linear.gather @!p1 [hbm4b:s15+s16], $0x40, $0x38;
	[tilespmem:$0x4080] =	vst v63  }
0x1d: {  	p1 =	sge.u32 s31, s8  }
.Ltmp2:
0x1e: {  	_ = 	snop;
	(pc) =	sbr.rel @p1 .LBB2_7-.Ltmp2, $1  }
0x1f: {  	_ =	sdelay $0x3  }
0x20: {  	s14 =	simm.s32 $0x1  }
0x21: {  	_ =	swait.ge [sflag:s7], $0x40;
	s14 =	simm.s32 @!p0 $0x0  }
0x22: {  	[sflag:s7] =	ssyncset.done $0x0;
	s16 =	sshll.u32 s14, $0x6  }
0x23: {  	[sflag:s7] =	ssyncadd.s32 $0xFFFFFFC0;
	s15 =	sadd.s32 $0x0, s16  }
0x24: {  	v0 =	vld.msk [tilespmem:s15+$0x0 ss:$0x1], $0xffff;
	_ =	sdelay $0x4  }
0x25: {  	vm2 =	vgt.s32 v0, $0x0  }
0x26: {  	v0 =	vnsel vm2, $0x0, v0  }
0x27: {  	v0 =	vmin.u32 v0, $0x13FF  }
0x28: {  	v0 =	vshll.u32 v0, $0x4;
	_ =	sdelay $0x2  }
0x29: {  	s14 =	sshll.u32 s14, $0xD  }
0x2a: {  	s14 =	sor.u32 $0x80, s14  }
0x2b: {  	[tilespmem:s14], [sflag:$0x1] =	stream.indirect_vreg.gather [hbm:s2], $0x80, v0, vm0, $0x38;
	[tilespmem:$0x4080] =	vst v63  }
0x2c: {  	s17 =	sadd.s32 $0x10, s16;
	s15 =	sadd.s32 $0x400, s14  }
0x2d: {  	[tilespmem:s15], [sflag:$0x1] =	stream.indirect_vreg.gather [hbm:s2], $0x80, v0, vm1, $0x38;
	[tilespmem:$0x4080] =	vst v63  }
0x2e: {  	s18 =	simm.s32 $0x80;
	v0 =	vld.msk [tilespmem:s17+$0x0 ss:$0x1], $0xffff;
	s17 =	smov.u32 s14  }
.LBB2_3:
0x2f: {  	p1 =	sne.s32 s18, $0xC0;
	_ =	sdelay $0x4  }
0x30: {  	vm2 =	vgt.s32 v0, $0x0  }
0x31: {  	v0 =	vnsel vm2, $0x0, v0  }
0x32: {  	v0 =	vmin.u32 v0, $0x13FF  }
0x33: {  	v0 =	vshll.u32 v0, $0x4;
	_ =	sdelay $0x3  }
.Ltmp3:
0x34: {  	s19 =	sshra.s32 s18, $0x2;
	s17 =	sadd.s32 $0x800, s17;
	(pc) =	sbr.rel @p1 .LBB2_3-.Ltmp3, $4  }
0x35: {  	[tilespmem:s17], [sflag:$0x1] =	stream.indirect_vreg.gather [hbm:s2], $0x80, v0, vm0, $0x38;
	[tilespmem:$0x4080] =	vst v63  }
0x36: {  	s19 =	sadd.s32 s19, s16;
	s20 =	sadd.s32 $0x400, s17  }
0x37: {  	[tilespmem:s20], [sflag:$0x1] =	stream.indirect_vreg.gather [hbm:s2], $0x80, v0, vm1, $0x38;
	[tilespmem:$0x4080] =	vst v63  }
0x38: {  	s18 =	sadd.s32 $0x40, s18;
	v0 =	vld.msk [tilespmem:s19+$0x0 ss:$0x1], $0xffff  }
0x39: {  	_ =	sdelay $0x3  }
0x3a: {  	vm2 =	vgt.s32 v0, $0x0  }
0x3b: {  	v0 =	vnsel vm2, $0x0, v0  }
0x3c: {  	v0 =	vmin.u32 v0, $0x13FF  }
0x3d: {  	v0 =	vshll.u32 v0, $0x4;
	_ =	sdelay $0x3  }
0x3e: {  	s16 =	sadd.s32 $0x800, s17  }
0x3f: {  	[tilespmem:s16], [sflag:$0x1] =	stream.indirect_vreg.gather [hbm:s2], $0x80, v0, vm0, $0x38;
	[tilespmem:$0x4080] =	vst v63  }
0x40: {  	s16 =	sadd.s32 $0x400, s16  }
0x41: {  	[tilespmem:s16], [sflag:$0x1] =	stream.indirect_vreg.gather [hbm:s2], $0x80, v0, vm1, $0x38;
	[tilespmem:$0x4080] =	vst v63  }
0x42: {  	s13 =	sshll.u32 s13, $0x4;
	_ =	swait.ge [sflag:s6], $0x2000  }
0x43: {  	s13 =	sadd.s32 s13, s9;
	[sflag:s6] =	ssyncset.done $0x0  }
0x44: {  	s17 =	sadd.s32 $0x0, s13;
	s16 =	simm.s32 $0x80;
	[sflag:s6] =	ssyncadd.s32 $0xFFFFE000  }
.LBB2_5:
0x45: {  	[hbm:s17] =	stream.linear.scatter [tilespmem:s14], [sflag:$0x3], $0x400, $0x38;
	[tilespmem:$0x4080] =	vst v63  }
0x46: {  	s17 =	smov.u32 s16;
	s14 =	smov.u32 s15;
	p1 =	sne.s32 s16, $0x380  }
.Ltmp4:
0x47: {  	s16 =	sadd.s32 $0x80, s16;
	(pc) =	sbr.rel @p1 .LBB2_5-.Ltmp4, $2  }
0x48: {  	_ =	sdelay $0x2  }
0x49: {  	s15 =	sadd.s32 $0x400, s15;
	s17 =	sadd.s32 s17, s13  }
.Ltmp5:
0x4a: {  	_ = 	snop;
	(pc) =	sbr.rel .LBB2_6-.Ltmp5, $1  }
0x4b: {  	_ =	sdelay $0x3  }
.LBB2_8:
0x4c: {  	_ =	sfence.sel $0x180000  }
0x4d: {  	s2 =	simm.s32 $0x2;
	[bflag:$0x0] =	sbarrier.arrive $0xFFFF  }
0x4e: {  	s30 =	simm.s32 $0x3;
	[sflag:s2] =	ssyncpa.u1 $0x1  }
0x4f: {  	s31 =	simm.s32 $0x1;
	[sflag:s30] =	ssyncpa.u1 $0x1  }
0x50: {  	[sflag:s31] =	ssyncpa.u1 $0x1  }
0x51: {  	p0 =	sne.s32 s0, $0x0;
	_ =	strace $0x9000005C  }
0x52: {  	s0 =	sadd.s32 @!p0 $0x100000, s1;
	[bflag:$0x2] =	sbarrier.arrive $0xFFFF  }
0x53: {  	[sflag:s0] =	ssyncadd.tile.s32 @!p0 $0x1;
	_ =	shalt  }
.Lfunc_end2:
_tile_overlayer_lowered:
.L_overlay_start_2:
0x54: {  	(tag) =	ssettag $0x2  }
0x55: {  	s0 =	rddreg [dreg:$0x0];
	s2 =	stileid.u32  }
0x56: {  	s1 =	rddreg [dreg:$0x1];
	p0 =	sne.s32 s2, $0x0  }
0x57: {  	s3 =	rddreg [dreg:$0x2];
	[bflag:$0x3] =	sbarrier.arrive $0xFFFF;
	s2 =	simm.s32 @!p0 $0x1C01  }
0x58: {  	[timem:s3], [sflag:s2] =	dma.local @!p0 [hbm:s0], s1  }
0x59: {  	s0 =	simm.s32 @!p0 $0x1  }
0x5a: {  	_ =	swait.ge @!p0 [sflag:s0], s1  }
0x5b: {  	s1 =	ssub.s32 @!p0 $0x0, s1;
	[sflag:s0] =	ssyncset.done @!p0 $0x0  }
0x5c: {  	[sflag:s0] =	ssyncadd.s32 @!p0 s1  }
0x5d: {  	[bflag:$0x3] =	sbarrier.arrive $0xFFFF  }
0x5e: {  	_ =	shalt  }

// kernel: gather_offload_async_start
scs
__scs_entry_jumppad:
0x0: {  	(pc) =	sbr.rel $0x88, $3  }
0x1: {  	(tag) =	ssettag $0x0;
	lr =	simm.s32 $0x1  }
0x2: {  	[smem:$0x3F6E] =	sst lr;
	_ =	strace $0xD0000000  }
0x3: {  	_ = 	snop  }
0x4: {  	_ = 	snop  }
0x5: {  	_ = 	snop  }
0x6: {  	_ = 	snop  }
0x7: {  	_ = 	snop  }
__scs_overlays_trampoline_lowered:
0x8: {  	[smem:$0x3F7D] =	sst s0  }
0x9: {  	[smem:$0x3F7E] =	sst s1  }
0xa: {  	[smem:$0x3F7F] =	sst s2  }
0xb: {  	[smem:$0x3F80] =	sst s3  }
0xc: {  	[smem:$0x3F81] =	sst s4  }
0xd: {  	[smem:$0x3F82] =	sst s5  }
0xe: {  	[smem:$0x3F83] =	sst s6  }
0xf: {  	[smem:$0x3F84] =	sst s7  }
0x10: {  	[smem:$0x3F85] =	sst s8  }
0x11: {  	[smem:$0x3F86] =	sst s9;
	s0 =	simm.s32 @!p0 $0x0  }
0x12: {  	s1 =	sld [smem:$0x3F6C];
	s0 =	simm.s32 @p0 $0x1  }
0x13: {  	[smem:$0x3F87] =	sst s0;
	s0 =	simm.s32 @!p1 $0x0  }
0x14: {  	s2 =	sld [smem:$0x3F6B];
	s0 =	simm.s32 @p1 $0x1  }
0x15: {  	[smem:$0x3F88] =	sst s0;
	s0 =	simm.s32 @!p2 $0x0  }
0x16: {  	s3 =	sld [smem:$0x3FDB];
	s0 =	simm.s32 @p2 $0x1  }
0x17: {  	s4 =	simm.s32 $0x1BF5;
	[smem:$0x3F8A] =	sst s0  }
0x18: {  	s0 =	sld [smem:$0x3F6D];
	_ =	swait.ge [sflag:s4], $0x0  }
0x19: {  	s7 =	sld [smem:$0x3F6E]  }
0x1a: {  	s8 =	sadd.s32 $0xFFFFE003, lr  }
0x1b: {  	s9 =	sadd.s32 $0xFFFFFEF7, lr;
	s5 =	simm.s32 $0xFFFFFFFF;
	p2 =	slt.u32 s8, $0xFFFFF086  }
0x1c: {  	p1 =	slt.u32 s9, $0xF7A;
	s5 =	simm.s32 @!p2 $0x0  }
0x1d: {  	s5 =	simm.s32 @p1 $0x1;
	p0 =	seq.s32 s7, s2  }
0x1e: {  	s7 =	smul.u32 @!p0 $0xF7A, s2;
	p2 =	seq.s32 @!p0 s5, $0x0  }
0x1f: {  	s9 =	smul.u32 $0xF7A, s1;
	s8 =	simm.s32 @!p0 $0x1BF5;
	p2 =	por !p2, p0  }
0x20: {  	[sflag:s8] =	ssyncset.s32 @!p0 $0xFFFFF086;
	s6 =	sadd.s32 @!p0 s3, s7;
	s7 =	simm.s32 @!p0 $0x108  }
0x21: {  	s3 =	sadd.s32 s3, s9;
	s6 =	sadd.s32 @!p0 $0x88, s6;
	s7 =	simm.s32 @p2 $0x1082  }
0x22: {  	[simem:s7], [sflag:s8] =	dma.local @!p0 [hbm:s6], $0xF7A  }
0x23: {  	s9 =	sor.u32 $0xD0000000, s2;
	s6 =	simm.s32 $0x108;
	_ =	swait.ge @!p0 [sflag:s8], $0x0  }
0x24: {  	s3 =	sadd.s32 $0x88, s3;
	s6 =	simm.s32 @!p1 $0x1082;
	[sflag:s4] =	ssyncset.s32 $0xFFFFF086  }
0x25: {  	[simem:s6], [sflag:s4] =	dma.local [hbm:s3], $0xF7A  }
0x26: {  	[smem:$0x3F6E] =	sst s1;
	(tag) =	ssettag s2;
	_ =	strace s9  }
0x27: {  	s1 =	sld [smem:$0x3F7E]  }
0x28: {  	s2 =	sld [smem:$0x3F7F]  }
0x29: {  	s4 =	sld [smem:$0x3F81]  }
0x2a: {  	p0 =	seq.s32 s5, $0x0;
	s5 =	sld [smem:$0x3F82]  }
0x2b: {  	s6 =	sld [smem:$0x3F83]  }
0x2c: {  	s7 =	sld [smem:$0x3F84]  }
0x2d: {  	s3 =	simm.s32 $0x108;
	s8 =	sld [smem:$0x3F85]  }
0x2e: {  	s3 =	simm.s32 @!p0 $0x1082;
	s9 =	sld [smem:$0x3F86]  }
0x2f: {  	lr =	sadd.s32 s0, s3;
	s0 =	sld [smem:$0x3F7D]  }
0x30: {  	s3 =	sld [smem:$0x3F80]  }
0x31: {  	[smem:$0x3F89] =	sst s10  }
0x32: {  	s10 =	sld [smem:$0x3F87];
	_ =	sdelay $0x3  }
0x33: {  	p0 =	seq.s32 s10, $0x1;
	s10 =	sld [smem:$0x3F89];
	_ =	sdelay $0x3  }
0x34: {  	[smem:$0x3F89] =	sst s10  }
0x35: {  	s10 =	sld [smem:$0x3F88];
	_ =	sdelay $0x3  }
0x36: {  	p1 =	seq.s32 s10, $0x1;
	s10 =	sld [smem:$0x3F89];
	_ =	sdelay $0x3  }
0x37: {  	[smem:$0x3F89] =	sst s10  }
0x38: {  	s10 =	sld [smem:$0x3F8A]  }
0x39: {  	_ = 	snop;
	(pc) =	sbr.ind lr, $3  }
0x3a: {  	_ = 	snop  }
0x3b: {  	_ = 	snop  }
0x3c: {  	p2 =	seq.s32 s10, $0x1;
	s10 =	sld [smem:$0x3F89]  }
0x3d: {  	_ =	shalt  }
0x3e: {  	_ =	shalt  }
0x3f: {  	_ =	shalt  }
0x40: {  	_ =	shalt  }
0x41: {  	_ =	shalt  }
0x42: {  	_ =	shalt  }
0x43: {  	_ =	shalt  }
0x44: {  	_ =	shalt  }
0x45: {  	_ =	shalt  }
0x46: {  	_ =	shalt  }
0x47: {  	_ =	shalt  }
0x48: {  	_ =	shalt  }
0x49: {  	_ =	shalt  }
0x4a: {  	_ =	shalt  }
0x4b: {  	_ =	shalt  }
0x4c: {  	_ =	shalt  }
0x4d: {  	_ =	shalt  }
0x4e: {  	_ =	shalt  }
0x4f: {  	_ =	shalt  }
0x50: {  	_ =	shalt  }
0x51: {  	_ =	shalt  }
0x52: {  	_ =	shalt  }
0x53: {  	_ =	shalt  }
0x54: {  	_ =	shalt  }
0x55: {  	_ =	shalt  }
0x56: {  	_ =	shalt  }
0x57: {  	_ =	shalt  }
0x58: {  	_ =	shalt  }
0x59: {  	_ =	shalt  }
0x5a: {  	_ =	shalt  }
0x5b: {  	_ =	shalt  }
0x5c: {  	_ =	shalt  }
0x5d: {  	_ =	shalt  }
0x5e: {  	_ =	shalt  }
0x5f: {  	_ =	shalt  }
0x60: {  	_ =	shalt  }
0x61: {  	_ =	shalt  }
0x62: {  	_ =	shalt  }
0x63: {  	_ =	shalt  }
0x64: {  	_ =	shalt  }
0x65: {  	_ =	shalt  }
0x66: {  	_ =	shalt  }
0x67: {  	_ =	shalt  }
0x68: {  	_ =	shalt  }
0x69: {  	_ =	shalt  }
0x6a: {  	_ =	shalt  }
0x6b: {  	_ =	shalt  }
0x6c: {  	_ =	shalt  }
0x6d: {  	_ =	shalt  }
0x6e: {  	_ =	shalt  }
0x6f: {  	_ =	shalt  }
0x70: {  	_ =	shalt  }
0x71: {  	_ =	shalt  }
0x72: {  	_ =	shalt  }
0x73: {  	_ =	shalt  }
0x74: {  	_ =	shalt  }
0x75: {  	_ =	shalt  }
0x76: {  	_ =	shalt  }
0x77: {  	_ =	shalt  }
0x78: {  	_ =	shalt  }
0x79: {  	_ =	shalt  }
0x7a: {  	_ =	shalt  }
0x7b: {  	_ =	shalt  }
0x7c: {  	_ =	shalt  }
0x7d: {  	_ =	shalt  }
0x7e: {  	_ =	shalt  }
0x7f: {  	_ =	shalt  }
0x80: {  	_ =	shalt  }
0x81: {  	_ =	shalt  }
0x82: {  	_ =	shalt  }
0x83: {  	_ =	shalt  }
0x84: {  	_ =	shalt  }
0x85: {  	_ =	shalt  }
0x86: {  	_ =	shalt  }
0x87: {  	_ =	shalt  }
.Lfunc_end0:
.L_simem_size_0:
called_computation.3_lowered:
.L_overlay_start_0:
0x88: {  	s2 =	sld [smem:$0x3FD9]  }
0x89: {  	s3 =	sld [smem:$0x3FFE];
	_ =	sdelay $0x1  }
0x8a: {  	s1 =	srdreg.scid  }
0x8b: {  	s0 =	sand.u32 $0x1, s1  }
0x8c: {  	s16 =	sshll.u32 s0, $0xA;
	s2 =	sadd.s32 s3, s2  }
0x8d: {  	s2 =	sadd.s32 s2, s16  }
0x8e: {  	[smem:$0x3F95] =	sst s2  }
0x8f: {  	_ = 	snop  }
0x90: {  	(tm) =	ssettm $0x1  }
0x91: {  	s17 =	sld [smem:$0x3FFB];
	_ =	sdelay $0x3  }
0x92: {  	_ =	strace s17  }
0x93: {  	s2 =	sld [smem:$0x3FFC];
	_ =	sdelay $0x3  }
0x94: {  	_ =	strace s2  }
0x95: {  	s2 =	sld [smem:$0x3FFD];
	_ =	sdelay $0x3  }
0x96: {  	_ =	strace s2  }
0x97: {  	_ =	strace $0x8FFFFFFF  }
0x98: {  	s18 =	sld [smem:$0x3FDB];
	_ =	sdelay $0x1  }
0x99: {  	s19 =	simm.s32 $_scs_section_size  }
0x9a: {  	s4 =	simm.s32 $_size__tile_overlayer_lowered;
	s5 =	simm.s32 $_tile_overlayer_lowered  }
0x9b: {  	s22 =	simm.s32 $0x1BFF;
	s21 =	sshll.u32 s5, $0x1;
	s2 =	sadd.s32 s19, s18  }
0x9c: {  	s6 =	simm.s32 $0x0;
	s20 =	sshll.u32 s4, $0x1;
	s4 =	sadd.s32 s21, s2  }
0x9d: {  	[timem:s6], [sflag:s22] =	dma.local [hbm:s4], s20  }
0x9e: {  	_ =	swait.ge [sflag:s22], s20  }
0x9f: {  	s3 =	ssub.s32 $0x0, s20;
	[sflag:s22] =	ssyncset.done $0x0  }
0xa0: {  	[sflag:s22] =	ssyncadd.s32 s3;
	_ =	sdelay $0x1  }
0xa1: {  	s23 =	simm.s32 $0x1B8B  }
0xa2: {  	_ =	swait.ge [sflag:s23], $0x1  }
0xa3: {  	[sflag:s23] =	ssyncset.done $0x0  }
0xa4: {  	s25 =	simm.s32 $0x1B8E;
	s24 =	sld [smem:$0x3FFE];
	[sflag:s23] =	ssyncadd.s32 $0xFFFFFFFF  }
0xa5: {  	s26 =	simm.s32 $execute0_lowered;
	[smem:$0x3FD2] =	sst s25  }
0xa6: {  	s4 =	sshll.u32 s26, $0x1;
	_ =	strace $0x80000052;
	[dreg:$0x1] =	wrdreg $0xFFFFFFFF  }
0xa7: {  	s28 =	simm.s32 $_size_execute0_lowered;
	s2 =	sadd.s32 s2, s4;
	[dreg:$0x0] =	wrdreg $0x0  }
0xa8: {  	s4 =	sshll.u32 s28, $0x1;
	[dreg:$0x2] =	wrdreg s2  }
0xa9: {  	[dreg:$0x3] =	wrdreg s4  }
0xaa: {  	[dreg:$0x4] =	wrdreg $0xC0  }
0xab: {  	_ =	task [dreg:s6], $0x5FFFF  }
0xac: {  	[dreg:$0x1] =	wrdreg $0xFFFFFFFF  }
0xad: {  	[dreg:$0x0] =	wrdreg $0x60  }
0xae: {  	[dreg:$0x2] =	wrdreg s24  }
0xaf: {  	[dreg:$0x3] =	wrdreg $0x9  }
0xb0: {  	_ =	task.clear_ibuf [dreg:s6], $0x4FFFF;
	_ =	strace $0x90000052  }
0xb1: {  	s29 =	simm.s32 $0x9;
	_ =	strace $0x80000054  }
0xb2: {  	_ =	swait.ge [sflag:s29], $0x1  }
0xb3: {  	[sflag:s29] =	ssyncadd.s32 $0xFFFFFFFF  }
0xb4: {  	_ =	strace $0x90000054  }
0xb5: {  	_ =	sfence  }
0xb6: {  	s30 =	sld [smem:$0x0];
	_ =	sdelay $0x2  }
0xb7: {  	s31 =	sshll.u32 s1, $0xD;
	s1 =	sshrl.u32 s1, $0x2  }
0xb8: {  	s3 =	sand.u32 $0x4000, s31;
	s1 =	sadd.s32 s1, s30  }
0xb9: {  	s0 =	sor.u32 s3, s0;
	s1 =	sshll.u32 s1, $0x11  }
0xba: {  	s0 =	sor.u32 s1, s0  }
0xbb: {  	s0 =	sadd.s32 $0x8F2B, s0  }
0xbc: {  	[sflag:s0] =	ssyncadd.remote.s32 $0x1  }
0xbd: {  	_ =	sfence.sel $0xFFFF  }
0xbe: {  	[dreg:$0x0] =	wrdreg $0xFFFFFFFF;
	(pc) =	sbr.abs _section_cstart, $3  }
0xbf: {  	[dreg:$0x1] =	wrdreg $0xFFFFFFFF  }
0xc0: {  	_ =	task.clear_ibuf [dreg:s6], $0x2FFFF;
	_ =	strace $0x9FFFFFFF  }
0xc1: {  	(tm) =	ssettm $0x7FFFFFFF  }
tec
execute0_lowered:
.L_overlay_start_1:
0x0: {  	(tag) =	ssettag $0x1  }
0x1: {  	s0 =	srdreg.scid;
	s5 =	rddreg [dreg:$0x0]  }
0x2: {  	s1 =	stileid.u32;
	s6 =	simm.s32 $0x1;
	s9 =	simm.s32 $0x1  }
0x3: {  	s10 =	simm.s32 $0x3;
	s13 =	simm.s32 $0x0;
	s2 =	sshll.u32 s0, $0x7  }
0x4: {  	s12 =	simm.s32 $0x0;
	s3 =	sshll.u32 s1, $0x8;
	s2 =	sand.u32 $0x80, s2  }
0x5: {  	s0 =	rddreg [dreg:$0x1];
	_ =	strace $0x80000053;
	s2 =	sor.u32 s3, s2  }
0x6: {  	s4 =	sadd.s32 $0x19200, s5;
	[sflag:s6] =	ssyncpa.u1 $0x0;
	s8 =	ssub.s32 $0x1400, s2  }
.Ltmp0:
0x7: {  	s3 =	sadd.s32 $0x18400, s5;
	s7 =	sand.u32 $0xF80, s8;
	(pc) =	sbr.rel .LBB2_1-.Ltmp0, $4  }
0x8: {  	s5 =	sadd.s32 $0x18A00, s5;
	s11 =	smov.u32 s2;
	p0 =	sne.s32 s7, $0x0  }
0x9: {  	s8 =	sshrl.u32 s8, $0xC;
	s7 =	simm.s32 $0x2;
	s9 =	simm.s32 @!p0 $0x0  }
0xa: {  	[sflag:s7] =	ssyncpa.u1 $0x0;
	p0 =	por $0x0, $0x0;
	s8 =	sadd.s32 s9, s8  }
0xb: {  	vm0 =	vmmov $0xffff;
	[sflag:s10] =	ssyncpa.u1 $0x0;
	s10 =	simm.s32 $0x0;
	s9 =	sadd.s32 $0x1, s8  }
.LBB2_4:
0xc: {  	v2 =	vnsel vm1, $0x0, v2  }
0xd: {  	vm1 =	vgt.s32 v0, $0x0;
	v2 =	vmin.u32 v2, $0x27FF  }
0xe: {  	v0 =	vnsel vm1, $0x0, v0  }
0xf: {  	v0 =	vmin.u32 v0, $0x27FF  }
0x10: {  	[tilespmem:s15], [sflag:$0x1] =	stream.indirect_vreg.gather [hbm4b:s3+s10], $0x1, v1, vm0, $0x4038;
	[tilespmem:$0x200] =	vst v63  }
0x11: {  	(ifvalue) =	ssetifvalue $0x7FFFFFFF  }
0x12: {  	[tilespmem:s16], [sflag:$0x1] =	stream.indirect_vreg.gather [hbm4b:s3+s10], $0x1, v2, vm0, $0x4038;
	[tilespmem:$0x200] =	vst v63  }
0x13: {  	s29 =	sadd.s32 $0x10, s16;
	(ifvalue) =	ssetifvalue $0x7FFFFFFF  }
0x14: {  	[tilespmem:s29], [sflag:$0x1] =	stream.indirect_vreg.gather [hbm4b:s3+s10], $0x1, v0, vm0, $0x4038;
	[tilespmem:$0x200] =	vst v63  }
0x15: {  	_ =	swait.ge [sflag:s6], $0x80  }
0x16: {  	s30 =	sshrl.u32 s13, $0x3;
	[sflag:s6] =	ssyncset.done $0x0  }
0x17: {  	s31 =	sand.u32 $0x7, s13;
	s15 =	sadd.s32 s5, s30;
	[sflag:s6] =	ssyncadd.s32 $0xFFFFFF80  }
0x18: {  	[hbm4b:s15+s31] =	stream.linear.scatter [tilespmem:s14], [sflag:$0x3], $0x80, $0x38;
	[tilespmem:$0x200] =	vst v63  }
.LBB2_5:
0x19: {  	s15 =	sadd.s32 $0x1000, s11  }
0x1a: {  	p2 =	sgt.s32 s15, $0x13FF  }
0x1b: {  	s15 =	smov.u32 @p2 s2;
	p2 =	sne.s32 s12, s9  }
.Ltmp1:
0x1c: {  	p1 =	slt.u32 s12, $0x2;
	(pc) =	sbr.rel @!p2 .LBB2_6-.Ltmp1, $4  }
0x1d: {  	s14 =	simm.s32 @!p1 $0x3  }
0x1e: {  	s16 =	sadd.s32 $0x1, s12;
	_ =	swait.ge @!p1 [sflag:s14], $0x80  }
0x1f: {  	s13 =	smov.u32 s11;
	p0 =	por !p0, !p0;
	[sflag:s14] =	ssyncset.done @!p1 $0x0  }
0x20: {  	s12 =	smov.u32 s16;
	s11 =	smov.u32 s15;
	[sflag:s14] =	ssyncadd.s32 @!p1 $0xFFFFFF80  }
.LBB2_1:
0x21: {  	p1 =	sge.u32 s12, s8  }
0x22: {  	s14 =	sxor.u32 @!p1 $0xFFFFFFFF, s12  }
0x23: {  	s31 =	sadd.s32 $0xFFFFFFFF, s12;
	s15 =	sshrl.u32 @!p1 s11, $0x3;
	s14 =	sshll.u32 @!p1 s14, $0x7  }
0x24: {  	s16 =	sand.u32 @!p1 $0x7, s11;
	s15 =	sadd.s32 @!p1 s4, s15;
	s14 =	sand.u32 @!p1 $0x80, s14  }
0x25: {  	[tilespmem:s14], [sflag:$0x2] =	stream.linear.gather @!p1 [hbm4b:s15+s16], $0x80, $0x38;
	[tilespmem:$0x200] =	vst v63  }
0x26: {  	p1 =	sge.u32 s31, s8  }
.Ltmp2:
0x27: {  	_ = 	snop;
	(pc) =	sbr.rel @p1 .LBB2_5-.Ltmp2, $1  }
0x28: {  	_ =	sdelay $0x3  }
0x29: {  	s14 =	simm.s32 $0x1  }
0x2a: {  	_ =	swait.ge [sflag:s7], $0x80;
	s14 =	simm.s32 @!p0 $0x0  }
0x2b: {  	[sflag:s7] =	ssyncset.done $0x0;
	s14 =	sshll.u32 s14, $0x7  }
0x2c: {  	[sflag:s7] =	ssyncadd.s32 $0xFFFFFF80;
	(ifvalue) =	ssetifvalue $0x7FFFFFFF;
	v0 =	vld.msk [tilespmem:s14+$0x0 ss:$0x1], $0xffff;
	_ =	sdelay $0x4  }
0x2d: {  	s15 =	sadd.s32 $0x10, s14;
	vm1 =	vgt.s32 v0, $0x0  }
0x2e: {  	v2 =	vld.msk [tilespmem:s15+$0x0 ss:$0x1], $0xffff;
	v1 =	vnsel vm1, $0x0, v0  }
0x2f: {  	v1 =	vmin.u32 v1, $0x27FF;
	_ =	sdelay $0x1  }
0x30: {  	s16 =	sshll.u32 s12, $0x7;
	s18 =	simm.s32 $0x20  }
0x31: {  	s16 =	sand.u32 $0x80, s16;
	s17 =	sadd.s32 $0x10, s15;
	s15 =	sor.u32 $0x100, s14  }
0x32: {  	s14 =	sor.u32 $0x100, s16;
	s16 =	sadd.s32 $0x10, s15;
	v0 =	vld.msk [tilespmem:s17+$0x0 ss:$0x1], $0xffff;
	vm1 =	vgt.s32 v2, $0x0;
	(ifvalue) =	ssetifvalue $0x7FFFFFFF  }
.LBB2_3:
0x33: {  	[tilespmem:s15], [sflag:$0x1] =	stream.indirect_vreg.gather [hbm4b:s3+s10], $0x1, v1, vm0, $0x4038;
	[tilespmem:$0x200] =	vst v63  }
0x34: {  	s18 =	sadd.s32 $0x10, s18  }
0x35: {  	v2 =	vnsel vm1, $0x0, v2;
	p1 =	slt.u32 s18, $0x70  }
.Ltmp3:
0x36: {  	s15 =	smov.u32 s16;
	v1 =	vmin.u32 v2, $0x27FF;
	(pc) =	sbr.rel @p1 .LBB2_3-.Ltmp3, $3  }
0x37: {  	_ =	sdelay $0x1  }
0x38: {  	s17 =	sadd.s32 $0x10, s17  }
0x39: {  	vm1 =	vgt.s32 v0, $0x0;
	s16 =	sadd.s32 $0x10, s16;
	v2 =	vmov v0;
	(ifvalue) =	ssetifvalue $0x7FFFFFFF;
	v0 =	vld.msk [tilespmem:s17+$0x0 ss:$0x1], $0xffff  }
.Ltmp4:
0x3a: {  	_ = 	snop;
	(pc) =	sbr.rel .LBB2_4-.Ltmp4, $1  }
0x3b: {  	_ =	sdelay $0x3  }
.LBB2_6:
0x3c: {  	_ =	sfence.sel $0x180000  }
0x3d: {  	s2 =	simm.s32 $0x2;
	[bflag:$0x0] =	sbarrier.arrive $0xFFFF  }
0x3e: {  	s30 =	simm.s32 $0x3;
	[sflag:s2] =	ssyncpa.u1 $0x1  }
0x3f: {  	s31 =	simm.s32 $0x1;
	[sflag:s30] =	ssyncpa.u1 $0x1  }
0x40: {  	[sflag:s31] =	ssyncpa.u1 $0x1  }
0x41: {  	p0 =	sne.s32 s1, $0x0;
	_ =	strace $0x90000053  }
0x42: {  	s0 =	sadd.s32 @!p0 $0x100000, s0;
	[bflag:$0x2] =	sbarrier.arrive $0xFFFF  }
0x43: {  	[sflag:s0] =	ssyncadd.tile.s32 @!p0 $0x1;
	_ =	shalt  }
.Lfunc_end2:
_tile_overlayer_lowered:
.L_overlay_start_2:
0x44: {  	(tag) =	ssettag $0x2  }
0x45: {  	s0 =	rddreg [dreg:$0x0];
	s2 =	stileid.u32  }
0x46: {  	s1 =	rddreg [dreg:$0x1];
	p0 =	sne.s32 s2, $0x0  }
0x47: {  	s3 =	rddreg [dreg:$0x2];
	[bflag:$0x3] =	sbarrier.arrive $0xFFFF;
	s2 =	simm.s32 @!p0 $0x1C01  }
0x48: {  	[timem:s3], [sflag:s2] =	dma.local @!p0 [hbm:s0], s1  }
0x49: {  	s0 =	simm.s32 @!p0 $0x1  }
0x4a: {  	_ =	swait.ge @!p0 [sflag:s0], s1  }
0x4b: {  	s1 =	ssub.s32 @!p0 $0x0, s1;
	[sflag:s0] =	ssyncset.done @!p0 $0x0  }
0x4c: {  	[sflag:s0] =	ssyncadd.s32 @!p0 s1  }
0x4d: {  	[bflag:$0x3] =	sbarrier.arrive $0xFFFF  }
0x4e: {  	_ =	shalt  }

// kernel: kernel.26.cloned.1.call-start
scs
__scs_entry_jumppad:
0x0: {  	(pc) =	sbr.rel $0x88, $3  }
0x1: {  	(tag) =	ssettag $0x0;
	lr =	simm.s32 $0x1  }
0x2: {  	[smem:$0x3F6E] =	sst lr;
	_ =	strace $0xD0000000  }
0x3: {  	_ = 	snop  }
0x4: {  	_ = 	snop  }
0x5: {  	_ = 	snop  }
0x6: {  	_ = 	snop  }
0x7: {  	_ = 	snop  }
__scs_overlays_trampoline_lowered:
0x8: {  	[smem:$0x3F7D] =	sst s0  }
0x9: {  	[smem:$0x3F7E] =	sst s1  }
0xa: {  	[smem:$0x3F7F] =	sst s2  }
0xb: {  	[smem:$0x3F80] =	sst s3  }
0xc: {  	[smem:$0x3F81] =	sst s4  }
0xd: {  	[smem:$0x3F82] =	sst s5  }
0xe: {  	[smem:$0x3F83] =	sst s6  }
0xf: {  	[smem:$0x3F84] =	sst s7  }
0x10: {  	[smem:$0x3F85] =	sst s8  }
0x11: {  	[smem:$0x3F86] =	sst s9;
	s0 =	simm.s32 @!p0 $0x0  }
0x12: {  	s1 =	sld [smem:$0x3F6C];
	s0 =	simm.s32 @p0 $0x1  }
0x13: {  	[smem:$0x3F87] =	sst s0;
	s0 =	simm.s32 @!p1 $0x0  }
0x14: {  	s2 =	sld [smem:$0x3F6B];
	s0 =	simm.s32 @p1 $0x1  }
0x15: {  	[smem:$0x3F88] =	sst s0;
	s0 =	simm.s32 @!p2 $0x0  }
0x16: {  	s3 =	sld [smem:$0x3FDB];
	s0 =	simm.s32 @p2 $0x1  }
0x17: {  	s4 =	simm.s32 $0x1BF5;
	[smem:$0x3F8A] =	sst s0  }
0x18: {  	s0 =	sld [smem:$0x3F6D];
	_ =	swait.ge [sflag:s4], $0x0  }
0x19: {  	s7 =	sld [smem:$0x3F6E]  }
0x1a: {  	s8 =	sadd.s32 $0xFFFFE003, lr  }
0x1b: {  	s9 =	sadd.s32 $0xFFFFFEF7, lr;
	s5 =	simm.s32 $0xFFFFFFFF;
	p2 =	slt.u32 s8, $0xFFFFF086  }
0x1c: {  	p1 =	slt.u32 s9, $0xF7A;
	s5 =	simm.s32 @!p2 $0x0  }
0x1d: {  	s5 =	simm.s32 @p1 $0x1;
	p0 =	seq.s32 s7, s2  }
0x1e: {  	s7 =	smul.u32 @!p0 $0xF7A, s2;
	p2 =	seq.s32 @!p0 s5, $0x0  }
0x1f: {  	s9 =	smul.u32 $0xF7A, s1;
	s8 =	simm.s32 @!p0 $0x1BF5;
	p2 =	por !p2, p0  }
0x20: {  	[sflag:s8] =	ssyncset.s32 @!p0 $0xFFFFF086;
	s6 =	sadd.s32 @!p0 s3, s7;
	s7 =	simm.s32 @!p0 $0x108  }
0x21: {  	s3 =	sadd.s32 s3, s9;
	s6 =	sadd.s32 @!p0 $0x88, s6;
	s7 =	simm.s32 @p2 $0x1082  }
0x22: {  	[simem:s7], [sflag:s8] =	dma.local @!p0 [hbm:s6], $0xF7A  }
0x23: {  	s9 =	sor.u32 $0xD0000000, s2;
	s6 =	simm.s32 $0x108;
	_ =	swait.ge @!p0 [sflag:s8], $0x0  }
0x24: {  	s3 =	sadd.s32 $0x88, s3;
	s6 =	simm.s32 @!p1 $0x1082;
	[sflag:s4] =	ssyncset.s32 $0xFFFFF086  }
0x25: {  	[simem:s6], [sflag:s4] =	dma.local [hbm:s3], $0xF7A  }
0x26: {  	[smem:$0x3F6E] =	sst s1;
	(tag) =	ssettag s2;
	_ =	strace s9  }
0x27: {  	s1 =	sld [smem:$0x3F7E]  }
0x28: {  	s2 =	sld [smem:$0x3F7F]  }
0x29: {  	s4 =	sld [smem:$0x3F81]  }
0x2a: {  	p0 =	seq.s32 s5, $0x0;
	s5 =	sld [smem:$0x3F82]  }
0x2b: {  	s6 =	sld [smem:$0x3F83]  }
0x2c: {  	s7 =	sld [smem:$0x3F84]  }
0x2d: {  	s3 =	simm.s32 $0x108;
	s8 =	sld [smem:$0x3F85]  }
0x2e: {  	s3 =	simm.s32 @!p0 $0x1082;
	s9 =	sld [smem:$0x3F86]  }
0x2f: {  	lr =	sadd.s32 s0, s3;
	s0 =	sld [smem:$0x3F7D]  }
0x30: {  	s3 =	sld [smem:$0x3F80]  }
0x31: {  	[smem:$0x3F89] =	sst s10  }
0x32: {  	s10 =	sld [smem:$0x3F87];
	_ =	sdelay $0x3  }
0x33: {  	p0 =	seq.s32 s10, $0x1;
	s10 =	sld [smem:$0x3F89];
	_ =	sdelay $0x3  }
0x34: {  	[smem:$0x3F89] =	sst s10  }
0x35: {  	s10 =	sld [smem:$0x3F88];
	_ =	sdelay $0x3  }
0x36: {  	p1 =	seq.s32 s10, $0x1;
	s10 =	sld [smem:$0x3F89];
	_ =	sdelay $0x3  }
0x37: {  	[smem:$0x3F89] =	sst s10  }
0x38: {  	s10 =	sld [smem:$0x3F8A]  }
0x39: {  	_ = 	snop;
	(pc) =	sbr.ind lr, $3  }
0x3a: {  	_ = 	snop  }
0x3b: {  	_ = 	snop  }
0x3c: {  	p2 =	seq.s32 s10, $0x1;
	s10 =	sld [smem:$0x3F89]  }
0x3d: {  	_ =	shalt  }
0x3e: {  	_ =	shalt  }
0x3f: {  	_ =	shalt  }
0x40: {  	_ =	shalt  }
0x41: {  	_ =	shalt  }
0x42: {  	_ =	shalt  }
0x43: {  	_ =	shalt  }
0x44: {  	_ =	shalt  }
0x45: {  	_ =	shalt  }
0x46: {  	_ =	shalt  }
0x47: {  	_ =	shalt  }
0x48: {  	_ =	shalt  }
0x49: {  	_ =	shalt  }
0x4a: {  	_ =	shalt  }
0x4b: {  	_ =	shalt  }
0x4c: {  	_ =	shalt  }
0x4d: {  	_ =	shalt  }
0x4e: {  	_ =	shalt  }
0x4f: {  	_ =	shalt  }
0x50: {  	_ =	shalt  }
0x51: {  	_ =	shalt  }
0x52: {  	_ =	shalt  }
0x53: {  	_ =	shalt  }
0x54: {  	_ =	shalt  }
0x55: {  	_ =	shalt  }
0x56: {  	_ =	shalt  }
0x57: {  	_ =	shalt  }
0x58: {  	_ =	shalt  }
0x59: {  	_ =	shalt  }
0x5a: {  	_ =	shalt  }
0x5b: {  	_ =	shalt  }
0x5c: {  	_ =	shalt  }
0x5d: {  	_ =	shalt  }
0x5e: {  	_ =	shalt  }
0x5f: {  	_ =	shalt  }
0x60: {  	_ =	shalt  }
0x61: {  	_ =	shalt  }
0x62: {  	_ =	shalt  }
0x63: {  	_ =	shalt  }
0x64: {  	_ =	shalt  }
0x65: {  	_ =	shalt  }
0x66: {  	_ =	shalt  }
0x67: {  	_ =	shalt  }
0x68: {  	_ =	shalt  }
0x69: {  	_ =	shalt  }
0x6a: {  	_ =	shalt  }
0x6b: {  	_ =	shalt  }
0x6c: {  	_ =	shalt  }
0x6d: {  	_ =	shalt  }
0x6e: {  	_ =	shalt  }
0x6f: {  	_ =	shalt  }
0x70: {  	_ =	shalt  }
0x71: {  	_ =	shalt  }
0x72: {  	_ =	shalt  }
0x73: {  	_ =	shalt  }
0x74: {  	_ =	shalt  }
0x75: {  	_ =	shalt  }
0x76: {  	_ =	shalt  }
0x77: {  	_ =	shalt  }
0x78: {  	_ =	shalt  }
0x79: {  	_ =	shalt  }
0x7a: {  	_ =	shalt  }
0x7b: {  	_ =	shalt  }
0x7c: {  	_ =	shalt  }
0x7d: {  	_ =	shalt  }
0x7e: {  	_ =	shalt  }
0x7f: {  	_ =	shalt  }
0x80: {  	_ =	shalt  }
0x81: {  	_ =	shalt  }
0x82: {  	_ =	shalt  }
0x83: {  	_ =	shalt  }
0x84: {  	_ =	shalt  }
0x85: {  	_ =	shalt  }
0x86: {  	_ =	shalt  }
0x87: {  	_ =	shalt  }
.Lfunc_end0:
.L_simem_size_0:
called_computation.7_lowered:
.L_overlay_start_0:
0x88: {  	s2 =	sld [smem:$0x3FD9]  }
0x89: {  	s3 =	sld [smem:$0x3FFE];
	_ =	sdelay $0x1  }
0x8a: {  	s1 =	srdreg.scid  }
0x8b: {  	s0 =	sand.u32 $0x1, s1  }
0x8c: {  	s16 =	sshll.u32 s0, $0xA;
	s2 =	sadd.s32 s3, s2  }
0x8d: {  	s2 =	sadd.s32 s2, s16  }
0x8e: {  	[smem:$0x3F95] =	sst s2  }
0x8f: {  	_ = 	snop  }
0x90: {  	(tm) =	ssettm $0x1  }
0x91: {  	s17 =	sld [smem:$0x3FFB];
	_ =	sdelay $0x3  }
0x92: {  	_ =	strace s17  }
0x93: {  	s2 =	sld [smem:$0x3FFC];
	_ =	sdelay $0x3  }
0x94: {  	_ =	strace s2  }
0x95: {  	s2 =	sld [smem:$0x3FFD];
	_ =	sdelay $0x3  }
0x96: {  	_ =	strace s2  }
0x97: {  	_ =	strace $0x8FFFFFFF  }
0x98: {  	s18 =	sld [smem:$0x3FDB];
	_ =	sdelay $0x1  }
0x99: {  	s19 =	simm.s32 $_scs_section_size  }
0x9a: {  	s4 =	simm.s32 $_size__tile_overlayer_lowered;
	s5 =	simm.s32 $_tile_overlayer_lowered  }
0x9b: {  	s22 =	simm.s32 $0x1BFF;
	s21 =	sshll.u32 s5, $0x1;
	s2 =	sadd.s32 s19, s18  }
0x9c: {  	s6 =	simm.s32 $0x0;
	s20 =	sshll.u32 s4, $0x1;
	s4 =	sadd.s32 s21, s2  }
0x9d: {  	[timem:s6], [sflag:s22] =	dma.local [hbm:s4], s20  }
0x9e: {  	_ =	swait.ge [sflag:s22], s20  }
0x9f: {  	s3 =	ssub.s32 $0x0, s20;
	[sflag:s22] =	ssyncset.done $0x0  }
0xa0: {  	[sflag:s22] =	ssyncadd.s32 s3;
	_ =	sdelay $0x1  }
0xa1: {  	s23 =	simm.s32 $0x1B8B  }
0xa2: {  	_ =	swait.ge [sflag:s23], $0x1  }
0xa3: {  	[sflag:s23] =	ssyncset.done $0x0  }
0xa4: {  	s25 =	simm.s32 $0x1B8E;
	s24 =	sld [smem:$0x3FFE];
	[sflag:s23] =	ssyncadd.s32 $0xFFFFFFFF  }
0xa5: {  	s26 =	simm.s32 $execute0_lowered;
	[smem:$0x3FD2] =	sst s25  }
0xa6: {  	s4 =	sshll.u32 s26, $0x1;
	_ =	strace $0x8000004C;
	[dreg:$0x1] =	wrdreg $0xFFFFFFFF  }
0xa7: {  	s28 =	simm.s32 $_size_execute0_lowered;
	s2 =	sadd.s32 s2, s4;
	[dreg:$0x0] =	wrdreg $0x0  }
0xa8: {  	s4 =	sshll.u32 s28, $0x1;
	[dreg:$0x2] =	wrdreg s2  }
0xa9: {  	[dreg:$0x3] =	wrdreg s4  }
0xaa: {  	[dreg:$0x4] =	wrdreg $0xC0  }
0xab: {  	_ =	task [dreg:s6], $0x5FFFF  }
0xac: {  	[dreg:$0x1] =	wrdreg $0xFFFFFFFF  }
0xad: {  	[dreg:$0x0] =	wrdreg $0x60  }
0xae: {  	[dreg:$0x2] =	wrdreg s24  }
0xaf: {  	[dreg:$0x3] =	wrdreg $0x82000  }
0xb0: {  	[dreg:$0x4] =	wrdreg $0x9  }
0xb1: {  	_ =	task.clear_ibuf [dreg:s6], $0x5FFFF;
	_ =	strace $0x9000004C  }
0xb2: {  	s29 =	simm.s32 $0x9;
	_ =	strace $0x8000004E  }
0xb3: {  	_ =	swait.ge [sflag:s29], $0x1  }
0xb4: {  	[sflag:s29] =	ssyncadd.s32 $0xFFFFFFFF  }
0xb5: {  	_ =	strace $0x9000004E  }
0xb6: {  	_ =	sfence  }
0xb7: {  	s30 =	sld [smem:$0x0];
	_ =	sdelay $0x2  }
0xb8: {  	s31 =	sshll.u32 s1, $0xD;
	s1 =	sshrl.u32 s1, $0x2  }
0xb9: {  	s3 =	sand.u32 $0x4000, s31;
	s1 =	sadd.s32 s1, s30  }
0xba: {  	s0 =	sor.u32 s3, s0;
	s1 =	sshll.u32 s1, $0x11  }
0xbb: {  	s0 =	sor.u32 s1, s0  }
0xbc: {  	s0 =	sadd.s32 $0x8F2B, s0  }
0xbd: {  	[sflag:s0] =	ssyncadd.remote.s32 $0x1  }
0xbe: {  	_ =	sfence.sel $0xFFFF  }
0xbf: {  	[dreg:$0x0] =	wrdreg $0xFFFFFFFF;
	(pc) =	sbr.abs _section_cstart, $3  }
0xc0: {  	[dreg:$0x1] =	wrdreg $0xFFFFFFFF  }
0xc1: {  	_ =	task.clear_ibuf [dreg:s6], $0x2FFFF;
	_ =	strace $0x9FFFFFFF  }
0xc2: {  	(tm) =	ssettm $0x7FFFFFFF  }
0xc3: {  	_ =	shalt  }
tec
execute0_lowered:
.L_overlay_start_1:
0x0: {  	(tag) =	ssettag $0x1  }
0x1: {  	s7 =	rddreg [dreg:$0x0]  }
0x2: {  	s2 =	rddreg [dreg:$0x1]  }
0x3: {  	s1 =	stileid.u32;
	s4 =	srdreg.scid;
	s3 =	simm.s32 $0x0  }
0x4: {  	s17 =	simm.s32 $0x3;
	s18 =	simm.s32 $0x80;
	s19 =	simm.s32 $0x200  }
0x5: {  	s20 =	simm.s32 $0x100;
	s21 =	simm.s32 $0x180;
	s22 =	simm.s32 $0x4200  }
0x6: {  	s23 =	simm.s32 $0x1;
	s6 =	smul.u32 $0x14000, s1;
	s8 =	sand.u32 $0x1, s4  }
0x7: {  	[smem:$0x7FF] =	sst s3;
	s4 =	sadd.s32 $0x55000, s7;
	s25 =	smul.u32 $0x50000, s1  }
0x8: {  	s5 =	sadd.s32 $0x28000, s7;
	s13 =	sshll.u32 s1, $0x1;
	s14 =	smul.u32 $0x2800, s1  }
0x9: {  	s28 =	sshll.u32 s1, $0x6;
	s9 =	smul.u32 $0x140000, s8;
	_ =	strace $0x8000004D  }
0xa: {  	s24 =	ssub.s32 $0x2, s8;
	s13 =	sor.u32 s8, s13;
	s8 =	smul.u32 $0x1400, s8  }
0xb: {  	s10 =	sshrl.u32 s6, $0x3;
	s12 =	sshrl.u32 s24, $0x1;
	s26 =	smul.u32 $0x1400, s13  }
0xc: {  	s9 =	sadd.s32 s6, s9;
	s6 =	sadd.s32 $0xF000, s7;
	s10 =	sadd.s32 s10, s7  }
0xd: {  	s12 =	ssub.s32 s24, s12;
	s15 =	sadd.s32 s8, s14;
	s8 =	sor.u32 $0x1C03, s28  }
0xe: {  	s24 =	simm.s32 $0x2;
	s9 =	sshrl.u32 s9, $0x3;
	s29 =	sshrl.u32 s26, $0x3  }
0xf: {  	s30 =	sor.u32 $0x80, s15;
	s12 =	smax.u32 s12, $0x1;
	s15 =	sor.u32 $0x100, s15  }
0x10: {  	s11 =	sadd.s32 s9, s7;
	s9 =	sshrl.u32 s25, $0x2;
	s7 =	sadd.s32 $0x7D000, s10  }
0x11: {  	s10 =	sadd.s32 s6, s29;
	s31 =	sshrl.u32 s30, $0x3;
	s25 =	simm.s32 $0x0  }
0x12: {  	s16 =	sadd.s32 s9, s2;
	s9 =	sadd.s32 s5, s29;
	s11 =	sadd.s32 $0xA5000, s11  }
0x13: {  	s13 =	sadd.s32 s31, s6;
	s14 =	sadd.s32 s31, s5;
	s16 =	sshrl.u32 s16, $0x3  }
.LBB2_1:
0x14: {  	[spmem:s16], [sflag:s8] =	dma.local [hbm:s7], $0x2800  }
0x15: {  	_ =	swait.ge [sflag:s17], $0x2800  }
0x16: {  	[sflag:s17] =	ssyncset.done $0x0  }
0x17: {  	[sflag:s17] =	ssyncadd.s32 $0xFFFFD800  }
0x18: {  	[bflag:$0x0] =	sbarrier.arrive $0xFFFF  }
0x19: {  	[tilespmem:s3], [sflag:$0x3] =	stream.linear.gather [hbm4b:s9+s3], $0x80, $0x38;
	[tilespmem:$0x1C200] =	vst v63  }
0x1a: {  	_ =	swait.ge [sflag:s17], $0x80  }
0x1b: {  	[sflag:s17] =	ssyncset.done $0x0  }
0x1c: {  	[sflag:s17] =	ssyncadd.s32 $0xFFFFFF80  }
0x1d: {  	[tilespmem:s18], [sflag:$0x3] =	stream.linear.gather [hbm4b:s10+s3], $0x80, $0x38;
	[tilespmem:$0x1C200] =	vst v63  }
0x1e: {  	_ =	swait.ge [sflag:s17], $0x80  }
0x1f: {  	[sflag:s17] =	ssyncset.done $0x0  }
0x20: {  	[sflag:s17] =	ssyncadd.s32 $0xFFFFFF80  }
0x21: {  	[tilespmem:s19], [sflag:$0x1] =	stream.indirect.gather [hbm4b:s4+s18], $0x80, s3, s18, $0xb8;
	[tilespmem:$0x1C200] =	vst v63  }
0x22: {  	s26 =	sadd.s32 $0x0, s14  }
0x23: {  	[tilespmem:s20], [sflag:$0x3] =	stream.linear.gather [hbm4b:s26+s3], $0x80, $0x38;
	[tilespmem:$0x1C200] =	vst v63  }
0x24: {  	_ =	swait.ge [sflag:s17], $0x80  }
0x25: {  	[sflag:s17] =	ssyncset.done $0x0  }
0x26: {  	s31 =	sadd.s32 $0x0, s13;
	[sflag:s17] =	ssyncadd.s32 $0xFFFFFF80  }
0x27: {  	[tilespmem:s21], [sflag:$0x3] =	stream.linear.gather [hbm4b:s31+s3], $0x80, $0x38;
	[tilespmem:$0x1C200] =	vst v63  }
0x28: {  	_ =	swait.ge [sflag:s17], $0x80  }
0x29: {  	[sflag:s17] =	ssyncset.done $0x0  }
0x2a: {  	[sflag:s17] =	ssyncadd.s32 $0xFFFFFF80  }
0x2b: {  	[tilespmem:s22], [sflag:$0x2] =	stream.indirect.gather [hbm4b:s4+s18], $0x80, s20, s18, $0xb8;
	[tilespmem:$0x1C200] =	vst v63  }
0x2c: {  	_ =	swait.ge [sflag:s23], $0x4000  }
0x2d: {  	[sflag:s23] =	ssyncset.done $0x0  }
0x2e: {  	p0 =	slt.s32 s15, $0x27F80;
	s26 =	smov.u32 s15;
	[sflag:s23] =	ssyncadd.s32 $0xFFFFC000  }
0x2f: {  	[spmem:s2] =	stream.indirect.scatter.add.f32 [tilespmem:s19], [sflag:$0x3], $0x80, s18, s18, $0xb8;
	[tilespmem:$0x1C200] =	vst v63  }
0x30: {  	s26 =	simm.s32 @!p0 $0x27F80;
	_ =	swait.ge [sflag:s17], $0x4000  }
0x31: {  	s26 =	sshrl.u32 s26, $0x3;
	[sflag:s17] =	ssyncset.done $0x0  }
0x32: {  	s28 =	sadd.s32 s5, s26;
	[sflag:s17] =	ssyncadd.s32 $0xFFFFC000  }
0x33: {  	[tilespmem:s3], [sflag:$0x3] =	stream.linear.gather [hbm4b:s28+s3], $0x80, $0x38;
	[tilespmem:$0x1C200] =	vst v63  }
0x34: {  	_ =	swait.ge [sflag:s17], $0x80  }
0x35: {  	[sflag:s17] =	ssyncset.done $0x0  }
0x36: {  	s26 =	sadd.s32 s6, s26;
	[sflag:s17] =	ssyncadd.s32 $0xFFFFFF80  }
0x37: {  	[tilespmem:s18], [sflag:$0x3] =	stream.linear.gather [hbm4b:s26+s3], $0x80, $0x38;
	[tilespmem:$0x1C200] =	vst v63  }
0x38: {  	_ =	swait.ge [sflag:s17], $0x80  }
0x39: {  	[sflag:s17] =	ssyncset.done $0x0  }
0x3a: {  	[sflag:s17] =	ssyncadd.s32 $0xFFFFFF80  }
0x3b: {  	[tilespmem:s19], [sflag:$0x1] =	stream.indirect.gather [hbm4b:s4+s18], $0x80, s3, s18, $0xb8;
	[tilespmem:$0x1C200] =	vst v63  }
0x3c: {  	_ =	swait.ge [sflag:s24], $0x4000  }
0x3d: {  	[sflag:s24] =	ssyncset.done $0x0  }
0x3e: {  	[sflag:s24] =	ssyncadd.s32 $0xFFFFC000  }
0x3f: {  	[spmem:s2] =	stream.indirect.scatter.add.f32 [tilespmem:s22], [sflag:$0x3], $0x80, s21, s18, $0xb8;
	[tilespmem:$0x1C200] =	vst v63  }
0x40: {  	s30 =	simm.s32 $0x40;
	_ =	swait.ge [sflag:s17], $0x4000  }
0x41: {  	s28 =	simm.s32 $0x20;
	s26 =	sadd.s32 $0x100, s15;
	[sflag:s17] =	ssyncset.done $0x0  }
.LBB2_2:
0x42: {  	s31 =	sadd.s32 s28, s14  }
0x43: {  	[sflag:s17] =	ssyncadd.s32 $0xFFFFC000;
	s0 =	smov.u32 s30;
	s29 =	sadd.s32 $0x20, s30  }
0x44: {  	[tilespmem:s20], [sflag:$0x3] =	stream.linear.gather [hbm4b:s31+s3], $0x80, $0x38;
	[tilespmem:$0x1C200] =	vst v63  }
0x45: {  	p0 =	sne.s32 s30, $0x260;
	_ =	swait.ge [sflag:s17], $0x80  }
0x46: {  	[sflag:s17] =	ssyncset.done $0x0  }
0x47: {  	s30 =	sadd.s32 s28, s13;
	s28 =	smov.u32 s0;
	[sflag:s17] =	ssyncadd.s32 $0xFFFFFF80  }
0x48: {  	[tilespmem:s21], [sflag:$0x3] =	stream.linear.gather [hbm4b:s30+s3], $0x80, $0x38;
	[tilespmem:$0x1C200] =	vst v63  }
0x49: {  	_ =	swait.ge [sflag:s17], $0x80  }
0x4a: {  	[sflag:s17] =	ssyncset.done $0x0  }
0x4b: {  	[sflag:s17] =	ssyncadd.s32 $0xFFFFFF80  }
0x4c: {  	[tilespmem:s22], [sflag:$0x2] =	stream.indirect.gather [hbm4b:s4+s18], $0x80, s20, s18, $0xb8;
	[tilespmem:$0x1C200] =	vst v63  }
0x4d: {  	_ =	swait.ge [sflag:s23], $0x4000  }
0x4e: {  	[sflag:s23] =	ssyncset.done $0x0  }
0x4f: {  	p1 =	slt.s32 s26, $0x27F80;
	s0 =	smov.u32 s26;
	[sflag:s23] =	ssyncadd.s32 $0xFFFFC000  }
0x50: {  	[spmem:s2] =	stream.indirect.scatter.add.f32 [tilespmem:s19], [sflag:$0x3], $0x80, s18, s18, $0xb8;
	[tilespmem:$0x1C200] =	vst v63  }
0x51: {  	s0 =	simm.s32 @!p1 $0x27F80;
	_ =	swait.ge [sflag:s17], $0x4000  }
0x52: {  	s0 =	sshrl.u32 s0, $0x3;
	[sflag:s17] =	ssyncset.done $0x0  }
0x53: {  	s30 =	sadd.s32 s5, s0;
	[sflag:s17] =	ssyncadd.s32 $0xFFFFC000  }
0x54: {  	[tilespmem:s3], [sflag:$0x3] =	stream.linear.gather [hbm4b:s30+s3], $0x80, $0x38;
	[tilespmem:$0x1C200] =	vst v63  }
0x55: {  	_ =	swait.ge [sflag:s17], $0x80  }
0x56: {  	[sflag:s17] =	ssyncset.done $0x0  }
0x57: {  	s0 =	sadd.s32 s6, s0;
	[sflag:s17] =	ssyncadd.s32 $0xFFFFFF80  }
0x58: {  	[tilespmem:s18], [sflag:$0x3] =	stream.linear.gather [hbm4b:s0+s3], $0x80, $0x38;
	[tilespmem:$0x1C200] =	vst v63  }
0x59: {  	_ =	swait.ge [sflag:s17], $0x80  }
0x5a: {  	[sflag:s17] =	ssyncset.done $0x0  }
0x5b: {  	[sflag:s17] =	ssyncadd.s32 $0xFFFFFF80  }
0x5c: {  	[tilespmem:s19], [sflag:$0x1] =	stream.indirect.gather [hbm4b:s4+s18], $0x80, s3, s18, $0xb8;
	[tilespmem:$0x1C200] =	vst v63  }
0x5d: {  	_ =	swait.ge [sflag:s24], $0x4000  }
.Ltmp0:
0x5e: {  	[sflag:s24] =	ssyncset.done $0x0;
	(pc) =	sbr.rel @p0 .LBB2_2-.Ltmp0, $4  }
0x5f: {  	[sflag:s24] =	ssyncadd.s32 $0xFFFFC000  }
0x60: {  	[spmem:s2] =	stream.indirect.scatter.add.f32 [tilespmem:s22], [sflag:$0x3], $0x80, s21, s18, $0xb8;
	[tilespmem:$0x1C200] =	vst v63  }
0x61: {  	_ =	swait.ge [sflag:s17], $0x4000  }
0x62: {  	s26 =	sadd.s32 $0x100, s26;
	s30 =	smov.u32 s29;
	[sflag:s17] =	ssyncset.done $0x0  }
0x63: {  	s0 =	sadd.s32 s28, s14;
	[sflag:s17] =	ssyncadd.s32 $0xFFFFC000  }
0x64: {  	[tilespmem:s20], [sflag:$0x3] =	stream.linear.gather [hbm4b:s0+s3], $0x80, $0x38;
	[tilespmem:$0x1C200] =	vst v63  }
0x65: {  	_ =	swait.ge [sflag:s17], $0x80  }
0x66: {  	[sflag:s17] =	ssyncset.done $0x0  }
0x67: {  	s30 =	sadd.s32 s28, s13;
	[sflag:s17] =	ssyncadd.s32 $0xFFFFFF80  }
0x68: {  	[tilespmem:s21], [sflag:$0x3] =	stream.linear.gather [hbm4b:s30+s3], $0x80, $0x38;
	[tilespmem:$0x1C200] =	vst v63  }
0x69: {  	_ =	swait.ge [sflag:s17], $0x80  }
0x6a: {  	[sflag:s17] =	ssyncset.done $0x0  }
0x6b: {  	[sflag:s17] =	ssyncadd.s32 $0xFFFFFF80  }
0x6c: {  	[tilespmem:s22], [sflag:$0x2] =	stream.indirect.gather [hbm4b:s4+s18], $0x80, s20, s18, $0xb8;
	[tilespmem:$0x1C200] =	vst v63  }
0x6d: {  	_ =	swait.ge [sflag:s23], $0x4000  }
0x6e: {  	[sflag:s23] =	ssyncset.done $0x0  }
0x6f: {  	p0 =	slt.s32 s26, $0x27F80;
	[sflag:s23] =	ssyncadd.s32 $0xFFFFC000  }
0x70: {  	[spmem:s2] =	stream.indirect.scatter.add.f32 [tilespmem:s19], [sflag:$0x3], $0x80, s18, s18, $0xb8;
	[tilespmem:$0x1C200] =	vst v63  }
0x71: {  	s26 =	simm.s32 @!p0 $0x27F80;
	_ =	swait.ge [sflag:s17], $0x4000  }
0x72: {  	s31 =	sshrl.u32 s26, $0x3;
	[sflag:s17] =	ssyncset.done $0x0  }
0x73: {  	s26 =	sadd.s32 s5, s31;
	[sflag:s17] =	ssyncadd.s32 $0xFFFFC000  }
0x74: {  	[tilespmem:s3], [sflag:$0x3] =	stream.linear.gather [hbm4b:s26+s3], $0x80, $0x38;
	[tilespmem:$0x1C200] =	vst v63  }
0x75: {  	_ =	swait.ge [sflag:s17], $0x80  }
0x76: {  	[sflag:s17] =	ssyncset.done $0x0  }
0x77: {  	s0 =	sadd.s32 s6, s31;
	[sflag:s17] =	ssyncadd.s32 $0xFFFFFF80  }
0x78: {  	[tilespmem:s18], [sflag:$0x3] =	stream.linear.gather [hbm4b:s0+s3], $0x80, $0x38;
	[tilespmem:$0x1C200] =	vst v63  }
0x79: {  	_ =	swait.ge [sflag:s17], $0x80  }
0x7a: {  	[sflag:s17] =	ssyncset.done $0x0  }
0x7b: {  	[sflag:s17] =	ssyncadd.s32 $0xFFFFFF80  }
0x7c: {  	[tilespmem:s19], [sflag:$0x1] =	stream.indirect.gather [hbm4b:s4+s18], $0x80, s3, s18, $0xb8;
	[tilespmem:$0x1C200] =	vst v63  }
0x7d: {  	_ =	swait.ge [sflag:s24], $0x4000  }
0x7e: {  	[sflag:s24] =	ssyncset.done $0x0  }
0x7f: {  	[sflag:s24] =	ssyncadd.s32 $0xFFFFC000  }
0x80: {  	[spmem:s2] =	stream.indirect.scatter.add.f32 [tilespmem:s22], [sflag:$0x3], $0x80, s21, s18, $0xb8;
	[tilespmem:$0x1C200] =	vst v63  }
0x81: {  	_ =	swait.ge [sflag:s17], $0x4000  }
0x82: {  	[sflag:s17] =	ssyncset.done $0x0  }
0x83: {  	[sflag:s17] =	ssyncadd.s32 $0xFFFFC000  }
0x84: {  	_ =	swait.ge [sflag:s23], $0x4000  }
0x85: {  	s25 =	sadd.s32 $0x1, s25;
	[sflag:s23] =	ssyncset.done $0x0  }
0x86: {  	p0 =	sne.s32 s25, s12;
	[sflag:s23] =	ssyncadd.s32 $0xFFFFC000  }
.Ltmp1:
0x87: {  	[bflag:$0x0] =	sbarrier.arrive $0xFFFF;
	(pc) =	sbr.rel @p0 .LBB2_1-.Ltmp1, $4  }
0x88: {  	[hbm:s11], [sflag:s8] =	dma.local [spmem:s16], $0x2800  }
0x89: {  	_ =	swait.ge [sflag:s17], $0x2800  }
0x8a: {  	[sflag:s17] =	ssyncset.done $0x0  }
0x8b: {  	[sflag:s17] =	ssyncadd.s32 $0xFFFFD800  }
0x8c: {  	_ =	sfence.sel $0x180000  }
0x8d: {  	[bflag:$0x0] =	sbarrier.arrive $0xFFFF  }
0x8e: {  	_ =	strace $0x9000004D  }
0x8f: {  	[bflag:$0x2] =	sbarrier.arrive $0xFFFF  }
0x90: {  	p0 =	sne.s32 s1, $0x0;
	s0 =	rddreg [dreg:$0x2]  }
0x91: {  	s0 =	sadd.s32 @!p0 $0x100000, s0  }
0x92: {  	[sflag:s0] =	ssyncadd.tile.s32 @!p0 $0x1;
	_ =	shalt  }
.Lfunc_end2:
_tile_overlayer_lowered:
.L_overlay_start_2:
0x93: {  	(tag) =	ssettag $0x2  }
0x94: {  	s0 =	rddreg [dreg:$0x0];
	s2 =	stileid.u32  }
0x95: {  	s1 =	rddreg [dreg:$0x1];
	p0 =	sne.s32 s2, $0x0  }
0x96: {  	s3 =	rddreg [dreg:$0x2];
	[bflag:$0x3] =	sbarrier.arrive $0xFFFF;
	s2 =	simm.s32 @!p0 $0x1C03  }
0x97: {  	[timem:s3], [sflag:s2] =	dma.local @!p0 [hbm:s0], s1  }
0x98: {  	s0 =	simm.s32 @!p0 $0x3  }
0x99: {  	_ =	swait.ge @!p0 [sflag:s0], s1  }
0x9a: {  	s1 =	ssub.s32 @!p0 $0x0, s1;
	[sflag:s0] =	ssyncset.done @!p0 $0x0  }
0x9b: {  	[sflag:s0] =	ssyncadd.s32 @!p0 s1  }
0x9c: {  	[bflag:$0x3] =	sbarrier.arrive $0xFFFF  }
0x9d: {  	_ =	shalt  }

// kernel: kernel.29.cloned.1.call-start
scs
__scs_entry_jumppad:
0x0: {  	(pc) =	sbr.rel $0x88, $3  }
0x1: {  	(tag) =	ssettag $0x0;
	lr =	simm.s32 $0x1  }
0x2: {  	[smem:$0x3F6E] =	sst lr;
	_ =	strace $0xD0000000  }
0x3: {  	_ = 	snop  }
0x4: {  	_ = 	snop  }
0x5: {  	_ = 	snop  }
0x6: {  	_ = 	snop  }
0x7: {  	_ = 	snop  }
__scs_overlays_trampoline_lowered:
0x8: {  	[smem:$0x3F7D] =	sst s0  }
0x9: {  	[smem:$0x3F7E] =	sst s1  }
0xa: {  	[smem:$0x3F7F] =	sst s2  }
0xb: {  	[smem:$0x3F80] =	sst s3  }
0xc: {  	[smem:$0x3F81] =	sst s4  }
0xd: {  	[smem:$0x3F82] =	sst s5  }
0xe: {  	[smem:$0x3F83] =	sst s6  }
0xf: {  	[smem:$0x3F84] =	sst s7  }
0x10: {  	[smem:$0x3F85] =	sst s8  }
0x11: {  	[smem:$0x3F86] =	sst s9;
	s0 =	simm.s32 @!p0 $0x0  }
0x12: {  	s1 =	sld [smem:$0x3F6C];
	s0 =	simm.s32 @p0 $0x1  }
0x13: {  	[smem:$0x3F87] =	sst s0;
	s0 =	simm.s32 @!p1 $0x0  }
0x14: {  	s2 =	sld [smem:$0x3F6B];
	s0 =	simm.s32 @p1 $0x1  }
0x15: {  	[smem:$0x3F88] =	sst s0;
	s0 =	simm.s32 @!p2 $0x0  }
0x16: {  	s3 =	sld [smem:$0x3FDB];
	s0 =	simm.s32 @p2 $0x1  }
0x17: {  	s4 =	simm.s32 $0x1BF5;
	[smem:$0x3F8A] =	sst s0  }
0x18: {  	s0 =	sld [smem:$0x3F6D];
	_ =	swait.ge [sflag:s4], $0x0  }
0x19: {  	s7 =	sld [smem:$0x3F6E]  }
0x1a: {  	s8 =	sadd.s32 $0xFFFFE003, lr  }
0x1b: {  	s9 =	sadd.s32 $0xFFFFFEF7, lr;
	s5 =	simm.s32 $0xFFFFFFFF;
	p2 =	slt.u32 s8, $0xFFFFF086  }
0x1c: {  	p1 =	slt.u32 s9, $0xF7A;
	s5 =	simm.s32 @!p2 $0x0  }
0x1d: {  	s5 =	simm.s32 @p1 $0x1;
	p0 =	seq.s32 s7, s2  }
0x1e: {  	s7 =	smul.u32 @!p0 $0xF7A, s2;
	p2 =	seq.s32 @!p0 s5, $0x0  }
0x1f: {  	s9 =	smul.u32 $0xF7A, s1;
	s8 =	simm.s32 @!p0 $0x1BF5;
	p2 =	por !p2, p0  }
0x20: {  	[sflag:s8] =	ssyncset.s32 @!p0 $0xFFFFF086;
	s6 =	sadd.s32 @!p0 s3, s7;
	s7 =	simm.s32 @!p0 $0x108  }
0x21: {  	s3 =	sadd.s32 s3, s9;
	s6 =	sadd.s32 @!p0 $0x88, s6;
	s7 =	simm.s32 @p2 $0x1082  }
0x22: {  	[simem:s7], [sflag:s8] =	dma.local @!p0 [hbm:s6], $0xF7A  }
0x23: {  	s9 =	sor.u32 $0xD0000000, s2;
	s6 =	simm.s32 $0x108;
	_ =	swait.ge @!p0 [sflag:s8], $0x0  }
0x24: {  	s3 =	sadd.s32 $0x88, s3;
	s6 =	simm.s32 @!p1 $0x1082;
	[sflag:s4] =	ssyncset.s32 $0xFFFFF086  }
0x25: {  	[simem:s6], [sflag:s4] =	dma.local [hbm:s3], $0xF7A  }
0x26: {  	[smem:$0x3F6E] =	sst s1;
	(tag) =	ssettag s2;
	_ =	strace s9  }
0x27: {  	s1 =	sld [smem:$0x3F7E]  }
0x28: {  	s2 =	sld [smem:$0x3F7F]  }
0x29: {  	s4 =	sld [smem:$0x3F81]  }
0x2a: {  	p0 =	seq.s32 s5, $0x0;
	s5 =	sld [smem:$0x3F82]  }
0x2b: {  	s6 =	sld [smem:$0x3F83]  }
0x2c: {  	s7 =	sld [smem:$0x3F84]  }
0x2d: {  	s3 =	simm.s32 $0x108;
	s8 =	sld [smem:$0x3F85]  }
0x2e: {  	s3 =	simm.s32 @!p0 $0x1082;
	s9 =	sld [smem:$0x3F86]  }
0x2f: {  	lr =	sadd.s32 s0, s3;
	s0 =	sld [smem:$0x3F7D]  }
0x30: {  	s3 =	sld [smem:$0x3F80]  }
0x31: {  	[smem:$0x3F89] =	sst s10  }
0x32: {  	s10 =	sld [smem:$0x3F87];
	_ =	sdelay $0x3  }
0x33: {  	p0 =	seq.s32 s10, $0x1;
	s10 =	sld [smem:$0x3F89];
	_ =	sdelay $0x3  }
0x34: {  	[smem:$0x3F89] =	sst s10  }
0x35: {  	s10 =	sld [smem:$0x3F88];
	_ =	sdelay $0x3  }
0x36: {  	p1 =	seq.s32 s10, $0x1;
	s10 =	sld [smem:$0x3F89];
	_ =	sdelay $0x3  }
0x37: {  	[smem:$0x3F89] =	sst s10  }
0x38: {  	s10 =	sld [smem:$0x3F8A]  }
0x39: {  	_ = 	snop;
	(pc) =	sbr.ind lr, $3  }
0x3a: {  	_ = 	snop  }
0x3b: {  	_ = 	snop  }
0x3c: {  	p2 =	seq.s32 s10, $0x1;
	s10 =	sld [smem:$0x3F89]  }
0x3d: {  	_ =	shalt  }
0x3e: {  	_ =	shalt  }
0x3f: {  	_ =	shalt  }
0x40: {  	_ =	shalt  }
0x41: {  	_ =	shalt  }
0x42: {  	_ =	shalt  }
0x43: {  	_ =	shalt  }
0x44: {  	_ =	shalt  }
0x45: {  	_ =	shalt  }
0x46: {  	_ =	shalt  }
0x47: {  	_ =	shalt  }
0x48: {  	_ =	shalt  }
0x49: {  	_ =	shalt  }
0x4a: {  	_ =	shalt  }
0x4b: {  	_ =	shalt  }
0x4c: {  	_ =	shalt  }
0x4d: {  	_ =	shalt  }
0x4e: {  	_ =	shalt  }
0x4f: {  	_ =	shalt  }
0x50: {  	_ =	shalt  }
0x51: {  	_ =	shalt  }
0x52: {  	_ =	shalt  }
0x53: {  	_ =	shalt  }
0x54: {  	_ =	shalt  }
0x55: {  	_ =	shalt  }
0x56: {  	_ =	shalt  }
0x57: {  	_ =	shalt  }
0x58: {  	_ =	shalt  }
0x59: {  	_ =	shalt  }
0x5a: {  	_ =	shalt  }
0x5b: {  	_ =	shalt  }
0x5c: {  	_ =	shalt  }
0x5d: {  	_ =	shalt  }
0x5e: {  	_ =	shalt  }
0x5f: {  	_ =	shalt  }
0x60: {  	_ =	shalt  }
0x61: {  	_ =	shalt  }
0x62: {  	_ =	shalt  }
0x63: {  	_ =	shalt  }
0x64: {  	_ =	shalt  }
0x65: {  	_ =	shalt  }
0x66: {  	_ =	shalt  }
0x67: {  	_ =	shalt  }
0x68: {  	_ =	shalt  }
0x69: {  	_ =	shalt  }
0x6a: {  	_ =	shalt  }
0x6b: {  	_ =	shalt  }
0x6c: {  	_ =	shalt  }
0x6d: {  	_ =	shalt  }
0x6e: {  	_ =	shalt  }
0x6f: {  	_ =	shalt  }
0x70: {  	_ =	shalt  }
0x71: {  	_ =	shalt  }
0x72: {  	_ =	shalt  }
0x73: {  	_ =	shalt  }
0x74: {  	_ =	shalt  }
0x75: {  	_ =	shalt  }
0x76: {  	_ =	shalt  }
0x77: {  	_ =	shalt  }
0x78: {  	_ =	shalt  }
0x79: {  	_ =	shalt  }
0x7a: {  	_ =	shalt  }
0x7b: {  	_ =	shalt  }
0x7c: {  	_ =	shalt  }
0x7d: {  	_ =	shalt  }
0x7e: {  	_ =	shalt  }
0x7f: {  	_ =	shalt  }
0x80: {  	_ =	shalt  }
0x81: {  	_ =	shalt  }
0x82: {  	_ =	shalt  }
0x83: {  	_ =	shalt  }
0x84: {  	_ =	shalt  }
0x85: {  	_ =	shalt  }
0x86: {  	_ =	shalt  }
0x87: {  	_ =	shalt  }
.Lfunc_end0:
.L_simem_size_0:
called_computation.8_lowered:
.L_overlay_start_0:
0x88: {  	s2 =	sld [smem:$0x3FD9]  }
0x89: {  	s3 =	sld [smem:$0x3FFE];
	_ =	sdelay $0x1  }
0x8a: {  	s1 =	srdreg.scid  }
0x8b: {  	s0 =	sand.u32 $0x1, s1  }
0x8c: {  	s16 =	sshll.u32 s0, $0xA;
	s2 =	sadd.s32 s3, s2  }
0x8d: {  	s2 =	sadd.s32 s2, s16  }
0x8e: {  	[smem:$0x3F95] =	sst s2  }
0x8f: {  	_ = 	snop  }
0x90: {  	(tm) =	ssettm $0x1  }
0x91: {  	s17 =	sld [smem:$0x3FFB];
	_ =	sdelay $0x3  }
0x92: {  	_ =	strace s17  }
0x93: {  	s2 =	sld [smem:$0x3FFC];
	_ =	sdelay $0x3  }
0x94: {  	_ =	strace s2  }
0x95: {  	s2 =	sld [smem:$0x3FFD];
	_ =	sdelay $0x3  }
0x96: {  	_ =	strace s2  }
0x97: {  	_ =	strace $0x8FFFFFFF  }
0x98: {  	s18 =	sld [smem:$0x3FDB];
	_ =	sdelay $0x1  }
0x99: {  	s19 =	simm.s32 $_scs_section_size  }
0x9a: {  	s4 =	simm.s32 $_size__tile_overlayer_lowered;
	s5 =	simm.s32 $_tile_overlayer_lowered  }
0x9b: {  	s22 =	simm.s32 $0x1BFF;
	s21 =	sshll.u32 s5, $0x1;
	s2 =	sadd.s32 s19, s18  }
0x9c: {  	s6 =	simm.s32 $0x0;
	s20 =	sshll.u32 s4, $0x1;
	s4 =	sadd.s32 s21, s2  }
0x9d: {  	[timem:s6], [sflag:s22] =	dma.local [hbm:s4], s20  }
0x9e: {  	_ =	swait.ge [sflag:s22], s20  }
0x9f: {  	s3 =	ssub.s32 $0x0, s20;
	[sflag:s22] =	ssyncset.done $0x0  }
0xa0: {  	[sflag:s22] =	ssyncadd.s32 s3;
	_ =	sdelay $0x1  }
0xa1: {  	s23 =	simm.s32 $0x1B8B  }
0xa2: {  	_ =	swait.ge [sflag:s23], $0x1  }
0xa3: {  	[sflag:s23] =	ssyncset.done $0x0  }
0xa4: {  	s25 =	simm.s32 $0x1B8E;
	s24 =	sld [smem:$0x3FFE];
	[sflag:s23] =	ssyncadd.s32 $0xFFFFFFFF  }
0xa5: {  	s26 =	simm.s32 $execute0_lowered;
	[smem:$0x3FD2] =	sst s25  }
0xa6: {  	s4 =	sshll.u32 s26, $0x1;
	_ =	strace $0x8000005E;
	[dreg:$0x1] =	wrdreg $0xFFFFFFFF  }
0xa7: {  	s28 =	simm.s32 $_size_execute0_lowered;
	s2 =	sadd.s32 s2, s4;
	[dreg:$0x0] =	wrdreg $0x0  }
0xa8: {  	s4 =	sshll.u32 s28, $0x1;
	[dreg:$0x2] =	wrdreg s2  }
0xa9: {  	[dreg:$0x3] =	wrdreg s4  }
0xaa: {  	[dreg:$0x4] =	wrdreg $0xC0  }
0xab: {  	_ =	task [dreg:s6], $0x5FFFF  }
0xac: {  	[dreg:$0x1] =	wrdreg $0xFFFFFFFF  }
0xad: {  	[dreg:$0x0] =	wrdreg $0x60  }
0xae: {  	[dreg:$0x2] =	wrdreg s24  }
0xaf: {  	[dreg:$0x3] =	wrdreg $0x82000  }
0xb0: {  	[dreg:$0x4] =	wrdreg $0x9  }
0xb1: {  	_ =	task.clear_ibuf [dreg:s6], $0x5FFFF;
	_ =	strace $0x9000005E  }
0xb2: {  	s29 =	simm.s32 $0x9;
	_ =	strace $0x80000060  }
0xb3: {  	_ =	swait.ge [sflag:s29], $0x1  }
0xb4: {  	[sflag:s29] =	ssyncadd.s32 $0xFFFFFFFF  }
0xb5: {  	_ =	strace $0x90000060  }
0xb6: {  	_ =	sfence  }
0xb7: {  	s30 =	sld [smem:$0x0];
	_ =	sdelay $0x2  }
0xb8: {  	s31 =	sshll.u32 s1, $0xD;
	s1 =	sshrl.u32 s1, $0x2  }
0xb9: {  	s3 =	sand.u32 $0x4000, s31;
	s1 =	sadd.s32 s1, s30  }
0xba: {  	s0 =	sor.u32 s3, s0;
	s1 =	sshll.u32 s1, $0x11  }
0xbb: {  	s0 =	sor.u32 s1, s0  }
0xbc: {  	s0 =	sadd.s32 $0x8F2B, s0  }
0xbd: {  	[sflag:s0] =	ssyncadd.remote.s32 $0x1  }
0xbe: {  	_ =	sfence.sel $0xFFFF  }
0xbf: {  	[dreg:$0x0] =	wrdreg $0xFFFFFFFF;
	(pc) =	sbr.abs _section_cstart, $3  }
0xc0: {  	[dreg:$0x1] =	wrdreg $0xFFFFFFFF  }
0xc1: {  	_ =	task.clear_ibuf [dreg:s6], $0x2FFFF;
	_ =	strace $0x9FFFFFFF  }
0xc2: {  	(tm) =	ssettm $0x7FFFFFFF  }
0xc3: {  	_ =	shalt  }
tec
execute0_lowered:
.L_overlay_start_1:
0x0: {  	(tag) =	ssettag $0x1  }
0x1: {  	s7 =	rddreg [dreg:$0x0]  }
0x2: {  	s2 =	rddreg [dreg:$0x1]  }
0x3: {  	s1 =	stileid.u32;
	s4 =	srdreg.scid;
	s3 =	simm.s32 $0x0  }
0x4: {  	s17 =	simm.s32 $0x3;
	s18 =	simm.s32 $0x80;
	s19 =	simm.s32 $0x200  }
0x5: {  	s20 =	simm.s32 $0x100;
	s21 =	simm.s32 $0x180;
	s22 =	simm.s32 $0x4200  }
0x6: {  	s23 =	simm.s32 $0x1;
	s6 =	smul.u32 $0x14000, s1;
	s8 =	sand.u32 $0x1, s4  }
0x7: {  	[smem:$0x7FF] =	sst s3;
	s4 =	sadd.s32 $0x2D000, s7;
	s25 =	smul.u32 $0x50000, s1  }
0x8: {  	s5 =	sadd.s32 $0x28000, s7;
	s13 =	sshll.u32 s1, $0x1;
	s14 =	smul.u32 $0x2800, s1  }
0x9: {  	s28 =	sshll.u32 s1, $0x6;
	s9 =	smul.u32 $0x140000, s8;
	_ =	strace $0x8000005F  }
0xa: {  	s24 =	ssub.s32 $0x2, s8;
	s13 =	sor.u32 s8, s13;
	s8 =	smul.u32 $0x1400, s8  }
0xb: {  	s10 =	sshrl.u32 s6, $0x3;
	s12 =	sshrl.u32 s24, $0x1;
	s26 =	smul.u32 $0x1400, s13  }
0xc: {  	s9 =	sadd.s32 s6, s9;
	s6 =	sadd.s32 $0xF000, s7;
	s10 =	sadd.s32 s10, s7  }
0xd: {  	s12 =	ssub.s32 s24, s12;
	s15 =	sadd.s32 s8, s14;
	s8 =	sor.u32 $0x1C03, s28  }
0xe: {  	s24 =	simm.s32 $0x2;
	s9 =	sshrl.u32 s9, $0x3;
	s29 =	sshrl.u32 s26, $0x3  }
0xf: {  	s30 =	sor.u32 $0x80, s15;
	s12 =	smax.u32 s12, $0x1;
	s15 =	sor.u32 $0x100, s15  }
0x10: {  	s11 =	sadd.s32 s9, s7;
	s9 =	sshrl.u32 s25, $0x2;
	s7 =	sadd.s32 $0x7D000, s10  }
0x11: {  	s10 =	sadd.s32 s6, s29;
	s31 =	sshrl.u32 s30, $0x3;
	s25 =	simm.s32 $0x0  }
0x12: {  	s16 =	sadd.s32 s9, s2;
	s9 =	sadd.s32 s5, s29;
	s11 =	sadd.s32 $0xA5000, s11  }
0x13: {  	s13 =	sadd.s32 s31, s6;
	s14 =	sadd.s32 s31, s5;
	s16 =	sshrl.u32 s16, $0x3  }
.LBB2_1:
0x14: {  	[spmem:s16], [sflag:s8] =	dma.local [hbm:s7], $0x2800  }
0x15: {  	_ =	swait.ge [sflag:s17], $0x2800  }
0x16: {  	[sflag:s17] =	ssyncset.done $0x0  }
0x17: {  	[sflag:s17] =	ssyncadd.s32 $0xFFFFD800  }
0x18: {  	[bflag:$0x0] =	sbarrier.arrive $0xFFFF  }
0x19: {  	[tilespmem:s3], [sflag:$0x3] =	stream.linear.gather [hbm4b:s9+s3], $0x80, $0x38;
	[tilespmem:$0x1C200] =	vst v63  }
0x1a: {  	_ =	swait.ge [sflag:s17], $0x80  }
0x1b: {  	[sflag:s17] =	ssyncset.done $0x0  }
0x1c: {  	[sflag:s17] =	ssyncadd.s32 $0xFFFFFF80  }
0x1d: {  	[tilespmem:s18], [sflag:$0x3] =	stream.linear.gather [hbm4b:s10+s3], $0x80, $0x38;
	[tilespmem:$0x1C200] =	vst v63  }
0x1e: {  	_ =	swait.ge [sflag:s17], $0x80  }
0x1f: {  	[sflag:s17] =	ssyncset.done $0x0  }
0x20: {  	[sflag:s17] =	ssyncadd.s32 $0xFFFFFF80  }
0x21: {  	[tilespmem:s19], [sflag:$0x1] =	stream.indirect.gather [hbm4b:s4+s18], $0x80, s3, s18, $0xb8;
	[tilespmem:$0x1C200] =	vst v63  }
0x22: {  	s26 =	sadd.s32 $0x0, s14  }
0x23: {  	[tilespmem:s20], [sflag:$0x3] =	stream.linear.gather [hbm4b:s26+s3], $0x80, $0x38;
	[tilespmem:$0x1C200] =	vst v63  }
0x24: {  	_ =	swait.ge [sflag:s17], $0x80  }
0x25: {  	[sflag:s17] =	ssyncset.done $0x0  }
0x26: {  	s31 =	sadd.s32 $0x0, s13;
	[sflag:s17] =	ssyncadd.s32 $0xFFFFFF80  }
0x27: {  	[tilespmem:s21], [sflag:$0x3] =	stream.linear.gather [hbm4b:s31+s3], $0x80, $0x38;
	[tilespmem:$0x1C200] =	vst v63  }
0x28: {  	_ =	swait.ge [sflag:s17], $0x80  }
0x29: {  	[sflag:s17] =	ssyncset.done $0x0  }
0x2a: {  	[sflag:s17] =	ssyncadd.s32 $0xFFFFFF80  }
0x2b: {  	[tilespmem:s22], [sflag:$0x2] =	stream.indirect.gather [hbm4b:s4+s18], $0x80, s20, s18, $0xb8;
	[tilespmem:$0x1C200] =	vst v63  }
0x2c: {  	_ =	swait.ge [sflag:s23], $0x4000  }
0x2d: {  	[sflag:s23] =	ssyncset.done $0x0  }
0x2e: {  	p0 =	slt.s32 s15, $0x27F80;
	s26 =	smov.u32 s15;
	[sflag:s23] =	ssyncadd.s32 $0xFFFFC000  }
0x2f: {  	[spmem:s2] =	stream.indirect.scatter.add.f32 [tilespmem:s19], [sflag:$0x3], $0x80, s18, s18, $0xb8;
	[tilespmem:$0x1C200] =	vst v63  }
0x30: {  	s26 =	simm.s32 @!p0 $0x27F80;
	_ =	swait.ge [sflag:s17], $0x4000  }
0x31: {  	s26 =	sshrl.u32 s26, $0x3;
	[sflag:s17] =	ssyncset.done $0x0  }
0x32: {  	s28 =	sadd.s32 s5, s26;
	[sflag:s17] =	ssyncadd.s32 $0xFFFFC000  }
0x33: {  	[tilespmem:s3], [sflag:$0x3] =	stream.linear.gather [hbm4b:s28+s3], $0x80, $0x38;
	[tilespmem:$0x1C200] =	vst v63  }
0x34: {  	_ =	swait.ge [sflag:s17], $0x80  }
0x35: {  	[sflag:s17] =	ssyncset.done $0x0  }
0x36: {  	s26 =	sadd.s32 s6, s26;
	[sflag:s17] =	ssyncadd.s32 $0xFFFFFF80  }
0x37: {  	[tilespmem:s18], [sflag:$0x3] =	stream.linear.gather [hbm4b:s26+s3], $0x80, $0x38;
	[tilespmem:$0x1C200] =	vst v63  }
0x38: {  	_ =	swait.ge [sflag:s17], $0x80  }
0x39: {  	[sflag:s17] =	ssyncset.done $0x0  }
0x3a: {  	[sflag:s17] =	ssyncadd.s32 $0xFFFFFF80  }
0x3b: {  	[tilespmem:s19], [sflag:$0x1] =	stream.indirect.gather [hbm4b:s4+s18], $0x80, s3, s18, $0xb8;
	[tilespmem:$0x1C200] =	vst v63  }
0x3c: {  	_ =	swait.ge [sflag:s24], $0x4000  }
0x3d: {  	[sflag:s24] =	ssyncset.done $0x0  }
0x3e: {  	[sflag:s24] =	ssyncadd.s32 $0xFFFFC000  }
0x3f: {  	[spmem:s2] =	stream.indirect.scatter.add.f32 [tilespmem:s22], [sflag:$0x3], $0x80, s21, s18, $0xb8;
	[tilespmem:$0x1C200] =	vst v63  }
0x40: {  	s30 =	simm.s32 $0x40;
	_ =	swait.ge [sflag:s17], $0x4000  }
0x41: {  	s28 =	simm.s32 $0x20;
	s26 =	sadd.s32 $0x100, s15;
	[sflag:s17] =	ssyncset.done $0x0  }
.LBB2_2:
0x42: {  	s31 =	sadd.s32 s28, s14  }
0x43: {  	[sflag:s17] =	ssyncadd.s32 $0xFFFFC000;
	s0 =	smov.u32 s30;
	s29 =	sadd.s32 $0x20, s30  }
0x44: {  	[tilespmem:s20], [sflag:$0x3] =	stream.linear.gather [hbm4b:s31+s3], $0x80, $0x38;
	[tilespmem:$0x1C200] =	vst v63  }
0x45: {  	p0 =	sne.s32 s30, $0x260;
	_ =	swait.ge [sflag:s17], $0x80  }
0x46: {  	[sflag:s17] =	ssyncset.done $0x0  }
0x47: {  	s30 =	sadd.s32 s28, s13;
	s28 =	smov.u32 s0;
	[sflag:s17] =	ssyncadd.s32 $0xFFFFFF80  }
0x48: {  	[tilespmem:s21], [sflag:$0x3] =	stream.linear.gather [hbm4b:s30+s3], $0x80, $0x38;
	[tilespmem:$0x1C200] =	vst v63  }
0x49: {  	_ =	swait.ge [sflag:s17], $0x80  }
0x4a: {  	[sflag:s17] =	ssyncset.done $0x0  }
0x4b: {  	[sflag:s17] =	ssyncadd.s32 $0xFFFFFF80  }
0x4c: {  	[tilespmem:s22], [sflag:$0x2] =	stream.indirect.gather [hbm4b:s4+s18], $0x80, s20, s18, $0xb8;
	[tilespmem:$0x1C200] =	vst v63  }
0x4d: {  	_ =	swait.ge [sflag:s23], $0x4000  }
0x4e: {  	[sflag:s23] =	ssyncset.done $0x0  }
0x4f: {  	p1 =	slt.s32 s26, $0x27F80;
	s0 =	smov.u32 s26;
	[sflag:s23] =	ssyncadd.s32 $0xFFFFC000  }
0x50: {  	[spmem:s2] =	stream.indirect.scatter.add.f32 [tilespmem:s19], [sflag:$0x3], $0x80, s18, s18, $0xb8;
	[tilespmem:$0x1C200] =	vst v63  }
0x51: {  	s0 =	simm.s32 @!p1 $0x27F80;
	_ =	swait.ge [sflag:s17], $0x4000  }
0x52: {  	s0 =	sshrl.u32 s0, $0x3;
	[sflag:s17] =	ssyncset.done $0x0  }
0x53: {  	s30 =	sadd.s32 s5, s0;
	[sflag:s17] =	ssyncadd.s32 $0xFFFFC000  }
0x54: {  	[tilespmem:s3], [sflag:$0x3] =	stream.linear.gather [hbm4b:s30+s3], $0x80, $0x38;
	[tilespmem:$0x1C200] =	vst v63  }
0x55: {  	_ =	swait.ge [sflag:s17], $0x80  }
0x56: {  	[sflag:s17] =	ssyncset.done $0x0  }
0x57: {  	s0 =	sadd.s32 s6, s0;
	[sflag:s17] =	ssyncadd.s32 $0xFFFFFF80  }
0x58: {  	[tilespmem:s18], [sflag:$0x3] =	stream.linear.gather [hbm4b:s0+s3], $0x80, $0x38;
	[tilespmem:$0x1C200] =	vst v63  }
0x59: {  	_ =	swait.ge [sflag:s17], $0x80  }
0x5a: {  	[sflag:s17] =	ssyncset.done $0x0  }
0x5b: {  	[sflag:s17] =	ssyncadd.s32 $0xFFFFFF80  }
0x5c: {  	[tilespmem:s19], [sflag:$0x1] =	stream.indirect.gather [hbm4b:s4+s18], $0x80, s3, s18, $0xb8;
	[tilespmem:$0x1C200] =	vst v63  }
0x5d: {  	_ =	swait.ge [sflag:s24], $0x4000  }
.Ltmp0:
0x5e: {  	[sflag:s24] =	ssyncset.done $0x0;
	(pc) =	sbr.rel @p0 .LBB2_2-.Ltmp0, $4  }
0x5f: {  	[sflag:s24] =	ssyncadd.s32 $0xFFFFC000  }
0x60: {  	[spmem:s2] =	stream.indirect.scatter.add.f32 [tilespmem:s22], [sflag:$0x3], $0x80, s21, s18, $0xb8;
	[tilespmem:$0x1C200] =	vst v63  }
0x61: {  	_ =	swait.ge [sflag:s17], $0x4000  }
0x62: {  	s26 =	sadd.s32 $0x100, s26;
	s30 =	smov.u32 s29;
	[sflag:s17] =	ssyncset.done $0x0  }
0x63: {  	s0 =	sadd.s32 s28, s14;
	[sflag:s17] =	ssyncadd.s32 $0xFFFFC000  }
0x64: {  	[tilespmem:s20], [sflag:$0x3] =	stream.linear.gather [hbm4b:s0+s3], $0x80, $0x38;
	[tilespmem:$0x1C200] =	vst v63  }
0x65: {  	_ =	swait.ge [sflag:s17], $0x80  }
0x66: {  	[sflag:s17] =	ssyncset.done $0x0  }
0x67: {  	s30 =	sadd.s32 s28, s13;
	[sflag:s17] =	ssyncadd.s32 $0xFFFFFF80  }
0x68: {  	[tilespmem:s21], [sflag:$0x3] =	stream.linear.gather [hbm4b:s30+s3], $0x80, $0x38;
	[tilespmem:$0x1C200] =	vst v63  }
0x69: {  	_ =	swait.ge [sflag:s17], $0x80  }
0x6a: {  	[sflag:s17] =	ssyncset.done $0x0  }
0x6b: {  	[sflag:s17] =	ssyncadd.s32 $0xFFFFFF80  }
0x6c: {  	[tilespmem:s22], [sflag:$0x2] =	stream.indirect.gather [hbm4b:s4+s18], $0x80, s20, s18, $0xb8;
	[tilespmem:$0x1C200] =	vst v63  }
0x6d: {  	_ =	swait.ge [sflag:s23], $0x4000  }
0x6e: {  	[sflag:s23] =	ssyncset.done $0x0  }
0x6f: {  	p0 =	slt.s32 s26, $0x27F80;
	[sflag:s23] =	ssyncadd.s32 $0xFFFFC000  }
0x70: {  	[spmem:s2] =	stream.indirect.scatter.add.f32 [tilespmem:s19], [sflag:$0x3], $0x80, s18, s18, $0xb8;
	[tilespmem:$0x1C200] =	vst v63  }
0x71: {  	s26 =	simm.s32 @!p0 $0x27F80;
	_ =	swait.ge [sflag:s17], $0x4000  }
0x72: {  	s31 =	sshrl.u32 s26, $0x3;
	[sflag:s17] =	ssyncset.done $0x0  }
0x73: {  	s26 =	sadd.s32 s5, s31;
	[sflag:s17] =	ssyncadd.s32 $0xFFFFC000  }
0x74: {  	[tilespmem:s3], [sflag:$0x3] =	stream.linear.gather [hbm4b:s26+s3], $0x80, $0x38;
	[tilespmem:$0x1C200] =	vst v63  }
0x75: {  	_ =	swait.ge [sflag:s17], $0x80  }
0x76: {  	[sflag:s17] =	ssyncset.done $0x0  }
0x77: {  	s0 =	sadd.s32 s6, s31;
	[sflag:s17] =	ssyncadd.s32 $0xFFFFFF80  }
0x78: {  	[tilespmem:s18], [sflag:$0x3] =	stream.linear.gather [hbm4b:s0+s3], $0x80, $0x38;
	[tilespmem:$0x1C200] =	vst v63  }
0x79: {  	_ =	swait.ge [sflag:s17], $0x80  }
0x7a: {  	[sflag:s17] =	ssyncset.done $0x0  }
0x7b: {  	[sflag:s17] =	ssyncadd.s32 $0xFFFFFF80  }
0x7c: {  	[tilespmem:s19], [sflag:$0x1] =	stream.indirect.gather [hbm4b:s4+s18], $0x80, s3, s18, $0xb8;
	[tilespmem:$0x1C200] =	vst v63  }
0x7d: {  	_ =	swait.ge [sflag:s24], $0x4000  }
0x7e: {  	[sflag:s24] =	ssyncset.done $0x0  }
0x7f: {  	[sflag:s24] =	ssyncadd.s32 $0xFFFFC000  }
0x80: {  	[spmem:s2] =	stream.indirect.scatter.add.f32 [tilespmem:s22], [sflag:$0x3], $0x80, s21, s18, $0xb8;
	[tilespmem:$0x1C200] =	vst v63  }
0x81: {  	_ =	swait.ge [sflag:s17], $0x4000  }
0x82: {  	[sflag:s17] =	ssyncset.done $0x0  }
0x83: {  	[sflag:s17] =	ssyncadd.s32 $0xFFFFC000  }
0x84: {  	_ =	swait.ge [sflag:s23], $0x4000  }
0x85: {  	s25 =	sadd.s32 $0x1, s25;
	[sflag:s23] =	ssyncset.done $0x0  }
0x86: {  	p0 =	sne.s32 s25, s12;
	[sflag:s23] =	ssyncadd.s32 $0xFFFFC000  }
.Ltmp1:
0x87: {  	[bflag:$0x0] =	sbarrier.arrive $0xFFFF;
	(pc) =	sbr.rel @p0 .LBB2_1-.Ltmp1, $4  }
0x88: {  	[hbm:s11], [sflag:s8] =	dma.local [spmem:s16], $0x2800  }
0x89: {  	_ =	swait.ge [sflag:s17], $0x2800  }
0x8a: {  	[sflag:s17] =	ssyncset.done $0x0  }
0x8b: {  	[sflag:s17] =	ssyncadd.s32 $0xFFFFD800  }
0x8c: {  	_ =	sfence.sel $0x180000  }
0x8d: {  	[bflag:$0x0] =	sbarrier.arrive $0xFFFF  }
0x8e: {  	_ =	strace $0x9000005F  }
0x8f: {  	[bflag:$0x2] =	sbarrier.arrive $0xFFFF  }
0x90: {  	p0 =	sne.s32 s1, $0x0;
	s0 =	rddreg [dreg:$0x2]  }
0x91: {  	s0 =	sadd.s32 @!p0 $0x100000, s0  }
0x92: {  	[sflag:s0] =	ssyncadd.tile.s32 @!p0 $0x1;
	_ =	shalt  }
.Lfunc_end2:
_tile_overlayer_lowered:
.L_overlay_start_2:
0x93: {  	(tag) =	ssettag $0x2  }
0x94: {  	s0 =	rddreg [dreg:$0x0];
	s2 =	stileid.u32  }
0x95: {  	s1 =	rddreg [dreg:$0x1];
	p0 =	sne.s32 s2, $0x0  }
0x96: {  	s3 =	rddreg [dreg:$0x2];
	[bflag:$0x3] =	sbarrier.arrive $0xFFFF;
	s2 =	simm.s32 @!p0 $0x1C03  }
0x97: {  	[timem:s3], [sflag:s2] =	dma.local @!p0 [hbm:s0], s1  }
0x98: {  	s0 =	simm.s32 @!p0 $0x3  }
0x99: {  	_ =	swait.ge @!p0 [sflag:s0], s1  }
0x9a: {  	s1 =	ssub.s32 @!p0 $0x0, s1;
	[sflag:s0] =	ssyncset.done @!p0 $0x0  }
0x9b: {  	[sflag:s0] =	ssyncadd.s32 @!p0 s1  }
0x9c: {  	[bflag:$0x3] =	sbarrier.arrive $0xFFFF  }
0x9d: {  	_ =	shalt  }

// kernel: kernel.32.cloned.1.call-start
scs
__scs_entry_jumppad:
0x0: {  	(pc) =	sbr.rel $0x88, $3  }
0x1: {  	(tag) =	ssettag $0x0;
	lr =	simm.s32 $0x1  }
0x2: {  	[smem:$0x3F6E] =	sst lr;
	_ =	strace $0xD0000000  }
0x3: {  	_ = 	snop  }
0x4: {  	_ = 	snop  }
0x5: {  	_ = 	snop  }
0x6: {  	_ = 	snop  }
0x7: {  	_ = 	snop  }
__scs_overlays_trampoline_lowered:
0x8: {  	[smem:$0x3F7D] =	sst s0  }
0x9: {  	[smem:$0x3F7E] =	sst s1  }
0xa: {  	[smem:$0x3F7F] =	sst s2  }
0xb: {  	[smem:$0x3F80] =	sst s3  }
0xc: {  	[smem:$0x3F81] =	sst s4  }
0xd: {  	[smem:$0x3F82] =	sst s5  }
0xe: {  	[smem:$0x3F83] =	sst s6  }
0xf: {  	[smem:$0x3F84] =	sst s7  }
0x10: {  	[smem:$0x3F85] =	sst s8  }
0x11: {  	[smem:$0x3F86] =	sst s9;
	s0 =	simm.s32 @!p0 $0x0  }
0x12: {  	s1 =	sld [smem:$0x3F6C];
	s0 =	simm.s32 @p0 $0x1  }
0x13: {  	[smem:$0x3F87] =	sst s0;
	s0 =	simm.s32 @!p1 $0x0  }
0x14: {  	s2 =	sld [smem:$0x3F6B];
	s0 =	simm.s32 @p1 $0x1  }
0x15: {  	[smem:$0x3F88] =	sst s0;
	s0 =	simm.s32 @!p2 $0x0  }
0x16: {  	s3 =	sld [smem:$0x3FDB];
	s0 =	simm.s32 @p2 $0x1  }
0x17: {  	s4 =	simm.s32 $0x1BF5;
	[smem:$0x3F8A] =	sst s0  }
0x18: {  	s0 =	sld [smem:$0x3F6D];
	_ =	swait.ge [sflag:s4], $0x0  }
0x19: {  	s7 =	sld [smem:$0x3F6E]  }
0x1a: {  	s8 =	sadd.s32 $0xFFFFE003, lr  }
0x1b: {  	s9 =	sadd.s32 $0xFFFFFEF7, lr;
	s5 =	simm.s32 $0xFFFFFFFF;
	p2 =	slt.u32 s8, $0xFFFFF086  }
0x1c: {  	p1 =	slt.u32 s9, $0xF7A;
	s5 =	simm.s32 @!p2 $0x0  }
0x1d: {  	s5 =	simm.s32 @p1 $0x1;
	p0 =	seq.s32 s7, s2  }
0x1e: {  	s7 =	smul.u32 @!p0 $0xF7A, s2;
	p2 =	seq.s32 @!p0 s5, $0x0  }
0x1f: {  	s9 =	smul.u32 $0xF7A, s1;
	s8 =	simm.s32 @!p0 $0x1BF5;
	p2 =	por !p2, p0  }
0x20: {  	[sflag:s8] =	ssyncset.s32 @!p0 $0xFFFFF086;
	s6 =	sadd.s32 @!p0 s3, s7;
	s7 =	simm.s32 @!p0 $0x108  }
0x21: {  	s3 =	sadd.s32 s3, s9;
	s6 =	sadd.s32 @!p0 $0x88, s6;
	s7 =	simm.s32 @p2 $0x1082  }
0x22: {  	[simem:s7], [sflag:s8] =	dma.local @!p0 [hbm:s6], $0xF7A  }
0x23: {  	s9 =	sor.u32 $0xD0000000, s2;
	s6 =	simm.s32 $0x108;
	_ =	swait.ge @!p0 [sflag:s8], $0x0  }
0x24: {  	s3 =	sadd.s32 $0x88, s3;
	s6 =	simm.s32 @!p1 $0x1082;
	[sflag:s4] =	ssyncset.s32 $0xFFFFF086  }
0x25: {  	[simem:s6], [sflag:s4] =	dma.local [hbm:s3], $0xF7A  }
0x26: {  	[smem:$0x3F6E] =	sst s1;
	(tag) =	ssettag s2;
	_ =	strace s9  }
0x27: {  	s1 =	sld [smem:$0x3F7E]  }
0x28: {  	s2 =	sld [smem:$0x3F7F]  }
0x29: {  	s4 =	sld [smem:$0x3F81]  }
0x2a: {  	p0 =	seq.s32 s5, $0x0;
	s5 =	sld [smem:$0x3F82]  }
0x2b: {  	s6 =	sld [smem:$0x3F83]  }
0x2c: {  	s7 =	sld [smem:$0x3F84]  }
0x2d: {  	s3 =	simm.s32 $0x108;
	s8 =	sld [smem:$0x3F85]  }
0x2e: {  	s3 =	simm.s32 @!p0 $0x1082;
	s9 =	sld [smem:$0x3F86]  }
0x2f: {  	lr =	sadd.s32 s0, s3;
	s0 =	sld [smem:$0x3F7D]  }
0x30: {  	s3 =	sld [smem:$0x3F80]  }
0x31: {  	[smem:$0x3F89] =	sst s10  }
0x32: {  	s10 =	sld [smem:$0x3F87];
	_ =	sdelay $0x3  }
0x33: {  	p0 =	seq.s32 s10, $0x1;
	s10 =	sld [smem:$0x3F89];
	_ =	sdelay $0x3  }
0x34: {  	[smem:$0x3F89] =	sst s10  }
0x35: {  	s10 =	sld [smem:$0x3F88];
	_ =	sdelay $0x3  }
0x36: {  	p1 =	seq.s32 s10, $0x1;
	s10 =	sld [smem:$0x3F89];
	_ =	sdelay $0x3  }
0x37: {  	[smem:$0x3F89] =	sst s10  }
0x38: {  	s10 =	sld [smem:$0x3F8A]  }
0x39: {  	_ = 	snop;
	(pc) =	sbr.ind lr, $3  }
0x3a: {  	_ = 	snop  }
0x3b: {  	_ = 	snop  }
0x3c: {  	p2 =	seq.s32 s10, $0x1;
	s10 =	sld [smem:$0x3F89]  }
0x3d: {  	_ =	shalt  }
0x3e: {  	_ =	shalt  }
0x3f: {  	_ =	shalt  }
0x40: {  	_ =	shalt  }
0x41: {  	_ =	shalt  }
0x42: {  	_ =	shalt  }
0x43: {  	_ =	shalt  }
0x44: {  	_ =	shalt  }
0x45: {  	_ =	shalt  }
0x46: {  	_ =	shalt  }
0x47: {  	_ =	shalt  }
0x48: {  	_ =	shalt  }
0x49: {  	_ =	shalt  }
0x4a: {  	_ =	shalt  }
0x4b: {  	_ =	shalt  }
0x4c: {  	_ =	shalt  }
0x4d: {  	_ =	shalt  }
0x4e: {  	_ =	shalt  }
0x4f: {  	_ =	shalt  }
0x50: {  	_ =	shalt  }
0x51: {  	_ =	shalt  }
0x52: {  	_ =	shalt  }
0x53: {  	_ =	shalt  }
0x54: {  	_ =	shalt  }
0x55: {  	_ =	shalt  }
0x56: {  	_ =	shalt  }
0x57: {  	_ =	shalt  }
0x58: {  	_ =	shalt  }
0x59: {  	_ =	shalt  }
0x5a: {  	_ =	shalt  }
0x5b: {  	_ =	shalt  }
0x5c: {  	_ =	shalt  }
0x5d: {  	_ =	shalt  }
0x5e: {  	_ =	shalt  }
0x5f: {  	_ =	shalt  }
0x60: {  	_ =	shalt  }
0x61: {  	_ =	shalt  }
0x62: {  	_ =	shalt  }
0x63: {  	_ =	shalt  }
0x64: {  	_ =	shalt  }
0x65: {  	_ =	shalt  }
0x66: {  	_ =	shalt  }
0x67: {  	_ =	shalt  }
0x68: {  	_ =	shalt  }
0x69: {  	_ =	shalt  }
0x6a: {  	_ =	shalt  }
0x6b: {  	_ =	shalt  }
0x6c: {  	_ =	shalt  }
0x6d: {  	_ =	shalt  }
0x6e: {  	_ =	shalt  }
0x6f: {  	_ =	shalt  }
0x70: {  	_ =	shalt  }
0x71: {  	_ =	shalt  }
0x72: {  	_ =	shalt  }
0x73: {  	_ =	shalt  }
0x74: {  	_ =	shalt  }
0x75: {  	_ =	shalt  }
0x76: {  	_ =	shalt  }
0x77: {  	_ =	shalt  }
0x78: {  	_ =	shalt  }
0x79: {  	_ =	shalt  }
0x7a: {  	_ =	shalt  }
0x7b: {  	_ =	shalt  }
0x7c: {  	_ =	shalt  }
0x7d: {  	_ =	shalt  }
0x7e: {  	_ =	shalt  }
0x7f: {  	_ =	shalt  }
0x80: {  	_ =	shalt  }
0x81: {  	_ =	shalt  }
0x82: {  	_ =	shalt  }
0x83: {  	_ =	shalt  }
0x84: {  	_ =	shalt  }
0x85: {  	_ =	shalt  }
0x86: {  	_ =	shalt  }
0x87: {  	_ =	shalt  }
.Lfunc_end0:
.L_simem_size_0:
called_computation.9_lowered:
.L_overlay_start_0:
0x88: {  	s2 =	sld [smem:$0x3FD9]  }
0x89: {  	s3 =	sld [smem:$0x3FFE];
	_ =	sdelay $0x1  }
0x8a: {  	s1 =	srdreg.scid  }
0x8b: {  	s0 =	sand.u32 $0x1, s1  }
0x8c: {  	s16 =	sshll.u32 s0, $0xA;
	s2 =	sadd.s32 s3, s2  }
0x8d: {  	s2 =	sadd.s32 s2, s16  }
0x8e: {  	[smem:$0x3F95] =	sst s2  }
0x8f: {  	_ = 	snop  }
0x90: {  	(tm) =	ssettm $0x1  }
0x91: {  	s17 =	sld [smem:$0x3FFB];
	_ =	sdelay $0x3  }
0x92: {  	_ =	strace s17  }
0x93: {  	s2 =	sld [smem:$0x3FFC];
	_ =	sdelay $0x3  }
0x94: {  	_ =	strace s2  }
0x95: {  	s2 =	sld [smem:$0x3FFD];
	_ =	sdelay $0x3  }
0x96: {  	_ =	strace s2  }
0x97: {  	_ =	strace $0x8FFFFFFF  }
0x98: {  	s18 =	sld [smem:$0x3FDB];
	_ =	sdelay $0x1  }
0x99: {  	s19 =	simm.s32 $_scs_section_size  }
0x9a: {  	s4 =	simm.s32 $_size__tile_overlayer_lowered;
	s5 =	simm.s32 $_tile_overlayer_lowered  }
0x9b: {  	s22 =	simm.s32 $0x1BFF;
	s21 =	sshll.u32 s5, $0x1;
	s2 =	sadd.s32 s19, s18  }
0x9c: {  	s6 =	simm.s32 $0x0;
	s20 =	sshll.u32 s4, $0x1;
	s4 =	sadd.s32 s21, s2  }
0x9d: {  	[timem:s6], [sflag:s22] =	dma.local [hbm:s4], s20  }
0x9e: {  	_ =	swait.ge [sflag:s22], s20  }
0x9f: {  	s3 =	ssub.s32 $0x0, s20;
	[sflag:s22] =	ssyncset.done $0x0  }
0xa0: {  	[sflag:s22] =	ssyncadd.s32 s3;
	_ =	sdelay $0x1  }
0xa1: {  	s23 =	simm.s32 $0x1B8B  }
0xa2: {  	_ =	swait.ge [sflag:s23], $0x1  }
0xa3: {  	[sflag:s23] =	ssyncset.done $0x0  }
0xa4: {  	s25 =	simm.s32 $0x1B8E;
	s24 =	sld [smem:$0x3FFE];
	[sflag:s23] =	ssyncadd.s32 $0xFFFFFFFF  }
0xa5: {  	s26 =	simm.s32 $execute0_lowered;
	[smem:$0x3FD2] =	sst s25  }
0xa6: {  	s4 =	sshll.u32 s26, $0x1;
	_ =	strace $0x80000061;
	[dreg:$0x1] =	wrdreg $0xFFFFFFFF  }
0xa7: {  	s28 =	simm.s32 $_size_execute0_lowered;
	s2 =	sadd.s32 s2, s4;
	[dreg:$0x0] =	wrdreg $0x0  }
0xa8: {  	s4 =	sshll.u32 s28, $0x1;
	[dreg:$0x2] =	wrdreg s2  }
0xa9: {  	[dreg:$0x3] =	wrdreg s4  }
0xaa: {  	[dreg:$0x4] =	wrdreg $0xC0  }
0xab: {  	_ =	task [dreg:s6], $0x5FFFF  }
0xac: {  	[dreg:$0x1] =	wrdreg $0xFFFFFFFF  }
0xad: {  	[dreg:$0x0] =	wrdreg $0x60  }
0xae: {  	[dreg:$0x2] =	wrdreg s24  }
0xaf: {  	[dreg:$0x3] =	wrdreg $0x82000  }
0xb0: {  	[dreg:$0x4] =	wrdreg $0x9  }
0xb1: {  	_ =	task.clear_ibuf [dreg:s6], $0x5FFFF;
	_ =	strace $0x90000061  }
0xb2: {  	s29 =	simm.s32 $0x9;
	_ =	strace $0x80000063  }
0xb3: {  	_ =	swait.ge [sflag:s29], $0x1  }
0xb4: {  	[sflag:s29] =	ssyncadd.s32 $0xFFFFFFFF  }
0xb5: {  	_ =	strace $0x90000063  }
0xb6: {  	_ =	sfence  }
0xb7: {  	s30 =	sld [smem:$0x0];
	_ =	sdelay $0x2  }
0xb8: {  	s31 =	sshll.u32 s1, $0xD;
	s1 =	sshrl.u32 s1, $0x2  }
0xb9: {  	s3 =	sand.u32 $0x4000, s31;
	s1 =	sadd.s32 s1, s30  }
0xba: {  	s0 =	sor.u32 s3, s0;
	s1 =	sshll.u32 s1, $0x11  }
0xbb: {  	s0 =	sor.u32 s1, s0  }
0xbc: {  	s0 =	sadd.s32 $0x8F2B, s0  }
0xbd: {  	[sflag:s0] =	ssyncadd.remote.s32 $0x1  }
0xbe: {  	_ =	sfence.sel $0xFFFF  }
0xbf: {  	[dreg:$0x0] =	wrdreg $0xFFFFFFFF;
	(pc) =	sbr.abs _section_cstart, $3  }
0xc0: {  	[dreg:$0x1] =	wrdreg $0xFFFFFFFF  }
0xc1: {  	_ =	task.clear_ibuf [dreg:s6], $0x2FFFF;
	_ =	strace $0x9FFFFFFF  }
0xc2: {  	(tm) =	ssettm $0x7FFFFFFF  }
0xc3: {  	_ =	shalt  }
tec
execute0_lowered:
.L_overlay_start_1:
0x0: {  	(tag) =	ssettag $0x1  }
0x1: {  	s7 =	rddreg [dreg:$0x0]  }
0x2: {  	s2 =	rddreg [dreg:$0x1]  }
0x3: {  	s1 =	stileid.u32;
	s4 =	srdreg.scid;
	s3 =	simm.s32 $0x0  }
0x4: {  	s17 =	simm.s32 $0x3;
	s18 =	simm.s32 $0x80;
	s19 =	simm.s32 $0x200  }
0x5: {  	s20 =	simm.s32 $0x100;
	s21 =	simm.s32 $0x180;
	s22 =	simm.s32 $0x4200  }
0x6: {  	s23 =	simm.s32 $0x1;
	s6 =	smul.u32 $0x14000, s1;
	s8 =	sand.u32 $0x1, s4  }
0x7: {  	[smem:$0x7FF] =	sst s3;
	s4 =	sadd.s32 $0x2D000, s7;
	s25 =	smul.u32 $0x50000, s1  }
0x8: {  	s5 =	sadd.s32 $0x28000, s7;
	s13 =	sshll.u32 s1, $0x1;
	s14 =	smul.u32 $0x2800, s1  }
0x9: {  	s28 =	sshll.u32 s1, $0x6;
	s9 =	smul.u32 $0x140000, s8;
	_ =	strace $0x80000062  }
0xa: {  	s24 =	ssub.s32 $0x2, s8;
	s13 =	sor.u32 s8, s13;
	s8 =	smul.u32 $0x1400, s8  }
0xb: {  	s10 =	sshrl.u32 s6, $0x3;
	s12 =	sshrl.u32 s24, $0x1;
	s26 =	smul.u32 $0x1400, s13  }
0xc: {  	s9 =	sadd.s32 s6, s9;
	s6 =	sadd.s32 $0xF000, s7;
	s10 =	sadd.s32 s10, s7  }
0xd: {  	s12 =	ssub.s32 s24, s12;
	s15 =	sadd.s32 s8, s14;
	s8 =	sor.u32 $0x1C03, s28  }
0xe: {  	s24 =	simm.s32 $0x2;
	s9 =	sshrl.u32 s9, $0x3;
	s29 =	sshrl.u32 s26, $0x3  }
0xf: {  	s30 =	sor.u32 $0x80, s15;
	s12 =	smax.u32 s12, $0x1;
	s15 =	sor.u32 $0x100, s15  }
0x10: {  	s11 =	sadd.s32 s9, s7;
	s9 =	sshrl.u32 s25, $0x2;
	s7 =	sadd.s32 $0x7D000, s10  }
0x11: {  	s10 =	sadd.s32 s6, s29;
	s31 =	sshrl.u32 s30, $0x3;
	s25 =	simm.s32 $0x0  }
0x12: {  	s16 =	sadd.s32 s9, s2;
	s9 =	sadd.s32 s5, s29;
	s11 =	sadd.s32 $0xA5000, s11  }
0x13: {  	s13 =	sadd.s32 s31, s6;
	s14 =	sadd.s32 s31, s5;
	s16 =	sshrl.u32 s16, $0x3  }
.LBB2_1:
0x14: {  	[spmem:s16], [sflag:s8] =	dma.local [hbm:s7], $0x2800  }
0x15: {  	_ =	swait.ge [sflag:s17], $0x2800  }
0x16: {  	[sflag:s17] =	ssyncset.done $0x0  }
0x17: {  	[sflag:s17] =	ssyncadd.s32 $0xFFFFD800  }
0x18: {  	[bflag:$0x0] =	sbarrier.arrive $0xFFFF  }
0x19: {  	[tilespmem:s3], [sflag:$0x3] =	stream.linear.gather [hbm4b:s9+s3], $0x80, $0x38;
	[tilespmem:$0x1C200] =	vst v63  }
0x1a: {  	_ =	swait.ge [sflag:s17], $0x80  }
0x1b: {  	[sflag:s17] =	ssyncset.done $0x0  }
0x1c: {  	[sflag:s17] =	ssyncadd.s32 $0xFFFFFF80  }
0x1d: {  	[tilespmem:s18], [sflag:$0x3] =	stream.linear.gather [hbm4b:s10+s3], $0x80, $0x38;
	[tilespmem:$0x1C200] =	vst v63  }
0x1e: {  	_ =	swait.ge [sflag:s17], $0x80  }
0x1f: {  	[sflag:s17] =	ssyncset.done $0x0  }
0x20: {  	[sflag:s17] =	ssyncadd.s32 $0xFFFFFF80  }
0x21: {  	[tilespmem:s19], [sflag:$0x1] =	stream.indirect.gather [hbm4b:s4+s18], $0x80, s3, s18, $0xb8;
	[tilespmem:$0x1C200] =	vst v63  }
0x22: {  	s26 =	sadd.s32 $0x0, s14  }
0x23: {  	[tilespmem:s20], [sflag:$0x3] =	stream.linear.gather [hbm4b:s26+s3], $0x80, $0x38;
	[tilespmem:$0x1C200] =	vst v63  }
0x24: {  	_ =	swait.ge [sflag:s17], $0x80  }
0x25: {  	[sflag:s17] =	ssyncset.done $0x0  }
0x26: {  	s31 =	sadd.s32 $0x0, s13;
	[sflag:s17] =	ssyncadd.s32 $0xFFFFFF80  }
0x27: {  	[tilespmem:s21], [sflag:$0x3] =	stream.linear.gather [hbm4b:s31+s3], $0x80, $0x38;
	[tilespmem:$0x1C200] =	vst v63  }
0x28: {  	_ =	swait.ge [sflag:s17], $0x80  }
0x29: {  	[sflag:s17] =	ssyncset.done $0x0  }
0x2a: {  	[sflag:s17] =	ssyncadd.s32 $0xFFFFFF80  }
0x2b: {  	[tilespmem:s22], [sflag:$0x2] =	stream.indirect.gather [hbm4b:s4+s18], $0x80, s20, s18, $0xb8;
	[tilespmem:$0x1C200] =	vst v63  }
0x2c: {  	_ =	swait.ge [sflag:s23], $0x4000  }
0x2d: {  	[sflag:s23] =	ssyncset.done $0x0  }
0x2e: {  	p0 =	slt.s32 s15, $0x27F80;
	s26 =	smov.u32 s15;
	[sflag:s23] =	ssyncadd.s32 $0xFFFFC000  }
0x2f: {  	[spmem:s2] =	stream.indirect.scatter.add.f32 [tilespmem:s19], [sflag:$0x3], $0x80, s18, s18, $0xb8;
	[tilespmem:$0x1C200] =	vst v63  }
0x30: {  	s26 =	simm.s32 @!p0 $0x27F80;
	_ =	swait.ge [sflag:s17], $0x4000  }
0x31: {  	s26 =	sshrl.u32 s26, $0x3;
	[sflag:s17] =	ssyncset.done $0x0  }
0x32: {  	s28 =	sadd.s32 s5, s26;
	[sflag:s17] =	ssyncadd.s32 $0xFFFFC000  }
0x33: {  	[tilespmem:s3], [sflag:$0x3] =	stream.linear.gather [hbm4b:s28+s3], $0x80, $0x38;
	[tilespmem:$0x1C200] =	vst v63  }
0x34: {  	_ =	swait.ge [sflag:s17], $0x80  }
0x35: {  	[sflag:s17] =	ssyncset.done $0x0  }
0x36: {  	s26 =	sadd.s32 s6, s26;
	[sflag:s17] =	ssyncadd.s32 $0xFFFFFF80  }
0x37: {  	[tilespmem:s18], [sflag:$0x3] =	stream.linear.gather [hbm4b:s26+s3], $0x80, $0x38;
	[tilespmem:$0x1C200] =	vst v63  }
0x38: {  	_ =	swait.ge [sflag:s17], $0x80  }
0x39: {  	[sflag:s17] =	ssyncset.done $0x0  }
0x3a: {  	[sflag:s17] =	ssyncadd.s32 $0xFFFFFF80  }
0x3b: {  	[tilespmem:s19], [sflag:$0x1] =	stream.indirect.gather [hbm4b:s4+s18], $0x80, s3, s18, $0xb8;
	[tilespmem:$0x1C200] =	vst v63  }
0x3c: {  	_ =	swait.ge [sflag:s24], $0x4000  }
0x3d: {  	[sflag:s24] =	ssyncset.done $0x0  }
0x3e: {  	[sflag:s24] =	ssyncadd.s32 $0xFFFFC000  }
0x3f: {  	[spmem:s2] =	stream.indirect.scatter.add.f32 [tilespmem:s22], [sflag:$0x3], $0x80, s21, s18, $0xb8;
	[tilespmem:$0x1C200] =	vst v63  }
0x40: {  	s30 =	simm.s32 $0x40;
	_ =	swait.ge [sflag:s17], $0x4000  }
0x41: {  	s28 =	simm.s32 $0x20;
	s26 =	sadd.s32 $0x100, s15;
	[sflag:s17] =	ssyncset.done $0x0  }
.LBB2_2:
0x42: {  	s31 =	sadd.s32 s28, s14  }
0x43: {  	[sflag:s17] =	ssyncadd.s32 $0xFFFFC000;
	s0 =	smov.u32 s30;
	s29 =	sadd.s32 $0x20, s30  }
0x44: {  	[tilespmem:s20], [sflag:$0x3] =	stream.linear.gather [hbm4b:s31+s3], $0x80, $0x38;
	[tilespmem:$0x1C200] =	vst v63  }
0x45: {  	p0 =	sne.s32 s30, $0x260;
	_ =	swait.ge [sflag:s17], $0x80  }
0x46: {  	[sflag:s17] =	ssyncset.done $0x0  }
0x47: {  	s30 =	sadd.s32 s28, s13;
	s28 =	smov.u32 s0;
	[sflag:s17] =	ssyncadd.s32 $0xFFFFFF80  }
0x48: {  	[tilespmem:s21], [sflag:$0x3] =	stream.linear.gather [hbm4b:s30+s3], $0x80, $0x38;
	[tilespmem:$0x1C200] =	vst v63  }
0x49: {  	_ =	swait.ge [sflag:s17], $0x80  }
0x4a: {  	[sflag:s17] =	ssyncset.done $0x0  }
0x4b: {  	[sflag:s17] =	ssyncadd.s32 $0xFFFFFF80  }
0x4c: {  	[tilespmem:s22], [sflag:$0x2] =	stream.indirect.gather [hbm4b:s4+s18], $0x80, s20, s18, $0xb8;
	[tilespmem:$0x1C200] =	vst v63  }
0x4d: {  	_ =	swait.ge [sflag:s23], $0x4000  }
0x4e: {  	[sflag:s23] =	ssyncset.done $0x0  }
0x4f: {  	p1 =	slt.s32 s26, $0x27F80;
	s0 =	smov.u32 s26;
	[sflag:s23] =	ssyncadd.s32 $0xFFFFC000  }
0x50: {  	[spmem:s2] =	stream.indirect.scatter.add.f32 [tilespmem:s19], [sflag:$0x3], $0x80, s18, s18, $0xb8;
	[tilespmem:$0x1C200] =	vst v63  }
0x51: {  	s0 =	simm.s32 @!p1 $0x27F80;
	_ =	swait.ge [sflag:s17], $0x4000  }
0x52: {  	s0 =	sshrl.u32 s0, $0x3;
	[sflag:s17] =	ssyncset.done $0x0  }
0x53: {  	s30 =	sadd.s32 s5, s0;
	[sflag:s17] =	ssyncadd.s32 $0xFFFFC000  }
0x54: {  	[tilespmem:s3], [sflag:$0x3] =	stream.linear.gather [hbm4b:s30+s3], $0x80, $0x38;
	[tilespmem:$0x1C200] =	vst v63  }
0x55: {  	_ =	swait.ge [sflag:s17], $0x80  }
0x56: {  	[sflag:s17] =	ssyncset.done $0x0  }
0x57: {  	s0 =	sadd.s32 s6, s0;
	[sflag:s17] =	ssyncadd.s32 $0xFFFFFF80  }
0x58: {  	[tilespmem:s18], [sflag:$0x3] =	stream.linear.gather [hbm4b:s0+s3], $0x80, $0x38;
	[tilespmem:$0x1C200] =	vst v63  }
0x59: {  	_ =	swait.ge [sflag:s17], $0x80  }
0x5a: {  	[sflag:s17] =	ssyncset.done $0x0  }
0x5b: {  	[sflag:s17] =	ssyncadd.s32 $0xFFFFFF80  }
0x5c: {  	[tilespmem:s19], [sflag:$0x1] =	stream.indirect.gather [hbm4b:s4+s18], $0x80, s3, s18, $0xb8;
	[tilespmem:$0x1C200] =	vst v63  }
0x5d: {  	_ =	swait.ge [sflag:s24], $0x4000  }
.Ltmp0:
0x5e: {  	[sflag:s24] =	ssyncset.done $0x0;
	(pc) =	sbr.rel @p0 .LBB2_2-.Ltmp0, $4  }
0x5f: {  	[sflag:s24] =	ssyncadd.s32 $0xFFFFC000  }
0x60: {  	[spmem:s2] =	stream.indirect.scatter.add.f32 [tilespmem:s22], [sflag:$0x3], $0x80, s21, s18, $0xb8;
	[tilespmem:$0x1C200] =	vst v63  }
0x61: {  	_ =	swait.ge [sflag:s17], $0x4000  }
0x62: {  	s26 =	sadd.s32 $0x100, s26;
	s30 =	smov.u32 s29;
	[sflag:s17] =	ssyncset.done $0x0  }
0x63: {  	s0 =	sadd.s32 s28, s14;
	[sflag:s17] =	ssyncadd.s32 $0xFFFFC000  }
0x64: {  	[tilespmem:s20], [sflag:$0x3] =	stream.linear.gather [hbm4b:s0+s3], $0x80, $0x38;
	[tilespmem:$0x1C200] =	vst v63  }
0x65: {  	_ =	swait.ge [sflag:s17], $0x80  }
0x66: {  	[sflag:s17] =	ssyncset.done $0x0  }
0x67: {  	s30 =	sadd.s32 s28, s13;
	[sflag:s17] =	ssyncadd.s32 $0xFFFFFF80  }
0x68: {  	[tilespmem:s21], [sflag:$0x3] =	stream.linear.gather [hbm4b:s30+s3], $0x80, $0x38;
	[tilespmem:$0x1C200] =	vst v63  }
0x69: {  	_ =	swait.ge [sflag:s17], $0x80  }
0x6a: {  	[sflag:s17] =	ssyncset.done $0x0  }
0x6b: {  	[sflag:s17] =	ssyncadd.s32 $0xFFFFFF80  }
0x6c: {  	[tilespmem:s22], [sflag:$0x2] =	stream.indirect.gather [hbm4b:s4+s18], $0x80, s20, s18, $0xb8;
	[tilespmem:$0x1C200] =	vst v63  }
0x6d: {  	_ =	swait.ge [sflag:s23], $0x4000  }
0x6e: {  	[sflag:s23] =	ssyncset.done $0x0  }
0x6f: {  	p0 =	slt.s32 s26, $0x27F80;
	[sflag:s23] =	ssyncadd.s32 $0xFFFFC000  }
0x70: {  	[spmem:s2] =	stream.indirect.scatter.add.f32 [tilespmem:s19], [sflag:$0x3], $0x80, s18, s18, $0xb8;
	[tilespmem:$0x1C200] =	vst v63  }
0x71: {  	s26 =	simm.s32 @!p0 $0x27F80;
	_ =	swait.ge [sflag:s17], $0x4000  }
0x72: {  	s31 =	sshrl.u32 s26, $0x3;
	[sflag:s17] =	ssyncset.done $0x0  }
0x73: {  	s26 =	sadd.s32 s5, s31;
	[sflag:s17] =	ssyncadd.s32 $0xFFFFC000  }
0x74: {  	[tilespmem:s3], [sflag:$0x3] =	stream.linear.gather [hbm4b:s26+s3], $0x80, $0x38;
	[tilespmem:$0x1C200] =	vst v63  }
0x75: {  	_ =	swait.ge [sflag:s17], $0x80  }
0x76: {  	[sflag:s17] =	ssyncset.done $0x0  }
0x77: {  	s0 =	sadd.s32 s6, s31;
	[sflag:s17] =	ssyncadd.s32 $0xFFFFFF80  }
0x78: {  	[tilespmem:s18], [sflag:$0x3] =	stream.linear.gather [hbm4b:s0+s3], $0x80, $0x38;
	[tilespmem:$0x1C200] =	vst v63  }
0x79: {  	_ =	swait.ge [sflag:s17], $0x80  }
0x7a: {  	[sflag:s17] =	ssyncset.done $0x0  }
0x7b: {  	[sflag:s17] =	ssyncadd.s32 $0xFFFFFF80  }
0x7c: {  	[tilespmem:s19], [sflag:$0x1] =	stream.indirect.gather [hbm4b:s4+s18], $0x80, s3, s18, $0xb8;
	[tilespmem:$0x1C200] =	vst v63  }
0x7d: {  	_ =	swait.ge [sflag:s24], $0x4000  }
0x7e: {  	[sflag:s24] =	ssyncset.done $0x0  }
0x7f: {  	[sflag:s24] =	ssyncadd.s32 $0xFFFFC000  }
0x80: {  	[spmem:s2] =	stream.indirect.scatter.add.f32 [tilespmem:s22], [sflag:$0x3], $0x80, s21, s18, $0xb8;
	[tilespmem:$0x1C200] =	vst v63  }
0x81: {  	_ =	swait.ge [sflag:s17], $0x4000  }
0x82: {  	[sflag:s17] =	ssyncset.done $0x0  }
0x83: {  	[sflag:s17] =	ssyncadd.s32 $0xFFFFC000  }
0x84: {  	_ =	swait.ge [sflag:s23], $0x4000  }
0x85: {  	s25 =	sadd.s32 $0x1, s25;
	[sflag:s23] =	ssyncset.done $0x0  }
0x86: {  	p0 =	sne.s32 s25, s12;
	[sflag:s23] =	ssyncadd.s32 $0xFFFFC000  }
.Ltmp1:
0x87: {  	[bflag:$0x0] =	sbarrier.arrive $0xFFFF;
	(pc) =	sbr.rel @p0 .LBB2_1-.Ltmp1, $4  }
0x88: {  	[hbm:s11], [sflag:s8] =	dma.local [spmem:s16], $0x2800  }
0x89: {  	_ =	swait.ge [sflag:s17], $0x2800  }
0x8a: {  	[sflag:s17] =	ssyncset.done $0x0  }
0x8b: {  	[sflag:s17] =	ssyncadd.s32 $0xFFFFD800  }
0x8c: {  	_ =	sfence.sel $0x180000  }
0x8d: {  	[bflag:$0x0] =	sbarrier.arrive $0xFFFF  }
0x8e: {  	_ =	strace $0x90000062  }
0x8f: {  	[bflag:$0x2] =	sbarrier.arrive $0xFFFF  }
0x90: {  	p0 =	sne.s32 s1, $0x0;
	s0 =	rddreg [dreg:$0x2]  }
0x91: {  	s0 =	sadd.s32 @!p0 $0x100000, s0  }
0x92: {  	[sflag:s0] =	ssyncadd.tile.s32 @!p0 $0x1;
	_ =	shalt  }
.Lfunc_end2:
_tile_overlayer_lowered:
.L_overlay_start_2:
0x93: {  	(tag) =	ssettag $0x2  }
0x94: {  	s0 =	rddreg [dreg:$0x0];
	s2 =	stileid.u32  }
0x95: {  	s1 =	rddreg [dreg:$0x1];
	p0 =	sne.s32 s2, $0x0  }
0x96: {  	s3 =	rddreg [dreg:$0x2];
	[bflag:$0x3] =	sbarrier.arrive $0xFFFF;
	s2 =	simm.s32 @!p0 $0x1C03  }
0x97: {  	[timem:s3], [sflag:s2] =	dma.local @!p0 [hbm:s0], s1  }
0x98: {  	s0 =	simm.s32 @!p0 $0x3  }
0x99: {  	_ =	swait.ge @!p0 [sflag:s0], s1  }
0x9a: {  	s1 =	ssub.s32 @!p0 $0x0, s1;
	[sflag:s0] =	ssyncset.done @!p0 $0x0  }
0x9b: {  	[sflag:s0] =	ssyncadd.s32 @!p0 s1  }
0x9c: {  	[bflag:$0x3] =	sbarrier.arrive $0xFFFF  }
0x9d: {  	_ =	shalt  }

// kernel: kernel.35.cloned.1.call-start
scs
__scs_entry_jumppad:
0x0: {  	(pc) =	sbr.rel $0x88, $3  }
0x1: {  	(tag) =	ssettag $0x0;
	lr =	simm.s32 $0x1  }
0x2: {  	[smem:$0x3F6E] =	sst lr;
	_ =	strace $0xD0000000  }
0x3: {  	_ = 	snop  }
0x4: {  	_ = 	snop  }
0x5: {  	_ = 	snop  }
0x6: {  	_ = 	snop  }
0x7: {  	_ = 	snop  }
__scs_overlays_trampoline_lowered:
0x8: {  	[smem:$0x3F7D] =	sst s0  }
0x9: {  	[smem:$0x3F7E] =	sst s1  }
0xa: {  	[smem:$0x3F7F] =	sst s2  }
0xb: {  	[smem:$0x3F80] =	sst s3  }
0xc: {  	[smem:$0x3F81] =	sst s4  }
0xd: {  	[smem:$0x3F82] =	sst s5  }
0xe: {  	[smem:$0x3F83] =	sst s6  }
0xf: {  	[smem:$0x3F84] =	sst s7  }
0x10: {  	[smem:$0x3F85] =	sst s8  }
0x11: {  	[smem:$0x3F86] =	sst s9;
	s0 =	simm.s32 @!p0 $0x0  }
0x12: {  	s1 =	sld [smem:$0x3F6C];
	s0 =	simm.s32 @p0 $0x1  }
0x13: {  	[smem:$0x3F87] =	sst s0;
	s0 =	simm.s32 @!p1 $0x0  }
0x14: {  	s2 =	sld [smem:$0x3F6B];
	s0 =	simm.s32 @p1 $0x1  }
0x15: {  	[smem:$0x3F88] =	sst s0;
	s0 =	simm.s32 @!p2 $0x0  }
0x16: {  	s3 =	sld [smem:$0x3FDB];
	s0 =	simm.s32 @p2 $0x1  }
0x17: {  	s4 =	simm.s32 $0x1BF5;
	[smem:$0x3F8A] =	sst s0  }
0x18: {  	s0 =	sld [smem:$0x3F6D];
	_ =	swait.ge [sflag:s4], $0x0  }
0x19: {  	s7 =	sld [smem:$0x3F6E]  }
0x1a: {  	s8 =	sadd.s32 $0xFFFFE003, lr  }
0x1b: {  	s9 =	sadd.s32 $0xFFFFFEF7, lr;
	s5 =	simm.s32 $0xFFFFFFFF;
	p2 =	slt.u32 s8, $0xFFFFF086  }
0x1c: {  	p1 =	slt.u32 s9, $0xF7A;
	s5 =	simm.s32 @!p2 $0x0  }
0x1d: {  	s5 =	simm.s32 @p1 $0x1;
	p0 =	seq.s32 s7, s2  }
0x1e: {  	s7 =	smul.u32 @!p0 $0xF7A, s2;
	p2 =	seq.s32 @!p0 s5, $0x0  }
0x1f: {  	s9 =	smul.u32 $0xF7A, s1;
	s8 =	simm.s32 @!p0 $0x1BF5;
	p2 =	por !p2, p0  }
0x20: {  	[sflag:s8] =	ssyncset.s32 @!p0 $0xFFFFF086;
	s6 =	sadd.s32 @!p0 s3, s7;
	s7 =	simm.s32 @!p0 $0x108  }
0x21: {  	s3 =	sadd.s32 s3, s9;
	s6 =	sadd.s32 @!p0 $0x88, s6;
	s7 =	simm.s32 @p2 $0x1082  }
0x22: {  	[simem:s7], [sflag:s8] =	dma.local @!p0 [hbm:s6], $0xF7A  }
0x23: {  	s9 =	sor.u32 $0xD0000000, s2;
	s6 =	simm.s32 $0x108;
	_ =	swait.ge @!p0 [sflag:s8], $0x0  }
0x24: {  	s3 =	sadd.s32 $0x88, s3;
	s6 =	simm.s32 @!p1 $0x1082;
	[sflag:s4] =	ssyncset.s32 $0xFFFFF086  }
0x25: {  	[simem:s6], [sflag:s4] =	dma.local [hbm:s3], $0xF7A  }
0x26: {  	[smem:$0x3F6E] =	sst s1;
	(tag) =	ssettag s2;
	_ =	strace s9  }
0x27: {  	s1 =	sld [smem:$0x3F7E]  }
0x28: {  	s2 =	sld [smem:$0x3F7F]  }
0x29: {  	s4 =	sld [smem:$0x3F81]  }
0x2a: {  	p0 =	seq.s32 s5, $0x0;
	s5 =	sld [smem:$0x3F82]  }
0x2b: {  	s6 =	sld [smem:$0x3F83]  }
0x2c: {  	s7 =	sld [smem:$0x3F84]  }
0x2d: {  	s3 =	simm.s32 $0x108;
	s8 =	sld [smem:$0x3F85]  }
0x2e: {  	s3 =	simm.s32 @!p0 $0x1082;
	s9 =	sld [smem:$0x3F86]  }
0x2f: {  	lr =	sadd.s32 s0, s3;
	s0 =	sld [smem:$0x3F7D]  }
0x30: {  	s3 =	sld [smem:$0x3F80]  }
0x31: {  	[smem:$0x3F89] =	sst s10  }
0x32: {  	s10 =	sld [smem:$0x3F87];
	_ =	sdelay $0x3  }
0x33: {  	p0 =	seq.s32 s10, $0x1;
	s10 =	sld [smem:$0x3F89];
	_ =	sdelay $0x3  }
0x34: {  	[smem:$0x3F89] =	sst s10  }
0x35: {  	s10 =	sld [smem:$0x3F88];
	_ =	sdelay $0x3  }
0x36: {  	p1 =	seq.s32 s10, $0x1;
	s10 =	sld [smem:$0x3F89];
	_ =	sdelay $0x3  }
0x37: {  	[smem:$0x3F89] =	sst s10  }
0x38: {  	s10 =	sld [smem:$0x3F8A]  }
0x39: {  	_ = 	snop;
	(pc) =	sbr.ind lr, $3  }
0x3a: {  	_ = 	snop  }
0x3b: {  	_ = 	snop  }
0x3c: {  	p2 =	seq.s32 s10, $0x1;
	s10 =	sld [smem:$0x3F89]  }
0x3d: {  	_ =	shalt  }
0x3e: {  	_ =	shalt  }
0x3f: {  	_ =	shalt  }
0x40: {  	_ =	shalt  }
0x41: {  	_ =	shalt  }
0x42: {  	_ =	shalt  }
0x43: {  	_ =	shalt  }
0x44: {  	_ =	shalt  }
0x45: {  	_ =	shalt  }
0x46: {  	_ =	shalt  }
0x47: {  	_ =	shalt  }
0x48: {  	_ =	shalt  }
0x49: {  	_ =	shalt  }
0x4a: {  	_ =	shalt  }
0x4b: {  	_ =	shalt  }
0x4c: {  	_ =	shalt  }
0x4d: {  	_ =	shalt  }
0x4e: {  	_ =	shalt  }
0x4f: {  	_ =	shalt  }
0x50: {  	_ =	shalt  }
0x51: {  	_ =	shalt  }
0x52: {  	_ =	shalt  }
0x53: {  	_ =	shalt  }
0x54: {  	_ =	shalt  }
0x55: {  	_ =	shalt  }
0x56: {  	_ =	shalt  }
0x57: {  	_ =	shalt  }
0x58: {  	_ =	shalt  }
0x59: {  	_ =	shalt  }
0x5a: {  	_ =	shalt  }
0x5b: {  	_ =	shalt  }
0x5c: {  	_ =	shalt  }
0x5d: {  	_ =	shalt  }
0x5e: {  	_ =	shalt  }
0x5f: {  	_ =	shalt  }
0x60: {  	_ =	shalt  }
0x61: {  	_ =	shalt  }
0x62: {  	_ =	shalt  }
0x63: {  	_ =	shalt  }
0x64: {  	_ =	shalt  }
0x65: {  	_ =	shalt  }
0x66: {  	_ =	shalt  }
0x67: {  	_ =	shalt  }
0x68: {  	_ =	shalt  }
0x69: {  	_ =	shalt  }
0x6a: {  	_ =	shalt  }
0x6b: {  	_ =	shalt  }
0x6c: {  	_ =	shalt  }
0x6d: {  	_ =	shalt  }
0x6e: {  	_ =	shalt  }
0x6f: {  	_ =	shalt  }
0x70: {  	_ =	shalt  }
0x71: {  	_ =	shalt  }
0x72: {  	_ =	shalt  }
0x73: {  	_ =	shalt  }
0x74: {  	_ =	shalt  }
0x75: {  	_ =	shalt  }
0x76: {  	_ =	shalt  }
0x77: {  	_ =	shalt  }
0x78: {  	_ =	shalt  }
0x79: {  	_ =	shalt  }
0x7a: {  	_ =	shalt  }
0x7b: {  	_ =	shalt  }
0x7c: {  	_ =	shalt  }
0x7d: {  	_ =	shalt  }
0x7e: {  	_ =	shalt  }
0x7f: {  	_ =	shalt  }
0x80: {  	_ =	shalt  }
0x81: {  	_ =	shalt  }
0x82: {  	_ =	shalt  }
0x83: {  	_ =	shalt  }
0x84: {  	_ =	shalt  }
0x85: {  	_ =	shalt  }
0x86: {  	_ =	shalt  }
0x87: {  	_ =	shalt  }
.Lfunc_end0:
.L_simem_size_0:
called_computation.10_lowered:
.L_overlay_start_0:
0x88: {  	s2 =	sld [smem:$0x3FD9]  }
0x89: {  	s3 =	sld [smem:$0x3FFE];
	_ =	sdelay $0x1  }
0x8a: {  	s1 =	srdreg.scid  }
0x8b: {  	s0 =	sand.u32 $0x1, s1  }
0x8c: {  	s16 =	sshll.u32 s0, $0xA;
	s2 =	sadd.s32 s3, s2  }
0x8d: {  	s2 =	sadd.s32 s2, s16  }
0x8e: {  	[smem:$0x3F95] =	sst s2  }
0x8f: {  	_ = 	snop  }
0x90: {  	(tm) =	ssettm $0x1  }
0x91: {  	s17 =	sld [smem:$0x3FFB];
	_ =	sdelay $0x3  }
0x92: {  	_ =	strace s17  }
0x93: {  	s2 =	sld [smem:$0x3FFC];
	_ =	sdelay $0x3  }
0x94: {  	_ =	strace s2  }
0x95: {  	s2 =	sld [smem:$0x3FFD];
	_ =	sdelay $0x3  }
0x96: {  	_ =	strace s2  }
0x97: {  	_ =	strace $0x8FFFFFFF  }
0x98: {  	s18 =	sld [smem:$0x3FDB];
	_ =	sdelay $0x1  }
0x99: {  	s19 =	simm.s32 $_scs_section_size  }
0x9a: {  	s4 =	simm.s32 $_size__tile_overlayer_lowered;
	s5 =	simm.s32 $_tile_overlayer_lowered  }
0x9b: {  	s22 =	simm.s32 $0x1BFF;
	s21 =	sshll.u32 s5, $0x1;
	s2 =	sadd.s32 s19, s18  }
0x9c: {  	s6 =	simm.s32 $0x0;
	s20 =	sshll.u32 s4, $0x1;
	s4 =	sadd.s32 s21, s2  }
0x9d: {  	[timem:s6], [sflag:s22] =	dma.local [hbm:s4], s20  }
0x9e: {  	_ =	swait.ge [sflag:s22], s20  }
0x9f: {  	s3 =	ssub.s32 $0x0, s20;
	[sflag:s22] =	ssyncset.done $0x0  }
0xa0: {  	[sflag:s22] =	ssyncadd.s32 s3;
	_ =	sdelay $0x1  }
0xa1: {  	s23 =	simm.s32 $0x1B8B  }
0xa2: {  	_ =	swait.ge [sflag:s23], $0x1  }
0xa3: {  	[sflag:s23] =	ssyncset.done $0x0  }
0xa4: {  	s25 =	simm.s32 $0x1B8E;
	s24 =	sld [smem:$0x3FFE];
	[sflag:s23] =	ssyncadd.s32 $0xFFFFFFFF  }
0xa5: {  	s26 =	simm.s32 $execute0_lowered;
	[smem:$0x3FD2] =	sst s25  }
0xa6: {  	s4 =	sshll.u32 s26, $0x1;
	_ =	strace $0x80000064;
	[dreg:$0x1] =	wrdreg $0xFFFFFFFF  }
0xa7: {  	s28 =	simm.s32 $_size_execute0_lowered;
	s2 =	sadd.s32 s2, s4;
	[dreg:$0x0] =	wrdreg $0x0  }
0xa8: {  	s4 =	sshll.u32 s28, $0x1;
	[dreg:$0x2] =	wrdreg s2  }
0xa9: {  	[dreg:$0x3] =	wrdreg s4  }
0xaa: {  	[dreg:$0x4] =	wrdreg $0xC0  }
0xab: {  	_ =	task [dreg:s6], $0x5FFFF  }
0xac: {  	[dreg:$0x1] =	wrdreg $0xFFFFFFFF  }
0xad: {  	[dreg:$0x0] =	wrdreg $0x60  }
0xae: {  	[dreg:$0x2] =	wrdreg s24  }
0xaf: {  	[dreg:$0x3] =	wrdreg $0x82000  }
0xb0: {  	[dreg:$0x4] =	wrdreg $0x9  }
0xb1: {  	_ =	task.clear_ibuf [dreg:s6], $0x5FFFF;
	_ =	strace $0x90000064  }
0xb2: {  	s29 =	simm.s32 $0x9;
	_ =	strace $0x80000066  }
0xb3: {  	_ =	swait.ge [sflag:s29], $0x1  }
0xb4: {  	[sflag:s29] =	ssyncadd.s32 $0xFFFFFFFF  }
0xb5: {  	_ =	strace $0x90000066  }
0xb6: {  	_ =	sfence  }
0xb7: {  	s30 =	sld [smem:$0x0];
	_ =	sdelay $0x2  }
0xb8: {  	s31 =	sshll.u32 s1, $0xD;
	s1 =	sshrl.u32 s1, $0x2  }
0xb9: {  	s3 =	sand.u32 $0x4000, s31;
	s1 =	sadd.s32 s1, s30  }
0xba: {  	s0 =	sor.u32 s3, s0;
	s1 =	sshll.u32 s1, $0x11  }
0xbb: {  	s0 =	sor.u32 s1, s0  }
0xbc: {  	s0 =	sadd.s32 $0x8F2B, s0  }
0xbd: {  	[sflag:s0] =	ssyncadd.remote.s32 $0x1  }
0xbe: {  	_ =	sfence.sel $0xFFFF  }
0xbf: {  	[dreg:$0x0] =	wrdreg $0xFFFFFFFF;
	(pc) =	sbr.abs _section_cstart, $3  }
0xc0: {  	[dreg:$0x1] =	wrdreg $0xFFFFFFFF  }
0xc1: {  	_ =	task.clear_ibuf [dreg:s6], $0x2FFFF;
	_ =	strace $0x9FFFFFFF  }
0xc2: {  	(tm) =	ssettm $0x7FFFFFFF  }
0xc3: {  	_ =	shalt  }
tec
execute0_lowered:
.L_overlay_start_1:
0x0: {  	(tag) =	ssettag $0x1  }
0x1: {  	s7 =	rddreg [dreg:$0x0]  }
0x2: {  	s2 =	rddreg [dreg:$0x1]  }
0x3: {  	s1 =	stileid.u32;
	s4 =	srdreg.scid;
	s3 =	simm.s32 $0x0  }
0x4: {  	s17 =	simm.s32 $0x3;
	s18 =	simm.s32 $0x80;
	s19 =	simm.s32 $0x200  }
0x5: {  	s20 =	simm.s32 $0x100;
	s21 =	simm.s32 $0x180;
	s22 =	simm.s32 $0x4200  }
0x6: {  	s23 =	simm.s32 $0x1;
	s6 =	smul.u32 $0x14000, s1;
	s8 =	sand.u32 $0x1, s4  }
0x7: {  	[smem:$0x7FF] =	sst s3;
	s4 =	sadd.s32 $0x2D000, s7;
	s25 =	smul.u32 $0x50000, s1  }
0x8: {  	s5 =	sadd.s32 $0x28000, s7;
	s13 =	sshll.u32 s1, $0x1;
	s14 =	smul.u32 $0x2800, s1  }
0x9: {  	s28 =	sshll.u32 s1, $0x6;
	s9 =	smul.u32 $0x140000, s8;
	_ =	strace $0x80000065  }
0xa: {  	s24 =	ssub.s32 $0x2, s8;
	s13 =	sor.u32 s8, s13;
	s8 =	smul.u32 $0x1400, s8  }
0xb: {  	s10 =	sshrl.u32 s6, $0x3;
	s12 =	sshrl.u32 s24, $0x1;
	s26 =	smul.u32 $0x1400, s13  }
0xc: {  	s9 =	sadd.s32 s6, s9;
	s6 =	sadd.s32 $0xF000, s7;
	s10 =	sadd.s32 s10, s7  }
0xd: {  	s12 =	ssub.s32 s24, s12;
	s15 =	sadd.s32 s8, s14;
	s8 =	sor.u32 $0x1C03, s28  }
0xe: {  	s24 =	simm.s32 $0x2;
	s9 =	sshrl.u32 s9, $0x3;
	s29 =	sshrl.u32 s26, $0x3  }
0xf: {  	s30 =	sor.u32 $0x80, s15;
	s12 =	smax.u32 s12, $0x1;
	s15 =	sor.u32 $0x100, s15  }
0x10: {  	s11 =	sadd.s32 s9, s7;
	s9 =	sshrl.u32 s25, $0x2;
	s7 =	sadd.s32 $0x7D000, s10  }
0x11: {  	s10 =	sadd.s32 s6, s29;
	s31 =	sshrl.u32 s30, $0x3;
	s25 =	simm.s32 $0x0  }
0x12: {  	s16 =	sadd.s32 s9, s2;
	s9 =	sadd.s32 s5, s29;
	s11 =	sadd.s32 $0xA5000, s11  }
0x13: {  	s13 =	sadd.s32 s31, s6;
	s14 =	sadd.s32 s31, s5;
	s16 =	sshrl.u32 s16, $0x3  }
.LBB2_1:
0x14: {  	[spmem:s16], [sflag:s8] =	dma.local [hbm:s7], $0x2800  }
0x15: {  	_ =	swait.ge [sflag:s17], $0x2800  }
0x16: {  	[sflag:s17] =	ssyncset.done $0x0  }
0x17: {  	[sflag:s17] =	ssyncadd.s32 $0xFFFFD800  }
0x18: {  	[bflag:$0x0] =	sbarrier.arrive $0xFFFF  }
0x19: {  	[tilespmem:s3], [sflag:$0x3] =	stream.linear.gather [hbm4b:s9+s3], $0x80, $0x38;
	[tilespmem:$0x1C200] =	vst v63  }
0x1a: {  	_ =	swait.ge [sflag:s17], $0x80  }
0x1b: {  	[sflag:s17] =	ssyncset.done $0x0  }
0x1c: {  	[sflag:s17] =	ssyncadd.s32 $0xFFFFFF80  }
0x1d: {  	[tilespmem:s18], [sflag:$0x3] =	stream.linear.gather [hbm4b:s10+s3], $0x80, $0x38;
	[tilespmem:$0x1C200] =	vst v63  }
0x1e: {  	_ =	swait.ge [sflag:s17], $0x80  }
0x1f: {  	[sflag:s17] =	ssyncset.done $0x0  }
0x20: {  	[sflag:s17] =	ssyncadd.s32 $0xFFFFFF80  }
0x21: {  	[tilespmem:s19], [sflag:$0x1] =	stream.indirect.gather [hbm4b:s4+s18], $0x80, s3, s18, $0xb8;
	[tilespmem:$0x1C200] =	vst v63  }
0x22: {  	s26 =	sadd.s32 $0x0, s14  }
0x23: {  	[tilespmem:s20], [sflag:$0x3] =	stream.linear.gather [hbm4b:s26+s3], $0x80, $0x38;
	[tilespmem:$0x1C200] =	vst v63  }
0x24: {  	_ =	swait.ge [sflag:s17], $0x80  }
0x25: {  	[sflag:s17] =	ssyncset.done $0x0  }
0x26: {  	s31 =	sadd.s32 $0x0, s13;
	[sflag:s17] =	ssyncadd.s32 $0xFFFFFF80  }
0x27: {  	[tilespmem:s21], [sflag:$0x3] =	stream.linear.gather [hbm4b:s31+s3], $0x80, $0x38;
	[tilespmem:$0x1C200] =	vst v63  }
0x28: {  	_ =	swait.ge [sflag:s17], $0x80  }
0x29: {  	[sflag:s17] =	ssyncset.done $0x0  }
0x2a: {  	[sflag:s17] =	ssyncadd.s32 $0xFFFFFF80  }
0x2b: {  	[tilespmem:s22], [sflag:$0x2] =	stream.indirect.gather [hbm4b:s4+s18], $0x80, s20, s18, $0xb8;
	[tilespmem:$0x1C200] =	vst v63  }
0x2c: {  	_ =	swait.ge [sflag:s23], $0x4000  }
0x2d: {  	[sflag:s23] =	ssyncset.done $0x0  }
0x2e: {  	p0 =	slt.s32 s15, $0x27F80;
	s26 =	smov.u32 s15;
	[sflag:s23] =	ssyncadd.s32 $0xFFFFC000  }
0x2f: {  	[spmem:s2] =	stream.indirect.scatter.add.f32 [tilespmem:s19], [sflag:$0x3], $0x80, s18, s18, $0xb8;
	[tilespmem:$0x1C200] =	vst v63  }
0x30: {  	s26 =	simm.s32 @!p0 $0x27F80;
	_ =	swait.ge [sflag:s17], $0x4000  }
0x31: {  	s26 =	sshrl.u32 s26, $0x3;
	[sflag:s17] =	ssyncset.done $0x0  }
0x32: {  	s28 =	sadd.s32 s5, s26;
	[sflag:s17] =	ssyncadd.s32 $0xFFFFC000  }
0x33: {  	[tilespmem:s3], [sflag:$0x3] =	stream.linear.gather [hbm4b:s28+s3], $0x80, $0x38;
	[tilespmem:$0x1C200] =	vst v63  }
0x34: {  	_ =	swait.ge [sflag:s17], $0x80  }
0x35: {  	[sflag:s17] =	ssyncset.done $0x0  }
0x36: {  	s26 =	sadd.s32 s6, s26;
	[sflag:s17] =	ssyncadd.s32 $0xFFFFFF80  }
0x37: {  	[tilespmem:s18], [sflag:$0x3] =	stream.linear.gather [hbm4b:s26+s3], $0x80, $0x38;
	[tilespmem:$0x1C200] =	vst v63  }
0x38: {  	_ =	swait.ge [sflag:s17], $0x80  }
0x39: {  	[sflag:s17] =	ssyncset.done $0x0  }
0x3a: {  	[sflag:s17] =	ssyncadd.s32 $0xFFFFFF80  }
0x3b: {  	[tilespmem:s19], [sflag:$0x1] =	stream.indirect.gather [hbm4b:s4+s18], $0x80, s3, s18, $0xb8;
	[tilespmem:$0x1C200] =	vst v63  }
0x3c: {  	_ =	swait.ge [sflag:s24], $0x4000  }
0x3d: {  	[sflag:s24] =	ssyncset.done $0x0  }
0x3e: {  	[sflag:s24] =	ssyncadd.s32 $0xFFFFC000  }
0x3f: {  	[spmem:s2] =	stream.indirect.scatter.add.f32 [tilespmem:s22], [sflag:$0x3], $0x80, s21, s18, $0xb8;
	[tilespmem:$0x1C200] =	vst v63  }
0x40: {  	s30 =	simm.s32 $0x40;
	_ =	swait.ge [sflag:s17], $0x4000  }
0x41: {  	s28 =	simm.s32 $0x20;
	s26 =	sadd.s32 $0x100, s15;
	[sflag:s17] =	ssyncset.done $0x0  }
.LBB2_2:
0x42: {  	s31 =	sadd.s32 s28, s14  }
0x43: {  	[sflag:s17] =	ssyncadd.s32 $0xFFFFC000;
	s0 =	smov.u32 s30;
	s29 =	sadd.s32 $0x20, s30  }
0x44: {  	[tilespmem:s20], [sflag:$0x3] =	stream.linear.gather [hbm4b:s31+s3], $0x80, $0x38;
	[tilespmem:$0x1C200] =	vst v63  }
0x45: {  	p0 =	sne.s32 s30, $0x260;
	_ =	swait.ge [sflag:s17], $0x80  }
0x46: {  	[sflag:s17] =	ssyncset.done $0x0  }
0x47: {  	s30 =	sadd.s32 s28, s13;
	s28 =	smov.u32 s0;
	[sflag:s17] =	ssyncadd.s32 $0xFFFFFF80  }
0x48: {  	[tilespmem:s21], [sflag:$0x3] =	stream.linear.gather [hbm4b:s30+s3], $0x80, $0x38;
	[tilespmem:$0x1C200] =	vst v63  }
0x49: {  	_ =	swait.ge [sflag:s17], $0x80  }
0x4a: {  	[sflag:s17] =	ssyncset.done $0x0  }
0x4b: {  	[sflag:s17] =	ssyncadd.s32 $0xFFFFFF80  }
0x4c: {  	[tilespmem:s22], [sflag:$0x2] =	stream.indirect.gather [hbm4b:s4+s18], $0x80, s20, s18, $0xb8;
	[tilespmem:$0x1C200] =	vst v63  }
0x4d: {  	_ =	swait.ge [sflag:s23], $0x4000  }
0x4e: {  	[sflag:s23] =	ssyncset.done $0x0  }
0x4f: {  	p1 =	slt.s32 s26, $0x27F80;
	s0 =	smov.u32 s26;
	[sflag:s23] =	ssyncadd.s32 $0xFFFFC000  }
0x50: {  	[spmem:s2] =	stream.indirect.scatter.add.f32 [tilespmem:s19], [sflag:$0x3], $0x80, s18, s18, $0xb8;
	[tilespmem:$0x1C200] =	vst v63  }
0x51: {  	s0 =	simm.s32 @!p1 $0x27F80;
	_ =	swait.ge [sflag:s17], $0x4000  }
0x52: {  	s0 =	sshrl.u32 s0, $0x3;
	[sflag:s17] =	ssyncset.done $0x0  }
0x53: {  	s30 =	sadd.s32 s5, s0;
	[sflag:s17] =	ssyncadd.s32 $0xFFFFC000  }
0x54: {  	[tilespmem:s3], [sflag:$0x3] =	stream.linear.gather [hbm4b:s30+s3], $0x80, $0x38;
	[tilespmem:$0x1C200] =	vst v63  }
0x55: {  	_ =	swait.ge [sflag:s17], $0x80  }
0x56: {  	[sflag:s17] =	ssyncset.done $0x0  }
0x57: {  	s0 =	sadd.s32 s6, s0;
	[sflag:s17] =	ssyncadd.s32 $0xFFFFFF80  }
0x58: {  	[tilespmem:s18], [sflag:$0x3] =	stream.linear.gather [hbm4b:s0+s3], $0x80, $0x38;
	[tilespmem:$0x1C200] =	vst v63  }
0x59: {  	_ =	swait.ge [sflag:s17], $0x80  }
0x5a: {  	[sflag:s17] =	ssyncset.done $0x0  }
0x5b: {  	[sflag:s17] =	ssyncadd.s32 $0xFFFFFF80  }
0x5c: {  	[tilespmem:s19], [sflag:$0x1] =	stream.indirect.gather [hbm4b:s4+s18], $0x80, s3, s18, $0xb8;
	[tilespmem:$0x1C200] =	vst v63  }
0x5d: {  	_ =	swait.ge [sflag:s24], $0x4000  }
.Ltmp0:
0x5e: {  	[sflag:s24] =	ssyncset.done $0x0;
	(pc) =	sbr.rel @p0 .LBB2_2-.Ltmp0, $4  }
0x5f: {  	[sflag:s24] =	ssyncadd.s32 $0xFFFFC000  }
0x60: {  	[spmem:s2] =	stream.indirect.scatter.add.f32 [tilespmem:s22], [sflag:$0x3], $0x80, s21, s18, $0xb8;
	[tilespmem:$0x1C200] =	vst v63  }
0x61: {  	_ =	swait.ge [sflag:s17], $0x4000  }
0x62: {  	s26 =	sadd.s32 $0x100, s26;
	s30 =	smov.u32 s29;
	[sflag:s17] =	ssyncset.done $0x0  }
0x63: {  	s0 =	sadd.s32 s28, s14;
	[sflag:s17] =	ssyncadd.s32 $0xFFFFC000  }
0x64: {  	[tilespmem:s20], [sflag:$0x3] =	stream.linear.gather [hbm4b:s0+s3], $0x80, $0x38;
	[tilespmem:$0x1C200] =	vst v63  }
0x65: {  	_ =	swait.ge [sflag:s17], $0x80  }
0x66: {  	[sflag:s17] =	ssyncset.done $0x0  }
0x67: {  	s30 =	sadd.s32 s28, s13;
	[sflag:s17] =	ssyncadd.s32 $0xFFFFFF80  }
0x68: {  	[tilespmem:s21], [sflag:$0x3] =	stream.linear.gather [hbm4b:s30+s3], $0x80, $0x38;
	[tilespmem:$0x1C200] =	vst v63  }
0x69: {  	_ =	swait.ge [sflag:s17], $0x80  }
0x6a: {  	[sflag:s17] =	ssyncset.done $0x0  }
0x6b: {  	[sflag:s17] =	ssyncadd.s32 $0xFFFFFF80  }
0x6c: {  	[tilespmem:s22], [sflag:$0x2] =	stream.indirect.gather [hbm4b:s4+s18], $0x80, s20, s18, $0xb8;
	[tilespmem:$0x1C200] =	vst v63  }
0x6d: {  	_ =	swait.ge [sflag:s23], $0x4000  }
0x6e: {  	[sflag:s23] =	ssyncset.done $0x0  }
0x6f: {  	p0 =	slt.s32 s26, $0x27F80;
	[sflag:s23] =	ssyncadd.s32 $0xFFFFC000  }
0x70: {  	[spmem:s2] =	stream.indirect.scatter.add.f32 [tilespmem:s19], [sflag:$0x3], $0x80, s18, s18, $0xb8;
	[tilespmem:$0x1C200] =	vst v63  }
0x71: {  	s26 =	simm.s32 @!p0 $0x27F80;
	_ =	swait.ge [sflag:s17], $0x4000  }
0x72: {  	s31 =	sshrl.u32 s26, $0x3;
	[sflag:s17] =	ssyncset.done $0x0  }
0x73: {  	s26 =	sadd.s32 s5, s31;
	[sflag:s17] =	ssyncadd.s32 $0xFFFFC000  }
0x74: {  	[tilespmem:s3], [sflag:$0x3] =	stream.linear.gather [hbm4b:s26+s3], $0x80, $0x38;
	[tilespmem:$0x1C200] =	vst v63  }
0x75: {  	_ =	swait.ge [sflag:s17], $0x80  }
0x76: {  	[sflag:s17] =	ssyncset.done $0x0  }
0x77: {  	s0 =	sadd.s32 s6, s31;
	[sflag:s17] =	ssyncadd.s32 $0xFFFFFF80  }
0x78: {  	[tilespmem:s18], [sflag:$0x3] =	stream.linear.gather [hbm4b:s0+s3], $0x80, $0x38;
	[tilespmem:$0x1C200] =	vst v63  }
0x79: {  	_ =	swait.ge [sflag:s17], $0x80  }
0x7a: {  	[sflag:s17] =	ssyncset.done $0x0  }
0x7b: {  	[sflag:s17] =	ssyncadd.s32 $0xFFFFFF80  }
0x7c: {  	[tilespmem:s19], [sflag:$0x1] =	stream.indirect.gather [hbm4b:s4+s18], $0x80, s3, s18, $0xb8;
	[tilespmem:$0x1C200] =	vst v63  }
0x7d: {  	_ =	swait.ge [sflag:s24], $0x4000  }
0x7e: {  	[sflag:s24] =	ssyncset.done $0x0  }
0x7f: {  	[sflag:s24] =	ssyncadd.s32 $0xFFFFC000  }
0x80: {  	[spmem:s2] =	stream.indirect.scatter.add.f32 [tilespmem:s22], [sflag:$0x3], $0x80, s21, s18, $0xb8;
	[tilespmem:$0x1C200] =	vst v63  }
0x81: {  	_ =	swait.ge [sflag:s17], $0x4000  }
0x82: {  	[sflag:s17] =	ssyncset.done $0x0  }
0x83: {  	[sflag:s17] =	ssyncadd.s32 $0xFFFFC000  }
0x84: {  	_ =	swait.ge [sflag:s23], $0x4000  }
0x85: {  	s25 =	sadd.s32 $0x1, s25;
	[sflag:s23] =	ssyncset.done $0x0  }
0x86: {  	p0 =	sne.s32 s25, s12;
	[sflag:s23] =	ssyncadd.s32 $0xFFFFC000  }
.Ltmp1:
0x87: {  	[bflag:$0x0] =	sbarrier.arrive $0xFFFF;
	(pc) =	sbr.rel @p0 .LBB2_1-.Ltmp1, $4  }
0x88: {  	[hbm:s11], [sflag:s8] =	dma.local [spmem:s16], $0x2800  }
0x89: {  	_ =	swait.ge [sflag:s17], $0x2800  }
0x8a: {  	[sflag:s17] =	ssyncset.done $0x0  }
0x8b: {  	[sflag:s17] =	ssyncadd.s32 $0xFFFFD800  }
0x8c: {  	_ =	sfence.sel $0x180000  }
0x8d: {  	[bflag:$0x0] =	sbarrier.arrive $0xFFFF  }
0x8e: {  	_ =	strace $0x90000065  }
0x8f: {  	[bflag:$0x2] =	sbarrier.arrive $0xFFFF  }
0x90: {  	p0 =	sne.s32 s1, $0x0;
	s0 =	rddreg [dreg:$0x2]  }
0x91: {  	s0 =	sadd.s32 @!p0 $0x100000, s0  }
0x92: {  	[sflag:s0] =	ssyncadd.tile.s32 @!p0 $0x1;
	_ =	shalt  }
.Lfunc_end2:
_tile_overlayer_lowered:
.L_overlay_start_2:
0x93: {  	(tag) =	ssettag $0x2  }
0x94: {  	s0 =	rddreg [dreg:$0x0];
	s2 =	stileid.u32  }
0x95: {  	s1 =	rddreg [dreg:$0x1];
	p0 =	sne.s32 s2, $0x0  }
0x96: {  	s3 =	rddreg [dreg:$0x2];
	[bflag:$0x3] =	sbarrier.arrive $0xFFFF;
	s2 =	simm.s32 @!p0 $0x1C03  }
0x97: {  	[timem:s3], [sflag:s2] =	dma.local @!p0 [hbm:s0], s1  }
0x98: {  	s0 =	simm.s32 @!p0 $0x3  }
0x99: {  	_ =	swait.ge @!p0 [sflag:s0], s1  }
0x9a: {  	s1 =	ssub.s32 @!p0 $0x0, s1;
	[sflag:s0] =	ssyncset.done @!p0 $0x0  }
0x9b: {  	[sflag:s0] =	ssyncadd.s32 @!p0 s1  }
0x9c: {  	[bflag:$0x3] =	sbarrier.arrive $0xFFFF  }
0x9d: {  	_ =	shalt  }

// kernel: scatter_offload_async_start.1
scs
__scs_entry_jumppad:
0x0: {  	(pc) =	sbr.rel $0x88, $3  }
0x1: {  	(tag) =	ssettag $0x0;
	lr =	simm.s32 $0x1  }
0x2: {  	[smem:$0x3F6E] =	sst lr;
	_ =	strace $0xD0000000  }
0x3: {  	_ = 	snop  }
0x4: {  	_ = 	snop  }
0x5: {  	_ = 	snop  }
0x6: {  	_ = 	snop  }
0x7: {  	_ = 	snop  }
__scs_overlays_trampoline_lowered:
0x8: {  	[smem:$0x3F7D] =	sst s0  }
0x9: {  	[smem:$0x3F7E] =	sst s1  }
0xa: {  	[smem:$0x3F7F] =	sst s2  }
0xb: {  	[smem:$0x3F80] =	sst s3  }
0xc: {  	[smem:$0x3F81] =	sst s4  }
0xd: {  	[smem:$0x3F82] =	sst s5  }
0xe: {  	[smem:$0x3F83] =	sst s6  }
0xf: {  	[smem:$0x3F84] =	sst s7  }
0x10: {  	[smem:$0x3F85] =	sst s8  }
0x11: {  	[smem:$0x3F86] =	sst s9;
	s0 =	simm.s32 @!p0 $0x0  }
0x12: {  	s1 =	sld [smem:$0x3F6C];
	s0 =	simm.s32 @p0 $0x1  }
0x13: {  	[smem:$0x3F87] =	sst s0;
	s0 =	simm.s32 @!p1 $0x0  }
0x14: {  	s2 =	sld [smem:$0x3F6B];
	s0 =	simm.s32 @p1 $0x1  }
0x15: {  	[smem:$0x3F88] =	sst s0;
	s0 =	simm.s32 @!p2 $0x0  }
0x16: {  	s3 =	sld [smem:$0x3FDB];
	s0 =	simm.s32 @p2 $0x1  }
0x17: {  	s4 =	simm.s32 $0x1BF5;
	[smem:$0x3F8A] =	sst s0  }
0x18: {  	s0 =	sld [smem:$0x3F6D];
	_ =	swait.ge [sflag:s4], $0x0  }
0x19: {  	s7 =	sld [smem:$0x3F6E]  }
0x1a: {  	s8 =	sadd.s32 $0xFFFFE003, lr  }
0x1b: {  	s9 =	sadd.s32 $0xFFFFFEF7, lr;
	s5 =	simm.s32 $0xFFFFFFFF;
	p2 =	slt.u32 s8, $0xFFFFF086  }
0x1c: {  	p1 =	slt.u32 s9, $0xF7A;
	s5 =	simm.s32 @!p2 $0x0  }
0x1d: {  	s5 =	simm.s32 @p1 $0x1;
	p0 =	seq.s32 s7, s2  }
0x1e: {  	s7 =	smul.u32 @!p0 $0xF7A, s2;
	p2 =	seq.s32 @!p0 s5, $0x0  }
0x1f: {  	s9 =	smul.u32 $0xF7A, s1;
	s8 =	simm.s32 @!p0 $0x1BF5;
	p2 =	por !p2, p0  }
0x20: {  	[sflag:s8] =	ssyncset.s32 @!p0 $0xFFFFF086;
	s6 =	sadd.s32 @!p0 s3, s7;
	s7 =	simm.s32 @!p0 $0x108  }
0x21: {  	s3 =	sadd.s32 s3, s9;
	s6 =	sadd.s32 @!p0 $0x88, s6;
	s7 =	simm.s32 @p2 $0x1082  }
0x22: {  	[simem:s7], [sflag:s8] =	dma.local @!p0 [hbm:s6], $0xF7A  }
0x23: {  	s9 =	sor.u32 $0xD0000000, s2;
	s6 =	simm.s32 $0x108;
	_ =	swait.ge @!p0 [sflag:s8], $0x0  }
0x24: {  	s3 =	sadd.s32 $0x88, s3;
	s6 =	simm.s32 @!p1 $0x1082;
	[sflag:s4] =	ssyncset.s32 $0xFFFFF086  }
0x25: {  	[simem:s6], [sflag:s4] =	dma.local [hbm:s3], $0xF7A  }
0x26: {  	[smem:$0x3F6E] =	sst s1;
	(tag) =	ssettag s2;
	_ =	strace s9  }
0x27: {  	s1 =	sld [smem:$0x3F7E]  }
0x28: {  	s2 =	sld [smem:$0x3F7F]  }
0x29: {  	s4 =	sld [smem:$0x3F81]  }
0x2a: {  	p0 =	seq.s32 s5, $0x0;
	s5 =	sld [smem:$0x3F82]  }
0x2b: {  	s6 =	sld [smem:$0x3F83]  }
0x2c: {  	s7 =	sld [smem:$0x3F84]  }
0x2d: {  	s3 =	simm.s32 $0x108;
	s8 =	sld [smem:$0x3F85]  }
0x2e: {  	s3 =	simm.s32 @!p0 $0x1082;
	s9 =	sld [smem:$0x3F86]  }
0x2f: {  	lr =	sadd.s32 s0, s3;
	s0 =	sld [smem:$0x3F7D]  }
0x30: {  	s3 =	sld [smem:$0x3F80]  }
0x31: {  	[smem:$0x3F89] =	sst s10  }
0x32: {  	s10 =	sld [smem:$0x3F87];
	_ =	sdelay $0x3  }
0x33: {  	p0 =	seq.s32 s10, $0x1;
	s10 =	sld [smem:$0x3F89];
	_ =	sdelay $0x3  }
0x34: {  	[smem:$0x3F89] =	sst s10  }
0x35: {  	s10 =	sld [smem:$0x3F88];
	_ =	sdelay $0x3  }
0x36: {  	p1 =	seq.s32 s10, $0x1;
	s10 =	sld [smem:$0x3F89];
	_ =	sdelay $0x3  }
0x37: {  	[smem:$0x3F89] =	sst s10  }
0x38: {  	s10 =	sld [smem:$0x3F8A]  }
0x39: {  	_ = 	snop;
	(pc) =	sbr.ind lr, $3  }
0x3a: {  	_ = 	snop  }
0x3b: {  	_ = 	snop  }
0x3c: {  	p2 =	seq.s32 s10, $0x1;
	s10 =	sld [smem:$0x3F89]  }
0x3d: {  	_ =	shalt  }
0x3e: {  	_ =	shalt  }
0x3f: {  	_ =	shalt  }
0x40: {  	_ =	shalt  }
0x41: {  	_ =	shalt  }
0x42: {  	_ =	shalt  }
0x43: {  	_ =	shalt  }
0x44: {  	_ =	shalt  }
0x45: {  	_ =	shalt  }
0x46: {  	_ =	shalt  }
0x47: {  	_ =	shalt  }
0x48: {  	_ =	shalt  }
0x49: {  	_ =	shalt  }
0x4a: {  	_ =	shalt  }
0x4b: {  	_ =	shalt  }
0x4c: {  	_ =	shalt  }
0x4d: {  	_ =	shalt  }
0x4e: {  	_ =	shalt  }
0x4f: {  	_ =	shalt  }
0x50: {  	_ =	shalt  }
0x51: {  	_ =	shalt  }
0x52: {  	_ =	shalt  }
0x53: {  	_ =	shalt  }
0x54: {  	_ =	shalt  }
0x55: {  	_ =	shalt  }
0x56: {  	_ =	shalt  }
0x57: {  	_ =	shalt  }
0x58: {  	_ =	shalt  }
0x59: {  	_ =	shalt  }
0x5a: {  	_ =	shalt  }
0x5b: {  	_ =	shalt  }
0x5c: {  	_ =	shalt  }
0x5d: {  	_ =	shalt  }
0x5e: {  	_ =	shalt  }
0x5f: {  	_ =	shalt  }
0x60: {  	_ =	shalt  }
0x61: {  	_ =	shalt  }
0x62: {  	_ =	shalt  }
0x63: {  	_ =	shalt  }
0x64: {  	_ =	shalt  }
0x65: {  	_ =	shalt  }
0x66: {  	_ =	shalt  }
0x67: {  	_ =	shalt  }
0x68: {  	_ =	shalt  }
0x69: {  	_ =	shalt  }
0x6a: {  	_ =	shalt  }
0x6b: {  	_ =	shalt  }
0x6c: {  	_ =	shalt  }
0x6d: {  	_ =	shalt  }
0x6e: {  	_ =	shalt  }
0x6f: {  	_ =	shalt  }
0x70: {  	_ =	shalt  }
0x71: {  	_ =	shalt  }
0x72: {  	_ =	shalt  }
0x73: {  	_ =	shalt  }
0x74: {  	_ =	shalt  }
0x75: {  	_ =	shalt  }
0x76: {  	_ =	shalt  }
0x77: {  	_ =	shalt  }
0x78: {  	_ =	shalt  }
0x79: {  	_ =	shalt  }
0x7a: {  	_ =	shalt  }
0x7b: {  	_ =	shalt  }
0x7c: {  	_ =	shalt  }
0x7d: {  	_ =	shalt  }
0x7e: {  	_ =	shalt  }
0x7f: {  	_ =	shalt  }
0x80: {  	_ =	shalt  }
0x81: {  	_ =	shalt  }
0x82: {  	_ =	shalt  }
0x83: {  	_ =	shalt  }
0x84: {  	_ =	shalt  }
0x85: {  	_ =	shalt  }
0x86: {  	_ =	shalt  }
0x87: {  	_ =	shalt  }
.Lfunc_end0:
.L_simem_size_0:
called_computation.1_lowered:
.L_overlay_start_0:
0x88: {  	s0 =	sld [smem:$0x3FD9]  }
0x89: {  	s1 =	sld [smem:$0x3FFE];
	_ =	sdelay $0x3  }
0x8a: {  	s0 =	sadd.s32 s1, s0  }
0x8b: {  	[smem:$0x3F95] =	sst s0  }
0x8c: {  	_ = 	snop  }
0x8d: {  	(tm) =	ssettm $0x1  }
0x8e: {  	s15 =	sld [smem:$0x3FFB];
	_ =	sdelay $0x3  }
0x8f: {  	_ =	strace s15  }
0x90: {  	s0 =	sld [smem:$0x3FFC];
	_ =	sdelay $0x3  }
0x91: {  	_ =	strace s0  }
0x92: {  	s0 =	sld [smem:$0x3FFD];
	_ =	sdelay $0x3  }
0x93: {  	_ =	strace s0  }
0x94: {  	_ =	strace $0x8FFFFFFF  }
0x95: {  	s16 =	sld [smem:$0x3FDB];
	_ =	sdelay $0x1  }
0x96: {  	s17 =	simm.s32 $_scs_section_size  }
0x97: {  	s2 =	simm.s32 $_size__tile_overlayer_lowered;
	s3 =	simm.s32 $_tile_overlayer_lowered  }
0x98: {  	s20 =	simm.s32 $0x1BFF;
	s19 =	sshll.u32 s3, $0x1;
	s0 =	sadd.s32 s17, s16  }
0x99: {  	s4 =	simm.s32 $0x0;
	s18 =	sshll.u32 s2, $0x1;
	s2 =	sadd.s32 s19, s0  }
0x9a: {  	[timem:s4], [sflag:s20] =	dma.local [hbm:s2], s18  }
0x9b: {  	_ =	swait.ge [sflag:s20], s18  }
0x9c: {  	s1 =	ssub.s32 $0x0, s18;
	[sflag:s20] =	ssyncset.done $0x0  }
0x9d: {  	[sflag:s20] =	ssyncadd.s32 s1;
	_ =	sdelay $0x1  }
0x9e: {  	s21 =	simm.s32 $0x1B8B  }
0x9f: {  	_ =	swait.ge [sflag:s21], $0x1  }
0xa0: {  	[sflag:s21] =	ssyncset.done $0x0  }
0xa1: {  	s23 =	simm.s32 $0x1B8E;
	s22 =	sld [smem:$0x3FFE];
	[sflag:s21] =	ssyncadd.s32 $0xFFFFFFFF  }
0xa2: {  	s24 =	simm.s32 $execute0_lowered;
	[smem:$0x3FD2] =	sst s23  }
0xa3: {  	s2 =	sshll.u32 s24, $0x1;
	_ =	strace $0x80000046;
	[dreg:$0x1] =	wrdreg $0xFFFFFFFF  }
0xa4: {  	s25 =	simm.s32 $_size_execute0_lowered;
	s0 =	sadd.s32 s0, s2;
	[dreg:$0x0] =	wrdreg $0x0  }
0xa5: {  	s2 =	sshll.u32 s25, $0x1;
	[dreg:$0x2] =	wrdreg s0  }
0xa6: {  	[dreg:$0x3] =	wrdreg s2  }
0xa7: {  	[dreg:$0x4] =	wrdreg $0xC0  }
0xa8: {  	_ =	task [dreg:s4], $0x5FFFF  }
0xa9: {  	[dreg:$0x1] =	wrdreg $0xFFFFFFFF  }
0xaa: {  	[dreg:$0x0] =	wrdreg $0x60  }
0xab: {  	[dreg:$0x2] =	wrdreg s22  }
0xac: {  	[dreg:$0x3] =	wrdreg $0x9  }
0xad: {  	_ =	task.clear_ibuf [dreg:s4], $0x4FFFF;
	_ =	strace $0x90000046  }
0xae: {  	s26 =	simm.s32 $0x9;
	_ =	strace $0x80000048  }
0xaf: {  	_ =	swait.ge [sflag:s26], $0x1  }
0xb0: {  	[sflag:s26] =	ssyncadd.s32 $0xFFFFFFFF  }
0xb1: {  	_ =	strace $0x90000048  }
0xb2: {  	_ =	sfence  }
0xb3: {  	s28 =	sld [smem:$0x0];
	_ =	sdelay $0x1  }
0xb4: {  	s29 =	srdreg.scid  }
0xb5: {  	s30 =	sshll.u32 s29, $0xD;
	s31 =	sshrl.u32 s29, $0x2  }
0xb6: {  	s1 =	sand.u32 $0x1, s29;
	s2 =	sand.u32 $0x4000, s30;
	s0 =	sadd.s32 s31, s28  }
0xb7: {  	s1 =	sor.u32 s2, s1;
	s0 =	sshll.u32 s0, $0x11  }
0xb8: {  	s0 =	sor.u32 s0, s1  }
0xb9: {  	s0 =	sadd.s32 $0x8F2B, s0  }
0xba: {  	[sflag:s0] =	ssyncadd.remote.s32 $0x1  }
0xbb: {  	_ =	sfence.sel $0xFFFF  }
0xbc: {  	[dreg:$0x0] =	wrdreg $0xFFFFFFFF;
	(pc) =	sbr.abs _section_cstart, $3  }
0xbd: {  	[dreg:$0x1] =	wrdreg $0xFFFFFFFF  }
0xbe: {  	_ =	task.clear_ibuf [dreg:s4], $0x2FFFF;
	_ =	strace $0x9FFFFFFF  }
0xbf: {  	(tm) =	ssettm $0x7FFFFFFF  }
tec
execute0_lowered:
.L_overlay_start_1:
0x0: {  	(tag) =	ssettag $0x1  }
0x1: {  	s0 =	rddreg [dreg:$0x0]  }
0x2: {  	s14 =	stileid.u32;
	_ =	strace $0x80000047;
	s2 =	simm.s32 $0x1  }
0x3: {  	v1 =	vimm.s32 $0xFFFFFFFF;
	s1 =	smin.u32 s14, $0x4;
	[sflag:s2] =	ssyncpa.u1 $0x0  }
0x4: {  	s1 =	sadd.s32 s14, s1;
	[tilespmem:$0x10] =	vst v1  }
0x5: {  	v0 =	vimm.f32 $0.0e+00;
	p0 =	slt.u32 s14, $0x4;
	[tilespmem:$0x20] =	vst v1;
	s3 =	smul.u32 $0x1F40, s1;
	s1 =	simm.s32 $0x3E80  }
0x6: {  	[tilespmem:$0x30] =	vst v0;
	s1 =	simm.s32 @!p0 $0x1F40  }
0x7: {  	[tilespmem:$0x40] =	vst v0;
	s1 =	sadd.s32 s1, s3  }
0x8: {  	[tilespmem:$0x50] =	vst v0;
	s4 =	smin.u32 s1, $0x27100  }
0x9: {  	[tilespmem:$0x60] =	vst v1;
	s9 =	ssub.s32 s4, s3  }
0xa: {  	s7 =	simm.s32 $0x2;
	s8 =	simm.s32 $0x8;
	[tilespmem:$0x70] =	vst v1;
	p0 =	sgt.s32 s9, $0x0  }
0xb: {  	s31 =	simm.s32 $0x9;
	s16 =	simm.s32 $0x0;
	[tilespmem:$0x80] =	vst v1;
	s9 =	simm.s32 @!p0 $0x0  }
0xc: {  	s17 =	simm.s32 $0xF0;
	s18 =	simm.s32 $0xFFFFFFFF;
	v1 =	vimm.s32 $0x0;
	[tilespmem:$0xB0] =	vst v0;
	s5 =	smulhi.u32 $0x10624DD3, s9  }
0xd: {  	s19 =	simm.s32 $0xFFFFC280;
	s20 =	simm.s32 $0xFFFFFFFE;
	s21 =	simm.s32 $0xF;
	[tilespmem:$0x90] =	vst v1  }
0xe: {  	[tilespmem:$0xA0] =	vst v1;
	[sflag:s7] =	ssyncpa.u1 $0x0;
	s7 =	simm.s32 $0x7;
	s10 =	sshrl.u32 s5, $0x9  }
0xf: {  	s25 =	simm.s32 $0x0;
	[sflag:s7] =	ssyncpa.u1 $0x0;
	s11 =	smul.u32 $0x1F40, s10  }
0x10: {  	s24 =	simm.s32 $0x0;
	s6 =	sadd.s32 $0x19000, s0;
	[sflag:s8] =	ssyncpa.u1 $0x0  }
.Ltmp0:
0x11: {  	s23 =	smov.u32 s3;
	p0 =	sne.s32 s9, s11;
	(pc) =	sbr.rel .LBB2_1-.Ltmp0, $4  }
0x12: {  	s1 =	sadd.s32 $0x55000, s0;
	[sflag:s31] =	ssyncpa.u1 $0x0;
	s2 =	simm.s32 @!p0 $0x0  }
0x13: {  	s5 =	sadd.s32 $0x14000, s0;
	p0 =	por $0x0, $0x0;
	s9 =	sadd.s32 s2, s10  }
0x14: {  	vm0 =	vmmov $0xffff;
	v2 =	vlaneseq.u32;
	s10 =	sshll.u32 s14, $0x1;
	s14 =	sshllo.u32 s14, $0x1;
	s11 =	sadd.s32 $0x1, s9  }
0x15: {  	vm1 =	vmxor vm1, vm1;
	vm2 =	vmmov $0x1;
	vm3 =	vcmask $0x3F3C;
	s12 =	sadd.s32 $0x2, s9;
	s13 =	sor.u32 $0x81, s10;
	s15 =	sor.u32 $0x80, s10  }
.LBB2_9:
0x16: {  	p1 =	slt.u32 s24, $0x3  }
0x17: {  	s0 =	simm.s32 @!p1 $0x2  }
0x18: {  	_ =	swait.ge @!p1 [sflag:s0], $0x1F40  }
0x19: {  	[sflag:s0] =	ssyncset.done @!p1 $0x0  }
0x1a: {  	[sflag:s0] =	ssyncadd.s32 @!p1 $0xFFFFE0C0;
	s0 =	simm.s32 @!p1 $0x9  }
0x1b: {  	_ =	swait.ge @!p1 [sflag:s0], $0x10  }
0x1c: {  	[sflag:s0] =	ssyncset.done @!p1 $0x0  }
0x1d: {  	[sflag:s0] =	ssyncadd.s32 @!p1 $0xFFFFFFF0;
	p1 =	sne.s32 s24, s12  }
.Ltmp1:
0x1e: {  	s2 =	sadd.s32 $0x1F40, s23;
	(pc) =	sbr.rel @!p1 .LBB2_10-.Ltmp1, $4  }
0x1f: {  	s22 =	smov.u32 s3;
	s31 =	sadd.s32 $0x1, s24;
	s17 =	sadd.s32 $0x1F40, s17  }
0x20: {  	s18 =	sadd.s32 $0x1, s18;
	s25 =	smov.u32 s23;
	p2 =	slt.s32 s2, s4  }
0x21: {  	p0 =	por !p0, !p0;
	s19 =	sadd.s32 $0x1F40, s19;
	s22 =	smov.u32 @p2 s2  }
0x22: {  	s20 =	sadd.s32 $0x1, s20;
	s23 =	smov.u32 s22;
	s24 =	smov.u32 s31  }
.LBB2_1:
0x23: {  	p1 =	sge.u32 s24, s9  }
0x24: {  	s0 =	smulhi.u32 @!p1 $0xAAAAAAAB, s24;
	_ =	sdelay $0x1  }
0x25: {  	s0 =	sshrl.u32 @!p1 s0, $0x1  }
0x26: {  	s0 =	smul.u32 @!p1 $0x3, s0;
	_ =	sdelay $0x1  }
0x27: {  	s0 =	ssub.s32 @!p1 s24, s0  }
0x28: {  	s0 =	smul.u32 @!p1 $0x7D00, s0;
	_ =	sdelay $0x1  }
0x29: {  	s2 =	sshrl.u32 @!p1 s23, $0x3;
	s0 =	sshrl.u32 @!p1 s0, $0x2  }
0x2a: {  	s22 =	sand.u32 @!p1 $0x7, s23;
	s2 =	sadd.s32 @!p1 s5, s2;
	s0 =	sadd.s32 @!p1 $0x100, s0  }
0x2b: {  	[tilespmem:s0], [sflag:$0x7] =	stream.linear.gather @!p1 [hbm4b:s2+s22], $0x1F40, $0x38;
	[tilespmem:$0x11A60] =	vst v63  }
0x2c: {  	s0 =	sadd.s32 $0xFFFFFFFF, s24  }
0x2d: {  	p1 =	sge.u32 s0, s9  }
.Ltmp2:
0x2e: {  	_ = 	snop;
	(pc) =	sbr.rel @p1 .LBB2_5-.Ltmp2, $1  }
0x2f: {  	_ =	sdelay $0x3  }
0x30: {  	s2 =	smulhi.u32 $0xAAAAAAAB, s0;
	_ =	sdelay $0x1  }
0x31: {  	s2 =	sshrl.u32 s2, $0x1  }
0x32: {  	s2 =	smul.u32 $0x3, s2;
	_ =	sdelay $0x1  }
0x33: {  	s2 =	ssub.s32 s0, s2  }
0x34: {  	s2 =	smul.u32 $0x7D00, s2  }
0x35: {  	_ =	swait.ge [sflag:s7], $0x1F40  }
0x36: {  	[sflag:s7] =	ssyncset.done $0x0;
	s2 =	sshrl.u32 s2, $0x2  }
0x37: {  	[sflag:s7] =	ssyncadd.s32 $0xFFFFE0C0;
	(ifvalue) =	ssetifvalue $0xFFFFFFFF;
	v3 =	vld.msk [tilespmem:s2+$0x100 ss:$0x1], $0xffff;
	_ =	sdelay $0x2  }
0x38: {  	s30 =	smulhi.u32 $0xAAAAAAAB, s18;
	p1 =	sne.s32 s24, $0x1  }
0x39: {  	v4 =	vimm.s32 @!p1 $0x0  }
0x3a: {  	s2 =	sshrl.u32 s30, $0x1;
	v4 =	vperm.xlane @!p1 v3, v4  }
0x3b: {  	s22 =	sshll.u32 s24, $0x4;
	s2 =	smul.u32 $0xFFFE8900, s2;
	vm4 =	vlt.u32 v3, $0x2800  }
0x3c: {  	s22 =	sand.u32 $0x10, s22;
	v3 =	vnsel vm4, $0xFFFFFFFE, v3;
	vm4 =	vlt.u32 @!p1 v4, $0x2800  }
0x3d: {  	s2 =	sshra.s32 s2, $0x2;
	[tilespmem:s22+$0x60] =	vst v3;
	v3 =	vnsel @!p1 vm4, $0xFFFFFFFE, v4  }
0x3e: {  	s28 =	sadd.s32 s2, s17;
	[tilespmem:$0x80] =	vst @!p1 v3  }
0x3f: {  	v3 =	vld.msk [tilespmem:s28+$0x0 ss:$0x1], $0xffff;
	_ =	sdelay $0x4  }
0x40: {  	(xrf1) =	vunique.msk.u32 $0xffff, v3;
	_ =	sdelay $0xd  }
0x41: {  	v4 =	vimm.s32 $0xFFFFFFFF;
	v5, _, _ =	vpop (xrf1)  }
0x42: {  	vm5 =	vne.s32 v3, v4;
	vm4 =	veq.s32 v5, v2  }
0x43: {  	vm6 =	vlt.u32 v3, $0x2800;
	vm4 =	vmand vm5, vm4  }
0x44: {  	vm4 =	vmand vm6, vm4  }
0x45: {  	v4 =	vnsel vm4, $0xFFFFFFFF, v3  }
0x46: {  	s31 =	sand.u32 $0x1, s0  }
0x47: {  	s0 =	simm.s32 $0x1F40;
	p1 =	seq.s32 s31, $0x1  }
0x48: {  	s0 =	simm.s32 @!p1 $0x0  }
0x49: {  	s26 =	sadd.s32 $0x7DF0, s0;
	(ifvalue) =	ssetifvalue $0xFFFFFFFF  }
0x4a: {  	v3 =	vperm.xlane v3, v1;
	[tilespmem:s26], [sflag:$0x8] =	stream.indirect_vreg.gather [hbm4b:s1+s16], $0x1, v4, vm0, $0x4038;
	v4 =	vnsel vm6, $0xFFFFFFFE, v4;
	[tilespmem:$0x11A60] =	vst v63  }
0x4b: {  	s2 =	simm.s32 $0x0;
	s22 =	sadd.s32 $0xFFFFFFF0, s28;
	[tilespmem:s28+$0x0] =	vst v4  }
.LBB2_3:
0x4c: {  	v4 =	vld.msk [tilespmem:s22+$0x0 ss:$0x1], $0xffff;
	s2 =	sadd.s32 $0x10, s2;
	v5 =	vmov v3;
	s28 =	smov.u32 s22  }
0x4d: {  	p1 =	slt.u32 s2, $0x1F30;
	_ =	sdelay $0x4  }
0x4e: {  	v3 =	vperm.xlane v4, v1;
	(xrf1) =	vunique.msk.u32 $0xffff, v4;
	_ =	sdelay $0xd  }
0x4f: {  	v6, _, _ =	vpop (xrf1)  }
0x50: {  	vm5 =	vne.s32 v4, v5;
	vm4 =	veq.s32 v6, v2  }
0x51: {  	vm6 =	vlt.u32 v4, $0x2800;
	vm4 =	vmand vm5, vm4  }
0x52: {  	vm4 =	vmand vm6, vm4  }
0x53: {  	v4 =	vnsel vm4, $0xFFFFFFFF, v4  }
.Ltmp3:
0x54: {  	v5 =	vnsel vm6, $0xFFFFFFFE, v4;
	(pc) =	sbr.rel @p1 .LBB2_3-.Ltmp3, $3  }
0x55: {  	_ =	sdelay $0x1  }
0x56: {  	s22 =	sadd.s32 $0xFFFFFFF0, s22;
	s26 =	sadd.s32 $0xFFFFFFF0, s26;
	(ifvalue) =	ssetifvalue $0xFFFFFFFF  }
0x57: {  	[tilespmem:s26], [sflag:$0x8] =	stream.indirect_vreg.gather [hbm4b:s1+s16], $0x1, v4, vm0, $0x4038;
	[tilespmem:s28+$0x0] =	vst v5  }
0x58: {  	s2 =	sshrl.u32 s25, $0x3  }
0x59: {  	s0 =	sadd.s32 $0x9D40, s0;
	s2 =	sadd.s32 s6, s2  }
0x5a: {  	[tilespmem:s0], [sflag:$0x8] =	stream.linear.gather [hbm:s2], $0x1F40, $0x38;
	[tilespmem:$0x11A60] =	vst v63  }
.LBB2_5:
0x5b: {  	p1 =	slt.u32 s24, $0x2  }
0x5c: {  	p2 =	sge.u32 @!p1 s24, s12  }
0x5d: {  	p1 =	por p1, p2  }
.Ltmp4:
0x5e: {  	_ = 	snop;
	(pc) =	sbr.rel @p1 .LBB2_9-.Ltmp4, $1  }
0x5f: {  	_ =	sdelay $0x3  }
0x60: {  	s0 =	sadd.s32 $0xFFFFFFFE, s24  }
0x61: {  	s2 =	smulhi.u32 $0xAAAAAAAB, s0;
	_ =	sdelay $0x1  }
0x62: {  	s2 =	sshrl.u32 s2, $0x1  }
0x63: {  	s2 =	smul.u32 $0x3, s2;
	_ =	sdelay $0x1  }
0x64: {  	s0 =	ssub.s32 s0, s2  }
0x65: {  	_ =	swait.ge [sflag:s8], $0x3E80;
	s0 =	smul.u32 $0x1F40, s0  }
0x66: {  	p1 =	sne.s32 s24, s11;
	[sflag:s8] =	ssyncset.done $0x0  }
0x67: {  	[sflag:s8] =	ssyncadd.s32 $0xFFFFC180;
	s2 =	sadd.s32 @!p1 $0x203F, s0  }
0x68: {  	[spmem:s13] =	stream.linear.scatter @!p1 [tilespmem:s2], [sflag:$0x1], $0x1, $0x38;
	[tilespmem:$0x11A60] =	vst v63  }
0x69: {  	s2 =	simm.s32 @!p1 $0x1  }
0x6a: {  	_ =	swait.ge @!p1 [sflag:s2], $0x1  }
0x6b: {  	s22 =	sshll.u32 s24, $0x4;
	[sflag:s2] =	ssyncset.done @!p1 $0x0  }
0x6c: {  	s25 =	sand.u32 $0x10, s22;
	[sflag:s2] =	ssyncadd.s32 @!p1 $0xFFFFFFFF  }
0x6d: {  	s2 =	sxor.u32 $0x10, s25;
	v4 =	vld [tilespmem:s25+$0x10]  }
0x6e: {  	v5 =	vld [tilespmem:s2+$0x60]  }
0x6f: {  	v3 =	vld [tilespmem:$0x80];
	_ =	sdelay $0x2  }
0x70: {  	(v2sf) =	vpush v4, $0x0  }
0x71: {  	(v2sf) =	vpush v5, $0x0  }
0x72: {  	(v2sf) =	vpush v3, $0x0;
	_ =	sdelay $0xc  }
0x73: {  	s22 =	spop (v2sf)  }
0x74: {  	s26 =	spop (v2sf)  }
0x75: {  	s28 =	spop (v2sf)  }
0x76: {  	p2 =	seq.s32 s22, s26;
	p3 =	seq.s32 s28, s22  }
0x77: {  	p3 =	por p2, p3  }
0x78: {  	s26 =	sand.u32 $0x1, s24;
	v4 =	vpsel p3, $0xFFFFFFFF, v4  }
0x79: {  	s29 =	smul.u32 $0x1F40, s26;
	[tilespmem:s25+$0x10] =	vst.msk $0x1, v4  }
0x7a: {  	v4 =	vld [tilespmem:$0x30]  }
0x7b: {  	v5 =	vld [tilespmem:s29+$0x9D40]  }
0x7c: {  	v6 =	vld [tilespmem:s25+$0x40];
	_ =	sdelay $0x3  }
0x7d: {  	vm4 =	vmmov vm1;
	v5 =	vadd.f32 v5, v4  }
0x7e: {  	vm5 =	vmmov vm2;
	vm4 =	vmmov @p2 vm2;
	s22 =	sshll.u32 s26, $0x4;
	v4 =	vadd.f32 v6, v4  }
0x7f: {  	s26 =	sor.u32 $0x11A40, s22;
	vm5 =	vmmov @p3 vm1;
	[tilespmem:s29+$0x9D40] =	vst.msk vm4, v5  }
0x80: {  	[tilespmem:s26+$0x0] =	vst.msk vm5, v4  }
0x81: {  	v4 =	vld [tilespmem:s29+$0x7DF0];
	_ =	sdelay $0x3  }
0x82: {  	v5 =	vimm.f32 $0.0e+00  }
0x83: {  	v4 =	vshift.insert v4, v5, s21  }
0x84: {  	s22 =	sor.u32 $0x40, s2  }
0x85: {  	[tilespmem:s22+$0x0] =	vst.msk $0x1, v4  }
0x86: {  	[tilespmem:s29+$0x7DFF] =	vst.msk $0x1, v5  }
0x87: {  	v4 =	vld [tilespmem:s0+$0x2030];
	_ =	sdelay $0x1  }
0x88: {  	s22 =	smulhi.u32 $0xAAAAAAAB, s20;
	s0 =	simm.s32 $0x1  }
0x89: {  	s0 =	simm.s32 @!p0 $0x0  }
0x8a: {  	s22 =	sshrl.u32 s22, $0x1;
	s0 =	smul.u32 $0x7D00, s0  }
0x8b: {  	s22 =	smul.u32 $0xFFFE8900, s22;
	v4 =	vshift.insert v4, v1, s21  }
0x8c: {  	s0 =	sshrl.u32 s0, $0x2  }
0x8d: {  	s22 =	sshra.s32 s22, $0x2;
	s30 =	sadd.s32 $0x9D40, s0;
	[tilespmem:s2+$0x10] =	vst.msk $0x1, v4  }
0x8e: {  	s22 =	sadd.s32 s22, s19;
	v6 =	vld [tilespmem:s30+$0x0]  }
0x8f: {  	v7 =	vld [tilespmem:s22+$0x0];
	_ =	sdelay $0x3  }
0x90: {  	v5 =	vadd.f32 v6, v5  }
0x91: {  	vm4 =	vne.s32 v7, $0xFFFFFFFF  }
0x92: {  	(xrf2) =	vadd.seg.scan.f32 vm4, v5;
	_ =	sdelay $0x3  }
0x93: {  	s31 =	sadd.s32 $0x5EC0, s0;
	v5 =	vperm.xlane v4, v1  }
0x94: {  	v6 =	vld [tilespmem:s31+$0x0]  }
0x95: {  	vm5 =	veq.s32 v7, v3;
	vm6 =	veq.s32 v7, v5  }
0x96: {  	vm7 =	vgt.u32 v7, $0xFFFFFFFD;
	vm6 =	vmor vm6, vm5  }
0x97: {  	vm6 =	vmor vm6, vm7  }
0x98: {  	v9 =	vld [tilespmem:$0xA0];
	v7 =	vsel vm6, $0xFFFFFFFF, v7  }
0x99: {  	v10 =	vld [tilespmem:$0x90];
	v6 =	vsel vm5, $0x0, v6;
	v8, _, _ =	vpop (xrf2)  }
0x9a: {  	v6 =	vadd.f32 v8, v6  }
0x9b: {  	s0 =	sadd.s32 $0xDBC0, s0  }
0x9c: {  	vm4 =	vmand vm4, vm3;
	[tilespmem:s0+$0x0] =	vst v6;
	(ifvalue) =	ssetifvalue $0xFFFFFFFF  }
0x9d: {  	vm6 =	veq.s32 v9, $0x1;
	[hbm4b:s1+s16] =	stream.indirect_vreg.scatter [tilespmem:s0], [sflag:$0x2], $0x1, v7, vm0, $0x4038;
	v7 =	vsel vm4, $0x0, v8;
	[tilespmem:$0x11A60] =	vst v63  }
0x9e: {  	s2 =	simm.s32 $0x0;
	s22 =	sadd.s32 $0x10, s22;
	vm4 =	vmor vm6, vm5;
	v6 =	vsel vm5, v8, v10;
	v7 =	vshift.insert v7, v0, s21  }
.LBB2_7:
0x9f: {  	v8 =	vld [tilespmem:s22+$0x0];
	s30 =	sadd.s32 $0x10, s30  }
0xa0: {  	s31 =	sadd.s32 $0x10, s31;
	v9 =	vld [tilespmem:s30+$0x0]  }
0xa1: {  	s2 =	sadd.s32 $0x10, s2;
	v10 =	vld [tilespmem:s31+$0x0]  }
0xa2: {  	p2 =	slt.u32 s2, $0x1F30;
	_ =	sdelay $0x2  }
0xa3: {  	v7 =	vadd.f32 v9, v7  }
0xa4: {  	vm5 =	vne.s32 v8, $0xFFFFFFFF  }
0xa5: {  	vm6 =	vmand vm5, vm3;
	(xrf2) =	vadd.seg.scan.f32 vm5, v7;
	_ =	sdelay $0x5  }
0xa6: {  	vm7 =	veq.s32 v8, v5;
	vm5 =	veq.s32 v8, v3  }
0xa7: {  	vm8 =	vgt.u32 v8, $0xFFFFFFFD;
	vm4 =	vmor vm4, vm5;
	vm7 =	vmor vm7, vm5  }
0xa8: {  	vm7 =	vmor vm7, vm8  }
0xa9: {  	v8 =	vsel vm7, $0xFFFFFFFF, v8  }
.Ltmp5:
0xaa: {  	v7 =	vsel vm5, $0x0, v10;
	v9, _, _ =	vpop (xrf2);
	(pc) =	sbr.rel @p2 .LBB2_7-.Ltmp5, $4  }
0xab: {  	v6 =	vsel vm5, v9, v6;
	v10 =	vadd.f32 v9, v7;
	v7 =	vsel vm6, $0x0, v9  }
0xac: {  	s0 =	sadd.s32 $0x10, s0;
	v7 =	vshift.insert v7, v0, s21  }
0xad: {  	s22 =	sadd.s32 $0x10, s22;
	[tilespmem:s0+$0x0] =	vst v10;
	(ifvalue) =	ssetifvalue $0xFFFFFFFF  }
0xae: {  	[hbm4b:s1+s16] =	stream.indirect_vreg.scatter [tilespmem:s0], [sflag:$0x2], $0x1, v8, vm0, $0x4038;
	[tilespmem:$0x11A60] =	vst v63  }
0xaf: {  	v3 =	vld [tilespmem:s29+$0xFAF0];
	_ =	sdelay $0x4  }
0xb0: {  	v3 =	vshift.insert v3, v0, s21  }
0xb1: {  	s0 =	simm.s32 $0x30  }
0xb2: {  	[tilespmem:s0+$0x0] =	vst.msk $0x1, v3  }
0xb3: {  	v3 =	vsel vm4, $0x1, v1;
	[tilespmem:$0x90] =	vst v6  }
0xb4: {  	s0 =	sadd.s32 @!p1 $0xFAFF, s29;
	[tilespmem:$0xA0] =	vst v3  }
0xb5: {  	[spmem:s14] =	stream.linear.scatter @!p1 [tilespmem:s0], [sflag:$0x1], $0x1, $0x38;
	[tilespmem:$0x11A60] =	vst v63  }
0xb6: {  	s0 =	simm.s32 @!p1 $0x1  }
0xb7: {  	v3 =	vmctz.xlane @!p1 vm4;
	_ =	swait.ge @!p1 [sflag:s0], $0x1  }
0xb8: {  	(v2sf) =	vpush @!p1 v4, $0x0  }
0xb9: {  	(v2sf) =	vpush @!p1 v3, $0x0;
	_ =	sdelay $0xd  }
0xba: {  	s2 =	spop @!p1 (v2sf)  }
0xbb: {  	s22 =	spop @!p1 (v2sf)  }
0xbc: {  	p2 =	sne.s32 @!p1 s28, s2;
	p3 =	slt.s32 @!p1 s22, $0xF  }
0xbd: {  	[sflag:s0] =	ssyncset.done @!p1 $0x0;
	p2 =	por p2, p1;
	p3 =	por !p3, p1  }
0xbe: {  	[sflag:s0] =	ssyncadd.s32 @!p1 $0xFFFFFFFF;
	v3 =	vimm.s32 @!p2 $0xFFFFFFFF;
	s22 =	simm.s32 @p3 $0xF  }
0xbf: {  	[tilespmem:$0x80] =	vst @!p2 v3;
	s2 =	sadd.s32 @!p1 $0x90, s22  }
0xc0: {  	[spmem:s10] =	stream.linear.scatter @!p1 [tilespmem:s2], [sflag:$0x1], $0x1, $0x38;
	[tilespmem:$0x11A60] =	vst v63  }
0xc1: {  	_ =	swait.ge @!p1 [sflag:s0], $0x1  }
0xc2: {  	[sflag:s0] =	ssyncset.done @!p1 $0x0  }
0xc3: {  	s2 =	simm.s32 @!p1 $0x80;
	[sflag:s0] =	ssyncadd.s32 @!p1 $0xFFFFFFFF  }
0xc4: {  	[spmem:s15] =	stream.linear.scatter @!p1 [tilespmem:s2], [sflag:$0x1], $0x1, $0x38;
	[tilespmem:$0x11A60] =	vst v63  }
0xc5: {  	_ =	swait.ge @!p1 [sflag:s0], $0x1  }
0xc6: {  	[sflag:s0] =	ssyncset.done @!p1 $0x0  }
0xc7: {  	[sflag:s0] =	ssyncadd.s32 @!p1 $0xFFFFFFFF;
	(ifvalue) =	ssetifvalue $0xFFFFFFFF;
	v3 =	vld [tilespmem:s25+$0x10];
	_ =	sdelay $0x3  }
.Ltmp6:
0xc8: {  	_ = 	snop;
	(pc) =	sbr.rel .LBB2_9-.Ltmp6, $3  }
0xc9: {  	_ =	sdelay $0x1  }
0xca: {  	(ifvalue) =	ssetifvalue $0xFFFFFFFF  }
0xcb: {  	[hbm4b:s1+s16] =	stream.indirect_vreg.scatter [tilespmem:s26], [sflag:$0x9], $0x1, v3, vm0, $0x4038;
	[tilespmem:$0x11A60] =	vst v63  }
.LBB2_10:
0xcc: {  	_ =	sfence.sel $0x180000  }
0xcd: {  	s0 =	simm.s32 $0x7;
	[bflag:$0x0] =	sbarrier.arrive $0xFFFF  }
0xce: {  	s26 =	simm.s32 $0x8;
	[sflag:s0] =	ssyncpa.u1 $0x1  }
0xcf: {  	s28 =	simm.s32 $0x9;
	[sflag:s26] =	ssyncpa.u1 $0x1  }
0xd0: {  	[sflag:s28] =	ssyncpa.u1 $0x1  }
0xd1: {  	_ =	sfence.stream.spmem  }
0xd2: {  	s29 =	simm.s32 $0x3;
	[bflag:$0x0] =	sbarrier.arrive $0xFFFF  }
0xd3: {  	s30 =	simm.s32 $0x4;
	[sflag:s29] =	ssyncpa.u1 $0x1  }
0xd4: {  	s31 =	simm.s32 $0x3C;
	s2 =	stileid.u32;
	[sflag:s30] =	ssyncpa.u1 $0x1  }
0xd5: {  	p0 =	sne.s32 s2, $0x0;
	[sflag:s31] =	ssyncpa.u1 $0x1  }
0xd6: {  	s0 =	simm.s32 @p0 $0x1;
	_ =	sfence @p0  }
0xd7: {  	[sflag:s0] =	ssyncpa.u1 @p0 $0x1;
	s0 =	simm.s32 @p0 $0x2  }
0xd8: {  	[sflag:s0] =	ssyncpa.u1 @p0 $0x1  }
0xd9: {  	_ =	strace @p0 $0x90000047  }
0xda: {  	[bflag:$0x2] =	sbarrier.arrive @p0 $0xFFFF  }
0xdb: {  	_ =	shalt @p0  }
.LBB2_11:
0xdc: {  	_ =	sfence.stream.spmem;
	s0 =	simm.s32 $0x5  }
0xdd: {  	s2 =	simm.s32 $0x80;
	s3 =	simm.s32 $0xC0;
	[sflag:s0] =	ssyncpa.u1 $0x0  }
0xde: {  	[tilespmem:s3], [sflag:$0x5] =	stream.linear.gather [spmem:s2], $0x20, $0x38;
	[tilespmem:$0x11A60] =	vst v63  }
0xdf: {  	s2 =	simm.s32 $0x0;
	s3 =	simm.s32 $0xE0  }
0xe0: {  	[tilespmem:s3], [sflag:$0x5] =	stream.linear.gather [spmem:s2], $0x20, $0x38;
	[tilespmem:$0x11A60] =	vst v63  }
.Ltmp7:
0xe1: {  	_ = 	snop;
	(pc) =	sbr.rel .LBB2_12-.Ltmp7, $4  }
0xe2: {  	_ =	swait.ge [sflag:s0], $0x40  }
0xe3: {  	[sflag:s0] =	ssyncset.done $0x0  }
0xe4: {  	s31 =	simm.s32 $0x6;
	[sflag:s0] =	ssyncadd.s32 $0xFFFFFFC0  }
0xe5: {  	s4 =	simm.s32 $0x0;
	[sflag:s31] =	ssyncpa.u1 $0x0  }
.LBB2_17:
0xe6: {  	p0 =	sgt.u32 s5, $0x27FF  }
0xe7: {  	s0 =	sshrl.u32 @!p0 s5, $0x3  }
0xe8: {  	s5 =	sand.u32 @!p0 $0x7, s5;
	s6 =	simm.s32 @!p0 $0xB0;
	s0 =	sadd.s32 @!p0 s1, s0  }
0xe9: {  	[tilespmem:s6], [sflag:$0x6] =	stream.linear.gather @!p0 [hbm4b:s0+s5], $0x1, $0x38;
	[tilespmem:$0x11A60] =	vst v63  }
0xea: {  	s0 =	simm.s32 @!p0 $0x6  }
0xeb: {  	_ =	swait.ge @!p0 [sflag:s0], $0x1  }
0xec: {  	[sflag:s0] =	ssyncset.done @!p0 $0x0  }
0xed: {  	[sflag:s0] =	ssyncadd.s32 @!p0 $0xFFFFFFFF  }
0xee: {  	v2 =	vmov @!p0 s4;
	v1 =	vld.msk @!p0 [tilespmem:$0xB0], $0x1;
	_ =	sdelay $0x3  }
0xef: {  	s0 =	simm.s32 @!p0 $0xE0  }
0xf0: {  	[tilespmem:v2+s0+$0x0], v1 =	vst.idx.ret.add.f32.msk @!p0 $0x1, v1  }
0xf1: {  	[tilespmem:s2+$0xC0] =	vst.msk $0x1, v0  }
0xf2: {  	v0 =	vld.msk [tilespmem:s4+$0xE0], $0x1;
	_ =	sdelay $0x4  }
0xf3: {  	[tilespmem:s2+$0xE0] =	vst.msk $0x1, v0;
	s2 =	sadd.s32 $0x1, s2  }
.LBB2_19:
0xf4: {  	s4 =	sadd.s32 $0x1, s4  }
0xf5: {  	p0 =	sne.s32 s4, $0x20  }
.Ltmp8:
0xf6: {  	_ = 	snop;
	(pc) =	sbr.rel @!p0 .LBB2_20-.Ltmp8, $1  }
0xf7: {  	_ =	sdelay $0x3  }
.LBB2_12:
0xf8: {  	v0 =	vld.msk [tilespmem:s4+$0xC0], $0x1;
	_ =	sdelay $0x4  }
0xf9: {  	(v2sf) =	vpush v0, $0x0;
	_ =	sdelay $0xe  }
0xfa: {  	s5 =	spop (v2sf)  }
0xfb: {  	p0 =	seq.s32 s5, $0xFFFFFFFF  }
.Ltmp9:
0xfc: {  	_ = 	snop;
	(pc) =	sbr.rel @p0 .LBB2_19-.Ltmp9, $1  }
0xfd: {  	_ =	sdelay $0x3  }
0xfe: {  	p0 =	slt.s32 s2, $0x1  }
.Ltmp10:
0xff: {  	_ = 	snop;
	(pc) =	sbr.rel @p0 .LBB2_17-.Ltmp10, $1  }
0x100: {  	_ =	sdelay $0x3  }
0x101: {  	s0 =	simm.s32 $0xC0;
	p0 =	por $0x0, $0x0  }
0x102: {  	v1 =	vld.msk @!p0 [tilespmem:s0+$0x0], $0x1;
	_ =	sdelay $0x4  }
0x103: {  	(v2sf) =	vpush @!p0 v1, $0x0;
	_ =	sdelay $0xd  }
0x104: {  	p2 =	sne.s32 s2, $0x1  }
.Ltmp11:
0x105: {  	s6 =	spop @!p0 (v2sf);
	(pc) =	sbr.rel @!p2 .LBB2_16-.Ltmp11, $4  }
0x106: {  	p1 =	seq.s32 @!p0 s5, s6  }
0x107: {  	s6 =	simm.s32 $0x0;
	p1 =	por !p1, p0  }
0x108: {  	s8 =	simm.s32 $0xFFFFFFFF;
	s6 =	simm.s32 @p1 $0xFFFFFFFF  }
0x109: {  	s7 =	simm.s32 $0x1;
	s6 =	smov.u32 @p0 s8  }
.LBB2_15:
0x10a: {  	s8 =	smov.u32 s6;
	p0 =	sne.s32 s6, $0xFFFFFFFF  }
0x10b: {  	s0 =	sadd.s32 $0x1, s0;
	s6 =	smov.u32 s7;
	s7 =	sadd.s32 $0x1, s7  }
0x10c: {  	p1 =	sne.s32 s2, s7;
	v1 =	vld.msk @!p0 [tilespmem:s0+$0x0], $0x1;
	_ =	sdelay $0x4  }
0x10d: {  	(v2sf) =	vpush @!p0 v1, $0x0;
	_ =	sdelay $0xe  }
.Ltmp12:
0x10e: {  	s9 =	spop @!p0 (v2sf);
	(pc) =	sbr.rel @p1 .LBB2_15-.Ltmp12, $4  }
0x10f: {  	p2 =	seq.s32 @!p0 s5, s9  }
0x110: {  	p2 =	por !p2, p0  }
0x111: {  	s6 =	simm.s32 @p2 $0xFFFFFFFF  }
0x112: {  	s6 =	smov.u32 @p0 s8  }
.LBB2_16:
0x113: {  	p0 =	sne.s32 s6, $0xFFFFFFFF  }
.Ltmp13:
0x114: {  	_ = 	snop;
	(pc) =	sbr.rel @!p0 .LBB2_17-.Ltmp13, $1  }
0x115: {  	_ =	sdelay $0x3  }
0x116: {  	v0 =	vld.msk [tilespmem:s4+$0xE0], $0x1;
	v1 =	vmov s6  }
.Ltmp14:
0x117: {  	_ = 	snop;
	(pc) =	sbr.rel .LBB2_19-.Ltmp14, $2  }
0x118: {  	_ =	sdelay $0x2  }
0x119: {  	[tilespmem:v1+s3+$0x0], v0 =	vst.idx.ret.add.f32.msk $0x1, v0  }
.LBB2_20:
0x11a: {  	p0 =	slt.s32 s2, $0x1  }
.Ltmp15:
0x11b: {  	_ = 	snop;
	(pc) =	sbr.rel @p0 .LBB2_24-.Ltmp15, $3  }
0x11c: {  	_ =	sdelay $0x1  }
0x11d: {  	s0 =	simm.s32 $0x6  }
0x11e: {  	s3 =	simm.s32 $0x0;
	[sflag:s0] =	ssyncpa.u1 $0x1  }
0x11f: {  	s0 =	simm.s32 $0xC0  }
0x120: {  	v0 =	vld.msk [tilespmem:s0+$0x0], $0x1;
	_ =	sdelay $0x4  }
0x121: {  	(v2sf) =	vpush v0, $0x0;
	_ =	sdelay $0xe  }
0x122: {  	s2 =	sadd.s32 $0xFFFFFFFF, s2;
	s4 =	spop (v2sf)  }
0x123: {  	p1 =	sne.s32 s2, $0x0;
	p0 =	sgt.u32 s4, $0x27FF  }
.Ltmp16:
0x124: {  	s5 =	sshrl.u32 @!p0 s4, $0x3;
	(pc) =	sbr.rel @!p1 .LBB2_23-.Ltmp16, $4  }
0x125: {  	s0 =	simm.s32 $0xE0;
	s4 =	sand.u32 @!p0 $0x7, s4;
	s5 =	sadd.s32 @!p0 s1, s5  }
0x126: {  	[hbm4b:s5+s4] =	stream.linear.scatter @!p0 [tilespmem:s0], [sflag:$0x5], $0x1, $0x38;
	[tilespmem:$0x11A60] =	vst v63  }
0x127: {  	s5 =	simm.s32 $0x0  }
0x128: {  	s4 =	simm.s32 $0xC1;
	s5 =	simm.s32 @!p0 $0x4  }
.LBB2_22:
0x129: {  	v0 =	vld.msk [tilespmem:s4+$0x0], $0x1;
	s2 =	sadd.s32 $0xFFFFFFFF, s2;
	s3 =	sadd.s32 s3, s5  }
0x12a: {  	p0 =	sne.s32 s2, $0x0;
	_ =	sdelay $0x3  }
0x12b: {  	(v2sf) =	vpush v0, $0x0;
	_ =	sdelay $0xe  }
.Ltmp17:
0x12c: {  	s6 =	spop (v2sf);
	(pc) =	sbr.rel @p0 .LBB2_22-.Ltmp17, $4  }
0x12d: {  	s5 =	simm.s32 $0x0;
	p1 =	sgt.u32 s6, $0x27FF  }
0x12e: {  	s0 =	sadd.s32 $0x1, s0;
	s5 =	simm.s32 @!p1 $0x4;
	s7 =	sshrl.u32 @!p1 s6, $0x3  }
0x12f: {  	s4 =	sadd.s32 $0x1, s4;
	s6 =	sand.u32 @!p1 $0x7, s6;
	s7 =	sadd.s32 @!p1 s1, s7  }
0x130: {  	[hbm4b:s7+s6] =	stream.linear.scatter @!p1 [tilespmem:s0], [sflag:$0x5], $0x1, $0x38;
	[tilespmem:$0x11A60] =	vst v63  }
.LBB2_23:
0x131: {  	s0 =	sadd.s32 s3, s5  }
0x132: {  	s3 =	sshrl.u32 s0, $0x2  }
.LBB2_24:
0x133: {  	s0 =	simm.s32 $0x5  }
0x134: {  	_ =	swait.ge [sflag:s0], s3  }
0x135: {  	s1 =	ssub.s32 $0x0, s3;
	[sflag:s0] =	ssyncset.done $0x0  }
0x136: {  	[sflag:s0] =	ssyncadd.s32 s1  }
0x137: {  	[sflag:s0] =	ssyncpa.u1 $0x1  }
0x138: {  	s29 =	simm.s32 $0x1;
	_ =	sfence  }
0x139: {  	s30 =	simm.s32 $0x2;
	[sflag:s29] =	ssyncpa.u1 $0x1  }
0x13a: {  	[sflag:s30] =	ssyncpa.u1 $0x1  }
0x13b: {  	_ =	strace $0x90000047  }
0x13c: {  	[bflag:$0x2] =	sbarrier.arrive $0xFFFF  }
0x13d: {  	s31 =	rddreg [dreg:$0x1]  }
0x13e: {  	s0 =	sadd.s32 $0x100000, s31  }
0x13f: {  	[sflag:s0] =	ssyncadd.tile.s32 $0x1;
	_ =	shalt  }
.Lfunc_end2:
_tile_overlayer_lowered:
.L_overlay_start_2:
0x140: {  	(tag) =	ssettag $0x2  }
0x141: {  	s0 =	rddreg [dreg:$0x0];
	s2 =	stileid.u32  }
0x142: {  	s1 =	rddreg [dreg:$0x1];
	p0 =	sne.s32 s2, $0x0  }
0x143: {  	s3 =	rddreg [dreg:$0x2];
	[bflag:$0x3] =	sbarrier.arrive $0xFFFF;
	s2 =	simm.s32 @!p0 $0x1C01  }
0x144: {  	[timem:s3], [sflag:s2] =	dma.local @!p0 [hbm:s0], s1  }
0x145: {  	s0 =	simm.s32 @!p0 $0x1  }
0x146: {  	_ =	swait.ge @!p0 [sflag:s0], s1  }
0x147: {  	s1 =	ssub.s32 @!p0 $0x0, s1;
	[sflag:s0] =	ssyncset.done @!p0 $0x0  }
0x148: {  	[sflag:s0] =	ssyncadd.s32 @!p0 s1  }
0x149: {  	[bflag:$0x3] =	sbarrier.arrive $0xFFFF  }
0x14a: {  	_ =	shalt  }

// kernel: scatter_offload_async_start.2
scs
__scs_entry_jumppad:
0x0: {  	(pc) =	sbr.rel $0x88, $3  }
0x1: {  	(tag) =	ssettag $0x0;
	lr =	simm.s32 $0x1  }
0x2: {  	[smem:$0x3F6E] =	sst lr;
	_ =	strace $0xD0000000  }
0x3: {  	_ = 	snop  }
0x4: {  	_ = 	snop  }
0x5: {  	_ = 	snop  }
0x6: {  	_ = 	snop  }
0x7: {  	_ = 	snop  }
__scs_overlays_trampoline_lowered:
0x8: {  	[smem:$0x3F7D] =	sst s0  }
0x9: {  	[smem:$0x3F7E] =	sst s1  }
0xa: {  	[smem:$0x3F7F] =	sst s2  }
0xb: {  	[smem:$0x3F80] =	sst s3  }
0xc: {  	[smem:$0x3F81] =	sst s4  }
0xd: {  	[smem:$0x3F82] =	sst s5  }
0xe: {  	[smem:$0x3F83] =	sst s6  }
0xf: {  	[smem:$0x3F84] =	sst s7  }
0x10: {  	[smem:$0x3F85] =	sst s8  }
0x11: {  	[smem:$0x3F86] =	sst s9;
	s0 =	simm.s32 @!p0 $0x0  }
0x12: {  	s1 =	sld [smem:$0x3F6C];
	s0 =	simm.s32 @p0 $0x1  }
0x13: {  	[smem:$0x3F87] =	sst s0;
	s0 =	simm.s32 @!p1 $0x0  }
0x14: {  	s2 =	sld [smem:$0x3F6B];
	s0 =	simm.s32 @p1 $0x1  }
0x15: {  	[smem:$0x3F88] =	sst s0;
	s0 =	simm.s32 @!p2 $0x0  }
0x16: {  	s3 =	sld [smem:$0x3FDB];
	s0 =	simm.s32 @p2 $0x1  }
0x17: {  	s4 =	simm.s32 $0x1BF5;
	[smem:$0x3F8A] =	sst s0  }
0x18: {  	s0 =	sld [smem:$0x3F6D];
	_ =	swait.ge [sflag:s4], $0x0  }
0x19: {  	s7 =	sld [smem:$0x3F6E]  }
0x1a: {  	s8 =	sadd.s32 $0xFFFFE003, lr  }
0x1b: {  	s9 =	sadd.s32 $0xFFFFFEF7, lr;
	s5 =	simm.s32 $0xFFFFFFFF;
	p2 =	slt.u32 s8, $0xFFFFF086  }
0x1c: {  	p1 =	slt.u32 s9, $0xF7A;
	s5 =	simm.s32 @!p2 $0x0  }
0x1d: {  	s5 =	simm.s32 @p1 $0x1;
	p0 =	seq.s32 s7, s2  }
0x1e: {  	s7 =	smul.u32 @!p0 $0xF7A, s2;
	p2 =	seq.s32 @!p0 s5, $0x0  }
0x1f: {  	s9 =	smul.u32 $0xF7A, s1;
	s8 =	simm.s32 @!p0 $0x1BF5;
	p2 =	por !p2, p0  }
0x20: {  	[sflag:s8] =	ssyncset.s32 @!p0 $0xFFFFF086;
	s6 =	sadd.s32 @!p0 s3, s7;
	s7 =	simm.s32 @!p0 $0x108  }
0x21: {  	s3 =	sadd.s32 s3, s9;
	s6 =	sadd.s32 @!p0 $0x88, s6;
	s7 =	simm.s32 @p2 $0x1082  }
0x22: {  	[simem:s7], [sflag:s8] =	dma.local @!p0 [hbm:s6], $0xF7A  }
0x23: {  	s9 =	sor.u32 $0xD0000000, s2;
	s6 =	simm.s32 $0x108;
	_ =	swait.ge @!p0 [sflag:s8], $0x0  }
0x24: {  	s3 =	sadd.s32 $0x88, s3;
	s6 =	simm.s32 @!p1 $0x1082;
	[sflag:s4] =	ssyncset.s32 $0xFFFFF086  }
0x25: {  	[simem:s6], [sflag:s4] =	dma.local [hbm:s3], $0xF7A  }
0x26: {  	[smem:$0x3F6E] =	sst s1;
	(tag) =	ssettag s2;
	_ =	strace s9  }
0x27: {  	s1 =	sld [smem:$0x3F7E]  }
0x28: {  	s2 =	sld [smem:$0x3F7F]  }
0x29: {  	s4 =	sld [smem:$0x3F81]  }
0x2a: {  	p0 =	seq.s32 s5, $0x0;
	s5 =	sld [smem:$0x3F82]  }
0x2b: {  	s6 =	sld [smem:$0x3F83]  }
0x2c: {  	s7 =	sld [smem:$0x3F84]  }
0x2d: {  	s3 =	simm.s32 $0x108;
	s8 =	sld [smem:$0x3F85]  }
0x2e: {  	s3 =	simm.s32 @!p0 $0x1082;
	s9 =	sld [smem:$0x3F86]  }
0x2f: {  	lr =	sadd.s32 s0, s3;
	s0 =	sld [smem:$0x3F7D]  }
0x30: {  	s3 =	sld [smem:$0x3F80]  }
0x31: {  	[smem:$0x3F89] =	sst s10  }
0x32: {  	s10 =	sld [smem:$0x3F87];
	_ =	sdelay $0x3  }
0x33: {  	p0 =	seq.s32 s10, $0x1;
	s10 =	sld [smem:$0x3F89];
	_ =	sdelay $0x3  }
0x34: {  	[smem:$0x3F89] =	sst s10  }
0x35: {  	s10 =	sld [smem:$0x3F88];
	_ =	sdelay $0x3  }
0x36: {  	p1 =	seq.s32 s10, $0x1;
	s10 =	sld [smem:$0x3F89];
	_ =	sdelay $0x3  }
0x37: {  	[smem:$0x3F89] =	sst s10  }
0x38: {  	s10 =	sld [smem:$0x3F8A]  }
0x39: {  	_ = 	snop;
	(pc) =	sbr.ind lr, $3  }
0x3a: {  	_ = 	snop  }
0x3b: {  	_ = 	snop  }
0x3c: {  	p2 =	seq.s32 s10, $0x1;
	s10 =	sld [smem:$0x3F89]  }
0x3d: {  	_ =	shalt  }
0x3e: {  	_ =	shalt  }
0x3f: {  	_ =	shalt  }
0x40: {  	_ =	shalt  }
0x41: {  	_ =	shalt  }
0x42: {  	_ =	shalt  }
0x43: {  	_ =	shalt  }
0x44: {  	_ =	shalt  }
0x45: {  	_ =	shalt  }
0x46: {  	_ =	shalt  }
0x47: {  	_ =	shalt  }
0x48: {  	_ =	shalt  }
0x49: {  	_ =	shalt  }
0x4a: {  	_ =	shalt  }
0x4b: {  	_ =	shalt  }
0x4c: {  	_ =	shalt  }
0x4d: {  	_ =	shalt  }
0x4e: {  	_ =	shalt  }
0x4f: {  	_ =	shalt  }
0x50: {  	_ =	shalt  }
0x51: {  	_ =	shalt  }
0x52: {  	_ =	shalt  }
0x53: {  	_ =	shalt  }
0x54: {  	_ =	shalt  }
0x55: {  	_ =	shalt  }
0x56: {  	_ =	shalt  }
0x57: {  	_ =	shalt  }
0x58: {  	_ =	shalt  }
0x59: {  	_ =	shalt  }
0x5a: {  	_ =	shalt  }
0x5b: {  	_ =	shalt  }
0x5c: {  	_ =	shalt  }
0x5d: {  	_ =	shalt  }
0x5e: {  	_ =	shalt  }
0x5f: {  	_ =	shalt  }
0x60: {  	_ =	shalt  }
0x61: {  	_ =	shalt  }
0x62: {  	_ =	shalt  }
0x63: {  	_ =	shalt  }
0x64: {  	_ =	shalt  }
0x65: {  	_ =	shalt  }
0x66: {  	_ =	shalt  }
0x67: {  	_ =	shalt  }
0x68: {  	_ =	shalt  }
0x69: {  	_ =	shalt  }
0x6a: {  	_ =	shalt  }
0x6b: {  	_ =	shalt  }
0x6c: {  	_ =	shalt  }
0x6d: {  	_ =	shalt  }
0x6e: {  	_ =	shalt  }
0x6f: {  	_ =	shalt  }
0x70: {  	_ =	shalt  }
0x71: {  	_ =	shalt  }
0x72: {  	_ =	shalt  }
0x73: {  	_ =	shalt  }
0x74: {  	_ =	shalt  }
0x75: {  	_ =	shalt  }
0x76: {  	_ =	shalt  }
0x77: {  	_ =	shalt  }
0x78: {  	_ =	shalt  }
0x79: {  	_ =	shalt  }
0x7a: {  	_ =	shalt  }
0x7b: {  	_ =	shalt  }
0x7c: {  	_ =	shalt  }
0x7d: {  	_ =	shalt  }
0x7e: {  	_ =	shalt  }
0x7f: {  	_ =	shalt  }
0x80: {  	_ =	shalt  }
0x81: {  	_ =	shalt  }
0x82: {  	_ =	shalt  }
0x83: {  	_ =	shalt  }
0x84: {  	_ =	shalt  }
0x85: {  	_ =	shalt  }
0x86: {  	_ =	shalt  }
0x87: {  	_ =	shalt  }
.Lfunc_end0:
.L_simem_size_0:
called_computation.2_lowered:
.L_overlay_start_0:
0x88: {  	s0 =	sld [smem:$0x3FD9]  }
0x89: {  	s1 =	sld [smem:$0x3FFE];
	_ =	sdelay $0x3  }
0x8a: {  	s0 =	sadd.s32 s1, s0  }
0x8b: {  	[smem:$0x3F95] =	sst s0  }
0x8c: {  	_ = 	snop  }
0x8d: {  	s0 =	sld [smem:$0x3FD0];
	(tm) =	ssettm $0x1  }
0x8e: {  	s16 =	sld [smem:$0x3FFB];
	_ =	sdelay $0x3  }
0x8f: {  	_ =	strace s16  }
0x90: {  	s1 =	sld [smem:$0x3FFC];
	_ =	sdelay $0x3  }
0x91: {  	_ =	strace s1  }
0x92: {  	s1 =	sld [smem:$0x3FFD];
	_ =	sdelay $0x3  }
0x93: {  	_ =	strace s1  }
0x94: {  	_ =	strace $0x8FFFFFFF  }
0x95: {  	s17 =	sld [smem:$0x3FDB];
	_ =	sdelay $0x1  }
0x96: {  	s2 =	simm.s32 $_scs_section_size  }
0x97: {  	s3 =	simm.s32 $_size__tile_overlayer_lowered;
	s4 =	simm.s32 $_tile_overlayer_lowered  }
0x98: {  	s20 =	simm.s32 $0x1BFF;
	s19 =	sshll.u32 s4, $0x1;
	s1 =	sadd.s32 s2, s17  }
0x99: {  	s5 =	simm.s32 $0x0;
	s18 =	sshll.u32 s3, $0x1;
	s3 =	sadd.s32 s19, s1  }
0x9a: {  	[timem:s5], [sflag:s20] =	dma.local [hbm:s3], s18  }
0x9b: {  	_ =	swait.ge [sflag:s20], s18  }
0x9c: {  	s2 =	ssub.s32 $0x0, s18;
	[sflag:s20] =	ssyncset.done $0x0  }
0x9d: {  	[sflag:s20] =	ssyncadd.s32 s2;
	_ =	sdelay $0x1  }
0x9e: {  	s21 =	simm.s32 $0x1B8B  }
0x9f: {  	_ =	swait.ge [sflag:s21], $0x1  }
0xa0: {  	[sflag:s21] =	ssyncset.done $0x0  }
0xa1: {  	s23 =	simm.s32 $0x1B8E;
	s22 =	sld [smem:$0x3FFE];
	[sflag:s21] =	ssyncadd.s32 $0xFFFFFFFF  }
0xa2: {  	s24 =	simm.s32 $execute0_lowered;
	[smem:$0x3FD2] =	sst s23  }
0xa3: {  	s3 =	sshll.u32 s24, $0x1;
	_ =	strace $0x8000004F;
	[dreg:$0x1] =	wrdreg $0xFFFFFFFF  }
0xa4: {  	s25 =	simm.s32 $_size_execute0_lowered;
	s1 =	sadd.s32 s1, s3;
	[dreg:$0x0] =	wrdreg $0x0  }
0xa5: {  	s3 =	sshll.u32 s25, $0x1;
	[dreg:$0x2] =	wrdreg s1  }
0xa6: {  	[dreg:$0x3] =	wrdreg s3  }
0xa7: {  	[dreg:$0x4] =	wrdreg $0xC0  }
0xa8: {  	_ =	task [dreg:s5], $0x5FFFF  }
0xa9: {  	[dreg:$0x1] =	wrdreg $0xFFFFFFFF  }
0xaa: {  	[dreg:$0x0] =	wrdreg $0x60  }
0xab: {  	[dreg:$0x2] =	wrdreg s22  }
0xac: {  	[dreg:$0x3] =	wrdreg s0  }
0xad: {  	[dreg:$0x4] =	wrdreg $0x9  }
0xae: {  	_ =	task.clear_ibuf [dreg:s5], $0x5FFFF;
	_ =	strace $0x9000004F  }
0xaf: {  	s26 =	simm.s32 $0x9;
	_ =	strace $0x80000051  }
0xb0: {  	_ =	swait.ge [sflag:s26], $0x1  }
0xb1: {  	[sflag:s26] =	ssyncadd.s32 $0xFFFFFFFF  }
0xb2: {  	_ =	strace $0x90000051  }
0xb3: {  	_ =	sfence  }
0xb4: {  	s28 =	sld [smem:$0x0];
	_ =	sdelay $0x1  }
0xb5: {  	s29 =	srdreg.scid  }
0xb6: {  	s30 =	sshll.u32 s29, $0xD;
	s31 =	sshrl.u32 s29, $0x2  }
0xb7: {  	s2 =	sand.u32 $0x4000, s30;
	s1 =	sand.u32 $0x1, s29;
	s0 =	sadd.s32 s31, s28  }
0xb8: {  	s1 =	sor.u32 s2, s1;
	s0 =	sshll.u32 s0, $0x11  }
0xb9: {  	s0 =	sor.u32 s0, s1  }
0xba: {  	s0 =	sadd.s32 $0x8F2B, s0  }
0xbb: {  	[sflag:s0] =	ssyncadd.remote.s32 $0x1  }
0xbc: {  	_ =	sfence.sel $0xFFFF  }
0xbd: {  	[dreg:$0x0] =	wrdreg $0xFFFFFFFF;
	(pc) =	sbr.abs _section_cstart, $3  }
0xbe: {  	[dreg:$0x1] =	wrdreg $0xFFFFFFFF  }
0xbf: {  	_ =	task.clear_ibuf [dreg:s5], $0x2FFFF;
	_ =	strace $0x9FFFFFFF  }
0xc0: {  	(tm) =	ssettm $0x7FFFFFFF  }
0xc1: {  	_ =	shalt  }
tec
execute0_lowered:
.L_overlay_start_1:
0x0: {  	(tag) =	ssettag $0x1  }
0x1: {  	s0 =	rddreg [dreg:$0x0]  }
0x2: {  	s3 =	rddreg [dreg:$0x1];
	_ =	strace $0x80000050;
	s15 =	stileid.u32  }
0x3: {  	s2 =	simm.s32 $0x1;
	s1 =	smin.u32 s15, $0xC;
	s4 =	sshll.u32 s15, $0x1  }
0x4: {  	v1 =	vimm.s32 $0xFFFFFFFF;
	[sflag:s2] =	ssyncpa.u1 $0x0;
	s1 =	sadd.s32 s1, s4  }
0x5: {  	p0 =	slt.u32 s15, $0xC;
	[tilespmem:$0x10] =	vst v1;
	s5 =	smul.u32 $0x1E00, s1;
	s1 =	simm.s32 $0x5A00  }
0x6: {  	v0 =	vimm.f32 $0.0e+00;
	[tilespmem:$0x20] =	vst v1;
	s1 =	simm.s32 @!p0 $0x3C00  }
0x7: {  	[tilespmem:$0x30] =	vst v0;
	s1 =	sadd.s32 s1, s5  }
0x8: {  	[tilespmem:$0x40] =	vst v0;
	s6 =	smin.u32 s1, $0x52800  }
0x9: {  	s7 =	simm.s32 $0x2;
	[tilespmem:$0x50] =	vst v0;
	s9 =	ssub.s32 s6, s5  }
0xa: {  	s8 =	simm.s32 $0x8;
	s31 =	simm.s32 $0x9;
	[tilespmem:$0x60] =	vst v1;
	p0 =	sgt.s32 s9, $0x0  }
0xb: {  	s16 =	simm.s32 $0x0;
	s17 =	simm.s32 $0xF0;
	[tilespmem:$0x70] =	vst v1;
	s9 =	simm.s32 @!p0 $0x0  }
0xc: {  	s18 =	simm.s32 $0xFFFFFFFF;
	s19 =	simm.s32 $0xFFFFC500;
	[tilespmem:$0x80] =	vst v1;
	s30 =	smulhi.u32 $0x88888889, s9  }
0xd: {  	s20 =	simm.s32 $0xFFFFFFFE;
	s21 =	simm.s32 $0xF;
	s25 =	simm.s32 $0x0;
	v1 =	vimm.s32 $0x0;
	[tilespmem:$0xB0] =	vst v0  }
0xe: {  	s24 =	simm.s32 $0x0;
	s15 =	sshllo.u32 s15, $0x1;
	[tilespmem:$0x90] =	vst v1;
	s10 =	sshrl.u32 s30, $0xC  }
0xf: {  	[tilespmem:$0xA0] =	vst v1;
	[sflag:s7] =	ssyncpa.u1 $0x0;
	s7 =	simm.s32 $0x7;
	s11 =	smul.u32 $0x1E00, s10  }
.Ltmp0:
0x10: {  	s13 =	sor.u32 $0x80, s4;
	[sflag:s7] =	ssyncpa.u1 $0x0;
	(pc) =	sbr.rel .LBB2_1-.Ltmp0, $4  }
0x11: {  	s14 =	sor.u32 $0x81, s4;
	[sflag:s8] =	ssyncpa.u1 $0x0;
	p0 =	sne.s32 s9, s11  }
0x12: {  	s23 =	smov.u32 s5;
	s1 =	sadd.s32 $0xA5000, s0;
	s2 =	simm.s32 @!p0 $0x0  }
0x13: {  	vm0 =	vmmov $0xffff;
	v2 =	vlaneseq.u32;
	[sflag:s31] =	ssyncpa.u1 $0x0;
	s9 =	sadd.s32 $0x19600, s0;
	s10 =	sadd.s32 s2, s10  }
0x14: {  	vm1 =	vmxor vm1, vm1;
	vm2 =	vmmov $0x1;
	vm3 =	vcmask $0x3F3C;
	p0 =	por $0x0, $0x0;
	s11 =	sadd.s32 $0x1, s10;
	s12 =	sadd.s32 $0x2, s10  }
.LBB2_9:
0x15: {  	p1 =	slt.u32 s24, $0x3  }
0x16: {  	s0 =	simm.s32 @!p1 $0x2  }
0x17: {  	_ =	swait.ge @!p1 [sflag:s0], $0x1E00  }
0x18: {  	[sflag:s0] =	ssyncset.done @!p1 $0x0  }
0x19: {  	[sflag:s0] =	ssyncadd.s32 @!p1 $0xFFFFE200;
	s0 =	simm.s32 @!p1 $0x9  }
0x1a: {  	_ =	swait.ge @!p1 [sflag:s0], $0x10  }
0x1b: {  	[sflag:s0] =	ssyncset.done @!p1 $0x0  }
0x1c: {  	[sflag:s0] =	ssyncadd.s32 @!p1 $0xFFFFFFF0;
	p1 =	sne.s32 s24, s12  }
.Ltmp1:
0x1d: {  	s2 =	sadd.s32 $0x1E00, s23;
	(pc) =	sbr.rel @!p1 .LBB2_10-.Ltmp1, $4  }
0x1e: {  	s22 =	smov.u32 s5;
	s31 =	sadd.s32 $0x1, s24;
	s17 =	sadd.s32 $0x1E00, s17  }
0x1f: {  	s18 =	sadd.s32 $0x1, s18;
	s25 =	smov.u32 s23;
	p2 =	slt.s32 s2, s6  }
0x20: {  	p0 =	por !p0, !p0;
	s19 =	sadd.s32 $0x1E00, s19;
	s22 =	smov.u32 @p2 s2  }
0x21: {  	s20 =	sadd.s32 $0x1, s20;
	s23 =	smov.u32 s22;
	s24 =	smov.u32 s31  }
.LBB2_1:
0x22: {  	p1 =	sge.u32 s24, s10  }
0x23: {  	s0 =	smulhi.u32 @!p1 $0xAAAAAAAB, s24;
	_ =	sdelay $0x1  }
0x24: {  	s0 =	sshrl.u32 @!p1 s0, $0x1  }
0x25: {  	s0 =	smul.u32 @!p1 $0x3, s0;
	_ =	sdelay $0x1  }
0x26: {  	s0 =	ssub.s32 @!p1 s24, s0  }
0x27: {  	s0 =	smul.u32 @!p1 $0x7800, s0;
	_ =	sdelay $0x1  }
0x28: {  	s2 =	sshrl.u32 @!p1 s23, $0x3;
	s0 =	sshrl.u32 @!p1 s0, $0x2  }
0x29: {  	s22 =	sand.u32 @!p1 $0x7, s23;
	s2 =	sadd.s32 @!p1 s3, s2;
	s0 =	sor.u32 @!p1 $0x100, s0  }
0x2a: {  	[tilespmem:s0], [sflag:$0x7] =	stream.linear.gather @!p1 [hbm4b:s2+s22], $0x1E00, $0x38;
	[tilespmem:$0x10F20] =	vst v63  }
0x2b: {  	s0 =	sadd.s32 $0xFFFFFFFF, s24  }
0x2c: {  	p1 =	sge.u32 s0, s10  }
.Ltmp2:
0x2d: {  	_ = 	snop;
	(pc) =	sbr.rel @p1 .LBB2_5-.Ltmp2, $1  }
0x2e: {  	_ =	sdelay $0x3  }
0x2f: {  	s2 =	smulhi.u32 $0xAAAAAAAB, s0;
	_ =	sdelay $0x1  }
0x30: {  	s2 =	sshrl.u32 s2, $0x1  }
0x31: {  	s2 =	smul.u32 $0x3, s2;
	_ =	sdelay $0x1  }
0x32: {  	s2 =	ssub.s32 s0, s2  }
0x33: {  	s2 =	smul.u32 $0x7800, s2;
	_ =	sdelay $0x1  }
0x34: {  	_ =	swait.ge [sflag:s7], $0x1E00;
	s2 =	sshrl.u32 s2, $0x2  }
0x35: {  	[sflag:s7] =	ssyncset.done $0x0;
	s2 =	sor.u32 $0x100, s2  }
0x36: {  	[sflag:s7] =	ssyncadd.s32 $0xFFFFE200;
	(ifvalue) =	ssetifvalue $0xFFFFFFFF;
	v3 =	vld.msk [tilespmem:s2+$0x0 ss:$0x1], $0xffff;
	_ =	sdelay $0x2  }
0x37: {  	s30 =	smulhi.u32 $0xAAAAAAAB, s18;
	p1 =	sne.s32 s24, $0x1  }
0x38: {  	v4 =	vimm.s32 @!p1 $0x0  }
0x39: {  	s2 =	sshrl.u32 s30, $0x1;
	v4 =	vperm.xlane @!p1 v3, v4  }
0x3a: {  	s22 =	sshll.u32 s24, $0x4;
	s2 =	smul.u32 $0xFFFE9800, s2;
	vm4 =	vlt.u32 v3, $0x6400000  }
0x3b: {  	s22 =	sand.u32 $0x10, s22;
	v3 =	vnsel vm4, $0xFFFFFFFE, v3;
	vm4 =	vlt.u32 @!p1 v4, $0x6400000  }
0x3c: {  	s2 =	sshra.s32 s2, $0x2;
	[tilespmem:s22+$0x60] =	vst v3;
	v3 =	vnsel @!p1 vm4, $0xFFFFFFFE, v4  }
0x3d: {  	s28 =	sadd.s32 s2, s17;
	[tilespmem:$0x80] =	vst @!p1 v3  }
0x3e: {  	v3 =	vld.msk [tilespmem:s28+$0x0 ss:$0x1], $0xffff;
	_ =	sdelay $0x4  }
0x3f: {  	(xrf1) =	vunique.msk.u32 $0xffff, v3;
	_ =	sdelay $0xd  }
0x40: {  	v4 =	vimm.s32 $0xFFFFFFFF;
	v5, _, _ =	vpop (xrf1)  }
0x41: {  	vm5 =	vne.s32 v3, v4;
	vm4 =	veq.s32 v5, v2  }
0x42: {  	vm6 =	vlt.u32 v3, $0x6400000;
	vm4 =	vmand vm5, vm4  }
0x43: {  	vm4 =	vmand vm6, vm4  }
0x44: {  	v4 =	vnsel vm4, $0xFFFFFFFF, v3  }
0x45: {  	s31 =	sand.u32 $0x1, s0  }
0x46: {  	s0 =	simm.s32 $0x1E00;
	p1 =	seq.s32 s31, $0x1  }
0x47: {  	s0 =	simm.s32 @!p1 $0x0  }
0x48: {  	s26 =	sadd.s32 $0x78F0, s0;
	(ifvalue) =	ssetifvalue $0xFFFFFFFF  }
0x49: {  	v3 =	vperm.xlane v3, v1;
	[tilespmem:s26], [sflag:$0x8] =	stream.indirect_vreg.gather [hbm4b:s1+s16], $0x1, v4, vm0, $0x4038;
	v4 =	vnsel vm6, $0xFFFFFFFE, v4;
	[tilespmem:$0x10F20] =	vst v63  }
0x4a: {  	s2 =	simm.s32 $0x0;
	s22 =	sadd.s32 $0xFFFFFFF0, s28;
	[tilespmem:s28+$0x0] =	vst v4  }
.LBB2_3:
0x4b: {  	v4 =	vld.msk [tilespmem:s22+$0x0 ss:$0x1], $0xffff;
	s2 =	sadd.s32 $0x10, s2;
	v5 =	vmov v3;
	s28 =	smov.u32 s22  }
0x4c: {  	p1 =	slt.u32 s2, $0x1DF0;
	_ =	sdelay $0x4  }
0x4d: {  	v3 =	vperm.xlane v4, v1;
	(xrf1) =	vunique.msk.u32 $0xffff, v4;
	_ =	sdelay $0xd  }
0x4e: {  	v6, _, _ =	vpop (xrf1)  }
0x4f: {  	vm5 =	vne.s32 v4, v5;
	vm4 =	veq.s32 v6, v2  }
0x50: {  	vm6 =	vlt.u32 v4, $0x6400000;
	vm4 =	vmand vm5, vm4  }
0x51: {  	vm4 =	vmand vm6, vm4  }
0x52: {  	v4 =	vnsel vm4, $0xFFFFFFFF, v4  }
.Ltmp3:
0x53: {  	v5 =	vnsel vm6, $0xFFFFFFFE, v4;
	(pc) =	sbr.rel @p1 .LBB2_3-.Ltmp3, $3  }
0x54: {  	_ =	sdelay $0x1  }
0x55: {  	s22 =	sadd.s32 $0xFFFFFFF0, s22;
	s26 =	sadd.s32 $0xFFFFFFF0, s26;
	(ifvalue) =	ssetifvalue $0xFFFFFFFF  }
0x56: {  	[tilespmem:s26], [sflag:$0x8] =	stream.indirect_vreg.gather [hbm4b:s1+s16], $0x1, v4, vm0, $0x4038;
	[tilespmem:s28+$0x0] =	vst v5  }
0x57: {  	s2 =	sshrl.u32 s25, $0x3  }
0x58: {  	s0 =	sadd.s32 $0x9700, s0;
	s2 =	sadd.s32 s9, s2  }
0x59: {  	[tilespmem:s0], [sflag:$0x8] =	stream.linear.gather [hbm:s2], $0x1E00, $0x38;
	[tilespmem:$0x10F20] =	vst v63  }
.LBB2_5:
0x5a: {  	p1 =	slt.u32 s24, $0x2  }
0x5b: {  	p2 =	sge.u32 @!p1 s24, s12  }
0x5c: {  	p1 =	por p1, p2  }
.Ltmp4:
0x5d: {  	_ = 	snop;
	(pc) =	sbr.rel @p1 .LBB2_9-.Ltmp4, $1  }
0x5e: {  	_ =	sdelay $0x3  }
0x5f: {  	s0 =	sadd.s32 $0xFFFFFFFE, s24  }
0x60: {  	s2 =	smulhi.u32 $0xAAAAAAAB, s0;
	_ =	sdelay $0x1  }
0x61: {  	s2 =	sshrl.u32 s2, $0x1  }
0x62: {  	s2 =	smul.u32 $0x3, s2;
	_ =	sdelay $0x1  }
0x63: {  	s0 =	ssub.s32 s0, s2  }
0x64: {  	_ =	swait.ge [sflag:s8], $0x3C00;
	s0 =	smul.u32 $0x1E00, s0  }
0x65: {  	p1 =	sne.s32 s24, s11;
	[sflag:s8] =	ssyncset.done $0x0  }
0x66: {  	[sflag:s8] =	ssyncadd.s32 $0xFFFFC400;
	s2 =	sadd.s32 @!p1 $0x1EFF, s0  }
0x67: {  	[spmem:s14] =	stream.linear.scatter @!p1 [tilespmem:s2], [sflag:$0x1], $0x1, $0x38;
	[tilespmem:$0x10F20] =	vst v63  }
0x68: {  	s2 =	simm.s32 @!p1 $0x1  }
0x69: {  	_ =	swait.ge @!p1 [sflag:s2], $0x1  }
0x6a: {  	s22 =	sshll.u32 s24, $0x4;
	[sflag:s2] =	ssyncset.done @!p1 $0x0  }
0x6b: {  	s25 =	sand.u32 $0x10, s22;
	[sflag:s2] =	ssyncadd.s32 @!p1 $0xFFFFFFFF  }
0x6c: {  	s2 =	sxor.u32 $0x10, s25;
	v4 =	vld [tilespmem:s25+$0x10]  }
0x6d: {  	v5 =	vld [tilespmem:s2+$0x60]  }
0x6e: {  	v3 =	vld [tilespmem:$0x80];
	_ =	sdelay $0x2  }
0x6f: {  	(v2sf) =	vpush v4, $0x0  }
0x70: {  	(v2sf) =	vpush v5, $0x0  }
0x71: {  	(v2sf) =	vpush v3, $0x0;
	_ =	sdelay $0xc  }
0x72: {  	s22 =	spop (v2sf)  }
0x73: {  	s26 =	spop (v2sf)  }
0x74: {  	s28 =	spop (v2sf)  }
0x75: {  	p2 =	seq.s32 s22, s26;
	p3 =	seq.s32 s28, s22  }
0x76: {  	p3 =	por p2, p3  }
0x77: {  	s26 =	sand.u32 $0x1, s24;
	v4 =	vpsel p3, $0xFFFFFFFF, v4  }
0x78: {  	s29 =	smul.u32 $0x1E00, s26;
	[tilespmem:s25+$0x10] =	vst.msk $0x1, v4  }
0x79: {  	v4 =	vld [tilespmem:$0x30]  }
0x7a: {  	v5 =	vld [tilespmem:s29+$0x9700]  }
0x7b: {  	v6 =	vld [tilespmem:s25+$0x40];
	_ =	sdelay $0x3  }
0x7c: {  	vm4 =	vmmov vm1;
	v5 =	vadd.f32 v5, v4  }
0x7d: {  	vm5 =	vmmov vm2;
	vm4 =	vmmov @p2 vm2;
	s22 =	sshll.u32 s26, $0x4;
	v4 =	vadd.f32 v6, v4  }
0x7e: {  	s26 =	sor.u32 $0x10F00, s22;
	vm5 =	vmmov @p3 vm1;
	[tilespmem:s29+$0x9700] =	vst.msk vm4, v5  }
0x7f: {  	[tilespmem:s26+$0x0] =	vst.msk vm5, v4  }
0x80: {  	v4 =	vld [tilespmem:s29+$0x78F0];
	_ =	sdelay $0x3  }
0x81: {  	v5 =	vimm.f32 $0.0e+00  }
0x82: {  	v4 =	vshift.insert v4, v5, s21  }
0x83: {  	s22 =	sor.u32 $0x40, s2  }
0x84: {  	[tilespmem:s22+$0x0] =	vst.msk $0x1, v4  }
0x85: {  	[tilespmem:s29+$0x78FF] =	vst.msk $0x1, v5  }
0x86: {  	v4 =	vld [tilespmem:s0+$0x1EF0];
	_ =	sdelay $0x1  }
0x87: {  	s22 =	smulhi.u32 $0xAAAAAAAB, s20;
	s0 =	simm.s32 $0x1  }
0x88: {  	s0 =	simm.s32 @!p0 $0x0  }
0x89: {  	s22 =	sshrl.u32 s22, $0x1;
	s0 =	smul.u32 $0x7800, s0  }
0x8a: {  	s22 =	smul.u32 $0xFFFE9800, s22;
	v4 =	vshift.insert v4, v1, s21  }
0x8b: {  	s0 =	sshrl.u32 s0, $0x2  }
0x8c: {  	s22 =	sshra.s32 s22, $0x2;
	s30 =	sadd.s32 $0x9700, s0;
	[tilespmem:s2+$0x10] =	vst.msk $0x1, v4  }
0x8d: {  	s22 =	sadd.s32 s22, s19;
	v6 =	vld [tilespmem:s30+$0x0]  }
0x8e: {  	v7 =	vld [tilespmem:s22+$0x0];
	_ =	sdelay $0x3  }
0x8f: {  	v5 =	vadd.f32 v6, v5  }
0x90: {  	vm4 =	vne.s32 v7, $0xFFFFFFFF  }
0x91: {  	(xrf2) =	vadd.seg.scan.f32 vm4, v5;
	_ =	sdelay $0x3  }
0x92: {  	s31 =	sadd.s32 $0x5B00, s0;
	v5 =	vperm.xlane v4, v1  }
0x93: {  	v6 =	vld [tilespmem:s31+$0x0]  }
0x94: {  	vm5 =	veq.s32 v7, v3;
	vm6 =	veq.s32 v7, v5  }
0x95: {  	vm7 =	vgt.u32 v7, $0xFFFFFFFD;
	vm6 =	vmor vm6, vm5  }
0x96: {  	vm6 =	vmor vm6, vm7  }
0x97: {  	v9 =	vld [tilespmem:$0xA0];
	v7 =	vsel vm6, $0xFFFFFFFF, v7  }
0x98: {  	v10 =	vld [tilespmem:$0x90];
	v6 =	vsel vm5, $0x0, v6;
	v8, _, _ =	vpop (xrf2)  }
0x99: {  	v6 =	vadd.f32 v8, v6  }
0x9a: {  	s0 =	sadd.s32 $0xD300, s0  }
0x9b: {  	vm4 =	vmand vm4, vm3;
	[tilespmem:s0+$0x0] =	vst v6;
	(ifvalue) =	ssetifvalue $0xFFFFFFFF  }
0x9c: {  	vm6 =	veq.s32 v9, $0x1;
	[hbm4b:s1+s16] =	stream.indirect_vreg.scatter [tilespmem:s0], [sflag:$0x2], $0x1, v7, vm0, $0x4038;
	v7 =	vsel vm4, $0x0, v8;
	[tilespmem:$0x10F20] =	vst v63  }
0x9d: {  	s2 =	simm.s32 $0x0;
	s22 =	sadd.s32 $0x10, s22;
	vm4 =	vmor vm6, vm5;
	v6 =	vsel vm5, v8, v10;
	v7 =	vshift.insert v7, v0, s21  }
.LBB2_7:
0x9e: {  	v8 =	vld [tilespmem:s22+$0x0];
	s30 =	sadd.s32 $0x10, s30  }
0x9f: {  	s31 =	sadd.s32 $0x10, s31;
	v9 =	vld [tilespmem:s30+$0x0]  }
0xa0: {  	s2 =	sadd.s32 $0x10, s2;
	v10 =	vld [tilespmem:s31+$0x0]  }
0xa1: {  	p2 =	slt.u32 s2, $0x1DF0;
	_ =	sdelay $0x2  }
0xa2: {  	v7 =	vadd.f32 v9, v7  }
0xa3: {  	vm5 =	vne.s32 v8, $0xFFFFFFFF  }
0xa4: {  	vm6 =	vmand vm5, vm3;
	(xrf2) =	vadd.seg.scan.f32 vm5, v7;
	_ =	sdelay $0x5  }
0xa5: {  	vm7 =	veq.s32 v8, v5;
	vm5 =	veq.s32 v8, v3  }
0xa6: {  	vm8 =	vgt.u32 v8, $0xFFFFFFFD;
	vm4 =	vmor vm4, vm5;
	vm7 =	vmor vm7, vm5  }
0xa7: {  	vm7 =	vmor vm7, vm8  }
0xa8: {  	v8 =	vsel vm7, $0xFFFFFFFF, v8  }
.Ltmp5:
0xa9: {  	v7 =	vsel vm5, $0x0, v10;
	v9, _, _ =	vpop (xrf2);
	(pc) =	sbr.rel @p2 .LBB2_7-.Ltmp5, $4  }
0xaa: {  	v6 =	vsel vm5, v9, v6;
	v10 =	vadd.f32 v9, v7;
	v7 =	vsel vm6, $0x0, v9  }
0xab: {  	s0 =	sadd.s32 $0x10, s0;
	v7 =	vshift.insert v7, v0, s21  }
0xac: {  	s22 =	sadd.s32 $0x10, s22;
	[tilespmem:s0+$0x0] =	vst v10;
	(ifvalue) =	ssetifvalue $0xFFFFFFFF  }
0xad: {  	[hbm4b:s1+s16] =	stream.indirect_vreg.scatter [tilespmem:s0], [sflag:$0x2], $0x1, v8, vm0, $0x4038;
	[tilespmem:$0x10F20] =	vst v63  }
0xae: {  	v3 =	vld [tilespmem:s29+$0xF0F0];
	_ =	sdelay $0x4  }
0xaf: {  	v3 =	vshift.insert v3, v0, s21  }
0xb0: {  	s0 =	simm.s32 $0x30  }
0xb1: {  	[tilespmem:s0+$0x0] =	vst.msk $0x1, v3  }
0xb2: {  	v3 =	vsel vm4, $0x1, v1;
	[tilespmem:$0x90] =	vst v6  }
0xb3: {  	s0 =	sadd.s32 @!p1 $0xF0FF, s29;
	[tilespmem:$0xA0] =	vst v3  }
0xb4: {  	[spmem:s15] =	stream.linear.scatter @!p1 [tilespmem:s0], [sflag:$0x1], $0x1, $0x38;
	[tilespmem:$0x10F20] =	vst v63  }
0xb5: {  	s0 =	simm.s32 @!p1 $0x1  }
0xb6: {  	v3 =	vmctz.xlane @!p1 vm4;
	_ =	swait.ge @!p1 [sflag:s0], $0x1  }
0xb7: {  	(v2sf) =	vpush @!p1 v4, $0x0  }
0xb8: {  	(v2sf) =	vpush @!p1 v3, $0x0;
	_ =	sdelay $0xd  }
0xb9: {  	s2 =	spop @!p1 (v2sf)  }
0xba: {  	s22 =	spop @!p1 (v2sf)  }
0xbb: {  	p2 =	sne.s32 @!p1 s28, s2;
	p3 =	slt.s32 @!p1 s22, $0xF  }
0xbc: {  	[sflag:s0] =	ssyncset.done @!p1 $0x0;
	p2 =	por p2, p1;
	p3 =	por !p3, p1  }
0xbd: {  	[sflag:s0] =	ssyncadd.s32 @!p1 $0xFFFFFFFF;
	v3 =	vimm.s32 @!p2 $0xFFFFFFFF;
	s22 =	simm.s32 @p3 $0xF  }
0xbe: {  	[tilespmem:$0x80] =	vst @!p2 v3;
	s2 =	sadd.s32 @!p1 $0x90, s22  }
0xbf: {  	[spmem:s4] =	stream.linear.scatter @!p1 [tilespmem:s2], [sflag:$0x1], $0x1, $0x38;
	[tilespmem:$0x10F20] =	vst v63  }
0xc0: {  	_ =	swait.ge @!p1 [sflag:s0], $0x1  }
0xc1: {  	[sflag:s0] =	ssyncset.done @!p1 $0x0  }
0xc2: {  	s2 =	simm.s32 @!p1 $0x80;
	[sflag:s0] =	ssyncadd.s32 @!p1 $0xFFFFFFFF  }
0xc3: {  	[spmem:s13] =	stream.linear.scatter @!p1 [tilespmem:s2], [sflag:$0x1], $0x1, $0x38;
	[tilespmem:$0x10F20] =	vst v63  }
0xc4: {  	_ =	swait.ge @!p1 [sflag:s0], $0x1  }
0xc5: {  	[sflag:s0] =	ssyncset.done @!p1 $0x0  }
0xc6: {  	[sflag:s0] =	ssyncadd.s32 @!p1 $0xFFFFFFFF;
	(ifvalue) =	ssetifvalue $0xFFFFFFFF;
	v3 =	vld [tilespmem:s25+$0x10];
	_ =	sdelay $0x3  }
.Ltmp6:
0xc7: {  	_ = 	snop;
	(pc) =	sbr.rel .LBB2_9-.Ltmp6, $3  }
0xc8: {  	_ =	sdelay $0x1  }
0xc9: {  	(ifvalue) =	ssetifvalue $0xFFFFFFFF  }
0xca: {  	[hbm4b:s1+s16] =	stream.indirect_vreg.scatter [tilespmem:s26], [sflag:$0x9], $0x1, v3, vm0, $0x4038;
	[tilespmem:$0x10F20] =	vst v63  }
.LBB2_10:
0xcb: {  	_ =	sfence.sel $0x180000  }
0xcc: {  	s0 =	simm.s32 $0x7;
	[bflag:$0x0] =	sbarrier.arrive $0xFFFF  }
0xcd: {  	s26 =	simm.s32 $0x8;
	[sflag:s0] =	ssyncpa.u1 $0x1  }
0xce: {  	s28 =	simm.s32 $0x9;
	[sflag:s26] =	ssyncpa.u1 $0x1  }
0xcf: {  	[sflag:s28] =	ssyncpa.u1 $0x1  }
0xd0: {  	_ =	sfence.stream.spmem  }
0xd1: {  	s29 =	simm.s32 $0x3;
	[bflag:$0x0] =	sbarrier.arrive $0xFFFF  }
0xd2: {  	s30 =	simm.s32 $0x4;
	[sflag:s29] =	ssyncpa.u1 $0x1  }
0xd3: {  	s31 =	simm.s32 $0x3C;
	s2 =	stileid.u32;
	[sflag:s30] =	ssyncpa.u1 $0x1  }
0xd4: {  	p0 =	sne.s32 s2, $0x0;
	[sflag:s31] =	ssyncpa.u1 $0x1  }
0xd5: {  	s0 =	simm.s32 @p0 $0x1;
	_ =	sfence @p0  }
0xd6: {  	[sflag:s0] =	ssyncpa.u1 @p0 $0x1;
	s0 =	simm.s32 @p0 $0x2  }
0xd7: {  	[sflag:s0] =	ssyncpa.u1 @p0 $0x1  }
0xd8: {  	_ =	strace @p0 $0x90000050  }
0xd9: {  	[bflag:$0x2] =	sbarrier.arrive @p0 $0xFFFF  }
0xda: {  	_ =	shalt @p0  }
.LBB2_11:
0xdb: {  	_ =	sfence.stream.spmem;
	s0 =	simm.s32 $0x5  }
0xdc: {  	s2 =	simm.s32 $0x80;
	s3 =	simm.s32 $0xC0;
	[sflag:s0] =	ssyncpa.u1 $0x0  }
0xdd: {  	[tilespmem:s3], [sflag:$0x5] =	stream.linear.gather [spmem:s2], $0x20, $0x38;
	[tilespmem:$0x10F20] =	vst v63  }
0xde: {  	s2 =	simm.s32 $0x0;
	s3 =	simm.s32 $0xE0  }
0xdf: {  	[tilespmem:s3], [sflag:$0x5] =	stream.linear.gather [spmem:s2], $0x20, $0x38;
	[tilespmem:$0x10F20] =	vst v63  }
.Ltmp7:
0xe0: {  	_ = 	snop;
	(pc) =	sbr.rel .LBB2_12-.Ltmp7, $4  }
0xe1: {  	_ =	swait.ge [sflag:s0], $0x40  }
0xe2: {  	[sflag:s0] =	ssyncset.done $0x0  }
0xe3: {  	s31 =	simm.s32 $0x6;
	[sflag:s0] =	ssyncadd.s32 $0xFFFFFFC0  }
0xe4: {  	s4 =	simm.s32 $0x0;
	[sflag:s31] =	ssyncpa.u1 $0x0  }
.LBB2_17:
0xe5: {  	p0 =	sgt.u32 s5, $0x63FFFFF  }
0xe6: {  	s0 =	sshrl.u32 @!p0 s5, $0x3  }
0xe7: {  	s5 =	sand.u32 @!p0 $0x7, s5;
	s6 =	simm.s32 @!p0 $0xB0;
	s0 =	sadd.s32 @!p0 s1, s0  }
0xe8: {  	[tilespmem:s6], [sflag:$0x6] =	stream.linear.gather @!p0 [hbm4b:s0+s5], $0x1, $0x38;
	[tilespmem:$0x10F20] =	vst v63  }
0xe9: {  	s0 =	simm.s32 @!p0 $0x6  }
0xea: {  	_ =	swait.ge @!p0 [sflag:s0], $0x1  }
0xeb: {  	[sflag:s0] =	ssyncset.done @!p0 $0x0  }
0xec: {  	[sflag:s0] =	ssyncadd.s32 @!p0 $0xFFFFFFFF  }
0xed: {  	v2 =	vmov @!p0 s4;
	v1 =	vld.msk @!p0 [tilespmem:$0xB0], $0x1;
	_ =	sdelay $0x3  }
0xee: {  	s0 =	simm.s32 @!p0 $0xE0  }
0xef: {  	[tilespmem:v2+s0+$0x0], v1 =	vst.idx.ret.add.f32.msk @!p0 $0x1, v1  }
0xf0: {  	[tilespmem:s2+$0xC0] =	vst.msk $0x1, v0  }
0xf1: {  	v0 =	vld.msk [tilespmem:s4+$0xE0], $0x1;
	_ =	sdelay $0x4  }
0xf2: {  	[tilespmem:s2+$0xE0] =	vst.msk $0x1, v0;
	s2 =	sadd.s32 $0x1, s2  }
.LBB2_19:
0xf3: {  	s4 =	sadd.s32 $0x1, s4  }
0xf4: {  	p0 =	sne.s32 s4, $0x20  }
.Ltmp8:
0xf5: {  	_ = 	snop;
	(pc) =	sbr.rel @!p0 .LBB2_20-.Ltmp8, $1  }
0xf6: {  	_ =	sdelay $0x3  }
.LBB2_12:
0xf7: {  	v0 =	vld.msk [tilespmem:s4+$0xC0], $0x1;
	_ =	sdelay $0x4  }
0xf8: {  	(v2sf) =	vpush v0, $0x0;
	_ =	sdelay $0xe  }
0xf9: {  	s5 =	spop (v2sf)  }
0xfa: {  	p0 =	seq.s32 s5, $0xFFFFFFFF  }
.Ltmp9:
0xfb: {  	_ = 	snop;
	(pc) =	sbr.rel @p0 .LBB2_19-.Ltmp9, $1  }
0xfc: {  	_ =	sdelay $0x3  }
0xfd: {  	p0 =	slt.s32 s2, $0x1  }
.Ltmp10:
0xfe: {  	_ = 	snop;
	(pc) =	sbr.rel @p0 .LBB2_17-.Ltmp10, $1  }
0xff: {  	_ =	sdelay $0x3  }
0x100: {  	s0 =	simm.s32 $0xC0;
	p0 =	por $0x0, $0x0  }
0x101: {  	v1 =	vld.msk @!p0 [tilespmem:s0+$0x0], $0x1;
	_ =	sdelay $0x4  }
0x102: {  	(v2sf) =	vpush @!p0 v1, $0x0;
	_ =	sdelay $0xd  }
0x103: {  	p2 =	sne.s32 s2, $0x1  }
.Ltmp11:
0x104: {  	s6 =	spop @!p0 (v2sf);
	(pc) =	sbr.rel @!p2 .LBB2_16-.Ltmp11, $4  }
0x105: {  	p1 =	seq.s32 @!p0 s5, s6  }
0x106: {  	s6 =	simm.s32 $0x0;
	p1 =	por !p1, p0  }
0x107: {  	s8 =	simm.s32 $0xFFFFFFFF;
	s6 =	simm.s32 @p1 $0xFFFFFFFF  }
0x108: {  	s7 =	simm.s32 $0x1;
	s6 =	smov.u32 @p0 s8  }
.LBB2_15:
0x109: {  	s8 =	smov.u32 s6;
	p0 =	sne.s32 s6, $0xFFFFFFFF  }
0x10a: {  	s0 =	sadd.s32 $0x1, s0;
	s6 =	smov.u32 s7;
	s7 =	sadd.s32 $0x1, s7  }
0x10b: {  	p1 =	sne.s32 s2, s7;
	v1 =	vld.msk @!p0 [tilespmem:s0+$0x0], $0x1;
	_ =	sdelay $0x4  }
0x10c: {  	(v2sf) =	vpush @!p0 v1, $0x0;
	_ =	sdelay $0xe  }
.Ltmp12:
0x10d: {  	s9 =	spop @!p0 (v2sf);
	(pc) =	sbr.rel @p1 .LBB2_15-.Ltmp12, $4  }
0x10e: {  	p2 =	seq.s32 @!p0 s5, s9  }
0x10f: {  	p2 =	por !p2, p0  }
0x110: {  	s6 =	simm.s32 @p2 $0xFFFFFFFF  }
0x111: {  	s6 =	smov.u32 @p0 s8  }
.LBB2_16:
0x112: {  	p0 =	sne.s32 s6, $0xFFFFFFFF  }
.Ltmp13:
0x113: {  	_ = 	snop;
	(pc) =	sbr.rel @!p0 .LBB2_17-.Ltmp13, $1  }
0x114: {  	_ =	sdelay $0x3  }
0x115: {  	v0 =	vld.msk [tilespmem:s4+$0xE0], $0x1;
	v1 =	vmov s6  }
.Ltmp14:
0x116: {  	_ = 	snop;
	(pc) =	sbr.rel .LBB2_19-.Ltmp14, $2  }
0x117: {  	_ =	sdelay $0x2  }
0x118: {  	[tilespmem:v1+s3+$0x0], v0 =	vst.idx.ret.add.f32.msk $0x1, v0  }
.LBB2_20:
0x119: {  	p0 =	slt.s32 s2, $0x1  }
.Ltmp15:
0x11a: {  	_ = 	snop;
	(pc) =	sbr.rel @p0 .LBB2_24-.Ltmp15, $3  }
0x11b: {  	_ =	sdelay $0x1  }
0x11c: {  	s0 =	simm.s32 $0x6  }
0x11d: {  	s3 =	simm.s32 $0x0;
	[sflag:s0] =	ssyncpa.u1 $0x1  }
0x11e: {  	s0 =	simm.s32 $0xC0  }
0x11f: {  	v0 =	vld.msk [tilespmem:s0+$0x0], $0x1;
	_ =	sdelay $0x4  }
0x120: {  	(v2sf) =	vpush v0, $0x0;
	_ =	sdelay $0xe  }
0x121: {  	s2 =	sadd.s32 $0xFFFFFFFF, s2;
	s4 =	spop (v2sf)  }
0x122: {  	p1 =	sne.s32 s2, $0x0;
	p0 =	sgt.u32 s4, $0x63FFFFF  }
.Ltmp16:
0x123: {  	s5 =	sshrl.u32 @!p0 s4, $0x3;
	(pc) =	sbr.rel @!p1 .LBB2_23-.Ltmp16, $4  }
0x124: {  	s0 =	simm.s32 $0xE0;
	s4 =	sand.u32 @!p0 $0x7, s4;
	s5 =	sadd.s32 @!p0 s1, s5  }
0x125: {  	[hbm4b:s5+s4] =	stream.linear.scatter @!p0 [tilespmem:s0], [sflag:$0x5], $0x1, $0x38;
	[tilespmem:$0x10F20] =	vst v63  }
0x126: {  	s5 =	simm.s32 $0x0  }
0x127: {  	s4 =	simm.s32 $0xC1;
	s5 =	simm.s32 @!p0 $0x4  }
.LBB2_22:
0x128: {  	v0 =	vld.msk [tilespmem:s4+$0x0], $0x1;
	s2 =	sadd.s32 $0xFFFFFFFF, s2;
	s3 =	sadd.s32 s3, s5  }
0x129: {  	p0 =	sne.s32 s2, $0x0;
	_ =	sdelay $0x3  }
0x12a: {  	(v2sf) =	vpush v0, $0x0;
	_ =	sdelay $0xe  }
.Ltmp17:
0x12b: {  	s6 =	spop (v2sf);
	(pc) =	sbr.rel @p0 .LBB2_22-.Ltmp17, $4  }
0x12c: {  	s5 =	simm.s32 $0x0;
	p1 =	sgt.u32 s6, $0x63FFFFF  }
0x12d: {  	s0 =	sadd.s32 $0x1, s0;
	s5 =	simm.s32 @!p1 $0x4;
	s7 =	sshrl.u32 @!p1 s6, $0x3  }
0x12e: {  	s4 =	sadd.s32 $0x1, s4;
	s6 =	sand.u32 @!p1 $0x7, s6;
	s7 =	sadd.s32 @!p1 s1, s7  }
0x12f: {  	[hbm4b:s7+s6] =	stream.linear.scatter @!p1 [tilespmem:s0], [sflag:$0x5], $0x1, $0x38;
	[tilespmem:$0x10F20] =	vst v63  }
.LBB2_23:
0x130: {  	s0 =	sadd.s32 s3, s5  }
0x131: {  	s3 =	sshrl.u32 s0, $0x2  }
.LBB2_24:
0x132: {  	s0 =	simm.s32 $0x5  }
0x133: {  	_ =	swait.ge [sflag:s0], s3  }
0x134: {  	s1 =	ssub.s32 $0x0, s3;
	[sflag:s0] =	ssyncset.done $0x0  }
0x135: {  	[sflag:s0] =	ssyncadd.s32 s1  }
0x136: {  	[sflag:s0] =	ssyncpa.u1 $0x1  }
0x137: {  	s29 =	simm.s32 $0x1;
	_ =	sfence  }
0x138: {  	s30 =	simm.s32 $0x2;
	[sflag:s29] =	ssyncpa.u1 $0x1  }
0x139: {  	[sflag:s30] =	ssyncpa.u1 $0x1  }
0x13a: {  	_ =	strace $0x90000050  }
0x13b: {  	[bflag:$0x2] =	sbarrier.arrive $0xFFFF  }
0x13c: {  	s31 =	rddreg [dreg:$0x2]  }
0x13d: {  	s0 =	sadd.s32 $0x100000, s31  }
0x13e: {  	[sflag:s0] =	ssyncadd.tile.s32 $0x1;
	_ =	shalt  }
.Lfunc_end2:
_tile_overlayer_lowered:
.L_overlay_start_2:
0x13f: {  	(tag) =	ssettag $0x2  }
0x140: {  	s0 =	rddreg [dreg:$0x0];
	s2 =	stileid.u32  }
0x141: {  	s1 =	rddreg [dreg:$0x1];
	p0 =	sne.s32 s2, $0x0  }
0x142: {  	s3 =	rddreg [dreg:$0x2];
	[bflag:$0x3] =	sbarrier.arrive $0xFFFF;
	s2 =	simm.s32 @!p0 $0x1C01  }
0x143: {  	[timem:s3], [sflag:s2] =	dma.local @!p0 [hbm:s0], s1  }
0x144: {  	s0 =	simm.s32 @!p0 $0x1  }
0x145: {  	_ =	swait.ge @!p0 [sflag:s0], s1  }
0x146: {  	s1 =	ssub.s32 @!p0 $0x0, s1;
	[sflag:s0] =	ssyncset.done @!p0 $0x0  }
0x147: {  	[sflag:s0] =	ssyncadd.s32 @!p0 s1  }
0x148: {  	[bflag:$0x3] =	sbarrier.arrive $0xFFFF  }
0x149: {  	_ =	shalt  }

// kernel: scatter_offload_async_start
scs
__scs_entry_jumppad:
0x0: {  	(pc) =	sbr.rel $0x88, $3  }
0x1: {  	(tag) =	ssettag $0x0;
	lr =	simm.s32 $0x1  }
0x2: {  	[smem:$0x3F6E] =	sst lr;
	_ =	strace $0xD0000000  }
0x3: {  	_ = 	snop  }
0x4: {  	_ = 	snop  }
0x5: {  	_ = 	snop  }
0x6: {  	_ = 	snop  }
0x7: {  	_ = 	snop  }
__scs_overlays_trampoline_lowered:
0x8: {  	[smem:$0x3F7D] =	sst s0  }
0x9: {  	[smem:$0x3F7E] =	sst s1  }
0xa: {  	[smem:$0x3F7F] =	sst s2  }
0xb: {  	[smem:$0x3F80] =	sst s3  }
0xc: {  	[smem:$0x3F81] =	sst s4  }
0xd: {  	[smem:$0x3F82] =	sst s5  }
0xe: {  	[smem:$0x3F83] =	sst s6  }
0xf: {  	[smem:$0x3F84] =	sst s7  }
0x10: {  	[smem:$0x3F85] =	sst s8  }
0x11: {  	[smem:$0x3F86] =	sst s9;
	s0 =	simm.s32 @!p0 $0x0  }
0x12: {  	s1 =	sld [smem:$0x3F6C];
	s0 =	simm.s32 @p0 $0x1  }
0x13: {  	[smem:$0x3F87] =	sst s0;
	s0 =	simm.s32 @!p1 $0x0  }
0x14: {  	s2 =	sld [smem:$0x3F6B];
	s0 =	simm.s32 @p1 $0x1  }
0x15: {  	[smem:$0x3F88] =	sst s0;
	s0 =	simm.s32 @!p2 $0x0  }
0x16: {  	s3 =	sld [smem:$0x3FDB];
	s0 =	simm.s32 @p2 $0x1  }
0x17: {  	s4 =	simm.s32 $0x1BF5;
	[smem:$0x3F8A] =	sst s0  }
0x18: {  	s0 =	sld [smem:$0x3F6D];
	_ =	swait.ge [sflag:s4], $0x0  }
0x19: {  	s7 =	sld [smem:$0x3F6E]  }
0x1a: {  	s8 =	sadd.s32 $0xFFFFE003, lr  }
0x1b: {  	s9 =	sadd.s32 $0xFFFFFEF7, lr;
	s5 =	simm.s32 $0xFFFFFFFF;
	p2 =	slt.u32 s8, $0xFFFFF086  }
0x1c: {  	p1 =	slt.u32 s9, $0xF7A;
	s5 =	simm.s32 @!p2 $0x0  }
0x1d: {  	s5 =	simm.s32 @p1 $0x1;
	p0 =	seq.s32 s7, s2  }
0x1e: {  	s7 =	smul.u32 @!p0 $0xF7A, s2;
	p2 =	seq.s32 @!p0 s5, $0x0  }
0x1f: {  	s9 =	smul.u32 $0xF7A, s1;
	s8 =	simm.s32 @!p0 $0x1BF5;
	p2 =	por !p2, p0  }
0x20: {  	[sflag:s8] =	ssyncset.s32 @!p0 $0xFFFFF086;
	s6 =	sadd.s32 @!p0 s3, s7;
	s7 =	simm.s32 @!p0 $0x108  }
0x21: {  	s3 =	sadd.s32 s3, s9;
	s6 =	sadd.s32 @!p0 $0x88, s6;
	s7 =	simm.s32 @p2 $0x1082  }
0x22: {  	[simem:s7], [sflag:s8] =	dma.local @!p0 [hbm:s6], $0xF7A  }
0x23: {  	s9 =	sor.u32 $0xD0000000, s2;
	s6 =	simm.s32 $0x108;
	_ =	swait.ge @!p0 [sflag:s8], $0x0  }
0x24: {  	s3 =	sadd.s32 $0x88, s3;
	s6 =	simm.s32 @!p1 $0x1082;
	[sflag:s4] =	ssyncset.s32 $0xFFFFF086  }
0x25: {  	[simem:s6], [sflag:s4] =	dma.local [hbm:s3], $0xF7A  }
0x26: {  	[smem:$0x3F6E] =	sst s1;
	(tag) =	ssettag s2;
	_ =	strace s9  }
0x27: {  	s1 =	sld [smem:$0x3F7E]  }
0x28: {  	s2 =	sld [smem:$0x3F7F]  }
0x29: {  	s4 =	sld [smem:$0x3F81]  }
0x2a: {  	p0 =	seq.s32 s5, $0x0;
	s5 =	sld [smem:$0x3F82]  }
0x2b: {  	s6 =	sld [smem:$0x3F83]  }
0x2c: {  	s7 =	sld [smem:$0x3F84]  }
0x2d: {  	s3 =	simm.s32 $0x108;
	s8 =	sld [smem:$0x3F85]  }
0x2e: {  	s3 =	simm.s32 @!p0 $0x1082;
	s9 =	sld [smem:$0x3F86]  }
0x2f: {  	lr =	sadd.s32 s0, s3;
	s0 =	sld [smem:$0x3F7D]  }
0x30: {  	s3 =	sld [smem:$0x3F80]  }
0x31: {  	[smem:$0x3F89] =	sst s10  }
0x32: {  	s10 =	sld [smem:$0x3F87];
	_ =	sdelay $0x3  }
0x33: {  	p0 =	seq.s32 s10, $0x1;
	s10 =	sld [smem:$0x3F89];
	_ =	sdelay $0x3  }
0x34: {  	[smem:$0x3F89] =	sst s10  }
0x35: {  	s10 =	sld [smem:$0x3F88];
	_ =	sdelay $0x3  }
0x36: {  	p1 =	seq.s32 s10, $0x1;
	s10 =	sld [smem:$0x3F89];
	_ =	sdelay $0x3  }
0x37: {  	[smem:$0x3F89] =	sst s10  }
0x38: {  	s10 =	sld [smem:$0x3F8A]  }
0x39: {  	_ = 	snop;
	(pc) =	sbr.ind lr, $3  }
0x3a: {  	_ = 	snop  }
0x3b: {  	_ = 	snop  }
0x3c: {  	p2 =	seq.s32 s10, $0x1;
	s10 =	sld [smem:$0x3F89]  }
0x3d: {  	_ =	shalt  }
0x3e: {  	_ =	shalt  }
0x3f: {  	_ =	shalt  }
0x40: {  	_ =	shalt  }
0x41: {  	_ =	shalt  }
0x42: {  	_ =	shalt  }
0x43: {  	_ =	shalt  }
0x44: {  	_ =	shalt  }
0x45: {  	_ =	shalt  }
0x46: {  	_ =	shalt  }
0x47: {  	_ =	shalt  }
0x48: {  	_ =	shalt  }
0x49: {  	_ =	shalt  }
0x4a: {  	_ =	shalt  }
0x4b: {  	_ =	shalt  }
0x4c: {  	_ =	shalt  }
0x4d: {  	_ =	shalt  }
0x4e: {  	_ =	shalt  }
0x4f: {  	_ =	shalt  }
0x50: {  	_ =	shalt  }
0x51: {  	_ =	shalt  }
0x52: {  	_ =	shalt  }
0x53: {  	_ =	shalt  }
0x54: {  	_ =	shalt  }
0x55: {  	_ =	shalt  }
0x56: {  	_ =	shalt  }
0x57: {  	_ =	shalt  }
0x58: {  	_ =	shalt  }
0x59: {  	_ =	shalt  }
0x5a: {  	_ =	shalt  }
0x5b: {  	_ =	shalt  }
0x5c: {  	_ =	shalt  }
0x5d: {  	_ =	shalt  }
0x5e: {  	_ =	shalt  }
0x5f: {  	_ =	shalt  }
0x60: {  	_ =	shalt  }
0x61: {  	_ =	shalt  }
0x62: {  	_ =	shalt  }
0x63: {  	_ =	shalt  }
0x64: {  	_ =	shalt  }
0x65: {  	_ =	shalt  }
0x66: {  	_ =	shalt  }
0x67: {  	_ =	shalt  }
0x68: {  	_ =	shalt  }
0x69: {  	_ =	shalt  }
0x6a: {  	_ =	shalt  }
0x6b: {  	_ =	shalt  }
0x6c: {  	_ =	shalt  }
0x6d: {  	_ =	shalt  }
0x6e: {  	_ =	shalt  }
0x6f: {  	_ =	shalt  }
0x70: {  	_ =	shalt  }
0x71: {  	_ =	shalt  }
0x72: {  	_ =	shalt  }
0x73: {  	_ =	shalt  }
0x74: {  	_ =	shalt  }
0x75: {  	_ =	shalt  }
0x76: {  	_ =	shalt  }
0x77: {  	_ =	shalt  }
0x78: {  	_ =	shalt  }
0x79: {  	_ =	shalt  }
0x7a: {  	_ =	shalt  }
0x7b: {  	_ =	shalt  }
0x7c: {  	_ =	shalt  }
0x7d: {  	_ =	shalt  }
0x7e: {  	_ =	shalt  }
0x7f: {  	_ =	shalt  }
0x80: {  	_ =	shalt  }
0x81: {  	_ =	shalt  }
0x82: {  	_ =	shalt  }
0x83: {  	_ =	shalt  }
0x84: {  	_ =	shalt  }
0x85: {  	_ =	shalt  }
0x86: {  	_ =	shalt  }
0x87: {  	_ =	shalt  }
.Lfunc_end0:
.L_simem_size_0:
called_computation_lowered:
.L_overlay_start_0:
0x88: {  	s0 =	sld [smem:$0x3FD9]  }
0x89: {  	s1 =	sld [smem:$0x3FFE];
	_ =	sdelay $0x3  }
0x8a: {  	s0 =	sadd.s32 s1, s0  }
0x8b: {  	[smem:$0x3F95] =	sst s0  }
0x8c: {  	_ = 	snop  }
0x8d: {  	(tm) =	ssettm $0x1  }
0x8e: {  	s15 =	sld [smem:$0x3FFB];
	_ =	sdelay $0x3  }
0x8f: {  	_ =	strace s15  }
0x90: {  	s0 =	sld [smem:$0x3FFC];
	_ =	sdelay $0x3  }
0x91: {  	_ =	strace s0  }
0x92: {  	s0 =	sld [smem:$0x3FFD];
	_ =	sdelay $0x3  }
0x93: {  	_ =	strace s0  }
0x94: {  	_ =	strace $0x8FFFFFFF  }
0x95: {  	s16 =	sld [smem:$0x3FDB];
	_ =	sdelay $0x1  }
0x96: {  	s17 =	simm.s32 $_scs_section_size  }
0x97: {  	s2 =	simm.s32 $_size__tile_overlayer_lowered;
	s3 =	simm.s32 $_tile_overlayer_lowered  }
0x98: {  	s20 =	simm.s32 $0x1BFF;
	s19 =	sshll.u32 s3, $0x1;
	s0 =	sadd.s32 s17, s16  }
0x99: {  	s4 =	simm.s32 $0x0;
	s18 =	sshll.u32 s2, $0x1;
	s2 =	sadd.s32 s19, s0  }
0x9a: {  	[timem:s4], [sflag:s20] =	dma.local [hbm:s2], s18  }
0x9b: {  	_ =	swait.ge [sflag:s20], s18  }
0x9c: {  	s1 =	ssub.s32 $0x0, s18;
	[sflag:s20] =	ssyncset.done $0x0  }
0x9d: {  	[sflag:s20] =	ssyncadd.s32 s1;
	_ =	sdelay $0x1  }
0x9e: {  	s21 =	simm.s32 $0x1B8B  }
0x9f: {  	_ =	swait.ge [sflag:s21], $0x1  }
0xa0: {  	[sflag:s21] =	ssyncset.done $0x0  }
0xa1: {  	s23 =	simm.s32 $0x1B8E;
	s22 =	sld [smem:$0x3FFE];
	[sflag:s21] =	ssyncadd.s32 $0xFFFFFFFF  }
0xa2: {  	s24 =	simm.s32 $execute0_lowered;
	[smem:$0x3FD2] =	sst s23  }
0xa3: {  	s2 =	sshll.u32 s24, $0x1;
	_ =	strace $0x80000049;
	[dreg:$0x1] =	wrdreg $0xFFFFFFFF  }
0xa4: {  	s25 =	simm.s32 $_size_execute0_lowered;
	s0 =	sadd.s32 s0, s2;
	[dreg:$0x0] =	wrdreg $0x0  }
0xa5: {  	s2 =	sshll.u32 s25, $0x1;
	[dreg:$0x2] =	wrdreg s0  }
0xa6: {  	[dreg:$0x3] =	wrdreg s2  }
0xa7: {  	[dreg:$0x4] =	wrdreg $0xC0  }
0xa8: {  	_ =	task [dreg:s4], $0x5FFFF  }
0xa9: {  	[dreg:$0x1] =	wrdreg $0xFFFFFFFF  }
0xaa: {  	[dreg:$0x0] =	wrdreg $0x60  }
0xab: {  	[dreg:$0x2] =	wrdreg s22  }
0xac: {  	[dreg:$0x3] =	wrdreg $0x9  }
0xad: {  	_ =	task.clear_ibuf [dreg:s4], $0x4FFFF;
	_ =	strace $0x90000049  }
0xae: {  	s26 =	simm.s32 $0x9;
	_ =	strace $0x8000004B  }
0xaf: {  	_ =	swait.ge [sflag:s26], $0x1  }
0xb0: {  	[sflag:s26] =	ssyncadd.s32 $0xFFFFFFFF  }
0xb1: {  	_ =	strace $0x9000004B  }
0xb2: {  	_ =	sfence  }
0xb3: {  	s28 =	sld [smem:$0x0];
	_ =	sdelay $0x1  }
0xb4: {  	s29 =	srdreg.scid  }
0xb5: {  	s30 =	sshll.u32 s29, $0xD;
	s31 =	sshrl.u32 s29, $0x2  }
0xb6: {  	s1 =	sand.u32 $0x1, s29;
	s2 =	sand.u32 $0x4000, s30;
	s0 =	sadd.s32 s31, s28  }
0xb7: {  	s1 =	sor.u32 s2, s1;
	s0 =	sshll.u32 s0, $0x11  }
0xb8: {  	s0 =	sor.u32 s0, s1  }
0xb9: {  	s0 =	sadd.s32 $0x8F2B, s0  }
0xba: {  	[sflag:s0] =	ssyncadd.remote.s32 $0x1  }
0xbb: {  	_ =	sfence.sel $0xFFFF  }
0xbc: {  	[dreg:$0x0] =	wrdreg $0xFFFFFFFF;
	(pc) =	sbr.abs _section_cstart, $3  }
0xbd: {  	[dreg:$0x1] =	wrdreg $0xFFFFFFFF  }
0xbe: {  	_ =	task.clear_ibuf [dreg:s4], $0x2FFFF;
	_ =	strace $0x9FFFFFFF  }
0xbf: {  	(tm) =	ssettm $0x7FFFFFFF  }
tec
execute0_lowered:
.L_overlay_start_1:
0x0: {  	(tag) =	ssettag $0x1  }
0x1: {  	s0 =	rddreg [dreg:$0x0]  }
0x2: {  	s14 =	stileid.u32;
	_ =	strace $0x8000004A;
	s2 =	simm.s32 $0x1  }
0x3: {  	v1 =	vimm.s32 $0xFFFFFFFF;
	s1 =	smin.u32 s14, $0x4;
	[sflag:s2] =	ssyncpa.u1 $0x0  }
0x4: {  	s1 =	sadd.s32 s14, s1;
	[tilespmem:$0x10] =	vst v1  }
0x5: {  	v0 =	vimm.f32 $0.0e+00;
	p0 =	slt.u32 s14, $0x4;
	[tilespmem:$0x20] =	vst v1;
	s3 =	smul.u32 $0x1F40, s1;
	s1 =	simm.s32 $0x3E80  }
0x6: {  	[tilespmem:$0x30] =	vst v0;
	s1 =	simm.s32 @!p0 $0x1F40  }
0x7: {  	[tilespmem:$0x40] =	vst v0;
	s1 =	sadd.s32 s1, s3  }
0x8: {  	[tilespmem:$0x50] =	vst v0;
	s4 =	smin.u32 s1, $0x27100  }
0x9: {  	[tilespmem:$0x60] =	vst v1;
	s9 =	ssub.s32 s4, s3  }
0xa: {  	s7 =	simm.s32 $0x2;
	s8 =	simm.s32 $0x8;
	[tilespmem:$0x70] =	vst v1;
	p0 =	sgt.s32 s9, $0x0  }
0xb: {  	s31 =	simm.s32 $0x9;
	s16 =	simm.s32 $0x0;
	[tilespmem:$0x80] =	vst v1;
	s9 =	simm.s32 @!p0 $0x0  }
0xc: {  	s17 =	simm.s32 $0xF0;
	s18 =	simm.s32 $0xFFFFFFFF;
	v1 =	vimm.s32 $0x0;
	[tilespmem:$0xB0] =	vst v0;
	s5 =	smulhi.u32 $0x10624DD3, s9  }
0xd: {  	s19 =	simm.s32 $0xFFFFC280;
	s20 =	simm.s32 $0xFFFFFFFE;
	s21 =	simm.s32 $0xF;
	[tilespmem:$0x90] =	vst v1  }
0xe: {  	[tilespmem:$0xA0] =	vst v1;
	[sflag:s7] =	ssyncpa.u1 $0x0;
	s7 =	simm.s32 $0x7;
	s10 =	sshrl.u32 s5, $0x9  }
0xf: {  	s25 =	simm.s32 $0x0;
	[sflag:s7] =	ssyncpa.u1 $0x0;
	s11 =	smul.u32 $0x1F40, s10  }
0x10: {  	s24 =	simm.s32 $0x0;
	s6 =	sadd.s32 $0x23000, s0;
	[sflag:s8] =	ssyncpa.u1 $0x0  }
.Ltmp0:
0x11: {  	s23 =	smov.u32 s3;
	p0 =	sne.s32 s9, s11;
	(pc) =	sbr.rel .LBB2_1-.Ltmp0, $4  }
0x12: {  	s1 =	sadd.s32 $0x14600, s0;
	[sflag:s31] =	ssyncpa.u1 $0x0;
	s2 =	simm.s32 @!p0 $0x0  }
0x13: {  	s5 =	sadd.s32 $0x1E000, s0;
	p0 =	por $0x0, $0x0;
	s9 =	sadd.s32 s2, s10  }
0x14: {  	vm0 =	vmmov $0xffff;
	v2 =	vlaneseq.u32;
	s10 =	sshll.u32 s14, $0x1;
	s14 =	sshllo.u32 s14, $0x1;
	s11 =	sadd.s32 $0x1, s9  }
0x15: {  	vm1 =	vmxor vm1, vm1;
	vm2 =	vmmov $0x1;
	vm3 =	vcmask $0x3F3C;
	s12 =	sadd.s32 $0x2, s9;
	s13 =	sor.u32 $0x81, s10;
	s15 =	sor.u32 $0x80, s10  }
.LBB2_9:
0x16: {  	p1 =	slt.u32 s24, $0x3  }
0x17: {  	s0 =	simm.s32 @!p1 $0x2  }
0x18: {  	_ =	swait.ge @!p1 [sflag:s0], $0x1F40  }
0x19: {  	[sflag:s0] =	ssyncset.done @!p1 $0x0  }
0x1a: {  	[sflag:s0] =	ssyncadd.s32 @!p1 $0xFFFFE0C0;
	s0 =	simm.s32 @!p1 $0x9  }
0x1b: {  	_ =	swait.ge @!p1 [sflag:s0], $0x10  }
0x1c: {  	[sflag:s0] =	ssyncset.done @!p1 $0x0  }
0x1d: {  	[sflag:s0] =	ssyncadd.s32 @!p1 $0xFFFFFFF0;
	p1 =	sne.s32 s24, s12  }
.Ltmp1:
0x1e: {  	s2 =	sadd.s32 $0x1F40, s23;
	(pc) =	sbr.rel @!p1 .LBB2_10-.Ltmp1, $4  }
0x1f: {  	s22 =	smov.u32 s3;
	s31 =	sadd.s32 $0x1, s24;
	s17 =	sadd.s32 $0x1F40, s17  }
0x20: {  	s18 =	sadd.s32 $0x1, s18;
	s25 =	smov.u32 s23;
	p2 =	slt.s32 s2, s4  }
0x21: {  	p0 =	por !p0, !p0;
	s19 =	sadd.s32 $0x1F40, s19;
	s22 =	smov.u32 @p2 s2  }
0x22: {  	s20 =	sadd.s32 $0x1, s20;
	s23 =	smov.u32 s22;
	s24 =	smov.u32 s31  }
.LBB2_1:
0x23: {  	p1 =	sge.u32 s24, s9  }
0x24: {  	s0 =	smulhi.u32 @!p1 $0xAAAAAAAB, s24;
	_ =	sdelay $0x1  }
0x25: {  	s0 =	sshrl.u32 @!p1 s0, $0x1  }
0x26: {  	s0 =	smul.u32 @!p1 $0x3, s0;
	_ =	sdelay $0x1  }
0x27: {  	s0 =	ssub.s32 @!p1 s24, s0  }
0x28: {  	s0 =	smul.u32 @!p1 $0x7D00, s0;
	_ =	sdelay $0x1  }
0x29: {  	s2 =	sshrl.u32 @!p1 s23, $0x3;
	s0 =	sshrl.u32 @!p1 s0, $0x2  }
0x2a: {  	s22 =	sand.u32 @!p1 $0x7, s23;
	s2 =	sadd.s32 @!p1 s5, s2;
	s0 =	sadd.s32 @!p1 $0x100, s0  }
0x2b: {  	[tilespmem:s0], [sflag:$0x7] =	stream.linear.gather @!p1 [hbm4b:s2+s22], $0x1F40, $0x38;
	[tilespmem:$0x11A60] =	vst v63  }
0x2c: {  	s0 =	sadd.s32 $0xFFFFFFFF, s24  }
0x2d: {  	p1 =	sge.u32 s0, s9  }
.Ltmp2:
0x2e: {  	_ = 	snop;
	(pc) =	sbr.rel @p1 .LBB2_5-.Ltmp2, $1  }
0x2f: {  	_ =	sdelay $0x3  }
0x30: {  	s2 =	smulhi.u32 $0xAAAAAAAB, s0;
	_ =	sdelay $0x1  }
0x31: {  	s2 =	sshrl.u32 s2, $0x1  }
0x32: {  	s2 =	smul.u32 $0x3, s2;
	_ =	sdelay $0x1  }
0x33: {  	s2 =	ssub.s32 s0, s2  }
0x34: {  	s2 =	smul.u32 $0x7D00, s2  }
0x35: {  	_ =	swait.ge [sflag:s7], $0x1F40  }
0x36: {  	[sflag:s7] =	ssyncset.done $0x0;
	s2 =	sshrl.u32 s2, $0x2  }
0x37: {  	[sflag:s7] =	ssyncadd.s32 $0xFFFFE0C0;
	(ifvalue) =	ssetifvalue $0xFFFFFFFF;
	v3 =	vld.msk [tilespmem:s2+$0x100 ss:$0x1], $0xffff;
	_ =	sdelay $0x2  }
0x38: {  	s30 =	smulhi.u32 $0xAAAAAAAB, s18;
	p1 =	sne.s32 s24, $0x1  }
0x39: {  	v4 =	vimm.s32 @!p1 $0x0  }
0x3a: {  	s2 =	sshrl.u32 s30, $0x1;
	v4 =	vperm.xlane @!p1 v3, v4  }
0x3b: {  	s22 =	sshll.u32 s24, $0x4;
	s2 =	smul.u32 $0xFFFE8900, s2;
	vm4 =	vlt.u32 v3, $0x2800  }
0x3c: {  	s22 =	sand.u32 $0x10, s22;
	v3 =	vnsel vm4, $0xFFFFFFFE, v3;
	vm4 =	vlt.u32 @!p1 v4, $0x2800  }
0x3d: {  	s2 =	sshra.s32 s2, $0x2;
	[tilespmem:s22+$0x60] =	vst v3;
	v3 =	vnsel @!p1 vm4, $0xFFFFFFFE, v4  }
0x3e: {  	s28 =	sadd.s32 s2, s17;
	[tilespmem:$0x80] =	vst @!p1 v3  }
0x3f: {  	v3 =	vld.msk [tilespmem:s28+$0x0 ss:$0x1], $0xffff;
	_ =	sdelay $0x4  }
0x40: {  	(xrf1) =	vunique.msk.u32 $0xffff, v3;
	_ =	sdelay $0xd  }
0x41: {  	v4 =	vimm.s32 $0xFFFFFFFF;
	v5, _, _ =	vpop (xrf1)  }
0x42: {  	vm5 =	vne.s32 v3, v4;
	vm4 =	veq.s32 v5, v2  }
0x43: {  	vm6 =	vlt.u32 v3, $0x2800;
	vm4 =	vmand vm5, vm4  }
0x44: {  	vm4 =	vmand vm6, vm4  }
0x45: {  	v4 =	vnsel vm4, $0xFFFFFFFF, v3  }
0x46: {  	s31 =	sand.u32 $0x1, s0  }
0x47: {  	s0 =	simm.s32 $0x1F40;
	p1 =	seq.s32 s31, $0x1  }
0x48: {  	s0 =	simm.s32 @!p1 $0x0  }
0x49: {  	s26 =	sadd.s32 $0x7DF0, s0;
	(ifvalue) =	ssetifvalue $0xFFFFFFFF  }
0x4a: {  	v3 =	vperm.xlane v3, v1;
	[tilespmem:s26], [sflag:$0x8] =	stream.indirect_vreg.gather [hbm4b:s1+s16], $0x1, v4, vm0, $0x4038;
	v4 =	vnsel vm6, $0xFFFFFFFE, v4;
	[tilespmem:$0x11A60] =	vst v63  }
0x4b: {  	s2 =	simm.s32 $0x0;
	s22 =	sadd.s32 $0xFFFFFFF0, s28;
	[tilespmem:s28+$0x0] =	vst v4  }
.LBB2_3:
0x4c: {  	v4 =	vld.msk [tilespmem:s22+$0x0 ss:$0x1], $0xffff;
	s2 =	sadd.s32 $0x10, s2;
	v5 =	vmov v3;
	s28 =	smov.u32 s22  }
0x4d: {  	p1 =	slt.u32 s2, $0x1F30;
	_ =	sdelay $0x4  }
0x4e: {  	v3 =	vperm.xlane v4, v1;
	(xrf1) =	vunique.msk.u32 $0xffff, v4;
	_ =	sdelay $0xd  }
0x4f: {  	v6, _, _ =	vpop (xrf1)  }
0x50: {  	vm5 =	vne.s32 v4, v5;
	vm4 =	veq.s32 v6, v2  }
0x51: {  	vm6 =	vlt.u32 v4, $0x2800;
	vm4 =	vmand vm5, vm4  }
0x52: {  	vm4 =	vmand vm6, vm4  }
0x53: {  	v4 =	vnsel vm4, $0xFFFFFFFF, v4  }
.Ltmp3:
0x54: {  	v5 =	vnsel vm6, $0xFFFFFFFE, v4;
	(pc) =	sbr.rel @p1 .LBB2_3-.Ltmp3, $3  }
0x55: {  	_ =	sdelay $0x1  }
0x56: {  	s22 =	sadd.s32 $0xFFFFFFF0, s22;
	s26 =	sadd.s32 $0xFFFFFFF0, s26;
	(ifvalue) =	ssetifvalue $0xFFFFFFFF  }
0x57: {  	[tilespmem:s26], [sflag:$0x8] =	stream.indirect_vreg.gather [hbm4b:s1+s16], $0x1, v4, vm0, $0x4038;
	[tilespmem:s28+$0x0] =	vst v5  }
0x58: {  	s2 =	sshrl.u32 s25, $0x3  }
0x59: {  	s0 =	sadd.s32 $0x9D40, s0;
	s2 =	sadd.s32 s6, s2  }
0x5a: {  	[tilespmem:s0], [sflag:$0x8] =	stream.linear.gather [hbm:s2], $0x1F40, $0x38;
	[tilespmem:$0x11A60] =	vst v63  }
.LBB2_5:
0x5b: {  	p1 =	slt.u32 s24, $0x2  }
0x5c: {  	p2 =	sge.u32 @!p1 s24, s12  }
0x5d: {  	p1 =	por p1, p2  }
.Ltmp4:
0x5e: {  	_ = 	snop;
	(pc) =	sbr.rel @p1 .LBB2_9-.Ltmp4, $1  }
0x5f: {  	_ =	sdelay $0x3  }
0x60: {  	s0 =	sadd.s32 $0xFFFFFFFE, s24  }
0x61: {  	s2 =	smulhi.u32 $0xAAAAAAAB, s0;
	_ =	sdelay $0x1  }
0x62: {  	s2 =	sshrl.u32 s2, $0x1  }
0x63: {  	s2 =	smul.u32 $0x3, s2;
	_ =	sdelay $0x1  }
0x64: {  	s0 =	ssub.s32 s0, s2  }
0x65: {  	_ =	swait.ge [sflag:s8], $0x3E80;
	s0 =	smul.u32 $0x1F40, s0  }
0x66: {  	p1 =	sne.s32 s24, s11;
	[sflag:s8] =	ssyncset.done $0x0  }
0x67: {  	[sflag:s8] =	ssyncadd.s32 $0xFFFFC180;
	s2 =	sadd.s32 @!p1 $0x203F, s0  }
0x68: {  	[spmem:s13] =	stream.linear.scatter @!p1 [tilespmem:s2], [sflag:$0x1], $0x1, $0x38;
	[tilespmem:$0x11A60] =	vst v63  }
0x69: {  	s2 =	simm.s32 @!p1 $0x1  }
0x6a: {  	_ =	swait.ge @!p1 [sflag:s2], $0x1  }
0x6b: {  	s22 =	sshll.u32 s24, $0x4;
	[sflag:s2] =	ssyncset.done @!p1 $0x0  }
0x6c: {  	s25 =	sand.u32 $0x10, s22;
	[sflag:s2] =	ssyncadd.s32 @!p1 $0xFFFFFFFF  }
0x6d: {  	s2 =	sxor.u32 $0x10, s25;
	v4 =	vld [tilespmem:s25+$0x10]  }
0x6e: {  	v5 =	vld [tilespmem:s2+$0x60]  }
0x6f: {  	v3 =	vld [tilespmem:$0x80];
	_ =	sdelay $0x2  }
0x70: {  	(v2sf) =	vpush v4, $0x0  }
0x71: {  	(v2sf) =	vpush v5, $0x0  }
0x72: {  	(v2sf) =	vpush v3, $0x0;
	_ =	sdelay $0xc  }
0x73: {  	s22 =	spop (v2sf)  }
0x74: {  	s26 =	spop (v2sf)  }
0x75: {  	s28 =	spop (v2sf)  }
0x76: {  	p2 =	seq.s32 s22, s26;
	p3 =	seq.s32 s28, s22  }
0x77: {  	p3 =	por p2, p3  }
0x78: {  	s26 =	sand.u32 $0x1, s24;
	v4 =	vpsel p3, $0xFFFFFFFF, v4  }
0x79: {  	s29 =	smul.u32 $0x1F40, s26;
	[tilespmem:s25+$0x10] =	vst.msk $0x1, v4  }
0x7a: {  	v4 =	vld [tilespmem:$0x30]  }
0x7b: {  	v5 =	vld [tilespmem:s29+$0x9D40]  }
0x7c: {  	v6 =	vld [tilespmem:s25+$0x40];
	_ =	sdelay $0x3  }
0x7d: {  	vm4 =	vmmov vm1;
	v5 =	vadd.f32 v5, v4  }
0x7e: {  	vm5 =	vmmov vm2;
	vm4 =	vmmov @p2 vm2;
	s22 =	sshll.u32 s26, $0x4;
	v4 =	vadd.f32 v6, v4  }
0x7f: {  	s26 =	sor.u32 $0x11A40, s22;
	vm5 =	vmmov @p3 vm1;
	[tilespmem:s29+$0x9D40] =	vst.msk vm4, v5  }
0x80: {  	[tilespmem:s26+$0x0] =	vst.msk vm5, v4  }
0x81: {  	v4 =	vld [tilespmem:s29+$0x7DF0];
	_ =	sdelay $0x3  }
0x82: {  	v5 =	vimm.f32 $0.0e+00  }
0x83: {  	v4 =	vshift.insert v4, v5, s21  }
0x84: {  	s22 =	sor.u32 $0x40, s2  }
0x85: {  	[tilespmem:s22+$0x0] =	vst.msk $0x1, v4  }
0x86: {  	[tilespmem:s29+$0x7DFF] =	vst.msk $0x1, v5  }
0x87: {  	v4 =	vld [tilespmem:s0+$0x2030];
	_ =	sdelay $0x1  }
0x88: {  	s22 =	smulhi.u32 $0xAAAAAAAB, s20;
	s0 =	simm.s32 $0x1  }
0x89: {  	s0 =	simm.s32 @!p0 $0x0  }
0x8a: {  	s22 =	sshrl.u32 s22, $0x1;
	s0 =	smul.u32 $0x7D00, s0  }
0x8b: {  	s22 =	smul.u32 $0xFFFE8900, s22;
	v4 =	vshift.insert v4, v1, s21  }
0x8c: {  	s0 =	sshrl.u32 s0, $0x2  }
0x8d: {  	s22 =	sshra.s32 s22, $0x2;
	s30 =	sadd.s32 $0x9D40, s0;
	[tilespmem:s2+$0x10] =	vst.msk $0x1, v4  }
0x8e: {  	s22 =	sadd.s32 s22, s19;
	v6 =	vld [tilespmem:s30+$0x0]  }
0x8f: {  	v7 =	vld [tilespmem:s22+$0x0];
	_ =	sdelay $0x3  }
0x90: {  	v5 =	vadd.f32 v6, v5  }
0x91: {  	vm4 =	vne.s32 v7, $0xFFFFFFFF  }
0x92: {  	(xrf2) =	vadd.seg.scan.f32 vm4, v5;
	_ =	sdelay $0x3  }
0x93: {  	s31 =	sadd.s32 $0x5EC0, s0;
	v5 =	vperm.xlane v4, v1  }
0x94: {  	v6 =	vld [tilespmem:s31+$0x0]  }
0x95: {  	vm5 =	veq.s32 v7, v3;
	vm6 =	veq.s32 v7, v5  }
0x96: {  	vm7 =	vgt.u32 v7, $0xFFFFFFFD;
	vm6 =	vmor vm6, vm5  }
0x97: {  	vm6 =	vmor vm6, vm7  }
0x98: {  	v9 =	vld [tilespmem:$0xA0];
	v7 =	vsel vm6, $0xFFFFFFFF, v7  }
0x99: {  	v10 =	vld [tilespmem:$0x90];
	v6 =	vsel vm5, $0x0, v6;
	v8, _, _ =	vpop (xrf2)  }
0x9a: {  	v6 =	vadd.f32 v8, v6  }
0x9b: {  	s0 =	sadd.s32 $0xDBC0, s0  }
0x9c: {  	vm4 =	vmand vm4, vm3;
	[tilespmem:s0+$0x0] =	vst v6;
	(ifvalue) =	ssetifvalue $0xFFFFFFFF  }
0x9d: {  	vm6 =	veq.s32 v9, $0x1;
	[hbm4b:s1+s16] =	stream.indirect_vreg.scatter [tilespmem:s0], [sflag:$0x2], $0x1, v7, vm0, $0x4038;
	v7 =	vsel vm4, $0x0, v8;
	[tilespmem:$0x11A60] =	vst v63  }
0x9e: {  	s2 =	simm.s32 $0x0;
	s22 =	sadd.s32 $0x10, s22;
	vm4 =	vmor vm6, vm5;
	v6 =	vsel vm5, v8, v10;
	v7 =	vshift.insert v7, v0, s21  }
.LBB2_7:
0x9f: {  	v8 =	vld [tilespmem:s22+$0x0];
	s30 =	sadd.s32 $0x10, s30  }
0xa0: {  	s31 =	sadd.s32 $0x10, s31;
	v9 =	vld [tilespmem:s30+$0x0]  }
0xa1: {  	s2 =	sadd.s32 $0x10, s2;
	v10 =	vld [tilespmem:s31+$0x0]  }
0xa2: {  	p2 =	slt.u32 s2, $0x1F30;
	_ =	sdelay $0x2  }
0xa3: {  	v7 =	vadd.f32 v9, v7  }
0xa4: {  	vm5 =	vne.s32 v8, $0xFFFFFFFF  }
0xa5: {  	vm6 =	vmand vm5, vm3;
	(xrf2) =	vadd.seg.scan.f32 vm5, v7;
	_ =	sdelay $0x5  }
0xa6: {  	vm7 =	veq.s32 v8, v5;
	vm5 =	veq.s32 v8, v3  }
0xa7: {  	vm8 =	vgt.u32 v8, $0xFFFFFFFD;
	vm4 =	vmor vm4, vm5;
	vm7 =	vmor vm7, vm5  }
0xa8: {  	vm7 =	vmor vm7, vm8  }
0xa9: {  	v8 =	vsel vm7, $0xFFFFFFFF, v8  }
.Ltmp5:
0xaa: {  	v7 =	vsel vm5, $0x0, v10;
	v9, _, _ =	vpop (xrf2);
	(pc) =	sbr.rel @p2 .LBB2_7-.Ltmp5, $4  }
0xab: {  	v6 =	vsel vm5, v9, v6;
	v10 =	vadd.f32 v9, v7;
	v7 =	vsel vm6, $0x0, v9  }
0xac: {  	s0 =	sadd.s32 $0x10, s0;
	v7 =	vshift.insert v7, v0, s21  }
0xad: {  	s22 =	sadd.s32 $0x10, s22;
	[tilespmem:s0+$0x0] =	vst v10;
	(ifvalue) =	ssetifvalue $0xFFFFFFFF  }
0xae: {  	[hbm4b:s1+s16] =	stream.indirect_vreg.scatter [tilespmem:s0], [sflag:$0x2], $0x1, v8, vm0, $0x4038;
	[tilespmem:$0x11A60] =	vst v63  }
0xaf: {  	v3 =	vld [tilespmem:s29+$0xFAF0];
	_ =	sdelay $0x4  }
0xb0: {  	v3 =	vshift.insert v3, v0, s21  }
0xb1: {  	s0 =	simm.s32 $0x30  }
0xb2: {  	[tilespmem:s0+$0x0] =	vst.msk $0x1, v3  }
0xb3: {  	v3 =	vsel vm4, $0x1, v1;
	[tilespmem:$0x90] =	vst v6  }
0xb4: {  	s0 =	sadd.s32 @!p1 $0xFAFF, s29;
	[tilespmem:$0xA0] =	vst v3  }
0xb5: {  	[spmem:s14] =	stream.linear.scatter @!p1 [tilespmem:s0], [sflag:$0x1], $0x1, $0x38;
	[tilespmem:$0x11A60] =	vst v63  }
0xb6: {  	s0 =	simm.s32 @!p1 $0x1  }
0xb7: {  	v3 =	vmctz.xlane @!p1 vm4;
	_ =	swait.ge @!p1 [sflag:s0], $0x1  }
0xb8: {  	(v2sf) =	vpush @!p1 v4, $0x0  }
0xb9: {  	(v2sf) =	vpush @!p1 v3, $0x0;
	_ =	sdelay $0xd  }
0xba: {  	s2 =	spop @!p1 (v2sf)  }
0xbb: {  	s22 =	spop @!p1 (v2sf)  }
0xbc: {  	p2 =	sne.s32 @!p1 s28, s2;
	p3 =	slt.s32 @!p1 s22, $0xF  }
0xbd: {  	[sflag:s0] =	ssyncset.done @!p1 $0x0;
	p2 =	por p2, p1;
	p3 =	por !p3, p1  }
0xbe: {  	[sflag:s0] =	ssyncadd.s32 @!p1 $0xFFFFFFFF;
	v3 =	vimm.s32 @!p2 $0xFFFFFFFF;
	s22 =	simm.s32 @p3 $0xF  }
0xbf: {  	[tilespmem:$0x80] =	vst @!p2 v3;
	s2 =	sadd.s32 @!p1 $0x90, s22  }
0xc0: {  	[spmem:s10] =	stream.linear.scatter @!p1 [tilespmem:s2], [sflag:$0x1], $0x1, $0x38;
	[tilespmem:$0x11A60] =	vst v63  }
0xc1: {  	_ =	swait.ge @!p1 [sflag:s0], $0x1  }
0xc2: {  	[sflag:s0] =	ssyncset.done @!p1 $0x0  }
0xc3: {  	s2 =	simm.s32 @!p1 $0x80;
	[sflag:s0] =	ssyncadd.s32 @!p1 $0xFFFFFFFF  }
0xc4: {  	[spmem:s15] =	stream.linear.scatter @!p1 [tilespmem:s2], [sflag:$0x1], $0x1, $0x38;
	[tilespmem:$0x11A60] =	vst v63  }
0xc5: {  	_ =	swait.ge @!p1 [sflag:s0], $0x1  }
0xc6: {  	[sflag:s0] =	ssyncset.done @!p1 $0x0  }
0xc7: {  	[sflag:s0] =	ssyncadd.s32 @!p1 $0xFFFFFFFF;
	(ifvalue) =	ssetifvalue $0xFFFFFFFF;
	v3 =	vld [tilespmem:s25+$0x10];
	_ =	sdelay $0x3  }
.Ltmp6:
0xc8: {  	_ = 	snop;
	(pc) =	sbr.rel .LBB2_9-.Ltmp6, $3  }
0xc9: {  	_ =	sdelay $0x1  }
0xca: {  	(ifvalue) =	ssetifvalue $0xFFFFFFFF  }
0xcb: {  	[hbm4b:s1+s16] =	stream.indirect_vreg.scatter [tilespmem:s26], [sflag:$0x9], $0x1, v3, vm0, $0x4038;
	[tilespmem:$0x11A60] =	vst v63  }
.LBB2_10:
0xcc: {  	_ =	sfence.sel $0x180000  }
0xcd: {  	s0 =	simm.s32 $0x7;
	[bflag:$0x0] =	sbarrier.arrive $0xFFFF  }
0xce: {  	s26 =	simm.s32 $0x8;
	[sflag:s0] =	ssyncpa.u1 $0x1  }
0xcf: {  	s28 =	simm.s32 $0x9;
	[sflag:s26] =	ssyncpa.u1 $0x1  }
0xd0: {  	[sflag:s28] =	ssyncpa.u1 $0x1  }
0xd1: {  	_ =	sfence.stream.spmem  }
0xd2: {  	s29 =	simm.s32 $0x3;
	[bflag:$0x0] =	sbarrier.arrive $0xFFFF  }
0xd3: {  	s30 =	simm.s32 $0x4;
	[sflag:s29] =	ssyncpa.u1 $0x1  }
0xd4: {  	s31 =	simm.s32 $0x3C;
	s2 =	stileid.u32;
	[sflag:s30] =	ssyncpa.u1 $0x1  }
0xd5: {  	p0 =	sne.s32 s2, $0x0;
	[sflag:s31] =	ssyncpa.u1 $0x1  }
0xd6: {  	s0 =	simm.s32 @p0 $0x1;
	_ =	sfence @p0  }
0xd7: {  	[sflag:s0] =	ssyncpa.u1 @p0 $0x1;
	s0 =	simm.s32 @p0 $0x2  }
0xd8: {  	[sflag:s0] =	ssyncpa.u1 @p0 $0x1  }
0xd9: {  	_ =	strace @p0 $0x9000004A  }
0xda: {  	[bflag:$0x2] =	sbarrier.arrive @p0 $0xFFFF  }
0xdb: {  	_ =	shalt @p0  }
.LBB2_11:
0xdc: {  	_ =	sfence.stream.spmem;
	s0 =	simm.s32 $0x5  }
0xdd: {  	s2 =	simm.s32 $0x80;
	s3 =	simm.s32 $0xC0;
	[sflag:s0] =	ssyncpa.u1 $0x0  }
0xde: {  	[tilespmem:s3], [sflag:$0x5] =	stream.linear.gather [spmem:s2], $0x20, $0x38;
	[tilespmem:$0x11A60] =	vst v63  }
0xdf: {  	s2 =	simm.s32 $0x0;
	s3 =	simm.s32 $0xE0  }
0xe0: {  	[tilespmem:s3], [sflag:$0x5] =	stream.linear.gather [spmem:s2], $0x20, $0x38;
	[tilespmem:$0x11A60] =	vst v63  }
.Ltmp7:
0xe1: {  	_ = 	snop;
	(pc) =	sbr.rel .LBB2_12-.Ltmp7, $4  }
0xe2: {  	_ =	swait.ge [sflag:s0], $0x40  }
0xe3: {  	[sflag:s0] =	ssyncset.done $0x0  }
0xe4: {  	s31 =	simm.s32 $0x6;
	[sflag:s0] =	ssyncadd.s32 $0xFFFFFFC0  }
0xe5: {  	s4 =	simm.s32 $0x0;
	[sflag:s31] =	ssyncpa.u1 $0x0  }
.LBB2_17:
0xe6: {  	p0 =	sgt.u32 s5, $0x27FF  }
0xe7: {  	s0 =	sshrl.u32 @!p0 s5, $0x3  }
0xe8: {  	s5 =	sand.u32 @!p0 $0x7, s5;
	s6 =	simm.s32 @!p0 $0xB0;
	s0 =	sadd.s32 @!p0 s1, s0  }
0xe9: {  	[tilespmem:s6], [sflag:$0x6] =	stream.linear.gather @!p0 [hbm4b:s0+s5], $0x1, $0x38;
	[tilespmem:$0x11A60] =	vst v63  }
0xea: {  	s0 =	simm.s32 @!p0 $0x6  }
0xeb: {  	_ =	swait.ge @!p0 [sflag:s0], $0x1  }
0xec: {  	[sflag:s0] =	ssyncset.done @!p0 $0x0  }
0xed: {  	[sflag:s0] =	ssyncadd.s32 @!p0 $0xFFFFFFFF  }
0xee: {  	v2 =	vmov @!p0 s4;
	v1 =	vld.msk @!p0 [tilespmem:$0xB0], $0x1;
	_ =	sdelay $0x3  }
0xef: {  	s0 =	simm.s32 @!p0 $0xE0  }
0xf0: {  	[tilespmem:v2+s0+$0x0], v1 =	vst.idx.ret.add.f32.msk @!p0 $0x1, v1  }
0xf1: {  	[tilespmem:s2+$0xC0] =	vst.msk $0x1, v0  }
0xf2: {  	v0 =	vld.msk [tilespmem:s4+$0xE0], $0x1;
	_ =	sdelay $0x4  }
0xf3: {  	[tilespmem:s2+$0xE0] =	vst.msk $0x1, v0;
	s2 =	sadd.s32 $0x1, s2  }
.LBB2_19:
0xf4: {  	s4 =	sadd.s32 $0x1, s4  }
0xf5: {  	p0 =	sne.s32 s4, $0x20  }
.Ltmp8:
0xf6: {  	_ = 	snop;
	(pc) =	sbr.rel @!p0 .LBB2_20-.Ltmp8, $1  }
0xf7: {  	_ =	sdelay $0x3  }
.LBB2_12:
0xf8: {  	v0 =	vld.msk [tilespmem:s4+$0xC0], $0x1;
	_ =	sdelay $0x4  }
0xf9: {  	(v2sf) =	vpush v0, $0x0;
	_ =	sdelay $0xe  }
0xfa: {  	s5 =	spop (v2sf)  }
0xfb: {  	p0 =	seq.s32 s5, $0xFFFFFFFF  }
.Ltmp9:
0xfc: {  	_ = 	snop;
	(pc) =	sbr.rel @p0 .LBB2_19-.Ltmp9, $1  }
0xfd: {  	_ =	sdelay $0x3  }
0xfe: {  	p0 =	slt.s32 s2, $0x1  }
.Ltmp10:
0xff: {  	_ = 	snop;
	(pc) =	sbr.rel @p0 .LBB2_17-.Ltmp10, $1  }
0x100: {  	_ =	sdelay $0x3  }
0x101: {  	s0 =	simm.s32 $0xC0;
	p0 =	por $0x0, $0x0  }
0x102: {  	v1 =	vld.msk @!p0 [tilespmem:s0+$0x0], $0x1;
	_ =	sdelay $0x4  }
0x103: {  	(v2sf) =	vpush @!p0 v1, $0x0;
	_ =	sdelay $0xd  }
0x104: {  	p2 =	sne.s32 s2, $0x1  }
.Ltmp11:
0x105: {  	s6 =	spop @!p0 (v2sf);
	(pc) =	sbr.rel @!p2 .LBB2_16-.Ltmp11, $4  }
0x106: {  	p1 =	seq.s32 @!p0 s5, s6  }
0x107: {  	s6 =	simm.s32 $0x0;
	p1 =	por !p1, p0  }
0x108: {  	s8 =	simm.s32 $0xFFFFFFFF;
	s6 =	simm.s32 @p1 $0xFFFFFFFF  }
0x109: {  	s7 =	simm.s32 $0x1;
	s6 =	smov.u32 @p0 s8  }
.LBB2_15:
0x10a: {  	s8 =	smov.u32 s6;
	p0 =	sne.s32 s6, $0xFFFFFFFF  }
0x10b: {  	s0 =	sadd.s32 $0x1, s0;
	s6 =	smov.u32 s7;
	s7 =	sadd.s32 $0x1, s7  }
0x10c: {  	p1 =	sne.s32 s2, s7;
	v1 =	vld.msk @!p0 [tilespmem:s0+$0x0], $0x1;
	_ =	sdelay $0x4  }
0x10d: {  	(v2sf) =	vpush @!p0 v1, $0x0;
	_ =	sdelay $0xe  }
.Ltmp12:
0x10e: {  	s9 =	spop @!p0 (v2sf);
	(pc) =	sbr.rel @p1 .LBB2_15-.Ltmp12, $4  }
0x10f: {  	p2 =	seq.s32 @!p0 s5, s9  }
0x110: {  	p2 =	por !p2, p0  }
0x111: {  	s6 =	simm.s32 @p2 $0xFFFFFFFF  }
0x112: {  	s6 =	smov.u32 @p0 s8  }
.LBB2_16:
0x113: {  	p0 =	sne.s32 s6, $0xFFFFFFFF  }
.Ltmp13:
0x114: {  	_ = 	snop;
	(pc) =	sbr.rel @!p0 .LBB2_17-.Ltmp13, $1  }
0x115: {  	_ =	sdelay $0x3  }
0x116: {  	v0 =	vld.msk [tilespmem:s4+$0xE0], $0x1;
	v1 =	vmov s6  }
.Ltmp14:
0x117: {  	_ = 	snop;
	(pc) =	sbr.rel .LBB2_19-.Ltmp14, $2  }
0x118: {  	_ =	sdelay $0x2  }
0x119: {  	[tilespmem:v1+s3+$0x0], v0 =	vst.idx.ret.add.f32.msk $0x1, v0  }
.LBB2_20:
0x11a: {  	p0 =	slt.s32 s2, $0x1  }
.Ltmp15:
0x11b: {  	_ = 	snop;
	(pc) =	sbr.rel @p0 .LBB2_24-.Ltmp15, $3  }
0x11c: {  	_ =	sdelay $0x1  }
0x11d: {  	s0 =	simm.s32 $0x6  }
0x11e: {  	s3 =	simm.s32 $0x0;
	[sflag:s0] =	ssyncpa.u1 $0x1  }
0x11f: {  	s0 =	simm.s32 $0xC0  }
0x120: {  	v0 =	vld.msk [tilespmem:s0+$0x0], $0x1;
	_ =	sdelay $0x4  }
0x121: {  	(v2sf) =	vpush v0, $0x0;
	_ =	sdelay $0xe  }
0x122: {  	s2 =	sadd.s32 $0xFFFFFFFF, s2;
	s4 =	spop (v2sf)  }
0x123: {  	p1 =	sne.s32 s2, $0x0;
	p0 =	sgt.u32 s4, $0x27FF  }
.Ltmp16:
0x124: {  	s5 =	sshrl.u32 @!p0 s4, $0x3;
	(pc) =	sbr.rel @!p1 .LBB2_23-.Ltmp16, $4  }
0x125: {  	s0 =	simm.s32 $0xE0;
	s4 =	sand.u32 @!p0 $0x7, s4;
	s5 =	sadd.s32 @!p0 s1, s5  }
0x126: {  	[hbm4b:s5+s4] =	stream.linear.scatter @!p0 [tilespmem:s0], [sflag:$0x5], $0x1, $0x38;
	[tilespmem:$0x11A60] =	vst v63  }
0x127: {  	s5 =	simm.s32 $0x0  }
0x128: {  	s4 =	simm.s32 $0xC1;
	s5 =	simm.s32 @!p0 $0x4  }
.LBB2_22:
0x129: {  	v0 =	vld.msk [tilespmem:s4+$0x0], $0x1;
	s2 =	sadd.s32 $0xFFFFFFFF, s2;
	s3 =	sadd.s32 s3, s5  }
0x12a: {  	p0 =	sne.s32 s2, $0x0;
	_ =	sdelay $0x3  }
0x12b: {  	(v2sf) =	vpush v0, $0x0;
	_ =	sdelay $0xe  }
.Ltmp17:
0x12c: {  	s6 =	spop (v2sf);
	(pc) =	sbr.rel @p0 .LBB2_22-.Ltmp17, $4  }
0x12d: {  	s5 =	simm.s32 $0x0;
	p1 =	sgt.u32 s6, $0x27FF  }
0x12e: {  	s0 =	sadd.s32 $0x1, s0;
	s5 =	simm.s32 @!p1 $0x4;
	s7 =	sshrl.u32 @!p1 s6, $0x3  }
0x12f: {  	s4 =	sadd.s32 $0x1, s4;
	s6 =	sand.u32 @!p1 $0x7, s6;
	s7 =	sadd.s32 @!p1 s1, s7  }
0x130: {  	[hbm4b:s7+s6] =	stream.linear.scatter @!p1 [tilespmem:s0], [sflag:$0x5], $0x1, $0x38;
	[tilespmem:$0x11A60] =	vst v63  }
.LBB2_23:
0x131: {  	s0 =	sadd.s32 s3, s5  }
0x132: {  	s3 =	sshrl.u32 s0, $0x2  }
.LBB2_24:
0x133: {  	s0 =	simm.s32 $0x5  }
0x134: {  	_ =	swait.ge [sflag:s0], s3  }
0x135: {  	s1 =	ssub.s32 $0x0, s3;
	[sflag:s0] =	ssyncset.done $0x0  }
0x136: {  	[sflag:s0] =	ssyncadd.s32 s1  }
0x137: {  	[sflag:s0] =	ssyncpa.u1 $0x1  }
0x138: {  	s29 =	simm.s32 $0x1;
	_ =	sfence  }
0x139: {  	s30 =	simm.s32 $0x2;
	[sflag:s29] =	ssyncpa.u1 $0x1  }
0x13a: {  	[sflag:s30] =	ssyncpa.u1 $0x1  }
0x13b: {  	_ =	strace $0x9000004A  }
0x13c: {  	[bflag:$0x2] =	sbarrier.arrive $0xFFFF  }
0x13d: {  	s31 =	rddreg [dreg:$0x1]  }
0x13e: {  	s0 =	sadd.s32 $0x100000, s31  }
0x13f: {  	[sflag:s0] =	ssyncadd.tile.s32 $0x1;
	_ =	shalt  }
.Lfunc_end2:
_tile_overlayer_lowered:
.L_overlay_start_2:
0x140: {  	(tag) =	ssettag $0x2  }
0x141: {  	s0 =	rddreg [dreg:$0x0];
	s2 =	stileid.u32  }
0x142: {  	s1 =	rddreg [dreg:$0x1];
	p0 =	sne.s32 s2, $0x0  }
0x143: {  	s3 =	rddreg [dreg:$0x2];
	[bflag:$0x3] =	sbarrier.arrive $0xFFFF;
	s2 =	simm.s32 @!p0 $0x1C01  }
0x144: {  	[timem:s3], [sflag:s2] =	dma.local @!p0 [hbm:s0], s1  }
0x145: {  	s0 =	simm.s32 @!p0 $0x1  }
0x146: {  	_ =	swait.ge @!p0 [sflag:s0], s1  }
0x147: {  	s1 =	ssub.s32 @!p0 $0x0, s1;
	[sflag:s0] =	ssyncset.done @!p0 $0x0  }
0x148: {  	[sflag:s0] =	ssyncadd.s32 @!p0 s1  }
0x149: {  	[bflag:$0x3] =	sbarrier.arrive $0xFFFF  }
0x14a: {  	_ =	shalt  }

</sc_bundles>
